<compile_context>
chip_gen: v7x
topology: tpu7x:2x2x1
jax: 0.10.2.dev20260603
libtpu: 0.0.44.dev20260713+nightly
codegen_flags: <defaults>
</compile_context>

<pallas_src>
import dataclasses
import functools

import jax
import jax.numpy as jnp
from jax import lax
from jax.experimental import pallas as pl
from jax.experimental.pallas import tpu as pltpu
from jax.experimental.pallas import tpu_sc as plsc

N = 10000
E = 320000
D = 128
L = 5
G = 64
S = 512

NC = 2
NS = 16
NW = NC * NS

EDGE_CHUNK = 80
CHUNKS_PER_TILE = 125
ROW_CHUNK = 80
N_ROW_CHUNKS = N // ROW_CHUNK
OUT_CHUNK = 200
N_OUT_CHUNKS = N // OUT_CHUNK
N_ACC = N

POOL_CHUNK = 80
N_POOL_CHUNKS = N // POOL_CHUNK
POOL_ROWS_PER_SUBCORE = S // NS

_mesh = plsc.VectorSubcoreMesh(core_axis_name="c", subcore_axis_name="s")

_sc_params = pltpu.CompilerParams()
if "needs_layout_passes" in pltpu.CompilerParams.__dataclass_fields__:
    _sc_params = dataclasses.replace(_sc_params, needs_layout_passes=False)


@functools.partial(
    pl.kernel,
    out_type=jax.ShapeDtypeStruct((NC, N, D), jnp.float32),
    mesh=_mesh,
    scratch_types=[
        pltpu.VMEM((CHUNKS_PER_TILE * EDGE_CHUNK,), jnp.int32),
        pltpu.VMEM((EDGE_CHUNK,), jnp.int32),
        pltpu.VMEM((EDGE_CHUNK,), jnp.int32),
        pltpu.VMEM((EDGE_CHUNK,), jnp.int32),
        pltpu.VMEM((EDGE_CHUNK, D), jnp.float32),
        pltpu.VMEM((EDGE_CHUNK, D), jnp.float32),
        pltpu.VMEM((EDGE_CHUNK, D), jnp.float32),
        pltpu.VMEM_SHARED((N_ACC, D), jnp.float32),
    ] + [pltpu.SemaphoreType.DMA] * 10,
)
def _sc_segment_sum(h_hbm, src_hbm, dst_hbm, zeros_hbm, out_hbm,
                    src_v, d0, d1, d2, r0, r1, r2, acc_sh,
                    sg0, sg1, sg2, ss0, ss1, ss2, sd0, sd1, sd2, sz):
    cid = lax.axis_index("c")
    sid = lax.axis_index("s")
    wid = sid * NC + cid
    tbase = wid * CHUNKS_PER_TILE

    def _sidx(j):
        return src_v.at[pl.ds(j * EDGE_CHUNK, EDGE_CHUNK)]

    def _dslice(j):
        return dst_hbm.at[pl.ds((tbase + j) * EDGE_CHUNK, EDGE_CHUNK)]

    slots = ((r0, d0, sg0, ss0, sd0),
             (r1, d1, sg1, ss1, sd1),
             (r2, d2, sg2, ss2, sd2))

    def _start_load(j, o):
        r, d, sg, ss, sd = slots[o]
        pltpu.async_copy(_dslice(j), d, sd)
        pltpu.async_copy(h_hbm.at[_sidx(j)], r, sg)

    def _finish_and_scatter(j, o):
        r, d, sg, ss, sd = slots[o]
        pltpu.make_async_copy(h_hbm.at[_sidx(j)], r, sg).wait()
        pltpu.make_async_copy(_dslice(j), d, sd).wait()
        pltpu.async_copy(r, acc_sh.at[d], ss, add=True)

    def _drain_scatter(o):
        r, d, sg, ss, sd = slots[o]
        pltpu.make_async_copy(r, acc_sh.at[d], ss).wait()

    pltpu.sync_copy(
        src_hbm.at[pl.ds(wid * CHUNKS_PER_TILE * EDGE_CHUNK,
                         CHUNKS_PER_TILE * EDGE_CHUNK)], src_v)
    _start_load(0, 0)
    _start_load(1, 1)

    pltpu.sync_copy(zeros_hbm, r2)
    zsrc = r2.at[pl.ds(0, ROW_CHUNK)]

    @pl.loop(sid, N_ROW_CHUNKS, step=NS)
    def _(j):
        pltpu.async_copy(zsrc, acc_sh.at[pl.ds(j * ROW_CHUNK, ROW_CHUNK)], sz)

    @pl.loop(sid, N_ROW_CHUNKS, step=NS)
    def _(j):
        pltpu.make_async_copy(
            zsrc, acc_sh.at[pl.ds(j * ROW_CHUNK, ROW_CHUNK)], sz).wait()

    plsc.subcore_barrier()

    _start_load(2, 2)

    NT3 = (CHUNKS_PER_TILE - 5) // 3

    @pl.loop(0, NT3)
    def _(t):
        j0 = 3 * t
        for o in range(3):
            _finish_and_scatter(j0 + o, o)
            _drain_scatter(o)
            _start_load(j0 + 3 + o, o)

    je = 3 * NT3
    _finish_and_scatter(je, 0)
    _drain_scatter(0)
    _start_load(je + 3, 0)
    _finish_and_scatter(je + 1, 1)
    _drain_scatter(1)
    _start_load(je + 4, 1)
    _finish_and_scatter(je + 2, 2)
    _drain_scatter(2)
    _finish_and_scatter(je + 3, 0)
    _drain_scatter(0)
    _finish_and_scatter(je + 4, 1)
    _drain_scatter(1)

    plsc.subcore_barrier()

    @pl.loop(sid, N_OUT_CHUNKS, step=NS)
    def _(j):
        pltpu.async_copy(acc_sh.at[pl.ds(j * OUT_CHUNK, OUT_CHUNK)],
                         out_hbm.at[cid, pl.ds(j * OUT_CHUNK, OUT_CHUNK)], sz)

    @pl.loop(sid, N_OUT_CHUNKS, step=NS)
    def _(j):
        pltpu.make_async_copy(
            acc_sh.at[pl.ds(j * OUT_CHUNK, OUT_CHUNK)],
            out_hbm.at[cid, pl.ds(j * OUT_CHUNK, OUT_CHUNK)], sz).wait()


def _tc_layer_body(h_ref, p_ref, wrel_ref, wroot_ref, brel_ref,
                   gamma_ref, beta_ref, o_ref):
    agg = p_ref[0] + p_ref[1]
    out = (jnp.dot(agg, wrel_ref[...], preferred_element_type=jnp.float32)
           + jnp.dot(h_ref[...], wroot_ref[...],
                     preferred_element_type=jnp.float32)
           + brel_ref[...])
    mu = jnp.mean(out, axis=0, keepdims=True)
    var = jnp.mean((out - mu) ** 2, axis=0, keepdims=True)
    normed = (out - mu) * lax.rsqrt(var + 1e-5) * gamma_ref[...] + beta_ref[...]
    o_ref[...] = jnp.maximum(normed, 0.0)


_tc_layer = pl.pallas_call(
    _tc_layer_body,
    out_shape=jax.ShapeDtypeStruct((N, D), jnp.float32),
)


@functools.partial(
    pl.kernel,
    out_type=[jax.ShapeDtypeStruct((NC, S, D), jnp.float32),
              jax.ShapeDtypeStruct((NC, S, D), jnp.float32)],
    mesh=_mesh,
    scratch_types=[
        pltpu.VMEM((G,), jnp.int32),
        pltpu.VMEM((G,), jnp.int32),
        pltpu.VMEM((POOL_CHUNK,), jnp.int32),
        pltpu.VMEM((POOL_CHUNK,), jnp.int32),
        pltpu.VMEM((POOL_CHUNK,), jnp.int32),
        pltpu.VMEM((POOL_CHUNK, D), jnp.float32),
        pltpu.VMEM((POOL_CHUNK, D), jnp.float32),
        pltpu.VMEM_SHARED((S, D), jnp.float32),
        pltpu.VMEM_SHARED((S, D), jnp.float32),
    ],
    compiler_params=_sc_params,
)
def _sc_pool(h_hbm, batch_hbm, sb_hbm, ns_hbm, zeros_hbm, ones_hbm,
             sum_hbm, cnt_hbm,
             ns_v, offs_v, bt_v, sb_v, id_v, rows_v, ones_v,
             acc_sh, cnt_sh):
    cid = lax.axis_index("c")
    sid = lax.axis_index("s")
    wid = sid * NC + cid

    pltpu.sync_copy(ns_hbm, ns_v)
    carry = jnp.int32(0)
    for k in range(G // 16):
        v = ns_v[pl.ds(k * 16, 16)]
        incl = plsc.cumsum(v)
        offs_v[pl.ds(k * 16, 16)] = incl - v + carry
        carry = carry + jnp.sum(v)

    pltpu.sync_copy(zeros_hbm, rows_v)
    pltpu.sync_copy(ones_hbm, ones_v)

    pbase = sid * POOL_ROWS_PER_SUBCORE
    pltpu.sync_copy(rows_v.at[pl.ds(0, POOL_ROWS_PER_SUBCORE)],
                    acc_sh.at[pl.ds(pbase, POOL_ROWS_PER_SUBCORE)])
    pltpu.sync_copy(rows_v.at[pl.ds(0, POOL_ROWS_PER_SUBCORE)],
                    cnt_sh.at[pl.ds(pbase, POOL_ROWS_PER_SUBCORE)])
    plsc.subcore_barrier()

    @pl.loop(wid, N_POOL_CHUNKS, step=NW)
    def _(i):
        nbase = i * POOL_CHUNK
        pltpu.sync_copy(batch_hbm.at[pl.ds(nbase, POOL_CHUNK)], bt_v)
        pltpu.sync_copy(sb_hbm.at[pl.ds(nbase, POOL_CHUNK)], sb_v)
        for k in range(POOL_CHUNK // 16):
            idx16 = bt_v[pl.ds(k * 16, 16)]
            off16 = plsc.load_gather(offs_v, [idx16])
            id_v[pl.ds(k * 16, 16)] = sb_v[pl.ds(k * 16, 16)] + off16
        pltpu.sync_copy(h_hbm.at[pl.ds(nbase, POOL_CHUNK)], rows_v)
        pltpu.sync_copy(rows_v, acc_sh.at[id_v], add=True)
        pltpu.sync_copy(ones_v, cnt_sh.at[id_v], add=True)

    plsc.subcore_barrier()
    pltpu.sync_copy(acc_sh.at[pl.ds(pbase, POOL_ROWS_PER_SUBCORE)],
                    sum_hbm.at[cid, pl.ds(pbase, POOL_ROWS_PER_SUBCORE)])
    pltpu.sync_copy(cnt_sh.at[pl.ds(pbase, POOL_ROWS_PER_SUBCORE)],
                    cnt_hbm.at[cid, pl.ds(pbase, POOL_ROWS_PER_SUBCORE)])


def _tc_finalize_body(s_ref, c_ref, o_ref):
    s = s_ref[0] + s_ref[1]
    c = c_ref[0] + c_ref[1]
    o_ref[...] = s / jnp.maximum(c[:, 0:1], 1.0)


_tc_finalize = pl.pallas_call(
    _tc_finalize_body,
    out_shape=jax.ShapeDtypeStruct((S, D), jnp.float32),
)


def kernel(x, edge_index, edge_attr, batch, num_subgraphs, subgraph_batch,
           Wroot, Wrel, brel, gamma, beta):
    src = edge_index[0]
    dst = edge_index[1]
    zeros2d = jnp.zeros((ROW_CHUNK, D), jnp.float32)
    ones2d = jnp.ones((POOL_CHUNK, D), jnp.float32)
    h = x
    for l in range(L):
        partials = _sc_segment_sum(h, src, dst, zeros2d)
        h = _tc_layer(h, partials, Wrel[l], Wroot[l],
                      brel[l].reshape(1, D), gamma[l].reshape(1, D),
                      beta[l].reshape(1, D))
    sums, cnts = _sc_pool(h, batch, subgraph_batch, num_subgraphs,
                          zeros2d, ones2d)
    return _tc_finalize(sums, cnts)

# --- scband reference (transcript-rebuilt; emitter-appended) ---
"""Pipeline reference for scband-gnn-29643864277577 (READ-ONLY COPY).

The authoritative reference and input builder live on the scoring server;
editing this copy changes nothing except your own understanding.
"""

import jax, jax.numpy as jnp
import numpy as np

N = 10000   # nodes
E = 320000  # edges
D = 128     # in_dim = emb_dim
L = 5       # num_layer
G = 64      # graphs in batch
SPG = 8     # subgraphs per graph
S = G * SPG # total subgraphs (pooled output rows)


def setup_inputs(seed: int = 0) -> dict:
    key = jax.random.key(seed)
    ks = jax.random.split(key, 10)
    x = jax.random.normal(ks[0], (N, D), dtype=jnp.float32)
    edge_index = jax.random.randint(ks[1], (2, E), 0, N, dtype=jnp.int32)
    edge_attr = jax.random.normal(ks[2], (E, 4), dtype=jnp.float32)
    batch = jnp.sort(jax.random.randint(ks[3], (N,), 0, G, dtype=jnp.int32))
    num_subgraphs = jnp.full((G,), SPG, dtype=jnp.int32)
    subgraph_batch = jax.random.randint(ks[4], (N,), 0, SPG, dtype=jnp.int32)
    # learned params: per-layer GraphConv (PyG-style: lin_root + lin_rel) + BatchNorm
    Wroot = jax.random.normal(ks[5], (L, D, D), dtype=jnp.float32) * 0.05
    Wrel = jax.random.normal(ks[6], (L, D, D), dtype=jnp.float32) * 0.05
    brel = jnp.zeros((L, D), dtype=jnp.float32)
    gamma = jnp.ones((L, D), dtype=jnp.float32)
    beta = jnp.zeros((L, D), dtype=jnp.float32)
    return {"x": x, "edge_index": edge_index, "edge_attr": edge_attr,
            "batch": batch, "num_subgraphs": num_subgraphs,
            "subgraph_batch": subgraph_batch,
            "Wroot": Wroot, "Wrel": Wrel, "brel": brel,
            "gamma": gamma, "beta": beta}


def reference(x, edge_index, edge_attr, batch, num_subgraphs, subgraph_batch,
              Wroot, Wrel, brel, gamma, beta):
    # GNN_node: L layers of GraphConv -> BatchNorm (train-mode stats) -> ReLU
    # (drop_ratio=0.0, residual=False, JK='last'; feature_encoder = identity;
    #  GraphConv ignores edge_attr, PyG-style: out = aggr_add(x_src)@Wrel + brel + x@Wroot)
    src = edge_index[0]
    dst = edge_index[1]
    h = x
    for l in range(L):
        msg = h[src]                                      # gather  [E, D]
        agg = jax.ops.segment_sum(msg, dst, num_segments=N)  # scatter-add [N, D]
        out = agg @ Wrel[l] + brel[l] + h @ Wroot[l]
        mu = jnp.mean(out, axis=0)
        var = jnp.var(out, axis=0)
        out = (out - mu) / jnp.sqrt(var + 1e-5) * gamma[l] + beta[l]
        h = jax.nn.relu(out)
    # subgraph_pool with global_mean_pool
    offsets = jnp.concatenate([jnp.zeros((1,), dtype=num_subgraphs.dtype),
                               jnp.cumsum(num_subgraphs)])
    graph_offset = offsets[batch]
    subgraph_id = subgraph_batch + graph_offset
    sums = jax.ops.segment_sum(h, subgraph_id, num_segments=S)
    counts = jax.ops.segment_sum(jnp.ones((N,), dtype=h.dtype), subgraph_id,
                                 num_segments=S)
    pooled = sums / jnp.maximum(counts, 1.0)[:, None]
    return pooled

if __name__ == "__main__":
    import jax
    _d = setup_inputs()
    print(jax.jit(kernel)(*tuple(_d.values())))

</pallas_src>

<mosaic_0001>
#map = affine_map<(d0, d1) -> (0, 0)>
#map1 = affine_map<(d0, d1) -> (0)>
#map2 = affine_map<(d0, d1) -> (0, 0, 0)>
module attributes {stable_mosaic.version = 14 : i64} {
  func.func @_sc_segment_sum(%arg0: i32, %arg1: i32, %arg2: memref<10000x128xf32, #tpu.memory_space<hbm>>, %arg3: memref<320000xi32, #tpu.memory_space<hbm>>, %arg4: memref<320000xi32, #tpu.memory_space<hbm>>, %arg5: memref<80x128xf32, #tpu.memory_space<hbm>>, %arg6: memref<2x10000x128xf32, #tpu.memory_space<hbm>>, %arg7: memref<10000xi32, #tpu.memory_space<vmem>>, %arg8: memref<80xi32, #tpu.memory_space<vmem>>, %arg9: memref<80xi32, #tpu.memory_space<vmem>>, %arg10: memref<80xi32, #tpu.memory_space<vmem>>, %arg11: memref<80x128xf32, #tpu.memory_space<vmem>>, %arg12: memref<80x128xf32, #tpu.memory_space<vmem>>, %arg13: memref<80x128xf32, #tpu.memory_space<vmem>>, %arg14: memref<10000x128xf32, #tpu.memory_space<vmem_shared>>, %arg15: memref<!tpu.dma_semaphore, #tpu.memory_space<semaphore_mem>>, %arg16: memref<!tpu.dma_semaphore, #tpu.memory_space<semaphore_mem>>, %arg17: memref<!tpu.dma_semaphore, #tpu.memory_space<semaphore_mem>>, %arg18: memref<!tpu.dma_semaphore, #tpu.memory_space<semaphore_mem>>, %arg19: memref<!tpu.dma_semaphore, #tpu.memory_space<semaphore_mem>>, %arg20: memref<!tpu.dma_semaphore, #tpu.memory_space<semaphore_mem>>, %arg21: memref<!tpu.dma_semaphore, #tpu.memory_space<semaphore_mem>>, %arg22: memref<!tpu.dma_semaphore, #tpu.memory_space<semaphore_mem>>, %arg23: memref<!tpu.dma_semaphore, #tpu.memory_space<semaphore_mem>>, %arg24: memref<!tpu.dma_semaphore, #tpu.memory_space<semaphore_mem>>) attributes {dimension_semantics = [#tpu.dimension_semantics<core_parallel>, #tpu.dimension_semantics<subcore_parallel>], iteration_bounds = array<i64: 2, 16>, scalar_prefetch = 0 : i64, scratch_operands = 18 : i64, tpu.core_type = #tpu.core_type<sc_vector_subcore>, window_params = [{transform_indices = #map}, {transform_indices = #map1}, {transform_indices = #map1}, {transform_indices = #map}, {transform_indices = #map2}]} {
    %mul3A = arith.constant 2 : i32
    %mul3A_0 = arith.muli %arg1, %mul3A : i32
    %add3A = arith.addi %mul3A_0, %arg0 : i32
    %mul3A_1 = arith.constant 125 : i32
    %mul3A_2 = arith.muli %add3A, %mul3A_1 : i32
    %mul3A_3 = arith.constant 125 : i32
    %mul3A_4 = arith.muli %add3A, %mul3A_3 : i32
    %mul3A_5 = arith.constant 80 : i32
    %mul3A_6 = arith.muli %mul3A_4, %mul3A_5 : i32
    "tpu.region"() ({
      %run_scoped3A = tpu.sem_alloc : memref<!tpu.dma_semaphore, #tpu.memory_space<semaphore_mem>>
      %dma_start3A_219 = tpu.memref_slice %arg3[%mul3A_6] : memref<320000xi32, #tpu.memory_space<hbm>> -> memref<10000xi32, #tpu.memory_space<hbm>>
      %dma_start3A_220 = tpu.memref_slice %arg3[%mul3A_6] : memref<320000xi32, #tpu.memory_space<hbm>> -> memref<10000xi32, #tpu.memory_space<hbm>>
      tpu.enqueue_dma source(%dma_start3A_220 : memref<10000xi32, #tpu.memory_space<hbm>>) target(%arg7 : memref<10000xi32, #tpu.memory_space<vmem>>) target_semaphore(%run_scoped3A : memref<!tpu.dma_semaphore, #tpu.memory_space<semaphore_mem>>)
      %dma_wait3A_221 = tpu.memref_slice %arg3[%mul3A_6] : memref<320000xi32, #tpu.memory_space<hbm>> -> memref<10000xi32, #tpu.memory_space<hbm>>
      %dma_wait3A_222 = tpu.memref_slice %arg3[%mul3A_6] : memref<320000xi32, #tpu.memory_space<hbm>> -> memref<10000xi32, #tpu.memory_space<hbm>>
      tpu.wait_dma2 semaphore(%run_scoped3A : memref<!tpu.dma_semaphore, #tpu.memory_space<semaphore_mem>>) src(%dma_wait3A_222 : memref<10000xi32, #tpu.memory_space<hbm>>) dst(%arg7 : memref<10000xi32, #tpu.memory_space<vmem>>)
      tpu.yield
    }) : () -> ()
    %add3A_7 = arith.constant 0 : i32
    %add3A_8 = arith.addi %mul3A_2, %add3A_7 : i32
    %mul3A_9 = arith.constant 80 : i32
    %mul3A_10 = arith.muli %add3A_8, %mul3A_9 : i32
    %dma_start3A = tpu.memref_slice %arg4[%mul3A_10] : memref<320000xi32, #tpu.memory_space<hbm>> -> memref<80xi32, #tpu.memory_space<hbm>>
    %dma_start3A_11 = tpu.memref_slice %arg4[%mul3A_10] : memref<320000xi32, #tpu.memory_space<hbm>> -> memref<80xi32, #tpu.memory_space<hbm>>
    tpu.enqueue_dma source(%dma_start3A_11 : memref<80xi32, #tpu.memory_space<hbm>>) target(%arg8 : memref<80xi32, #tpu.memory_space<vmem>>) target_semaphore(%arg21 : memref<!tpu.dma_semaphore, #tpu.memory_space<semaphore_mem>>)
    %dma_start3A_12 = arith.constant 0 : i32
    %dma_start3A_13 = tpu.memref_slice %arg7[%dma_start3A_12] : memref<10000xi32, #tpu.memory_space<vmem>> -> memref<80xi32, #tpu.memory_space<vmem>>
    %dma_start3A_14 = arith.constant 0 : i32
    %dma_start3A_15 = arith.constant 0 : i32
    %dma_start3A_16 = tpu.memref_slice %arg2[%dma_start3A_14, %dma_start3A_15] : memref<10000x128xf32, #tpu.memory_space<hbm>> -> memref<10000x128xf32, #tpu.memory_space<hbm>>
    tpu.enqueue_indirect_dma source(%dma_start3A_16 : memref<10000x128xf32, #tpu.memory_space<hbm>>) target(%arg11 : memref<80x128xf32, #tpu.memory_space<vmem>>) offsets(%dma_start3A_13 : memref<80xi32, #tpu.memory_space<vmem>>) semaphore(%arg15 : memref<!tpu.dma_semaphore, #tpu.memory_space<semaphore_mem>>)
    %add3A_17 = arith.constant 1 : i32
    %add3A_18 = arith.addi %mul3A_2, %add3A_17 : i32
    %mul3A_19 = arith.constant 80 : i32
    %mul3A_20 = arith.muli %add3A_18, %mul3A_19 : i32
    %dma_start3A_21 = tpu.memref_slice %arg4[%mul3A_20] : memref<320000xi32, #tpu.memory_space<hbm>> -> memref<80xi32, #tpu.memory_space<hbm>>
    %dma_start3A_22 = tpu.memref_slice %arg4[%mul3A_20] : memref<320000xi32, #tpu.memory_space<hbm>> -> memref<80xi32, #tpu.memory_space<hbm>>
    tpu.enqueue_dma source(%dma_start3A_22 : memref<80xi32, #tpu.memory_space<hbm>>) target(%arg9 : memref<80xi32, #tpu.memory_space<vmem>>) target_semaphore(%arg22 : memref<!tpu.dma_semaphore, #tpu.memory_space<semaphore_mem>>)
    %dma_start3A_23 = arith.constant 80 : i32
    %dma_start3A_24 = tpu.memref_slice %arg7[%dma_start3A_23] : memref<10000xi32, #tpu.memory_space<vmem>> -> memref<80xi32, #tpu.memory_space<vmem>>
    %dma_start3A_25 = arith.constant 0 : i32
    %dma_start3A_26 = arith.constant 0 : i32
    %dma_start3A_27 = tpu.memref_slice %arg2[%dma_start3A_25, %dma_start3A_26] : memref<10000x128xf32, #tpu.memory_space<hbm>> -> memref<10000x128xf32, #tpu.memory_space<hbm>>
    tpu.enqueue_indirect_dma source(%dma_start3A_27 : memref<10000x128xf32, #tpu.memory_space<hbm>>) target(%arg12 : memref<80x128xf32, #tpu.memory_space<vmem>>) offsets(%dma_start3A_24 : memref<80xi32, #tpu.memory_space<vmem>>) semaphore(%arg16 : memref<!tpu.dma_semaphore, #tpu.memory_space<semaphore_mem>>)
    "tpu.region"() ({
      %run_scoped3A = tpu.sem_alloc : memref<!tpu.dma_semaphore, #tpu.memory_space<semaphore_mem>>
      tpu.enqueue_dma source(%arg5 : memref<80x128xf32, #tpu.memory_space<hbm>>) target(%arg13 : memref<80x128xf32, #tpu.memory_space<vmem>>) target_semaphore(%run_scoped3A : memref<!tpu.dma_semaphore, #tpu.memory_space<semaphore_mem>>)
      tpu.wait_dma2 semaphore(%run_scoped3A : memref<!tpu.dma_semaphore, #tpu.memory_space<semaphore_mem>>) src(%arg5 : memref<80x128xf32, #tpu.memory_space<hbm>>) dst(%arg13 : memref<80x128xf32, #tpu.memory_space<vmem>>)
      tpu.yield
    }) : () -> ()
    %sub3A = arith.constant 125 : i32
    %sub3A_28 = arith.subi %sub3A, %arg1 : i32
    %sub3A_29 = arith.constant 16 : i32
    %sub3A_30 = arith.constant 1 : i32
    %sub3A_31 = arith.subi %sub3A_29, %sub3A_30 : i32
    %add3A_32 = arith.addi %sub3A_28, %sub3A_31 : i32
    %div3A = arith.constant 16 : i32
    %div3A_33 = arith.divsi %add3A_32, %div3A : i32
    %while3A = arith.constant 16 : i32
    %while3A_34 = arith.constant 0 : i32
    %while3A_35 = arith.subi %div3A_33, %while3A_34 : i32
    %while3A_36 = arith.addi %while3A_34, %while3A_35 : i32
    %while3A_37 = arith.constant 1 : i32
    %while3A_38 = arith.divsi %while3A_35, %while3A_37 : i32
    %while3A_39 = arith.muli %while3A_38, %while3A_37 : i32
    %while3A_40 = arith.addi %while3A_34, %while3A_39 : i32
    %while3A_41 = arith.constant 1 : i32
    scf.for %while3A_219 = %while3A_34 to %while3A_40 step %while3A_41  : i32 {
      %mul3A_220 = arith.muli %while3A_219, %while3A : i32
      %add3A_221 = arith.addi %arg1, %mul3A_220 : i32
      %mul3A_222 = arith.constant 80 : i32
      %mul3A_223 = arith.muli %add3A_221, %mul3A_222 : i32
      %dma_start3A_224 = arith.constant 0 : i32
      %dma_start3A_225 = arith.constant 0 : i32
      %dma_start3A_226 = tpu.memref_slice %arg13[%dma_start3A_224, %dma_start3A_225] : memref<80x128xf32, #tpu.memory_space<vmem>> -> memref<80x128xf32, #tpu.memory_space<vmem>>
      %dma_start3A_227 = arith.constant 0 : i32
      %dma_start3A_228 = tpu.memref_slice %arg14[%mul3A_223, %dma_start3A_227] : memref<10000x128xf32, #tpu.memory_space<vmem_shared>> -> memref<80x128xf32, #tpu.memory_space<vmem_shared>>
      %dma_start3A_229 = arith.constant 0 : i32
      %dma_start3A_230 = tpu.memref_slice %arg14[%mul3A_223, %dma_start3A_229] : memref<10000x128xf32, #tpu.memory_space<vmem_shared>> -> memref<80x128xf32, #tpu.memory_space<vmem_shared>>
      %dma_start3A_231 = arith.constant 0 : i32
      %dma_start3A_232 = arith.constant 0 : i32
      %dma_start3A_233 = tpu.memref_slice %arg13[%dma_start3A_231, %dma_start3A_232] : memref<80x128xf32, #tpu.memory_space<vmem>> -> memref<80x128xf32, #tpu.memory_space<vmem>>
      tpu.enqueue_dma source(%dma_start3A_233 : memref<80x128xf32, #tpu.memory_space<vmem>>) target(%dma_start3A_230 : memref<80x128xf32, #tpu.memory_space<vmem_shared>>) target_semaphore(%arg24 : memref<!tpu.dma_semaphore, #tpu.memory_space<semaphore_mem>>)
    }
    %while3A_42 = arith.constant 1 : i32
    scf.for %while3A_219 = %while3A_40 to %while3A_36 step %while3A_42  : i32 {
      %mul3A_220 = arith.muli %while3A_219, %while3A : i32
      %add3A_221 = arith.addi %arg1, %mul3A_220 : i32
      %mul3A_222 = arith.constant 80 : i32
      %mul3A_223 = arith.muli %add3A_221, %mul3A_222 : i32
      %dma_start3A_224 = arith.constant 0 : i32
      %dma_start3A_225 = arith.constant 0 : i32
      %dma_start3A_226 = tpu.memref_slice %arg13[%dma_start3A_224, %dma_start3A_225] : memref<80x128xf32, #tpu.memory_space<vmem>> -> memref<80x128xf32, #tpu.memory_space<vmem>>
      %dma_start3A_227 = arith.constant 0 : i32
      %dma_start3A_228 = tpu.memref_slice %arg14[%mul3A_223, %dma_start3A_227] : memref<10000x128xf32, #tpu.memory_space<vmem_shared>> -> memref<80x128xf32, #tpu.memory_space<vmem_shared>>
      %dma_start3A_229 = arith.constant 0 : i32
      %dma_start3A_230 = tpu.memref_slice %arg14[%mul3A_223, %dma_start3A_229] : memref<10000x128xf32, #tpu.memory_space<vmem_shared>> -> memref<80x128xf32, #tpu.memory_space<vmem_shared>>
      %dma_start3A_231 = arith.constant 0 : i32
      %dma_start3A_232 = arith.constant 0 : i32
      %dma_start3A_233 = tpu.memref_slice %arg13[%dma_start3A_231, %dma_start3A_232] : memref<80x128xf32, #tpu.memory_space<vmem>> -> memref<80x128xf32, #tpu.memory_space<vmem>>
      tpu.enqueue_dma source(%dma_start3A_233 : memref<80x128xf32, #tpu.memory_space<vmem>>) target(%dma_start3A_230 : memref<80x128xf32, #tpu.memory_space<vmem_shared>>) target_semaphore(%arg24 : memref<!tpu.dma_semaphore, #tpu.memory_space<semaphore_mem>>)
    }
    %sub3A_43 = arith.constant 125 : i32
    %sub3A_44 = arith.subi %sub3A_43, %arg1 : i32
    %sub3A_45 = arith.constant 16 : i32
    %sub3A_46 = arith.constant 1 : i32
    %sub3A_47 = arith.subi %sub3A_45, %sub3A_46 : i32
    %add3A_48 = arith.addi %sub3A_44, %sub3A_47 : i32
    %div3A_49 = arith.constant 16 : i32
    %div3A_50 = arith.divsi %add3A_48, %div3A_49 : i32
    %while3A_51 = arith.constant 16 : i32
    %while3A_52 = arith.constant 0 : i32
    %while3A_53 = arith.subi %div3A_50, %while3A_52 : i32
    %while3A_54 = arith.addi %while3A_52, %while3A_53 : i32
    %while3A_55 = arith.constant 1 : i32
    %while3A_56 = arith.divsi %while3A_53, %while3A_55 : i32
    %while3A_57 = arith.muli %while3A_56, %while3A_55 : i32
    %while3A_58 = arith.addi %while3A_52, %while3A_57 : i32
    %while3A_59 = arith.constant 1 : i32
    scf.for %while3A_219 = %while3A_52 to %while3A_58 step %while3A_59  : i32 {
      %mul3A_220 = arith.muli %while3A_219, %while3A_51 : i32
      %add3A_221 = arith.addi %arg1, %mul3A_220 : i32
      %mul3A_222 = arith.constant 80 : i32
      %mul3A_223 = arith.muli %add3A_221, %mul3A_222 : i32
      %dma_wait3A_224 = arith.constant 0 : i32
      %dma_wait3A_225 = arith.constant 0 : i32
      %dma_wait3A_226 = tpu.memref_slice %arg13[%dma_wait3A_224, %dma_wait3A_225] : memref<80x128xf32, #tpu.memory_space<vmem>> -> memref<80x128xf32, #tpu.memory_space<vmem>>
      %dma_wait3A_227 = arith.constant 0 : i32
      %dma_wait3A_228 = tpu.memref_slice %arg14[%mul3A_223, %dma_wait3A_227] : memref<10000x128xf32, #tpu.memory_space<vmem_shared>> -> memref<80x128xf32, #tpu.memory_space<vmem_shared>>
      %dma_wait3A_229 = arith.constant 0 : i32
      %dma_wait3A_230 = tpu.memref_slice %arg14[%mul3A_223, %dma_wait3A_229] : memref<10000x128xf32, #tpu.memory_space<vmem_shared>> -> memref<80x128xf32, #tpu.memory_space<vmem_shared>>
      %dma_wait3A_231 = arith.constant 0 : i32
      %dma_wait3A_232 = arith.constant 0 : i32
      %dma_wait3A_233 = tpu.memref_slice %arg13[%dma_wait3A_231, %dma_wait3A_232] : memref<80x128xf32, #tpu.memory_space<vmem>> -> memref<80x128xf32, #tpu.memory_space<vmem>>
      tpu.wait_dma2 semaphore(%arg24 : memref<!tpu.dma_semaphore, #tpu.memory_space<semaphore_mem>>) src(%dma_wait3A_233 : memref<80x128xf32, #tpu.memory_space<vmem>>) dst(%dma_wait3A_230 : memref<80x128xf32, #tpu.memory_space<vmem_shared>>)
    }
    %while3A_60 = arith.constant 1 : i32
    scf.for %while3A_219 = %while3A_58 to %while3A_54 step %while3A_60  : i32 {
      %mul3A_220 = arith.muli %while3A_219, %while3A_51 : i32
      %add3A_221 = arith.addi %arg1, %mul3A_220 : i32
      %mul3A_222 = arith.constant 80 : i32
      %mul3A_223 = arith.muli %add3A_221, %mul3A_222 : i32
      %dma_wait3A_224 = arith.constant 0 : i32
      %dma_wait3A_225 = arith.constant 0 : i32
      %dma_wait3A_226 = tpu.memref_slice %arg13[%dma_wait3A_224, %dma_wait3A_225] : memref<80x128xf32, #tpu.memory_space<vmem>> -> memref<80x128xf32, #tpu.memory_space<vmem>>
      %dma_wait3A_227 = arith.constant 0 : i32
      %dma_wait3A_228 = tpu.memref_slice %arg14[%mul3A_223, %dma_wait3A_227] : memref<10000x128xf32, #tpu.memory_space<vmem_shared>> -> memref<80x128xf32, #tpu.memory_space<vmem_shared>>
      %dma_wait3A_229 = arith.constant 0 : i32
      %dma_wait3A_230 = tpu.memref_slice %arg14[%mul3A_223, %dma_wait3A_229] : memref<10000x128xf32, #tpu.memory_space<vmem_shared>> -> memref<80x128xf32, #tpu.memory_space<vmem_shared>>
      %dma_wait3A_231 = arith.constant 0 : i32
      %dma_wait3A_232 = arith.constant 0 : i32
      %dma_wait3A_233 = tpu.memref_slice %arg13[%dma_wait3A_231, %dma_wait3A_232] : memref<80x128xf32, #tpu.memory_space<vmem>> -> memref<80x128xf32, #tpu.memory_space<vmem>>
      tpu.wait_dma2 semaphore(%arg24 : memref<!tpu.dma_semaphore, #tpu.memory_space<semaphore_mem>>) src(%dma_wait3A_233 : memref<80x128xf32, #tpu.memory_space<vmem>>) dst(%dma_wait3A_230 : memref<80x128xf32, #tpu.memory_space<vmem_shared>>)
    }
    %barrier3A = arith.constant 0 : index
    tpu.barrier barrier_id(%barrier3A)
    %add3A_61 = arith.constant 2 : i32
    %add3A_62 = arith.addi %mul3A_2, %add3A_61 : i32
    %mul3A_63 = arith.constant 80 : i32
    %mul3A_64 = arith.muli %add3A_62, %mul3A_63 : i32
    %dma_start3A_65 = tpu.memref_slice %arg4[%mul3A_64] : memref<320000xi32, #tpu.memory_space<hbm>> -> memref<80xi32, #tpu.memory_space<hbm>>
    %dma_start3A_66 = tpu.memref_slice %arg4[%mul3A_64] : memref<320000xi32, #tpu.memory_space<hbm>> -> memref<80xi32, #tpu.memory_space<hbm>>
    tpu.enqueue_dma source(%dma_start3A_66 : memref<80xi32, #tpu.memory_space<hbm>>) target(%arg10 : memref<80xi32, #tpu.memory_space<vmem>>) target_semaphore(%arg23 : memref<!tpu.dma_semaphore, #tpu.memory_space<semaphore_mem>>)
    %dma_start3A_67 = arith.constant 160 : i32
    %dma_start3A_68 = tpu.memref_slice %arg7[%dma_start3A_67] : memref<10000xi32, #tpu.memory_space<vmem>> -> memref<80xi32, #tpu.memory_space<vmem>>
    %dma_start3A_69 = arith.constant 0 : i32
    %dma_start3A_70 = arith.constant 0 : i32
    %dma_start3A_71 = tpu.memref_slice %arg2[%dma_start3A_69, %dma_start3A_70] : memref<10000x128xf32, #tpu.memory_space<hbm>> -> memref<10000x128xf32, #tpu.memory_space<hbm>>
    tpu.enqueue_indirect_dma source(%dma_start3A_71 : memref<10000x128xf32, #tpu.memory_space<hbm>>) target(%arg13 : memref<80x128xf32, #tpu.memory_space<vmem>>) offsets(%dma_start3A_68 : memref<80xi32, #tpu.memory_space<vmem>>) semaphore(%arg17 : memref<!tpu.dma_semaphore, #tpu.memory_space<semaphore_mem>>)
    %scan3A = arith.constant 0 : i32
    %scan3A_72 = arith.constant 40 : i32
    %scan3A_73 = arith.addi %scan3A, %scan3A_72 : i32
    %scan3A_74 = arith.constant 1 : i32
    scf.for %scan3A_219 = %scan3A to %scan3A_73 step %scan3A_74  : i32 {
      %mul3A_220 = arith.constant 1 : i32
      %mul3A_221 = arith.muli %scan3A_219, %mul3A_220 : i32
      %add3A_222 = arith.constant 0 : i32
      %add3A_223 = arith.addi %add3A_222, %mul3A_221 : i32
      %mul3A_224 = arith.constant 3 : i32
      %mul3A_225 = arith.muli %mul3A_224, %add3A_223 : i32
      %add3A_226 = arith.constant 0 : i32
      %add3A_227 = arith.addi %mul3A_225, %add3A_226 : i32
      %mul3A_228 = arith.constant 80 : i32
      %mul3A_229 = arith.muli %add3A_227, %mul3A_228 : i32
      %dma_wait3A_230 = tpu.memref_slice %arg7[%mul3A_229] : memref<10000xi32, #tpu.memory_space<vmem>> -> memref<80xi32, #tpu.memory_space<vmem>>
      %dma_wait3A_231 = arith.constant 0 : i32
      %dma_wait3A_232 = arith.constant 0 : i32
      %dma_wait3A_233 = tpu.memref_slice %arg2[%dma_wait3A_231, %dma_wait3A_232] : memref<10000x128xf32, #tpu.memory_space<hbm>> -> memref<10000x128xf32, #tpu.memory_space<hbm>>
      tpu.wait_indirect_dma semaphore(%arg15 : memref<!tpu.dma_semaphore, #tpu.memory_space<semaphore_mem>>) src(%dma_wait3A_233 : memref<10000x128xf32, #tpu.memory_space<hbm>>) dst(%arg11 : memref<80x128xf32, #tpu.memory_space<vmem>>)
      %add3A_234 = arith.addi %mul3A_2, %add3A_227 : i32
      %mul3A_235 = arith.constant 80 : i32
      %mul3A_236 = arith.muli %add3A_234, %mul3A_235 : i32
      %dma_wait3A_237 = tpu.memref_slice %arg4[%mul3A_236] : memref<320000xi32, #tpu.memory_space<hbm>> -> memref<80xi32, #tpu.memory_space<hbm>>
      %dma_wait3A_238 = tpu.memref_slice %arg4[%mul3A_236] : memref<320000xi32, #tpu.memory_space<hbm>> -> memref<80xi32, #tpu.memory_space<hbm>>
      tpu.wait_dma2 semaphore(%arg21 : memref<!tpu.dma_semaphore, #tpu.memory_space<semaphore_mem>>) src(%dma_wait3A_238 : memref<80xi32, #tpu.memory_space<hbm>>) dst(%arg8 : memref<80xi32, #tpu.memory_space<vmem>>)
      %dma_start3A_239 = arith.constant 0 : i32
      %dma_start3A_240 = arith.constant 0 : i32
      %dma_start3A_241 = tpu.memref_slice %arg14[%dma_start3A_239, %dma_start3A_240] : memref<10000x128xf32, #tpu.memory_space<vmem_shared>> -> memref<10000x128xf32, #tpu.memory_space<vmem_shared>>
      tpu.enqueue_indirect_dma source(%arg11 : memref<80x128xf32, #tpu.memory_space<vmem>>) target(%dma_start3A_241 : memref<10000x128xf32, #tpu.memory_space<vmem_shared>>) offsets(%arg8 : memref<80xi32, #tpu.memory_space<vmem>>) semaphore(%arg18 : memref<!tpu.dma_semaphore, #tpu.memory_space<semaphore_mem>>) {add = true}
      %dma_wait3A_242 = arith.constant 0 : i32
      %dma_wait3A_243 = arith.constant 0 : i32
      %dma_wait3A_244 = tpu.memref_slice %arg14[%dma_wait3A_242, %dma_wait3A_243] : memref<10000x128xf32, #tpu.memory_space<vmem_shared>> -> memref<10000x128xf32, #tpu.memory_space<vmem_shared>>
      tpu.wait_indirect_dma semaphore(%arg18 : memref<!tpu.dma_semaphore, #tpu.memory_space<semaphore_mem>>) src(%arg11 : memref<80x128xf32, #tpu.memory_space<vmem>>) dst(%dma_wait3A_244 : memref<10000x128xf32, #tpu.memory_space<vmem_shared>>)
      %add3A_245 = arith.constant 3 : i32
      %add3A_246 = arith.addi %mul3A_225, %add3A_245 : i32
      %add3A_247 = arith.constant 0 : i32
      %add3A_248 = arith.addi %add3A_246, %add3A_247 : i32
      %add3A_249 = arith.addi %mul3A_2, %add3A_248 : i32
      %mul3A_250 = arith.constant 80 : i32
      %mul3A_251 = arith.muli %add3A_249, %mul3A_250 : i32
      %dma_start3A_252 = tpu.memref_slice %arg4[%mul3A_251] : memref<320000xi32, #tpu.memory_space<hbm>> -> memref<80xi32, #tpu.memory_space<hbm>>
      %dma_start3A_253 = tpu.memref_slice %arg4[%mul3A_251] : memref<320000xi32, #tpu.memory_space<hbm>> -> memref<80xi32, #tpu.memory_space<hbm>>
      tpu.enqueue_dma source(%dma_start3A_253 : memref<80xi32, #tpu.memory_space<hbm>>) target(%arg8 : memref<80xi32, #tpu.memory_space<vmem>>) target_semaphore(%arg21 : memref<!tpu.dma_semaphore, #tpu.memory_space<semaphore_mem>>)
      %mul3A_254 = arith.constant 80 : i32
      %mul3A_255 = arith.muli %add3A_248, %mul3A_254 : i32
      %dma_start3A_256 = tpu.memref_slice %arg7[%mul3A_255] : memref<10000xi32, #tpu.memory_space<vmem>> -> memref<80xi32, #tpu.memory_space<vmem>>
      %dma_start3A_257 = arith.constant 0 : i32
      %dma_start3A_258 = arith.constant 0 : i32
      %dma_start3A_259 = tpu.memref_slice %arg2[%dma_start3A_257, %dma_start3A_258] : memref<10000x128xf32, #tpu.memory_space<hbm>> -> memref<10000x128xf32, #tpu.memory_space<hbm>>
      tpu.enqueue_indirect_dma source(%dma_start3A_259 : memref<10000x128xf32, #tpu.memory_space<hbm>>) target(%arg11 : memref<80x128xf32, #tpu.memory_space<vmem>>) offsets(%dma_start3A_256 : memref<80xi32, #tpu.memory_space<vmem>>) semaphore(%arg15 : memref<!tpu.dma_semaphore, #tpu.memory_space<semaphore_mem>>)
      %add3A_260 = arith.constant 1 : i32
      %add3A_261 = arith.addi %mul3A_225, %add3A_260 : i32
      %mul3A_262 = arith.constant 80 : i32
      %mul3A_263 = arith.muli %add3A_261, %mul3A_262 : i32
      %dma_wait3A_264 = tpu.memref_slice %arg7[%mul3A_263] : memref<10000xi32, #tpu.memory_space<vmem>> -> memref<80xi32, #tpu.memory_space<vmem>>
      %dma_wait3A_265 = arith.constant 0 : i32
      %dma_wait3A_266 = arith.constant 0 : i32
      %dma_wait3A_267 = tpu.memref_slice %arg2[%dma_wait3A_265, %dma_wait3A_266] : memref<10000x128xf32, #tpu.memory_space<hbm>> -> memref<10000x128xf32, #tpu.memory_space<hbm>>
      tpu.wait_indirect_dma semaphore(%arg16 : memref<!tpu.dma_semaphore, #tpu.memory_space<semaphore_mem>>) src(%dma_wait3A_267 : memref<10000x128xf32, #tpu.memory_space<hbm>>) dst(%arg12 : memref<80x128xf32, #tpu.memory_space<vmem>>)
      %add3A_268 = arith.addi %mul3A_2, %add3A_261 : i32
      %mul3A_269 = arith.constant 80 : i32
      %mul3A_270 = arith.muli %add3A_268, %mul3A_269 : i32
      %dma_wait3A_271 = tpu.memref_slice %arg4[%mul3A_270] : memref<320000xi32, #tpu.memory_space<hbm>> -> memref<80xi32, #tpu.memory_space<hbm>>
      %dma_wait3A_272 = tpu.memref_slice %arg4[%mul3A_270] : memref<320000xi32, #tpu.memory_space<hbm>> -> memref<80xi32, #tpu.memory_space<hbm>>
      tpu.wait_dma2 semaphore(%arg22 : memref<!tpu.dma_semaphore, #tpu.memory_space<semaphore_mem>>) src(%dma_wait3A_272 : memref<80xi32, #tpu.memory_space<hbm>>) dst(%arg9 : memref<80xi32, #tpu.memory_space<vmem>>)
      %dma_start3A_273 = arith.constant 0 : i32
      %dma_start3A_274 = arith.constant 0 : i32
      %dma_start3A_275 = tpu.memref_slice %arg14[%dma_start3A_273, %dma_start3A_274] : memref<10000x128xf32, #tpu.memory_space<vmem_shared>> -> memref<10000x128xf32, #tpu.memory_space<vmem_shared>>
      tpu.enqueue_indirect_dma source(%arg12 : memref<80x128xf32, #tpu.memory_space<vmem>>) target(%dma_start3A_275 : memref<10000x128xf32, #tpu.memory_space<vmem_shared>>) offsets(%arg9 : memref<80xi32, #tpu.memory_space<vmem>>) semaphore(%arg19 : memref<!tpu.dma_semaphore, #tpu.memory_space<semaphore_mem>>) {add = true}
      %dma_wait3A_276 = arith.constant 0 : i32
      %dma_wait3A_277 = arith.constant 0 : i32
      %dma_wait3A_278 = tpu.memref_slice %arg14[%dma_wait3A_276, %dma_wait3A_277] : memref<10000x128xf32, #tpu.memory_space<vmem_shared>> -> memref<10000x128xf32, #tpu.memory_space<vmem_shared>>
      tpu.wait_indirect_dma semaphore(%arg19 : memref<!tpu.dma_semaphore, #tpu.memory_space<semaphore_mem>>) src(%arg12 : memref<80x128xf32, #tpu.memory_space<vmem>>) dst(%dma_wait3A_278 : memref<10000x128xf32, #tpu.memory_space<vmem_shared>>)
      %add3A_279 = arith.constant 3 : i32
      %add3A_280 = arith.addi %mul3A_225, %add3A_279 : i32
      %add3A_281 = arith.constant 1 : i32
      %add3A_282 = arith.addi %add3A_280, %add3A_281 : i32
      %add3A_283 = arith.addi %mul3A_2, %add3A_282 : i32
      %mul3A_284 = arith.constant 80 : i32
      %mul3A_285 = arith.muli %add3A_283, %mul3A_284 : i32
      %dma_start3A_286 = tpu.memref_slice %arg4[%mul3A_285] : memref<320000xi32, #tpu.memory_space<hbm>> -> memref<80xi32, #tpu.memory_space<hbm>>
      %dma_start3A_287 = tpu.memref_slice %arg4[%mul3A_285] : memref<320000xi32, #tpu.memory_space<hbm>> -> memref<80xi32, #tpu.memory_space<hbm>>
      tpu.enqueue_dma source(%dma_start3A_287 : memref<80xi32, #tpu.memory_space<hbm>>) target(%arg9 : memref<80xi32, #tpu.memory_space<vmem>>) target_semaphore(%arg22 : memref<!tpu.dma_semaphore, #tpu.memory_space<semaphore_mem>>)
      %mul3A_288 = arith.constant 80 : i32
      %mul3A_289 = arith.muli %add3A_282, %mul3A_288 : i32
      %dma_start3A_290 = tpu.memref_slice %arg7[%mul3A_289] : memref<10000xi32, #tpu.memory_space<vmem>> -> memref<80xi32, #tpu.memory_space<vmem>>
      %dma_start3A_291 = arith.constant 0 : i32
      %dma_start3A_292 = arith.constant 0 : i32
      %dma_start3A_293 = tpu.memref_slice %arg2[%dma_start3A_291, %dma_start3A_292] : memref<10000x128xf32, #tpu.memory_space<hbm>> -> memref<10000x128xf32, #tpu.memory_space<hbm>>
      tpu.enqueue_indirect_dma source(%dma_start3A_293 : memref<10000x128xf32, #tpu.memory_space<hbm>>) target(%arg12 : memref<80x128xf32, #tpu.memory_space<vmem>>) offsets(%dma_start3A_290 : memref<80xi32, #tpu.memory_space<vmem>>) semaphore(%arg16 : memref<!tpu.dma_semaphore, #tpu.memory_space<semaphore_mem>>)
      %add3A_294 = arith.constant 2 : i32
      %add3A_295 = arith.addi %mul3A_225, %add3A_294 : i32
      %mul3A_296 = arith.constant 80 : i32
      %mul3A_297 = arith.muli %add3A_295, %mul3A_296 : i32
      %dma_wait3A_298 = tpu.memref_slice %arg7[%mul3A_297] : memref<10000xi32, #tpu.memory_space<vmem>> -> memref<80xi32, #tpu.memory_space<vmem>>
      %dma_wait3A_299 = arith.constant 0 : i32
      %dma_wait3A_300 = arith.constant 0 : i32
      %dma_wait3A_301 = tpu.memref_slice %arg2[%dma_wait3A_299, %dma_wait3A_300] : memref<10000x128xf32, #tpu.memory_space<hbm>> -> memref<10000x128xf32, #tpu.memory_space<hbm>>
      tpu.wait_indirect_dma semaphore(%arg17 : memref<!tpu.dma_semaphore, #tpu.memory_space<semaphore_mem>>) src(%dma_wait3A_301 : memref<10000x128xf32, #tpu.memory_space<hbm>>) dst(%arg13 : memref<80x128xf32, #tpu.memory_space<vmem>>)
      %add3A_302 = arith.addi %mul3A_2, %add3A_295 : i32
      %mul3A_303 = arith.constant 80 : i32
      %mul3A_304 = arith.muli %add3A_302, %mul3A_303 : i32
      %dma_wait3A_305 = tpu.memref_slice %arg4[%mul3A_304] : memref<320000xi32, #tpu.memory_space<hbm>> -> memref<80xi32, #tpu.memory_space<hbm>>
      %dma_wait3A_306 = tpu.memref_slice %arg4[%mul3A_304] : memref<320000xi32, #tpu.memory_space<hbm>> -> memref<80xi32, #tpu.memory_space<hbm>>
      tpu.wait_dma2 semaphore(%arg23 : memref<!tpu.dma_semaphore, #tpu.memory_space<semaphore_mem>>) src(%dma_wait3A_306 : memref<80xi32, #tpu.memory_space<hbm>>) dst(%arg10 : memref<80xi32, #tpu.memory_space<vmem>>)
      %dma_start3A_307 = arith.constant 0 : i32
      %dma_start3A_308 = arith.constant 0 : i32
      %dma_start3A_309 = tpu.memref_slice %arg14[%dma_start3A_307, %dma_start3A_308] : memref<10000x128xf32, #tpu.memory_space<vmem_shared>> -> memref<10000x128xf32, #tpu.memory_space<vmem_shared>>
      tpu.enqueue_indirect_dma source(%arg13 : memref<80x128xf32, #tpu.memory_space<vmem>>) target(%dma_start3A_309 : memref<10000x128xf32, #tpu.memory_space<vmem_shared>>) offsets(%arg10 : memref<80xi32, #tpu.memory_space<vmem>>) semaphore(%arg20 : memref<!tpu.dma_semaphore, #tpu.memory_space<semaphore_mem>>) {add = true}
      %dma_wait3A_310 = arith.constant 0 : i32
      %dma_wait3A_311 = arith.constant 0 : i32
      %dma_wait3A_312 = tpu.memref_slice %arg14[%dma_wait3A_310, %dma_wait3A_311] : memref<10000x128xf32, #tpu.memory_space<vmem_shared>> -> memref<10000x128xf32, #tpu.memory_space<vmem_shared>>
      tpu.wait_indirect_dma semaphore(%arg20 : memref<!tpu.dma_semaphore, #tpu.memory_space<semaphore_mem>>) src(%arg13 : memref<80x128xf32, #tpu.memory_space<vmem>>) dst(%dma_wait3A_312 : memref<10000x128xf32, #tpu.memory_space<vmem_shared>>)
      %add3A_313 = arith.constant 3 : i32
      %add3A_314 = arith.addi %mul3A_225, %add3A_313 : i32
      %add3A_315 = arith.constant 2 : i32
      %add3A_316 = arith.addi %add3A_314, %add3A_315 : i32
      %add3A_317 = arith.addi %mul3A_2, %add3A_316 : i32
      %mul3A_318 = arith.constant 80 : i32
      %mul3A_319 = arith.muli %add3A_317, %mul3A_318 : i32
      %dma_start3A_320 = tpu.memref_slice %arg4[%mul3A_319] : memref<320000xi32, #tpu.memory_space<hbm>> -> memref<80xi32, #tpu.memory_space<hbm>>
      %dma_start3A_321 = tpu.memref_slice %arg4[%mul3A_319] : memref<320000xi32, #tpu.memory_space<hbm>> -> memref<80xi32, #tpu.memory_space<hbm>>
      tpu.enqueue_dma source(%dma_start3A_321 : memref<80xi32, #tpu.memory_space<hbm>>) target(%arg10 : memref<80xi32, #tpu.memory_space<vmem>>) target_semaphore(%arg23 : memref<!tpu.dma_semaphore, #tpu.memory_space<semaphore_mem>>)
      %mul3A_322 = arith.constant 80 : i32
      %mul3A_323 = arith.muli %add3A_316, %mul3A_322 : i32
      %dma_start3A_324 = tpu.memref_slice %arg7[%mul3A_323] : memref<10000xi32, #tpu.memory_space<vmem>> -> memref<80xi32, #tpu.memory_space<vmem>>
      %dma_start3A_325 = arith.constant 0 : i32
      %dma_start3A_326 = arith.constant 0 : i32
      %dma_start3A_327 = tpu.memref_slice %arg2[%dma_start3A_325, %dma_start3A_326] : memref<10000x128xf32, #tpu.memory_space<hbm>> -> memref<10000x128xf32, #tpu.memory_space<hbm>>
      tpu.enqueue_indirect_dma source(%dma_start3A_327 : memref<10000x128xf32, #tpu.memory_space<hbm>>) target(%arg13 : memref<80x128xf32, #tpu.memory_space<vmem>>) offsets(%dma_start3A_324 : memref<80xi32, #tpu.memory_space<vmem>>) semaphore(%arg17 : memref<!tpu.dma_semaphore, #tpu.memory_space<semaphore_mem>>)
    }
    %scan3A_75 = arith.constant 40 : i32
    %dma_wait3A = arith.constant 9600 : i32
    %dma_wait3A_76 = tpu.memref_slice %arg7[%dma_wait3A] : memref<10000xi32, #tpu.memory_space<vmem>> -> memref<80xi32, #tpu.memory_space<vmem>>
    %dma_wait3A_77 = arith.constant 0 : i32
    %dma_wait3A_78 = arith.constant 0 : i32
    %dma_wait3A_79 = tpu.memref_slice %arg2[%dma_wait3A_77, %dma_wait3A_78] : memref<10000x128xf32, #tpu.memory_space<hbm>> -> memref<10000x128xf32, #tpu.memory_space<hbm>>
    tpu.wait_indirect_dma semaphore(%arg15 : memref<!tpu.dma_semaphore, #tpu.memory_space<semaphore_mem>>) src(%dma_wait3A_79 : memref<10000x128xf32, #tpu.memory_space<hbm>>) dst(%arg11 : memref<80x128xf32, #tpu.memory_space<vmem>>)
    %add3A_80 = arith.constant 120 : i32
    %add3A_81 = arith.addi %mul3A_2, %add3A_80 : i32
    %mul3A_82 = arith.constant 80 : i32
    %mul3A_83 = arith.muli %add3A_81, %mul3A_82 : i32
    %dma_wait3A_84 = tpu.memref_slice %arg4[%mul3A_83] : memref<320000xi32, #tpu.memory_space<hbm>> -> memref<80xi32, #tpu.memory_space<hbm>>
    %dma_wait3A_85 = tpu.memref_slice %arg4[%mul3A_83] : memref<320000xi32, #tpu.memory_space<hbm>> -> memref<80xi32, #tpu.memory_space<hbm>>
    tpu.wait_dma2 semaphore(%arg21 : memref<!tpu.dma_semaphore, #tpu.memory_space<semaphore_mem>>) src(%dma_wait3A_85 : memref<80xi32, #tpu.memory_space<hbm>>) dst(%arg8 : memref<80xi32, #tpu.memory_space<vmem>>)
    %dma_start3A_86 = arith.constant 0 : i32
    %dma_start3A_87 = arith.constant 0 : i32
    %dma_start3A_88 = tpu.memref_slice %arg14[%dma_start3A_86, %dma_start3A_87] : memref<10000x128xf32, #tpu.memory_space<vmem_shared>> -> memref<10000x128xf32, #tpu.memory_space<vmem_shared>>
    tpu.enqueue_indirect_dma source(%arg11 : memref<80x128xf32, #tpu.memory_space<vmem>>) target(%dma_start3A_88 : memref<10000x128xf32, #tpu.memory_space<vmem_shared>>) offsets(%arg8 : memref<80xi32, #tpu.memory_space<vmem>>) semaphore(%arg18 : memref<!tpu.dma_semaphore, #tpu.memory_space<semaphore_mem>>) {add = true}
    %dma_wait3A_89 = arith.constant 0 : i32
    %dma_wait3A_90 = arith.constant 0 : i32
    %dma_wait3A_91 = tpu.memref_slice %arg14[%dma_wait3A_89, %dma_wait3A_90] : memref<10000x128xf32, #tpu.memory_space<vmem_shared>> -> memref<10000x128xf32, #tpu.memory_space<vmem_shared>>
    tpu.wait_indirect_dma semaphore(%arg18 : memref<!tpu.dma_semaphore, #tpu.memory_space<semaphore_mem>>) src(%arg11 : memref<80x128xf32, #tpu.memory_space<vmem>>) dst(%dma_wait3A_91 : memref<10000x128xf32, #tpu.memory_space<vmem_shared>>)
    %add3A_92 = arith.constant 123 : i32
    %add3A_93 = arith.addi %mul3A_2, %add3A_92 : i32
    %mul3A_94 = arith.constant 80 : i32
    %mul3A_95 = arith.muli %add3A_93, %mul3A_94 : i32
    %dma_start3A_96 = tpu.memref_slice %arg4[%mul3A_95] : memref<320000xi32, #tpu.memory_space<hbm>> -> memref<80xi32, #tpu.memory_space<hbm>>
    %dma_start3A_97 = tpu.memref_slice %arg4[%mul3A_95] : memref<320000xi32, #tpu.memory_space<hbm>> -> memref<80xi32, #tpu.memory_space<hbm>>
    tpu.enqueue_dma source(%dma_start3A_97 : memref<80xi32, #tpu.memory_space<hbm>>) target(%arg8 : memref<80xi32, #tpu.memory_space<vmem>>) target_semaphore(%arg21 : memref<!tpu.dma_semaphore, #tpu.memory_space<semaphore_mem>>)
    %dma_start3A_98 = arith.constant 9840 : i32
    %dma_start3A_99 = tpu.memref_slice %arg7[%dma_start3A_98] : memref<10000xi32, #tpu.memory_space<vmem>> -> memref<80xi32, #tpu.memory_space<vmem>>
    %dma_start3A_100 = arith.constant 0 : i32
    %dma_start3A_101 = arith.constant 0 : i32
    %dma_start3A_102 = tpu.memref_slice %arg2[%dma_start3A_100, %dma_start3A_101] : memref<10000x128xf32, #tpu.memory_space<hbm>> -> memref<10000x128xf32, #tpu.memory_space<hbm>>
    tpu.enqueue_indirect_dma source(%dma_start3A_102 : memref<10000x128xf32, #tpu.memory_space<hbm>>) target(%arg11 : memref<80x128xf32, #tpu.memory_space<vmem>>) offsets(%dma_start3A_99 : memref<80xi32, #tpu.memory_space<vmem>>) semaphore(%arg15 : memref<!tpu.dma_semaphore, #tpu.memory_space<semaphore_mem>>)
    %dma_wait3A_103 = arith.constant 9680 : i32
    %dma_wait3A_104 = tpu.memref_slice %arg7[%dma_wait3A_103] : memref<10000xi32, #tpu.memory_space<vmem>> -> memref<80xi32, #tpu.memory_space<vmem>>
    %dma_wait3A_105 = arith.constant 0 : i32
    %dma_wait3A_106 = arith.constant 0 : i32
    %dma_wait3A_107 = tpu.memref_slice %arg2[%dma_wait3A_105, %dma_wait3A_106] : memref<10000x128xf32, #tpu.memory_space<hbm>> -> memref<10000x128xf32, #tpu.memory_space<hbm>>
    tpu.wait_indirect_dma semaphore(%arg16 : memref<!tpu.dma_semaphore, #tpu.memory_space<semaphore_mem>>) src(%dma_wait3A_107 : memref<10000x128xf32, #tpu.memory_space<hbm>>) dst(%arg12 : memref<80x128xf32, #tpu.memory_space<vmem>>)
    %add3A_108 = arith.constant 121 : i32
    %add3A_109 = arith.addi %mul3A_2, %add3A_108 : i32
    %mul3A_110 = arith.constant 80 : i32
    %mul3A_111 = arith.muli %add3A_109, %mul3A_110 : i32
    %dma_wait3A_112 = tpu.memref_slice %arg4[%mul3A_111] : memref<320000xi32, #tpu.memory_space<hbm>> -> memref<80xi32, #tpu.memory_space<hbm>>
    %dma_wait3A_113 = tpu.memref_slice %arg4[%mul3A_111] : memref<320000xi32, #tpu.memory_space<hbm>> -> memref<80xi32, #tpu.memory_space<hbm>>
    tpu.wait_dma2 semaphore(%arg22 : memref<!tpu.dma_semaphore, #tpu.memory_space<semaphore_mem>>) src(%dma_wait3A_113 : memref<80xi32, #tpu.memory_space<hbm>>) dst(%arg9 : memref<80xi32, #tpu.memory_space<vmem>>)
    %dma_start3A_114 = arith.constant 0 : i32
    %dma_start3A_115 = arith.constant 0 : i32
    %dma_start3A_116 = tpu.memref_slice %arg14[%dma_start3A_114, %dma_start3A_115] : memref<10000x128xf32, #tpu.memory_space<vmem_shared>> -> memref<10000x128xf32, #tpu.memory_space<vmem_shared>>
    tpu.enqueue_indirect_dma source(%arg12 : memref<80x128xf32, #tpu.memory_space<vmem>>) target(%dma_start3A_116 : memref<10000x128xf32, #tpu.memory_space<vmem_shared>>) offsets(%arg9 : memref<80xi32, #tpu.memory_space<vmem>>) semaphore(%arg19 : memref<!tpu.dma_semaphore, #tpu.memory_space<semaphore_mem>>) {add = true}
    %dma_wait3A_117 = arith.constant 0 : i32
    %dma_wait3A_118 = arith.constant 0 : i32
    %dma_wait3A_119 = tpu.memref_slice %arg14[%dma_wait3A_117, %dma_wait3A_118] : memref<10000x128xf32, #tpu.memory_space<vmem_shared>> -> memref<10000x128xf32, #tpu.memory_space<vmem_shared>>
    tpu.wait_indirect_dma semaphore(%arg19 : memref<!tpu.dma_semaphore, #tpu.memory_space<semaphore_mem>>) src(%arg12 : memref<80x128xf32, #tpu.memory_space<vmem>>) dst(%dma_wait3A_119 : memref<10000x128xf32, #tpu.memory_space<vmem_shared>>)
    %add3A_120 = arith.constant 124 : i32
    %add3A_121 = arith.addi %mul3A_2, %add3A_120 : i32
    %mul3A_122 = arith.constant 80 : i32
    %mul3A_123 = arith.muli %add3A_121, %mul3A_122 : i32
    %dma_start3A_124 = tpu.memref_slice %arg4[%mul3A_123] : memref<320000xi32, #tpu.memory_space<hbm>> -> memref<80xi32, #tpu.memory_space<hbm>>
    %dma_start3A_125 = tpu.memref_slice %arg4[%mul3A_123] : memref<320000xi32, #tpu.memory_space<hbm>> -> memref<80xi32, #tpu.memory_space<hbm>>
    tpu.enqueue_dma source(%dma_start3A_125 : memref<80xi32, #tpu.memory_space<hbm>>) target(%arg9 : memref<80xi32, #tpu.memory_space<vmem>>) target_semaphore(%arg22 : memref<!tpu.dma_semaphore, #tpu.memory_space<semaphore_mem>>)
    %dma_start3A_126 = arith.constant 9920 : i32
    %dma_start3A_127 = tpu.memref_slice %arg7[%dma_start3A_126] : memref<10000xi32, #tpu.memory_space<vmem>> -> memref<80xi32, #tpu.memory_space<vmem>>
    %dma_start3A_128 = arith.constant 0 : i32
    %dma_start3A_129 = arith.constant 0 : i32
    %dma_start3A_130 = tpu.memref_slice %arg2[%dma_start3A_128, %dma_start3A_129] : memref<10000x128xf32, #tpu.memory_space<hbm>> -> memref<10000x128xf32, #tpu.memory_space<hbm>>
    tpu.enqueue_indirect_dma source(%dma_start3A_130 : memref<10000x128xf32, #tpu.memory_space<hbm>>) target(%arg12 : memref<80x128xf32, #tpu.memory_space<vmem>>) offsets(%dma_start3A_127 : memref<80xi32, #tpu.memory_space<vmem>>) semaphore(%arg16 : memref<!tpu.dma_semaphore, #tpu.memory_space<semaphore_mem>>)
    %dma_wait3A_131 = arith.constant 9760 : i32
    %dma_wait3A_132 = tpu.memref_slice %arg7[%dma_wait3A_131] : memref<10000xi32, #tpu.memory_space<vmem>> -> memref<80xi32, #tpu.memory_space<vmem>>
    %dma_wait3A_133 = arith.constant 0 : i32
    %dma_wait3A_134 = arith.constant 0 : i32
    %dma_wait3A_135 = tpu.memref_slice %arg2[%dma_wait3A_133, %dma_wait3A_134] : memref<10000x128xf32, #tpu.memory_space<hbm>> -> memref<10000x128xf32, #tpu.memory_space<hbm>>
    tpu.wait_indirect_dma semaphore(%arg17 : memref<!tpu.dma_semaphore, #tpu.memory_space<semaphore_mem>>) src(%dma_wait3A_135 : memref<10000x128xf32, #tpu.memory_space<hbm>>) dst(%arg13 : memref<80x128xf32, #tpu.memory_space<vmem>>)
    %add3A_136 = arith.constant 122 : i32
    %add3A_137 = arith.addi %mul3A_2, %add3A_136 : i32
    %mul3A_138 = arith.constant 80 : i32
    %mul3A_139 = arith.muli %add3A_137, %mul3A_138 : i32
    %dma_wait3A_140 = tpu.memref_slice %arg4[%mul3A_139] : memref<320000xi32, #tpu.memory_space<hbm>> -> memref<80xi32, #tpu.memory_space<hbm>>
    %dma_wait3A_141 = tpu.memref_slice %arg4[%mul3A_139] : memref<320000xi32, #tpu.memory_space<hbm>> -> memref<80xi32, #tpu.memory_space<hbm>>
    tpu.wait_dma2 semaphore(%arg23 : memref<!tpu.dma_semaphore, #tpu.memory_space<semaphore_mem>>) src(%dma_wait3A_141 : memref<80xi32, #tpu.memory_space<hbm>>) dst(%arg10 : memref<80xi32, #tpu.memory_space<vmem>>)
    %dma_start3A_142 = arith.constant 0 : i32
    %dma_start3A_143 = arith.constant 0 : i32
    %dma_start3A_144 = tpu.memref_slice %arg14[%dma_start3A_142, %dma_start3A_143] : memref<10000x128xf32, #tpu.memory_space<vmem_shared>> -> memref<10000x128xf32, #tpu.memory_space<vmem_shared>>
    tpu.enqueue_indirect_dma source(%arg13 : memref<80x128xf32, #tpu.memory_space<vmem>>) target(%dma_start3A_144 : memref<10000x128xf32, #tpu.memory_space<vmem_shared>>) offsets(%arg10 : memref<80xi32, #tpu.memory_space<vmem>>) semaphore(%arg20 : memref<!tpu.dma_semaphore, #tpu.memory_space<semaphore_mem>>) {add = true}
    %dma_wait3A_145 = arith.constant 0 : i32
    %dma_wait3A_146 = arith.constant 0 : i32
    %dma_wait3A_147 = tpu.memref_slice %arg14[%dma_wait3A_145, %dma_wait3A_146] : memref<10000x128xf32, #tpu.memory_space<vmem_shared>> -> memref<10000x128xf32, #tpu.memory_space<vmem_shared>>
    tpu.wait_indirect_dma semaphore(%arg20 : memref<!tpu.dma_semaphore, #tpu.memory_space<semaphore_mem>>) src(%arg13 : memref<80x128xf32, #tpu.memory_space<vmem>>) dst(%dma_wait3A_147 : memref<10000x128xf32, #tpu.memory_space<vmem_shared>>)
    %dma_wait3A_148 = arith.constant 9840 : i32
    %dma_wait3A_149 = tpu.memref_slice %arg7[%dma_wait3A_148] : memref<10000xi32, #tpu.memory_space<vmem>> -> memref<80xi32, #tpu.memory_space<vmem>>
    %dma_wait3A_150 = arith.constant 0 : i32
    %dma_wait3A_151 = arith.constant 0 : i32
    %dma_wait3A_152 = tpu.memref_slice %arg2[%dma_wait3A_150, %dma_wait3A_151] : memref<10000x128xf32, #tpu.memory_space<hbm>> -> memref<10000x128xf32, #tpu.memory_space<hbm>>
    tpu.wait_indirect_dma semaphore(%arg15 : memref<!tpu.dma_semaphore, #tpu.memory_space<semaphore_mem>>) src(%dma_wait3A_152 : memref<10000x128xf32, #tpu.memory_space<hbm>>) dst(%arg11 : memref<80x128xf32, #tpu.memory_space<vmem>>)
    %add3A_153 = arith.constant 123 : i32
    %add3A_154 = arith.addi %mul3A_2, %add3A_153 : i32
    %mul3A_155 = arith.constant 80 : i32
    %mul3A_156 = arith.muli %add3A_154, %mul3A_155 : i32
    %dma_wait3A_157 = tpu.memref_slice %arg4[%mul3A_156] : memref<320000xi32, #tpu.memory_space<hbm>> -> memref<80xi32, #tpu.memory_space<hbm>>
    %dma_wait3A_158 = tpu.memref_slice %arg4[%mul3A_156] : memref<320000xi32, #tpu.memory_space<hbm>> -> memref<80xi32, #tpu.memory_space<hbm>>
    tpu.wait_dma2 semaphore(%arg21 : memref<!tpu.dma_semaphore, #tpu.memory_space<semaphore_mem>>) src(%dma_wait3A_158 : memref<80xi32, #tpu.memory_space<hbm>>) dst(%arg8 : memref<80xi32, #tpu.memory_space<vmem>>)
    %dma_start3A_159 = arith.constant 0 : i32
    %dma_start3A_160 = arith.constant 0 : i32
    %dma_start3A_161 = tpu.memref_slice %arg14[%dma_start3A_159, %dma_start3A_160] : memref<10000x128xf32, #tpu.memory_space<vmem_shared>> -> memref<10000x128xf32, #tpu.memory_space<vmem_shared>>
    tpu.enqueue_indirect_dma source(%arg11 : memref<80x128xf32, #tpu.memory_space<vmem>>) target(%dma_start3A_161 : memref<10000x128xf32, #tpu.memory_space<vmem_shared>>) offsets(%arg8 : memref<80xi32, #tpu.memory_space<vmem>>) semaphore(%arg18 : memref<!tpu.dma_semaphore, #tpu.memory_space<semaphore_mem>>) {add = true}
    %dma_wait3A_162 = arith.constant 0 : i32
    %dma_wait3A_163 = arith.constant 0 : i32
    %dma_wait3A_164 = tpu.memref_slice %arg14[%dma_wait3A_162, %dma_wait3A_163] : memref<10000x128xf32, #tpu.memory_space<vmem_shared>> -> memref<10000x128xf32, #tpu.memory_space<vmem_shared>>
    tpu.wait_indirect_dma semaphore(%arg18 : memref<!tpu.dma_semaphore, #tpu.memory_space<semaphore_mem>>) src(%arg11 : memref<80x128xf32, #tpu.memory_space<vmem>>) dst(%dma_wait3A_164 : memref<10000x128xf32, #tpu.memory_space<vmem_shared>>)
    %dma_wait3A_165 = arith.constant 9920 : i32
    %dma_wait3A_166 = tpu.memref_slice %arg7[%dma_wait3A_165] : memref<10000xi32, #tpu.memory_space<vmem>> -> memref<80xi32, #tpu.memory_space<vmem>>
    %dma_wait3A_167 = arith.constant 0 : i32
    %dma_wait3A_168 = arith.constant 0 : i32
    %dma_wait3A_169 = tpu.memref_slice %arg2[%dma_wait3A_167, %dma_wait3A_168] : memref<10000x128xf32, #tpu.memory_space<hbm>> -> memref<10000x128xf32, #tpu.memory_space<hbm>>
    tpu.wait_indirect_dma semaphore(%arg16 : memref<!tpu.dma_semaphore, #tpu.memory_space<semaphore_mem>>) src(%dma_wait3A_169 : memref<10000x128xf32, #tpu.memory_space<hbm>>) dst(%arg12 : memref<80x128xf32, #tpu.memory_space<vmem>>)
    %add3A_170 = arith.constant 124 : i32
    %add3A_171 = arith.addi %mul3A_2, %add3A_170 : i32
    %mul3A_172 = arith.constant 80 : i32
    %mul3A_173 = arith.muli %add3A_171, %mul3A_172 : i32
    %dma_wait3A_174 = tpu.memref_slice %arg4[%mul3A_173] : memref<320000xi32, #tpu.memory_space<hbm>> -> memref<80xi32, #tpu.memory_space<hbm>>
    %dma_wait3A_175 = tpu.memref_slice %arg4[%mul3A_173] : memref<320000xi32, #tpu.memory_space<hbm>> -> memref<80xi32, #tpu.memory_space<hbm>>
    tpu.wait_dma2 semaphore(%arg22 : memref<!tpu.dma_semaphore, #tpu.memory_space<semaphore_mem>>) src(%dma_wait3A_175 : memref<80xi32, #tpu.memory_space<hbm>>) dst(%arg9 : memref<80xi32, #tpu.memory_space<vmem>>)
    %dma_start3A_176 = arith.constant 0 : i32
    %dma_start3A_177 = arith.constant 0 : i32
    %dma_start3A_178 = tpu.memref_slice %arg14[%dma_start3A_176, %dma_start3A_177] : memref<10000x128xf32, #tpu.memory_space<vmem_shared>> -> memref<10000x128xf32, #tpu.memory_space<vmem_shared>>
    tpu.enqueue_indirect_dma source(%arg12 : memref<80x128xf32, #tpu.memory_space<vmem>>) target(%dma_start3A_178 : memref<10000x128xf32, #tpu.memory_space<vmem_shared>>) offsets(%arg9 : memref<80xi32, #tpu.memory_space<vmem>>) semaphore(%arg19 : memref<!tpu.dma_semaphore, #tpu.memory_space<semaphore_mem>>) {add = true}
    %dma_wait3A_179 = arith.constant 0 : i32
    %dma_wait3A_180 = arith.constant 0 : i32
    %dma_wait3A_181 = tpu.memref_slice %arg14[%dma_wait3A_179, %dma_wait3A_180] : memref<10000x128xf32, #tpu.memory_space<vmem_shared>> -> memref<10000x128xf32, #tpu.memory_space<vmem_shared>>
    tpu.wait_indirect_dma semaphore(%arg19 : memref<!tpu.dma_semaphore, #tpu.memory_space<semaphore_mem>>) src(%arg12 : memref<80x128xf32, #tpu.memory_space<vmem>>) dst(%dma_wait3A_181 : memref<10000x128xf32, #tpu.memory_space<vmem_shared>>)
    %barrier3A_182 = arith.constant 0 : index
    tpu.barrier barrier_id(%barrier3A_182)
    %sub3A_183 = arith.constant 50 : i32
    %sub3A_184 = arith.subi %sub3A_183, %arg1 : i32
    %sub3A_185 = arith.constant 16 : i32
    %sub3A_186 = arith.constant 1 : i32
    %sub3A_187 = arith.subi %sub3A_185, %sub3A_186 : i32
    %add3A_188 = arith.addi %sub3A_184, %sub3A_187 : i32
    %div3A_189 = arith.constant 16 : i32
    %div3A_190 = arith.divsi %add3A_188, %div3A_189 : i32
    %while3A_191 = arith.constant 16 : i32
    %while3A_192 = arith.constant 0 : i32
    %while3A_193 = arith.subi %div3A_190, %while3A_192 : i32
    %while3A_194 = arith.addi %while3A_192, %while3A_193 : i32
    %while3A_195 = arith.constant 1 : i32
    %while3A_196 = arith.divsi %while3A_193, %while3A_195 : i32
    %while3A_197 = arith.muli %while3A_196, %while3A_195 : i32
    %while3A_198 = arith.addi %while3A_192, %while3A_197 : i32
    %while3A_199 = arith.constant 1 : i32
    scf.for %while3A_219 = %while3A_192 to %while3A_198 step %while3A_199  : i32 {
      %mul3A_220 = arith.muli %while3A_219, %while3A_191 : i32
      %add3A_221 = arith.addi %arg1, %mul3A_220 : i32
      %mul3A_222 = arith.constant 200 : i32
      %mul3A_223 = arith.muli %add3A_221, %mul3A_222 : i32
      %mul3A_224 = arith.constant 200 : i32
      %mul3A_225 = arith.muli %add3A_221, %mul3A_224 : i32
      %dma_start3A_226 = arith.constant 0 : i32
      %dma_start3A_227 = tpu.memref_slice %arg6[%arg0, %mul3A_225, %dma_start3A_226] : memref<2x10000x128xf32, #tpu.memory_space<hbm>> -> memref<1x200x128xf32, #tpu.memory_space<hbm>>
      %dma_start3A_228 = tpu.memref_squeeze %dma_start3A_227 : memref<1x200x128xf32, #tpu.memory_space<hbm>> -> memref<200x128xf32, #tpu.memory_space<hbm>>
      %dma_start3A_229 = arith.constant 0 : i32
      %dma_start3A_230 = tpu.memref_slice %arg14[%mul3A_223, %dma_start3A_229] : memref<10000x128xf32, #tpu.memory_space<vmem_shared>> -> memref<200x128xf32, #tpu.memory_space<vmem_shared>>
      tpu.enqueue_dma source(%dma_start3A_230 : memref<200x128xf32, #tpu.memory_space<vmem_shared>>) target(%dma_start3A_228 : memref<200x128xf32, #tpu.memory_space<hbm>>) target_semaphore(%arg24 : memref<!tpu.dma_semaphore, #tpu.memory_space<semaphore_mem>>)
    }
    %while3A_200 = arith.constant 1 : i32
    scf.for %while3A_219 = %while3A_198 to %while3A_194 step %while3A_200  : i32 {
      %mul3A_220 = arith.muli %while3A_219, %while3A_191 : i32
      %add3A_221 = arith.addi %arg1, %mul3A_220 : i32
      %mul3A_222 = arith.constant 200 : i32
      %mul3A_223 = arith.muli %add3A_221, %mul3A_222 : i32
      %mul3A_224 = arith.constant 200 : i32
      %mul3A_225 = arith.muli %add3A_221, %mul3A_224 : i32
      %dma_start3A_226 = arith.constant 0 : i32
      %dma_start3A_227 = tpu.memref_slice %arg6[%arg0, %mul3A_225, %dma_start3A_226] : memref<2x10000x128xf32, #tpu.memory_space<hbm>> -> memref<1x200x128xf32, #tpu.memory_space<hbm>>
      %dma_start3A_228 = tpu.memref_squeeze %dma_start3A_227 : memref<1x200x128xf32, #tpu.memory_space<hbm>> -> memref<200x128xf32, #tpu.memory_space<hbm>>
      %dma_start3A_229 = arith.constant 0 : i32
      %dma_start3A_230 = tpu.memref_slice %arg14[%mul3A_223, %dma_start3A_229] : memref<10000x128xf32, #tpu.memory_space<vmem_shared>> -> memref<200x128xf32, #tpu.memory_space<vmem_shared>>
      tpu.enqueue_dma source(%dma_start3A_230 : memref<200x128xf32, #tpu.memory_space<vmem_shared>>) target(%dma_start3A_228 : memref<200x128xf32, #tpu.memory_space<hbm>>) target_semaphore(%arg24 : memref<!tpu.dma_semaphore, #tpu.memory_space<semaphore_mem>>)
    }
    %sub3A_201 = arith.constant 50 : i32
    %sub3A_202 = arith.subi %sub3A_201, %arg1 : i32
    %sub3A_203 = arith.constant 16 : i32
    %sub3A_204 = arith.constant 1 : i32
    %sub3A_205 = arith.subi %sub3A_203, %sub3A_204 : i32
    %add3A_206 = arith.addi %sub3A_202, %sub3A_205 : i32
    %div3A_207 = arith.constant 16 : i32
    %div3A_208 = arith.divsi %add3A_206, %div3A_207 : i32
    %while3A_209 = arith.constant 16 : i32
    %while3A_210 = arith.constant 0 : i32
    %while3A_211 = arith.subi %div3A_208, %while3A_210 : i32
    %while3A_212 = arith.addi %while3A_210, %while3A_211 : i32
    %while3A_213 = arith.constant 1 : i32
    %while3A_214 = arith.divsi %while3A_211, %while3A_213 : i32
    %while3A_215 = arith.muli %while3A_214, %while3A_213 : i32
    %while3A_216 = arith.addi %while3A_210, %while3A_215 : i32
    %while3A_217 = arith.constant 1 : i32
    scf.for %while3A_219 = %while3A_210 to %while3A_216 step %while3A_217  : i32 {
      %mul3A_220 = arith.muli %while3A_219, %while3A_209 : i32
      %add3A_221 = arith.addi %arg1, %mul3A_220 : i32
      %mul3A_222 = arith.constant 200 : i32
      %mul3A_223 = arith.muli %add3A_221, %mul3A_222 : i32
      %mul3A_224 = arith.constant 200 : i32
      %mul3A_225 = arith.muli %add3A_221, %mul3A_224 : i32
      %dma_wait3A_226 = arith.constant 0 : i32
      %dma_wait3A_227 = tpu.memref_slice %arg6[%arg0, %mul3A_225, %dma_wait3A_226] : memref<2x10000x128xf32, #tpu.memory_space<hbm>> -> memref<1x200x128xf32, #tpu.memory_space<hbm>>
      %dma_wait3A_228 = tpu.memref_squeeze %dma_wait3A_227 : memref<1x200x128xf32, #tpu.memory_space<hbm>> -> memref<200x128xf32, #tpu.memory_space<hbm>>
      %dma_wait3A_229 = arith.constant 0 : i32
      %dma_wait3A_230 = tpu.memref_slice %arg14[%mul3A_223, %dma_wait3A_229] : memref<10000x128xf32, #tpu.memory_space<vmem_shared>> -> memref<200x128xf32, #tpu.memory_space<vmem_shared>>
      tpu.wait_dma2 semaphore(%arg24 : memref<!tpu.dma_semaphore, #tpu.memory_space<semaphore_mem>>) src(%dma_wait3A_230 : memref<200x128xf32, #tpu.memory_space<vmem_shared>>) dst(%dma_wait3A_228 : memref<200x128xf32, #tpu.memory_space<hbm>>)
    }
    %while3A_218 = arith.constant 1 : i32
    scf.for %while3A_219 = %while3A_216 to %while3A_212 step %while3A_218  : i32 {
      %mul3A_220 = arith.muli %while3A_219, %while3A_209 : i32
      %add3A_221 = arith.addi %arg1, %mul3A_220 : i32
      %mul3A_222 = arith.constant 200 : i32
      %mul3A_223 = arith.muli %add3A_221, %mul3A_222 : i32
      %mul3A_224 = arith.constant 200 : i32
      %mul3A_225 = arith.muli %add3A_221, %mul3A_224 : i32
      %dma_wait3A_226 = arith.constant 0 : i32
      %dma_wait3A_227 = tpu.memref_slice %arg6[%arg0, %mul3A_225, %dma_wait3A_226] : memref<2x10000x128xf32, #tpu.memory_space<hbm>> -> memref<1x200x128xf32, #tpu.memory_space<hbm>>
      %dma_wait3A_228 = tpu.memref_squeeze %dma_wait3A_227 : memref<1x200x128xf32, #tpu.memory_space<hbm>> -> memref<200x128xf32, #tpu.memory_space<hbm>>
      %dma_wait3A_229 = arith.constant 0 : i32
      %dma_wait3A_230 = tpu.memref_slice %arg14[%mul3A_223, %dma_wait3A_229] : memref<10000x128xf32, #tpu.memory_space<vmem_shared>> -> memref<200x128xf32, #tpu.memory_space<vmem_shared>>
      tpu.wait_dma2 semaphore(%arg24 : memref<!tpu.dma_semaphore, #tpu.memory_space<semaphore_mem>>) src(%dma_wait3A_230 : memref<200x128xf32, #tpu.memory_space<vmem_shared>>) dst(%dma_wait3A_228 : memref<200x128xf32, #tpu.memory_space<hbm>>)
    }
    return
  }
}

#map = affine_map<(d0, d1) -> (0, 0)>
#map1 = affine_map<(d0, d1) -> (0)>
#map2 = affine_map<(d0, d1) -> (0, 0, 0)>
module attributes {stable_mosaic.version = 14 : i64} {
  func.func @_sc_segment_sum(%arg0: i32, %arg1: i32, %arg2: memref<10000x128xf32, #tpu.memory_space<hbm>>, %arg3: memref<320000xi32, #tpu.memory_space<hbm>>, %arg4: memref<320000xi32, #tpu.memory_space<hbm>>, %arg5: memref<80x128xf32, #tpu.memory_space<hbm>>, %arg6: memref<2x10000x128xf32, #tpu.memory_space<hbm>>, %arg7: memref<10000xi32, #tpu.memory_space<vmem>>, %arg8: memref<80xi32, #tpu.memory_space<vmem>>, %arg9: memref<80xi32, #tpu.memory_space<vmem>>, %arg10: memref<80xi32, #tpu.memory_space<vmem>>, %arg11: memref<80x128xf32, #tpu.memory_space<vmem>>, %arg12: memref<80x128xf32, #tpu.memory_space<vmem>>, %arg13: memref<80x128xf32, #tpu.memory_space<vmem>>, %arg14: memref<10000x128xf32, #tpu.memory_space<vmem_shared>>, %arg15: memref<!tpu.dma_semaphore, #tpu.memory_space<semaphore_mem>>, %arg16: memref<!tpu.dma_semaphore, #tpu.memory_space<semaphore_mem>>, %arg17: memref<!tpu.dma_semaphore, #tpu.memory_space<semaphore_mem>>, %arg18: memref<!tpu.dma_semaphore, #tpu.memory_space<semaphore_mem>>, %arg19: memref<!tpu.dma_semaphore, #tpu.memory_space<semaphore_mem>>, %arg20: memref<!tpu.dma_semaphore, #tpu.memory_space<semaphore_mem>>, %arg21: memref<!tpu.dma_semaphore, #tpu.memory_space<semaphore_mem>>, %arg22: memref<!tpu.dma_semaphore, #tpu.memory_space<semaphore_mem>>, %arg23: memref<!tpu.dma_semaphore, #tpu.memory_space<semaphore_mem>>, %arg24: memref<!tpu.dma_semaphore, #tpu.memory_space<semaphore_mem>>) attributes {dimension_semantics = [#tpu.dimension_semantics<core_parallel>, #tpu.dimension_semantics<subcore_parallel>], iteration_bounds = array<i64: 2, 16>, scalar_prefetch = 0 : i64, scratch_operands = 18 : i64, tpu.core_type = #tpu.core_type<sc_vector_subcore>, window_params = [{transform_indices = #map}, {transform_indices = #map1}, {transform_indices = #map1}, {transform_indices = #map}, {transform_indices = #map2}]} {
    %mul3A = arith.constant 2 : i32
    %mul3A_0 = arith.muli %arg1, %mul3A : i32
    %add3A = arith.addi %mul3A_0, %arg0 : i32
    %mul3A_1 = arith.constant 125 : i32
    %mul3A_2 = arith.muli %add3A, %mul3A_1 : i32
    %mul3A_3 = arith.constant 125 : i32
    %mul3A_4 = arith.muli %add3A, %mul3A_3 : i32
    %mul3A_5 = arith.constant 80 : i32
    %mul3A_6 = arith.muli %mul3A_4, %mul3A_5 : i32
    "tpu.region"() ({
      %run_scoped3A = tpu.sem_alloc : memref<!tpu.dma_semaphore, #tpu.memory_space<semaphore_mem>>
      %dma_start3A_219 = tpu.memref_slice %arg3[%mul3A_6] : memref<320000xi32, #tpu.memory_space<hbm>> -> memref<10000xi32, #tpu.memory_space<hbm>>
      %dma_start3A_220 = tpu.memref_slice %arg3[%mul3A_6] : memref<320000xi32, #tpu.memory_space<hbm>> -> memref<10000xi32, #tpu.memory_space<hbm>>
      tpu.enqueue_dma source(%dma_start3A_220 : memref<10000xi32, #tpu.memory_space<hbm>>) target(%arg7 : memref<10000xi32, #tpu.memory_space<vmem>>) target_semaphore(%run_scoped3A : memref<!tpu.dma_semaphore, #tpu.memory_space<semaphore_mem>>)
      %dma_wait3A_221 = tpu.memref_slice %arg3[%mul3A_6] : memref<320000xi32, #tpu.memory_space<hbm>> -> memref<10000xi32, #tpu.memory_space<hbm>>
      %dma_wait3A_222 = tpu.memref_slice %arg3[%mul3A_6] : memref<320000xi32, #tpu.memory_space<hbm>> -> memref<10000xi32, #tpu.memory_space<hbm>>
      tpu.wait_dma2 semaphore(%run_scoped3A : memref<!tpu.dma_semaphore, #tpu.memory_space<semaphore_mem>>) src(%dma_wait3A_222 : memref<10000xi32, #tpu.memory_space<hbm>>) dst(%arg7 : memref<10000xi32, #tpu.memory_space<vmem>>)
      tpu.yield
    }) : () -> ()
    %add3A_7 = arith.constant 0 : i32
    %add3A_8 = arith.addi %mul3A_2, %add3A_7 : i32
    %mul3A_9 = arith.constant 80 : i32
    %mul3A_10 = arith.muli %add3A_8, %mul3A_9 : i32
    %dma_start3A = tpu.memref_slice %arg4[%mul3A_10] : memref<320000xi32, #tpu.memory_space<hbm>> -> memref<80xi32, #tpu.memory_space<hbm>>
    %dma_start3A_11 = tpu.memref_slice %arg4[%mul3A_10] : memref<320000xi32, #tpu.memory_space<hbm>> -> memref<80xi32, #tpu.memory_space<hbm>>
    tpu.enqueue_dma source(%dma_start3A_11 : memref<80xi32, #tpu.memory_space<hbm>>) target(%arg8 : memref<80xi32, #tpu.memory_space<vmem>>) target_semaphore(%arg21 : memref<!tpu.dma_semaphore, #tpu.memory_space<semaphore_mem>>)
    %dma_start3A_12 = arith.constant 0 : i32
    %dma_start3A_13 = tpu.memref_slice %arg7[%dma_start3A_12] : memref<10000xi32, #tpu.memory_space<vmem>> -> memref<80xi32, #tpu.memory_space<vmem>>
    %dma_start3A_14 = arith.constant 0 : i32
    %dma_start3A_15 = arith.constant 0 : i32
    %dma_start3A_16 = tpu.memref_slice %arg2[%dma_start3A_14, %dma_start3A_15] : memref<10000x128xf32, #tpu.memory_space<hbm>> -> memref<10000x128xf32, #tpu.memory_space<hbm>>
    tpu.enqueue_indirect_dma source(%dma_start3A_16 : memref<10000x128xf32, #tpu.memory_space<hbm>>) target(%arg11 : memref<80x128xf32, #tpu.memory_space<vmem>>) offsets(%dma_start3A_13 : memref<80xi32, #tpu.memory_space<vmem>>) semaphore(%arg15 : memref<!tpu.dma_semaphore, #tpu.memory_space<semaphore_mem>>)
    %add3A_17 = arith.constant 1 : i32
    %add3A_18 = arith.addi %mul3A_2, %add3A_17 : i32
    %mul3A_19 = arith.constant 80 : i32
    %mul3A_20 = arith.muli %add3A_18, %mul3A_19 : i32
    %dma_start3A_21 = tpu.memref_slice %arg4[%mul3A_20] : memref<320000xi32, #tpu.memory_space<hbm>> -> memref<80xi32, #tpu.memory_space<hbm>>
    %dma_start3A_22 = tpu.memref_slice %arg4[%mul3A_20] : memref<320000xi32, #tpu.memory_space<hbm>> -> memref<80xi32, #tpu.memory_space<hbm>>
    tpu.enqueue_dma source(%dma_start3A_22 : memref<80xi32, #tpu.memory_space<hbm>>) target(%arg9 : memref<80xi32, #tpu.memory_space<vmem>>) target_semaphore(%arg22 : memref<!tpu.dma_semaphore, #tpu.memory_space<semaphore_mem>>)
    %dma_start3A_23 = arith.constant 80 : i32
    %dma_start3A_24 = tpu.memref_slice %arg7[%dma_start3A_23] : memref<10000xi32, #tpu.memory_space<vmem>> -> memref<80xi32, #tpu.memory_space<vmem>>
    %dma_start3A_25 = arith.constant 0 : i32
    %dma_start3A_26 = arith.constant 0 : i32
    %dma_start3A_27 = tpu.memref_slice %arg2[%dma_start3A_25, %dma_start3A_26] : memref<10000x128xf32, #tpu.memory_space<hbm>> -> memref<10000x128xf32, #tpu.memory_space<hbm>>
    tpu.enqueue_indirect_dma source(%dma_start3A_27 : memref<10000x128xf32, #tpu.memory_space<hbm>>) target(%arg12 : memref<80x128xf32, #tpu.memory_space<vmem>>) offsets(%dma_start3A_24 : memref<80xi32, #tpu.memory_space<vmem>>) semaphore(%arg16 : memref<!tpu.dma_semaphore, #tpu.memory_space<semaphore_mem>>)
    "tpu.region"() ({
      %run_scoped3A = tpu.sem_alloc : memref<!tpu.dma_semaphore, #tpu.memory_space<semaphore_mem>>
      tpu.enqueue_dma source(%arg5 : memref<80x128xf32, #tpu.memory_space<hbm>>) target(%arg13 : memref<80x128xf32, #tpu.memory_space<vmem>>) target_semaphore(%run_scoped3A : memref<!tpu.dma_semaphore, #tpu.memory_space<semaphore_mem>>)
      tpu.wait_dma2 semaphore(%run_scoped3A : memref<!tpu.dma_semaphore, #tpu.memory_space<semaphore_mem>>) src(%arg5 : memref<80x128xf32, #tpu.memory_space<hbm>>) dst(%arg13 : memref<80x128xf32, #tpu.memory_space<vmem>>)
      tpu.yield
    }) : () -> ()
    %sub3A = arith.constant 125 : i32
    %sub3A_28 = arith.subi %sub3A, %arg1 : i32
    %sub3A_29 = arith.constant 16 : i32
    %sub3A_30 = arith.constant 1 : i32
    %sub3A_31 = arith.subi %sub3A_29, %sub3A_30 : i32
    %add3A_32 = arith.addi %sub3A_28, %sub3A_31 : i32
    %div3A = arith.constant 16 : i32
    %div3A_33 = arith.divsi %add3A_32, %div3A : i32
    %while3A = arith.constant 16 : i32
    %while3A_34 = arith.constant 0 : i32
    %while3A_35 = arith.subi %div3A_33, %while3A_34 : i32
    %while3A_36 = arith.addi %while3A_34, %while3A_35 : i32
    %while3A_37 = arith.constant 1 : i32
    %while3A_38 = arith.divsi %while3A_35, %while3A_37 : i32
    %while3A_39 = arith.muli %while3A_38, %while3A_37 : i32
    %while3A_40 = arith.addi %while3A_34, %while3A_39 : i32
    %while3A_41 = arith.constant 1 : i32
    scf.for %while3A_219 = %while3A_34 to %while3A_40 step %while3A_41  : i32 {
      %mul3A_220 = arith.muli %while3A_219, %while3A : i32
      %add3A_221 = arith.addi %arg1, %mul3A_220 : i32
      %mul3A_222 = arith.constant 80 : i32
      %mul3A_223 = arith.muli %add3A_221, %mul3A_222 : i32
      %dma_start3A_224 = arith.constant 0 : i32
      %dma_start3A_225 = arith.constant 0 : i32
      %dma_start3A_226 = tpu.memref_slice %arg13[%dma_start3A_224, %dma_start3A_225] : memref<80x128xf32, #tpu.memory_space<vmem>> -> memref<80x128xf32, #tpu.memory_space<vmem>>
      %dma_start3A_227 = arith.constant 0 : i32
      %dma_start3A_228 = tpu.memref_slice %arg14[%mul3A_223, %dma_start3A_227] : memref<10000x128xf32, #tpu.memory_space<vmem_shared>> -> memref<80x128xf32, #tpu.memory_space<vmem_shared>>
      %dma_start3A_229 = arith.constant 0 : i32
      %dma_start3A_230 = tpu.memref_slice %arg14[%mul3A_223, %dma_start3A_229] : memref<10000x128xf32, #tpu.memory_space<vmem_shared>> -> memref<80x128xf32, #tpu.memory_space<vmem_shared>>
      %dma_start3A_231 = arith.constant 0 : i32
      %dma_start3A_232 = arith.constant 0 : i32
      %dma_start3A_233 = tpu.memref_slice %arg13[%dma_start3A_231, %dma_start3A_232] : memref<80x128xf32, #tpu.memory_space<vmem>> -> memref<80x128xf32, #tpu.memory_space<vmem>>
      tpu.enqueue_dma source(%dma_start3A_233 : memref<80x128xf32, #tpu.memory_space<vmem>>) target(%dma_start3A_230 : memref<80x128xf32, #tpu.memory_space<vmem_shared>>) target_semaphore(%arg24 : memref<!tpu.dma_semaphore, #tpu.memory_space<semaphore_mem>>)
    }
    %while3A_42 = arith.constant 1 : i32
    scf.for %while3A_219 = %while3A_40 to %while3A_36 step %while3A_42  : i32 {
      %mul3A_220 = arith.muli %while3A_219, %while3A : i32
      %add3A_221 = arith.addi %arg1, %mul3A_220 : i32
      %mul3A_222 = arith.constant 80 : i32
      %mul3A_223 = arith.muli %add3A_221, %mul3A_222 : i32
      %dma_start3A_224 = arith.constant 0 : i32
      %dma_start3A_225 = arith.constant 0 : i32
      %dma_start3A_226 = tpu.memref_slice %arg13[%dma_start3A_224, %dma_start3A_225] : memref<80x128xf32, #tpu.memory_space<vmem>> -> memref<80x128xf32, #tpu.memory_space<vmem>>
      %dma_start3A_227 = arith.constant 0 : i32
      %dma_start3A_228 = tpu.memref_slice %arg14[%mul3A_223, %dma_start3A_227] : memref<10000x128xf32, #tpu.memory_space<vmem_shared>> -> memref<80x128xf32, #tpu.memory_space<vmem_shared>>
      %dma_start3A_229 = arith.constant 0 : i32
      %dma_start3A_230 = tpu.memref_slice %arg14[%mul3A_223, %dma_start3A_229] : memref<10000x128xf32, #tpu.memory_space<vmem_shared>> -> memref<80x128xf32, #tpu.memory_space<vmem_shared>>
      %dma_start3A_231 = arith.constant 0 : i32
      %dma_start3A_232 = arith.constant 0 : i32
      %dma_start3A_233 = tpu.memref_slice %arg13[%dma_start3A_231, %dma_start3A_232] : memref<80x128xf32, #tpu.memory_space<vmem>> -> memref<80x128xf32, #tpu.memory_space<vmem>>
      tpu.enqueue_dma source(%dma_start3A_233 : memref<80x128xf32, #tpu.memory_space<vmem>>) target(%dma_start3A_230 : memref<80x128xf32, #tpu.memory_space<vmem_shared>>) target_semaphore(%arg24 : memref<!tpu.dma_semaphore, #tpu.memory_space<semaphore_mem>>)
    }
    %sub3A_43 = arith.constant 125 : i32
    %sub3A_44 = arith.subi %sub3A_43, %arg1 : i32
    %sub3A_45 = arith.constant 16 : i32
    %sub3A_46 = arith.constant 1 : i32
    %sub3A_47 = arith.subi %sub3A_45, %sub3A_46 : i32
    %add3A_48 = arith.addi %sub3A_44, %sub3A_47 : i32
    %div3A_49 = arith.constant 16 : i32
    %div3A_50 = arith.divsi %add3A_48, %div3A_49 : i32
    %while3A_51 = arith.constant 16 : i32
    %while3A_52 = arith.constant 0 : i32
    %while3A_53 = arith.subi %div3A_50, %while3A_52 : i32
    %while3A_54 = arith.addi %while3A_52, %while3A_53 : i32
    %while3A_55 = arith.constant 1 : i32
    %while3A_56 = arith.divsi %while3A_53, %while3A_55 : i32
    %while3A_57 = arith.muli %while3A_56, %while3A_55 : i32
    %while3A_58 = arith.addi %while3A_52, %while3A_57 : i32
    %while3A_59 = arith.constant 1 : i32
    scf.for %while3A_219 = %while3A_52 to %while3A_58 step %while3A_59  : i32 {
      %mul3A_220 = arith.muli %while3A_219, %while3A_51 : i32
      %add3A_221 = arith.addi %arg1, %mul3A_220 : i32
      %mul3A_222 = arith.constant 80 : i32
      %mul3A_223 = arith.muli %add3A_221, %mul3A_222 : i32
      %dma_wait3A_224 = arith.constant 0 : i32
      %dma_wait3A_225 = arith.constant 0 : i32
      %dma_wait3A_226 = tpu.memref_slice %arg13[%dma_wait3A_224, %dma_wait3A_225] : memref<80x128xf32, #tpu.memory_space<vmem>> -> memref<80x128xf32, #tpu.memory_space<vmem>>
      %dma_wait3A_227 = arith.constant 0 : i32
      %dma_wait3A_228 = tpu.memref_slice %arg14[%mul3A_223, %dma_wait3A_227] : memref<10000x128xf32, #tpu.memory_space<vmem_shared>> -> memref<80x128xf32, #tpu.memory_space<vmem_shared>>
      %dma_wait3A_229 = arith.constant 0 : i32
      %dma_wait3A_230 = tpu.memref_slice %arg14[%mul3A_223, %dma_wait3A_229] : memref<10000x128xf32, #tpu.memory_space<vmem_shared>> -> memref<80x128xf32, #tpu.memory_space<vmem_shared>>
      %dma_wait3A_231 = arith.constant 0 : i32
      %dma_wait3A_232 = arith.constant 0 : i32
      %dma_wait3A_233 = tpu.memref_slice %arg13[%dma_wait3A_231, %dma_wait3A_232] : memref<80x128xf32, #tpu.memory_space<vmem>> -> memref<80x128xf32, #tpu.memory_space<vmem>>
      tpu.wait_dma2 semaphore(%arg24 : memref<!tpu.dma_semaphore, #tpu.memory_space<semaphore_mem>>) src(%dma_wait3A_233 : memref<80x128xf32, #tpu.memory_space<vmem>>) dst(%dma_wait3A_230 : memref<80x128xf32, #tpu.memory_space<vmem_shared>>)
    }
    %while3A_60 = arith.constant 1 : i32
    scf.for %while3A_219 = %while3A_58 to %while3A_54 step %while3A_60  : i32 {
      %mul3A_220 = arith.muli %while3A_219, %while3A_51 : i32
      %add3A_221 = arith.addi %arg1, %mul3A_220 : i32
      %mul3A_222 = arith.constant 80 : i32
      %mul3A_223 = arith.muli %add3A_221, %mul3A_222 : i32
      %dma_wait3A_224 = arith.constant 0 : i32
      %dma_wait3A_225 = arith.constant 0 : i32
      %dma_wait3A_226 = tpu.memref_slice %arg13[%dma_wait3A_224, %dma_wait3A_225] : memref<80x128xf32, #tpu.memory_space<vmem>> -> memref<80x128xf32, #tpu.memory_space<vmem>>
      %dma_wait3A_227 = arith.constant 0 : i32
      %dma_wait3A_228 = tpu.memref_slice %arg14[%mul3A_223, %dma_wait3A_227] : memref<10000x128xf32, #tpu.memory_space<vmem_shared>> -> memref<80x128xf32, #tpu.memory_space<vmem_shared>>
      %dma_wait3A_229 = arith.constant 0 : i32
      %dma_wait3A_230 = tpu.memref_slice %arg14[%mul3A_223, %dma_wait3A_229] : memref<10000x128xf32, #tpu.memory_space<vmem_shared>> -> memref<80x128xf32, #tpu.memory_space<vmem_shared>>
      %dma_wait3A_231 = arith.constant 0 : i32
      %dma_wait3A_232 = arith.constant 0 : i32
      %dma_wait3A_233 = tpu.memref_slice %arg13[%dma_wait3A_231, %dma_wait3A_232] : memref<80x128xf32, #tpu.memory_space<vmem>> -> memref<80x128xf32, #tpu.memory_space<vmem>>
      tpu.wait_dma2 semaphore(%arg24 : memref<!tpu.dma_semaphore, #tpu.memory_space<semaphore_mem>>) src(%dma_wait3A_233 : memref<80x128xf32, #tpu.memory_space<vmem>>) dst(%dma_wait3A_230 : memref<80x128xf32, #tpu.memory_space<vmem_shared>>)
    }
    %barrier3A = arith.constant 0 : index
    tpu.barrier barrier_id(%barrier3A)
    %add3A_61 = arith.constant 2 : i32
    %add3A_62 = arith.addi %mul3A_2, %add3A_61 : i32
    %mul3A_63 = arith.constant 80 : i32
    %mul3A_64 = arith.muli %add3A_62, %mul3A_63 : i32
    %dma_start3A_65 = tpu.memref_slice %arg4[%mul3A_64] : memref<320000xi32, #tpu.memory_space<hbm>> -> memref<80xi32, #tpu.memory_space<hbm>>
    %dma_start3A_66 = tpu.memref_slice %arg4[%mul3A_64] : memref<320000xi32, #tpu.memory_space<hbm>> -> memref<80xi32, #tpu.memory_space<hbm>>
    tpu.enqueue_dma source(%dma_start3A_66 : memref<80xi32, #tpu.memory_space<hbm>>) target(%arg10 : memref<80xi32, #tpu.memory_space<vmem>>) target_semaphore(%arg23 : memref<!tpu.dma_semaphore, #tpu.memory_space<semaphore_mem>>)
    %dma_start3A_67 = arith.constant 160 : i32
    %dma_start3A_68 = tpu.memref_slice %arg7[%dma_start3A_67] : memref<10000xi32, #tpu.memory_space<vmem>> -> memref<80xi32, #tpu.memory_space<vmem>>
    %dma_start3A_69 = arith.constant 0 : i32
    %dma_start3A_70 = arith.constant 0 : i32
    %dma_start3A_71 = tpu.memref_slice %arg2[%dma_start3A_69, %dma_start3A_70] : memref<10000x128xf32, #tpu.memory_space<hbm>> -> memref<10000x128xf32, #tpu.memory_space<hbm>>
    tpu.enqueue_indirect_dma source(%dma_start3A_71 : memref<10000x128xf32, #tpu.memory_space<hbm>>) target(%arg13 : memref<80x128xf32, #tpu.memory_space<vmem>>) offsets(%dma_start3A_68 : memref<80xi32, #tpu.memory_space<vmem>>) semaphore(%arg17 : memref<!tpu.dma_semaphore, #tpu.memory_space<semaphore_mem>>)
    %scan3A = arith.constant 0 : i32
    %scan3A_72 = arith.constant 40 : i32
    %scan3A_73 = arith.addi %scan3A, %scan3A_72 : i32
    %scan3A_74 = arith.constant 1 : i32
    scf.for %scan3A_219 = %scan3A to %scan3A_73 step %scan3A_74  : i32 {
      %mul3A_220 = arith.constant 1 : i32
      %mul3A_221 = arith.muli %scan3A_219, %mul3A_220 : i32
      %add3A_222 = arith.constant 0 : i32
      %add3A_223 = arith.addi %add3A_222, %mul3A_221 : i32
      %mul3A_224 = arith.constant 3 : i32
      %mul3A_225 = arith.muli %mul3A_224, %add3A_223 : i32
      %add3A_226 = arith.constant 0 : i32
      %add3A_227 = arith.addi %mul3A_225, %add3A_226 : i32
      %mul3A_228 = arith.constant 80 : i32
      %mul3A_229 = arith.muli %add3A_227, %mul3A_228 : i32
      %dma_wait3A_230 = tpu.memref_slice %arg7[%mul3A_229] : memref<10000xi32, #tpu.memory_space<vmem>> -> memref<80xi32, #tpu.memory_space<vmem>>
      %dma_wait3A_231 = arith.constant 0 : i32
      %dma_wait3A_232 = arith.constant 0 : i32
      %dma_wait3A_233 = tpu.memref_slice %arg2[%dma_wait3A_231, %dma_wait3A_232] : memref<10000x128xf32, #tpu.memory_space<hbm>> -> memref<10000x128xf32, #tpu.memory_space<hbm>>
      tpu.wait_indirect_dma semaphore(%arg15 : memref<!tpu.dma_semaphore, #tpu.memory_space<semaphore_mem>>) src(%dma_wait3A_233 : memref<10000x128xf32, #tpu.memory_space<hbm>>) dst(%arg11 : memref<80x128xf32, #tpu.memory_space<vmem>>)
      %add3A_234 = arith.addi %mul3A_2, %add3A_227 : i32
      %mul3A_235 = arith.constant 80 : i32
      %mul3A_236 = arith.muli %add3A_234, %mul3A_235 : i32
      %dma_wait3A_237 = tpu.memref_slice %arg4[%mul3A_236] : memref<320000xi32, #tpu.memory_space<hbm>> -> memref<80xi32, #tpu.memory_space<hbm>>
      %dma_wait3A_238 = tpu.memref_slice %arg4[%mul3A_236] : memref<320000xi32, #tpu.memory_space<hbm>> -> memref<80xi32, #tpu.memory_space<hbm>>
      tpu.wait_dma2 semaphore(%arg21 : memref<!tpu.dma_semaphore, #tpu.memory_space<semaphore_mem>>) src(%dma_wait3A_238 : memref<80xi32, #tpu.memory_space<hbm>>) dst(%arg8 : memref<80xi32, #tpu.memory_space<vmem>>)
      %dma_start3A_239 = arith.constant 0 : i32
      %dma_start3A_240 = arith.constant 0 : i32
      %dma_start3A_241 = tpu.memref_slice %arg14[%dma_start3A_239, %dma_start3A_240] : memref<10000x128xf32, #tpu.memory_space<vmem_shared>> -> memref<10000x128xf32, #tpu.memory_space<vmem_shared>>
      tpu.enqueue_indirect_dma source(%arg11 : memref<80x128xf32, #tpu.memory_space<vmem>>) target(%dma_start3A_241 : memref<10000x128xf32, #tpu.memory_space<vmem_shared>>) offsets(%arg8 : memref<80xi32, #tpu.memory_space<vmem>>) semaphore(%arg18 : memref<!tpu.dma_semaphore, #tpu.memory_space<semaphore_mem>>) {add = true}
      %dma_wait3A_242 = arith.constant 0 : i32
      %dma_wait3A_243 = arith.constant 0 : i32
      %dma_wait3A_244 = tpu.memref_slice %arg14[%dma_wait3A_242, %dma_wait3A_243] : memref<10000x128xf32, #tpu.memory_space<vmem_shared>> -> memref<10000x128xf32, #tpu.memory_space<vmem_shared>>
      tpu.wait_indirect_dma semaphore(%arg18 : memref<!tpu.dma_semaphore, #tpu.memory_space<semaphore_mem>>) src(%arg11 : memref<80x128xf32, #tpu.memory_space<vmem>>) dst(%dma_wait3A_244 : memref<10000x128xf32, #tpu.memory_space<vmem_shared>>)
      %add3A_245 = arith.constant 3 : i32
      %add3A_246 = arith.addi %mul3A_225, %add3A_245 : i32
      %add3A_247 = arith.constant 0 : i32
      %add3A_248 = arith.addi %add3A_246, %add3A_247 : i32
      %add3A_249 = arith.addi %mul3A_2, %add3A_248 : i32
      %mul3A_250 = arith.constant 80 : i32
      %mul3A_251 = arith.muli %add3A_249, %mul3A_250 : i32
      %dma_start3A_252 = tpu.memref_slice %arg4[%mul3A_251] : memref<320000xi32, #tpu.memory_space<hbm>> -> memref<80xi32, #tpu.memory_space<hbm>>
      %dma_start3A_253 = tpu.memref_slice %arg4[%mul3A_251] : memref<320000xi32, #tpu.memory_space<hbm>> -> memref<80xi32, #tpu.memory_space<hbm>>
      tpu.enqueue_dma source(%dma_start3A_253 : memref<80xi32, #tpu.memory_space<hbm>>) target(%arg8 : memref<80xi32, #tpu.memory_space<vmem>>) target_semaphore(%arg21 : memref<!tpu.dma_semaphore, #tpu.memory_space<semaphore_mem>>)
      %mul3A_254 = arith.constant 80 : i32
      %mul3A_255 = arith.muli %add3A_248, %mul3A_254 : i32
      %dma_start3A_256 = tpu.memref_slice %arg7[%mul3A_255] : memref<10000xi32, #tpu.memory_space<vmem>> -> memref<80xi32, #tpu.memory_space<vmem>>
      %dma_start3A_257 = arith.constant 0 : i32
      %dma_start3A_258 = arith.constant 0 : i32
      %dma_start3A_259 = tpu.memref_slice %arg2[%dma_start3A_257, %dma_start3A_258] : memref<10000x128xf32, #tpu.memory_space<hbm>> -> memref<10000x128xf32, #tpu.memory_space<hbm>>
      tpu.enqueue_indirect_dma source(%dma_start3A_259 : memref<10000x128xf32, #tpu.memory_space<hbm>>) target(%arg11 : memref<80x128xf32, #tpu.memory_space<vmem>>) offsets(%dma_start3A_256 : memref<80xi32, #tpu.memory_space<vmem>>) semaphore(%arg15 : memref<!tpu.dma_semaphore, #tpu.memory_space<semaphore_mem>>)
      %add3A_260 = arith.constant 1 : i32
      %add3A_261 = arith.addi %mul3A_225, %add3A_260 : i32
      %mul3A_262 = arith.constant 80 : i32
      %mul3A_263 = arith.muli %add3A_261, %mul3A_262 : i32
      %dma_wait3A_264 = tpu.memref_slice %arg7[%mul3A_263] : memref<10000xi32, #tpu.memory_space<vmem>> -> memref<80xi32, #tpu.memory_space<vmem>>
      %dma_wait3A_265 = arith.constant 0 : i32
      %dma_wait3A_266 = arith.constant 0 : i32
      %dma_wait3A_267 = tpu.memref_slice %arg2[%dma_wait3A_265, %dma_wait3A_266] : memref<10000x128xf32, #tpu.memory_space<hbm>> -> memref<10000x128xf32, #tpu.memory_space<hbm>>
      tpu.wait_indirect_dma semaphore(%arg16 : memref<!tpu.dma_semaphore, #tpu.memory_space<semaphore_mem>>) src(%dma_wait3A_267 : memref<10000x128xf32, #tpu.memory_space<hbm>>) dst(%arg12 : memref<80x128xf32, #tpu.memory_space<vmem>>)
      %add3A_268 = arith.addi %mul3A_2, %add3A_261 : i32
      %mul3A_269 = arith.constant 80 : i32
      %mul3A_270 = arith.muli %add3A_268, %mul3A_269 : i32
      %dma_wait3A_271 = tpu.memref_slice %arg4[%mul3A_270] : memref<320000xi32, #tpu.memory_space<hbm>> -> memref<80xi32, #tpu.memory_space<hbm>>
      %dma_wait3A_272 = tpu.memref_slice %arg4[%mul3A_270] : memref<320000xi32, #tpu.memory_space<hbm>> -> memref<80xi32, #tpu.memory_space<hbm>>
      tpu.wait_dma2 semaphore(%arg22 : memref<!tpu.dma_semaphore, #tpu.memory_space<semaphore_mem>>) src(%dma_wait3A_272 : memref<80xi32, #tpu.memory_space<hbm>>) dst(%arg9 : memref<80xi32, #tpu.memory_space<vmem>>)
      %dma_start3A_273 = arith.constant 0 : i32
      %dma_start3A_274 = arith.constant 0 : i32
      %dma_start3A_275 = tpu.memref_slice %arg14[%dma_start3A_273, %dma_start3A_274] : memref<10000x128xf32, #tpu.memory_space<vmem_shared>> -> memref<10000x128xf32, #tpu.memory_space<vmem_shared>>
      tpu.enqueue_indirect_dma source(%arg12 : memref<80x128xf32, #tpu.memory_space<vmem>>) target(%dma_start3A_275 : memref<10000x128xf32, #tpu.memory_space<vmem_shared>>) offsets(%arg9 : memref<80xi32, #tpu.memory_space<vmem>>) semaphore(%arg19 : memref<!tpu.dma_semaphore, #tpu.memory_space<semaphore_mem>>) {add = true}
      %dma_wait3A_276 = arith.constant 0 : i32
      %dma_wait3A_277 = arith.constant 0 : i32
      %dma_wait3A_278 = tpu.memref_slice %arg14[%dma_wait3A_276, %dma_wait3A_277] : memref<10000x128xf32, #tpu.memory_space<vmem_shared>> -> memref<10000x128xf32, #tpu.memory_space<vmem_shared>>
      tpu.wait_indirect_dma semaphore(%arg19 : memref<!tpu.dma_semaphore, #tpu.memory_space<semaphore_mem>>) src(%arg12 : memref<80x128xf32, #tpu.memory_space<vmem>>) dst(%dma_wait3A_278 : memref<10000x128xf32, #tpu.memory_space<vmem_shared>>)
      %add3A_279 = arith.constant 3 : i32
      %add3A_280 = arith.addi %mul3A_225, %add3A_279 : i32
      %add3A_281 = arith.constant 1 : i32
      %add3A_282 = arith.addi %add3A_280, %add3A_281 : i32
      %add3A_283 = arith.addi %mul3A_2, %add3A_282 : i32
      %mul3A_284 = arith.constant 80 : i32
      %mul3A_285 = arith.muli %add3A_283, %mul3A_284 : i32
      %dma_start3A_286 = tpu.memref_slice %arg4[%mul3A_285] : memref<320000xi32, #tpu.memory_space<hbm>> -> memref<80xi32, #tpu.memory_space<hbm>>
      %dma_start3A_287 = tpu.memref_slice %arg4[%mul3A_285] : memref<320000xi32, #tpu.memory_space<hbm>> -> memref<80xi32, #tpu.memory_space<hbm>>
      tpu.enqueue_dma source(%dma_start3A_287 : memref<80xi32, #tpu.memory_space<hbm>>) target(%arg9 : memref<80xi32, #tpu.memory_space<vmem>>) target_semaphore(%arg22 : memref<!tpu.dma_semaphore, #tpu.memory_space<semaphore_mem>>)
      %mul3A_288 = arith.constant 80 : i32
      %mul3A_289 = arith.muli %add3A_282, %mul3A_288 : i32
      %dma_start3A_290 = tpu.memref_slice %arg7[%mul3A_289] : memref<10000xi32, #tpu.memory_space<vmem>> -> memref<80xi32, #tpu.memory_space<vmem>>
      %dma_start3A_291 = arith.constant 0 : i32
      %dma_start3A_292 = arith.constant 0 : i32
      %dma_start3A_293 = tpu.memref_slice %arg2[%dma_start3A_291, %dma_start3A_292] : memref<10000x128xf32, #tpu.memory_space<hbm>> -> memref<10000x128xf32, #tpu.memory_space<hbm>>
      tpu.enqueue_indirect_dma source(%dma_start3A_293 : memref<10000x128xf32, #tpu.memory_space<hbm>>) target(%arg12 : memref<80x128xf32, #tpu.memory_space<vmem>>) offsets(%dma_start3A_290 : memref<80xi32, #tpu.memory_space<vmem>>) semaphore(%arg16 : memref<!tpu.dma_semaphore, #tpu.memory_space<semaphore_mem>>)
      %add3A_294 = arith.constant 2 : i32
      %add3A_295 = arith.addi %mul3A_225, %add3A_294 : i32
      %mul3A_296 = arith.constant 80 : i32
      %mul3A_297 = arith.muli %add3A_295, %mul3A_296 : i32
      %dma_wait3A_298 = tpu.memref_slice %arg7[%mul3A_297] : memref<10000xi32, #tpu.memory_space<vmem>> -> memref<80xi32, #tpu.memory_space<vmem>>
      %dma_wait3A_299 = arith.constant 0 : i32
      %dma_wait3A_300 = arith.constant 0 : i32
      %dma_wait3A_301 = tpu.memref_slice %arg2[%dma_wait3A_299, %dma_wait3A_300] : memref<10000x128xf32, #tpu.memory_space<hbm>> -> memref<10000x128xf32, #tpu.memory_space<hbm>>
      tpu.wait_indirect_dma semaphore(%arg17 : memref<!tpu.dma_semaphore, #tpu.memory_space<semaphore_mem>>) src(%dma_wait3A_301 : memref<10000x128xf32, #tpu.memory_space<hbm>>) dst(%arg13 : memref<80x128xf32, #tpu.memory_space<vmem>>)
      %add3A_302 = arith.addi %mul3A_2, %add3A_295 : i32
      %mul3A_303 = arith.constant 80 : i32
      %mul3A_304 = arith.muli %add3A_302, %mul3A_303 : i32
      %dma_wait3A_305 = tpu.memref_slice %arg4[%mul3A_304] : memref<320000xi32, #tpu.memory_space<hbm>> -> memref<80xi32, #tpu.memory_space<hbm>>
      %dma_wait3A_306 = tpu.memref_slice %arg4[%mul3A_304] : memref<320000xi32, #tpu.memory_space<hbm>> -> memref<80xi32, #tpu.memory_space<hbm>>
      tpu.wait_dma2 semaphore(%arg23 : memref<!tpu.dma_semaphore, #tpu.memory_space<semaphore_mem>>) src(%dma_wait3A_306 : memref<80xi32, #tpu.memory_space<hbm>>) dst(%arg10 : memref<80xi32, #tpu.memory_space<vmem>>)
      %dma_start3A_307 = arith.constant 0 : i32
      %dma_start3A_308 = arith.constant 0 : i32
      %dma_start3A_309 = tpu.memref_slice %arg14[%dma_start3A_307, %dma_start3A_308] : memref<10000x128xf32, #tpu.memory_space<vmem_shared>> -> memref<10000x128xf32, #tpu.memory_space<vmem_shared>>
      tpu.enqueue_indirect_dma source(%arg13 : memref<80x128xf32, #tpu.memory_space<vmem>>) target(%dma_start3A_309 : memref<10000x128xf32, #tpu.memory_space<vmem_shared>>) offsets(%arg10 : memref<80xi32, #tpu.memory_space<vmem>>) semaphore(%arg20 : memref<!tpu.dma_semaphore, #tpu.memory_space<semaphore_mem>>) {add = true}
      %dma_wait3A_310 = arith.constant 0 : i32
      %dma_wait3A_311 = arith.constant 0 : i32
      %dma_wait3A_312 = tpu.memref_slice %arg14[%dma_wait3A_310, %dma_wait3A_311] : memref<10000x128xf32, #tpu.memory_space<vmem_shared>> -> memref<10000x128xf32, #tpu.memory_space<vmem_shared>>
      tpu.wait_indirect_dma semaphore(%arg20 : memref<!tpu.dma_semaphore, #tpu.memory_space<semaphore_mem>>) src(%arg13 : memref<80x128xf32, #tpu.memory_space<vmem>>) dst(%dma_wait3A_312 : memref<10000x128xf32, #tpu.memory_space<vmem_shared>>)
      %add3A_313 = arith.constant 3 : i32
      %add3A_314 = arith.addi %mul3A_225, %add3A_313 : i32
      %add3A_315 = arith.constant 2 : i32
      %add3A_316 = arith.addi %add3A_314, %add3A_315 : i32
      %add3A_317 = arith.addi %mul3A_2, %add3A_316 : i32
      %mul3A_318 = arith.constant 80 : i32
      %mul3A_319 = arith.muli %add3A_317, %mul3A_318 : i32
      %dma_start3A_320 = tpu.memref_slice %arg4[%mul3A_319] : memref<320000xi32, #tpu.memory_space<hbm>> -> memref<80xi32, #tpu.memory_space<hbm>>
      %dma_start3A_321 = tpu.memref_slice %arg4[%mul3A_319] : memref<320000xi32, #tpu.memory_space<hbm>> -> memref<80xi32, #tpu.memory_space<hbm>>
      tpu.enqueue_dma source(%dma_start3A_321 : memref<80xi32, #tpu.memory_space<hbm>>) target(%arg10 : memref<80xi32, #tpu.memory_space<vmem>>) target_semaphore(%arg23 : memref<!tpu.dma_semaphore, #tpu.memory_space<semaphore_mem>>)
      %mul3A_322 = arith.constant 80 : i32
      %mul3A_323 = arith.muli %add3A_316, %mul3A_322 : i32
      %dma_start3A_324 = tpu.memref_slice %arg7[%mul3A_323] : memref<10000xi32, #tpu.memory_space<vmem>> -> memref<80xi32, #tpu.memory_space<vmem>>
      %dma_start3A_325 = arith.constant 0 : i32
      %dma_start3A_326 = arith.constant 0 : i32
      %dma_start3A_327 = tpu.memref_slice %arg2[%dma_start3A_325, %dma_start3A_326] : memref<10000x128xf32, #tpu.memory_space<hbm>> -> memref<10000x128xf32, #tpu.memory_space<hbm>>
      tpu.enqueue_indirect_dma source(%dma_start3A_327 : memref<10000x128xf32, #tpu.memory_space<hbm>>) target(%arg13 : memref<80x128xf32, #tpu.memory_space<vmem>>) offsets(%dma_start3A_324 : memref<80xi32, #tpu.memory_space<vmem>>) semaphore(%arg17 : memref<!tpu.dma_semaphore, #tpu.memory_space<semaphore_mem>>)
    }
    %scan3A_75 = arith.constant 40 : i32
    %dma_wait3A = arith.constant 9600 : i32
    %dma_wait3A_76 = tpu.memref_slice %arg7[%dma_wait3A] : memref<10000xi32, #tpu.memory_space<vmem>> -> memref<80xi32, #tpu.memory_space<vmem>>
    %dma_wait3A_77 = arith.constant 0 : i32
    %dma_wait3A_78 = arith.constant 0 : i32
    %dma_wait3A_79 = tpu.memref_slice %arg2[%dma_wait3A_77, %dma_wait3A_78] : memref<10000x128xf32, #tpu.memory_space<hbm>> -> memref<10000x128xf32, #tpu.memory_space<hbm>>
    tpu.wait_indirect_dma semaphore(%arg15 : memref<!tpu.dma_semaphore, #tpu.memory_space<semaphore_mem>>) src(%dma_wait3A_79 : memref<10000x128xf32, #tpu.memory_space<hbm>>) dst(%arg11 : memref<80x128xf32, #tpu.memory_space<vmem>>)
    %add3A_80 = arith.constant 120 : i32
    %add3A_81 = arith.addi %mul3A_2, %add3A_80 : i32
    %mul3A_82 = arith.constant 80 : i32
    %mul3A_83 = arith.muli %add3A_81, %mul3A_82 : i32
    %dma_wait3A_84 = tpu.memref_slice %arg4[%mul3A_83] : memref<320000xi32, #tpu.memory_space<hbm>> -> memref<80xi32, #tpu.memory_space<hbm>>
    %dma_wait3A_85 = tpu.memref_slice %arg4[%mul3A_83] : memref<320000xi32, #tpu.memory_space<hbm>> -> memref<80xi32, #tpu.memory_space<hbm>>
    tpu.wait_dma2 semaphore(%arg21 : memref<!tpu.dma_semaphore, #tpu.memory_space<semaphore_mem>>) src(%dma_wait3A_85 : memref<80xi32, #tpu.memory_space<hbm>>) dst(%arg8 : memref<80xi32, #tpu.memory_space<vmem>>)
    %dma_start3A_86 = arith.constant 0 : i32
    %dma_start3A_87 = arith.constant 0 : i32
    %dma_start3A_88 = tpu.memref_slice %arg14[%dma_start3A_86, %dma_start3A_87] : memref<10000x128xf32, #tpu.memory_space<vmem_shared>> -> memref<10000x128xf32, #tpu.memory_space<vmem_shared>>
    tpu.enqueue_indirect_dma source(%arg11 : memref<80x128xf32, #tpu.memory_space<vmem>>) target(%dma_start3A_88 : memref<10000x128xf32, #tpu.memory_space<vmem_shared>>) offsets(%arg8 : memref<80xi32, #tpu.memory_space<vmem>>) semaphore(%arg18 : memref<!tpu.dma_semaphore, #tpu.memory_space<semaphore_mem>>) {add = true}
    %dma_wait3A_89 = arith.constant 0 : i32
    %dma_wait3A_90 = arith.constant 0 : i32
    %dma_wait3A_91 = tpu.memref_slice %arg14[%dma_wait3A_89, %dma_wait3A_90] : memref<10000x128xf32, #tpu.memory_space<vmem_shared>> -> memref<10000x128xf32, #tpu.memory_space<vmem_shared>>
    tpu.wait_indirect_dma semaphore(%arg18 : memref<!tpu.dma_semaphore, #tpu.memory_space<semaphore_mem>>) src(%arg11 : memref<80x128xf32, #tpu.memory_space<vmem>>) dst(%dma_wait3A_91 : memref<10000x128xf32, #tpu.memory_space<vmem_shared>>)
    %add3A_92 = arith.constant 123 : i32
    %add3A_93 = arith.addi %mul3A_2, %add3A_92 : i32
    %mul3A_94 = arith.constant 80 : i32
    %mul3A_95 = arith.muli %add3A_93, %mul3A_94 : i32
    %dma_start3A_96 = tpu.memref_slice %arg4[%mul3A_95] : memref<320000xi32, #tpu.memory_space<hbm>> -> memref<80xi32, #tpu.memory_space<hbm>>
    %dma_start3A_97 = tpu.memref_slice %arg4[%mul3A_95] : memref<320000xi32, #tpu.memory_space<hbm>> -> memref<80xi32, #tpu.memory_space<hbm>>
    tpu.enqueue_dma source(%dma_start3A_97 : memref<80xi32, #tpu.memory_space<hbm>>) target(%arg8 : memref<80xi32, #tpu.memory_space<vmem>>) target_semaphore(%arg21 : memref<!tpu.dma_semaphore, #tpu.memory_space<semaphore_mem>>)
    %dma_start3A_98 = arith.constant 9840 : i32
    %dma_start3A_99 = tpu.memref_slice %arg7[%dma_start3A_98] : memref<10000xi32, #tpu.memory_space<vmem>> -> memref<80xi32, #tpu.memory_space<vmem>>
    %dma_start3A_100 = arith.constant 0 : i32
    %dma_start3A_101 = arith.constant 0 : i32
    %dma_start3A_102 = tpu.memref_slice %arg2[%dma_start3A_100, %dma_start3A_101] : memref<10000x128xf32, #tpu.memory_space<hbm>> -> memref<10000x128xf32, #tpu.memory_space<hbm>>
    tpu.enqueue_indirect_dma source(%dma_start3A_102 : memref<10000x128xf32, #tpu.memory_space<hbm>>) target(%arg11 : memref<80x128xf32, #tpu.memory_space<vmem>>) offsets(%dma_start3A_99 : memref<80xi32, #tpu.memory_space<vmem>>) semaphore(%arg15 : memref<!tpu.dma_semaphore, #tpu.memory_space<semaphore_mem>>)
    %dma_wait3A_103 = arith.constant 9680 : i32
    %dma_wait3A_104 = tpu.memref_slice %arg7[%dma_wait3A_103] : memref<10000xi32, #tpu.memory_space<vmem>> -> memref<80xi32, #tpu.memory_space<vmem>>
    %dma_wait3A_105 = arith.constant 0 : i32
    %dma_wait3A_106 = arith.constant 0 : i32
    %dma_wait3A_107 = tpu.memref_slice %arg2[%dma_wait3A_105, %dma_wait3A_106] : memref<10000x128xf32, #tpu.memory_space<hbm>> -> memref<10000x128xf32, #tpu.memory_space<hbm>>
    tpu.wait_indirect_dma semaphore(%arg16 : memref<!tpu.dma_semaphore, #tpu.memory_space<semaphore_mem>>) src(%dma_wait3A_107 : memref<10000x128xf32, #tpu.memory_space<hbm>>) dst(%arg12 : memref<80x128xf32, #tpu.memory_space<vmem>>)
    %add3A_108 = arith.constant 121 : i32
    %add3A_109 = arith.addi %mul3A_2, %add3A_108 : i32
    %mul3A_110 = arith.constant 80 : i32
    %mul3A_111 = arith.muli %add3A_109, %mul3A_110 : i32
    %dma_wait3A_112 = tpu.memref_slice %arg4[%mul3A_111] : memref<320000xi32, #tpu.memory_space<hbm>> -> memref<80xi32, #tpu.memory_space<hbm>>
    %dma_wait3A_113 = tpu.memref_slice %arg4[%mul3A_111] : memref<320000xi32, #tpu.memory_space<hbm>> -> memref<80xi32, #tpu.memory_space<hbm>>
    tpu.wait_dma2 semaphore(%arg22 : memref<!tpu.dma_semaphore, #tpu.memory_space<semaphore_mem>>) src(%dma_wait3A_113 : memref<80xi32, #tpu.memory_space<hbm>>) dst(%arg9 : memref<80xi32, #tpu.memory_space<vmem>>)
    %dma_start3A_114 = arith.constant 0 : i32
    %dma_start3A_115 = arith.constant 0 : i32
    %dma_start3A_116 = tpu.memref_slice %arg14[%dma_start3A_114, %dma_start3A_115] : memref<10000x128xf32, #tpu.memory_space<vmem_shared>> -> memref<10000x128xf32, #tpu.memory_space<vmem_shared>>
    tpu.enqueue_indirect_dma source(%arg12 : memref<80x128xf32, #tpu.memory_space<vmem>>) target(%dma_start3A_116 : memref<10000x128xf32, #tpu.memory_space<vmem_shared>>) offsets(%arg9 : memref<80xi32, #tpu.memory_space<vmem>>) semaphore(%arg19 : memref<!tpu.dma_semaphore, #tpu.memory_space<semaphore_mem>>) {add = true}
    %dma_wait3A_117 = arith.constant 0 : i32
    %dma_wait3A_118 = arith.constant 0 : i32
    %dma_wait3A_119 = tpu.memref_slice %arg14[%dma_wait3A_117, %dma_wait3A_118] : memref<10000x128xf32, #tpu.memory_space<vmem_shared>> -> memref<10000x128xf32, #tpu.memory_space<vmem_shared>>
    tpu.wait_indirect_dma semaphore(%arg19 : memref<!tpu.dma_semaphore, #tpu.memory_space<semaphore_mem>>) src(%arg12 : memref<80x128xf32, #tpu.memory_space<vmem>>) dst(%dma_wait3A_119 : memref<10000x128xf32, #tpu.memory_space<vmem_shared>>)
    %add3A_120 = arith.constant 124 : i32
    %add3A_121 = arith.addi %mul3A_2, %add3A_120 : i32
    %mul3A_122 = arith.constant 80 : i32
    %mul3A_123 = arith.muli %add3A_121, %mul3A_122 : i32
    %dma_start3A_124 = tpu.memref_slice %arg4[%mul3A_123] : memref<320000xi32, #tpu.memory_space<hbm>> -> memref<80xi32, #tpu.memory_space<hbm>>
    %dma_start3A_125 = tpu.memref_slice %arg4[%mul3A_123] : memref<320000xi32, #tpu.memory_space<hbm>> -> memref<80xi32, #tpu.memory_space<hbm>>
    tpu.enqueue_dma source(%dma_start3A_125 : memref<80xi32, #tpu.memory_space<hbm>>) target(%arg9 : memref<80xi32, #tpu.memory_space<vmem>>) target_semaphore(%arg22 : memref<!tpu.dma_semaphore, #tpu.memory_space<semaphore_mem>>)
    %dma_start3A_126 = arith.constant 9920 : i32
    %dma_start3A_127 = tpu.memref_slice %arg7[%dma_start3A_126] : memref<10000xi32, #tpu.memory_space<vmem>> -> memref<80xi32, #tpu.memory_space<vmem>>
    %dma_start3A_128 = arith.constant 0 : i32
    %dma_start3A_129 = arith.constant 0 : i32
    %dma_start3A_130 = tpu.memref_slice %arg2[%dma_start3A_128, %dma_start3A_129] : memref<10000x128xf32, #tpu.memory_space<hbm>> -> memref<10000x128xf32, #tpu.memory_space<hbm>>
    tpu.enqueue_indirect_dma source(%dma_start3A_130 : memref<10000x128xf32, #tpu.memory_space<hbm>>) target(%arg12 : memref<80x128xf32, #tpu.memory_space<vmem>>) offsets(%dma_start3A_127 : memref<80xi32, #tpu.memory_space<vmem>>) semaphore(%arg16 : memref<!tpu.dma_semaphore, #tpu.memory_space<semaphore_mem>>)
    %dma_wait3A_131 = arith.constant 9760 : i32
    %dma_wait3A_132 = tpu.memref_slice %arg7[%dma_wait3A_131] : memref<10000xi32, #tpu.memory_space<vmem>> -> memref<80xi32, #tpu.memory_space<vmem>>
    %dma_wait3A_133 = arith.constant 0 : i32
    %dma_wait3A_134 = arith.constant 0 : i32
    %dma_wait3A_135 = tpu.memref_slice %arg2[%dma_wait3A_133, %dma_wait3A_134] : memref<10000x128xf32, #tpu.memory_space<hbm>> -> memref<10000x128xf32, #tpu.memory_space<hbm>>
    tpu.wait_indirect_dma semaphore(%arg17 : memref<!tpu.dma_semaphore, #tpu.memory_space<semaphore_mem>>) src(%dma_wait3A_135 : memref<10000x128xf32, #tpu.memory_space<hbm>>) dst(%arg13 : memref<80x128xf32, #tpu.memory_space<vmem>>)
    %add3A_136 = arith.constant 122 : i32
    %add3A_137 = arith.addi %mul3A_2, %add3A_136 : i32
    %mul3A_138 = arith.constant 80 : i32
    %mul3A_139 = arith.muli %add3A_137, %mul3A_138 : i32
    %dma_wait3A_140 = tpu.memref_slice %arg4[%mul3A_139] : memref<320000xi32, #tpu.memory_space<hbm>> -> memref<80xi32, #tpu.memory_space<hbm>>
    %dma_wait3A_141 = tpu.memref_slice %arg4[%mul3A_139] : memref<320000xi32, #tpu.memory_space<hbm>> -> memref<80xi32, #tpu.memory_space<hbm>>
    tpu.wait_dma2 semaphore(%arg23 : memref<!tpu.dma_semaphore, #tpu.memory_space<semaphore_mem>>) src(%dma_wait3A_141 : memref<80xi32, #tpu.memory_space<hbm>>) dst(%arg10 : memref<80xi32, #tpu.memory_space<vmem>>)
    %dma_start3A_142 = arith.constant 0 : i32
    %dma_start3A_143 = arith.constant 0 : i32
    %dma_start3A_144 = tpu.memref_slice %arg14[%dma_start3A_142, %dma_start3A_143] : memref<10000x128xf32, #tpu.memory_space<vmem_shared>> -> memref<10000x128xf32, #tpu.memory_space<vmem_shared>>
    tpu.enqueue_indirect_dma source(%arg13 : memref<80x128xf32, #tpu.memory_space<vmem>>) target(%dma_start3A_144 : memref<10000x128xf32, #tpu.memory_space<vmem_shared>>) offsets(%arg10 : memref<80xi32, #tpu.memory_space<vmem>>) semaphore(%arg20 : memref<!tpu.dma_semaphore, #tpu.memory_space<semaphore_mem>>) {add = true}
    %dma_wait3A_145 = arith.constant 0 : i32
    %dma_wait3A_146 = arith.constant 0 : i32
    %dma_wait3A_147 = tpu.memref_slice %arg14[%dma_wait3A_145, %dma_wait3A_146] : memref<10000x128xf32, #tpu.memory_space<vmem_shared>> -> memref<10000x128xf32, #tpu.memory_space<vmem_shared>>
    tpu.wait_indirect_dma semaphore(%arg20 : memref<!tpu.dma_semaphore, #tpu.memory_space<semaphore_mem>>) src(%arg13 : memref<80x128xf32, #tpu.memory_space<vmem>>) dst(%dma_wait3A_147 : memref<10000x128xf32, #tpu.memory_space<vmem_shared>>)
    %dma_wait3A_148 = arith.constant 9840 : i32
    %dma_wait3A_149 = tpu.memref_slice %arg7[%dma_wait3A_148] : memref<10000xi32, #tpu.memory_space<vmem>> -> memref<80xi32, #tpu.memory_space<vmem>>
    %dma_wait3A_150 = arith.constant 0 : i32
    %dma_wait3A_151 = arith.constant 0 : i32
    %dma_wait3A_152 = tpu.memref_slice %arg2[%dma_wait3A_150, %dma_wait3A_151] : memref<10000x128xf32, #tpu.memory_space<hbm>> -> memref<10000x128xf32, #tpu.memory_space<hbm>>
    tpu.wait_indirect_dma semaphore(%arg15 : memref<!tpu.dma_semaphore, #tpu.memory_space<semaphore_mem>>) src(%dma_wait3A_152 : memref<10000x128xf32, #tpu.memory_space<hbm>>) dst(%arg11 : memref<80x128xf32, #tpu.memory_space<vmem>>)
    %add3A_153 = arith.constant 123 : i32
    %add3A_154 = arith.addi %mul3A_2, %add3A_153 : i32
    %mul3A_155 = arith.constant 80 : i32
    %mul3A_156 = arith.muli %add3A_154, %mul3A_155 : i32
    %dma_wait3A_157 = tpu.memref_slice %arg4[%mul3A_156] : memref<320000xi32, #tpu.memory_space<hbm>> -> memref<80xi32, #tpu.memory_space<hbm>>
    %dma_wait3A_158 = tpu.memref_slice %arg4[%mul3A_156] : memref<320000xi32, #tpu.memory_space<hbm>> -> memref<80xi32, #tpu.memory_space<hbm>>
    tpu.wait_dma2 semaphore(%arg21 : memref<!tpu.dma_semaphore, #tpu.memory_space<semaphore_mem>>) src(%dma_wait3A_158 : memref<80xi32, #tpu.memory_space<hbm>>) dst(%arg8 : memref<80xi32, #tpu.memory_space<vmem>>)
    %dma_start3A_159 = arith.constant 0 : i32
    %dma_start3A_160 = arith.constant 0 : i32
    %dma_start3A_161 = tpu.memref_slice %arg14[%dma_start3A_159, %dma_start3A_160] : memref<10000x128xf32, #tpu.memory_space<vmem_shared>> -> memref<10000x128xf32, #tpu.memory_space<vmem_shared>>
    tpu.enqueue_indirect_dma source(%arg11 : memref<80x128xf32, #tpu.memory_space<vmem>>) target(%dma_start3A_161 : memref<10000x128xf32, #tpu.memory_space<vmem_shared>>) offsets(%arg8 : memref<80xi32, #tpu.memory_space<vmem>>) semaphore(%arg18 : memref<!tpu.dma_semaphore, #tpu.memory_space<semaphore_mem>>) {add = true}
    %dma_wait3A_162 = arith.constant 0 : i32
    %dma_wait3A_163 = arith.constant 0 : i32
    %dma_wait3A_164 = tpu.memref_slice %arg14[%dma_wait3A_162, %dma_wait3A_163] : memref<10000x128xf32, #tpu.memory_space<vmem_shared>> -> memref<10000x128xf32, #tpu.memory_space<vmem_shared>>
    tpu.wait_indirect_dma semaphore(%arg18 : memref<!tpu.dma_semaphore, #tpu.memory_space<semaphore_mem>>) src(%arg11 : memref<80x128xf32, #tpu.memory_space<vmem>>) dst(%dma_wait3A_164 : memref<10000x128xf32, #tpu.memory_space<vmem_shared>>)
    %dma_wait3A_165 = arith.constant 9920 : i32
    %dma_wait3A_166 = tpu.memref_slice %arg7[%dma_wait3A_165] : memref<10000xi32, #tpu.memory_space<vmem>> -> memref<80xi32, #tpu.memory_space<vmem>>
    %dma_wait3A_167 = arith.constant 0 : i32
    %dma_wait3A_168 = arith.constant 0 : i32
    %dma_wait3A_169 = tpu.memref_slice %arg2[%dma_wait3A_167, %dma_wait3A_168] : memref<10000x128xf32, #tpu.memory_space<hbm>> -> memref<10000x128xf32, #tpu.memory_space<hbm>>
    tpu.wait_indirect_dma semaphore(%arg16 : memref<!tpu.dma_semaphore, #tpu.memory_space<semaphore_mem>>) src(%dma_wait3A_169 : memref<10000x128xf32, #tpu.memory_space<hbm>>) dst(%arg12 : memref<80x128xf32, #tpu.memory_space<vmem>>)
    %add3A_170 = arith.constant 124 : i32
    %add3A_171 = arith.addi %mul3A_2, %add3A_170 : i32
    %mul3A_172 = arith.constant 80 : i32
    %mul3A_173 = arith.muli %add3A_171, %mul3A_172 : i32
    %dma_wait3A_174 = tpu.memref_slice %arg4[%mul3A_173] : memref<320000xi32, #tpu.memory_space<hbm>> -> memref<80xi32, #tpu.memory_space<hbm>>
    %dma_wait3A_175 = tpu.memref_slice %arg4[%mul3A_173] : memref<320000xi32, #tpu.memory_space<hbm>> -> memref<80xi32, #tpu.memory_space<hbm>>
    tpu.wait_dma2 semaphore(%arg22 : memref<!tpu.dma_semaphore, #tpu.memory_space<semaphore_mem>>) src(%dma_wait3A_175 : memref<80xi32, #tpu.memory_space<hbm>>) dst(%arg9 : memref<80xi32, #tpu.memory_space<vmem>>)
    %dma_start3A_176 = arith.constant 0 : i32
    %dma_start3A_177 = arith.constant 0 : i32
    %dma_start3A_178 = tpu.memref_slice %arg14[%dma_start3A_176, %dma_start3A_177] : memref<10000x128xf32, #tpu.memory_space<vmem_shared>> -> memref<10000x128xf32, #tpu.memory_space<vmem_shared>>
    tpu.enqueue_indirect_dma source(%arg12 : memref<80x128xf32, #tpu.memory_space<vmem>>) target(%dma_start3A_178 : memref<10000x128xf32, #tpu.memory_space<vmem_shared>>) offsets(%arg9 : memref<80xi32, #tpu.memory_space<vmem>>) semaphore(%arg19 : memref<!tpu.dma_semaphore, #tpu.memory_space<semaphore_mem>>) {add = true}
    %dma_wait3A_179 = arith.constant 0 : i32
    %dma_wait3A_180 = arith.constant 0 : i32
    %dma_wait3A_181 = tpu.memref_slice %arg14[%dma_wait3A_179, %dma_wait3A_180] : memref<10000x128xf32, #tpu.memory_space<vmem_shared>> -> memref<10000x128xf32, #tpu.memory_space<vmem_shared>>
    tpu.wait_indirect_dma semaphore(%arg19 : memref<!tpu.dma_semaphore, #tpu.memory_space<semaphore_mem>>) src(%arg12 : memref<80x128xf32, #tpu.memory_space<vmem>>) dst(%dma_wait3A_181 : memref<10000x128xf32, #tpu.memory_space<vmem_shared>>)
    %barrier3A_182 = arith.constant 0 : index
    tpu.barrier barrier_id(%barrier3A_182)
    %sub3A_183 = arith.constant 50 : i32
    %sub3A_184 = arith.subi %sub3A_183, %arg1 : i32
    %sub3A_185 = arith.constant 16 : i32
    %sub3A_186 = arith.constant 1 : i32
    %sub3A_187 = arith.subi %sub3A_185, %sub3A_186 : i32
    %add3A_188 = arith.addi %sub3A_184, %sub3A_187 : i32
    %div3A_189 = arith.constant 16 : i32
    %div3A_190 = arith.divsi %add3A_188, %div3A_189 : i32
    %while3A_191 = arith.constant 16 : i32
    %while3A_192 = arith.constant 0 : i32
    %while3A_193 = arith.subi %div3A_190, %while3A_192 : i32
    %while3A_194 = arith.addi %while3A_192, %while3A_193 : i32
    %while3A_195 = arith.constant 1 : i32
    %while3A_196 = arith.divsi %while3A_193, %while3A_195 : i32
    %while3A_197 = arith.muli %while3A_196, %while3A_195 : i32
    %while3A_198 = arith.addi %while3A_192, %while3A_197 : i32
    %while3A_199 = arith.constant 1 : i32
    scf.for %while3A_219 = %while3A_192 to %while3A_198 step %while3A_199  : i32 {
      %mul3A_220 = arith.muli %while3A_219, %while3A_191 : i32
      %add3A_221 = arith.addi %arg1, %mul3A_220 : i32
      %mul3A_222 = arith.constant 200 : i32
      %mul3A_223 = arith.muli %add3A_221, %mul3A_222 : i32
      %mul3A_224 = arith.constant 200 : i32
      %mul3A_225 = arith.muli %add3A_221, %mul3A_224 : i32
      %dma_start3A_226 = arith.constant 0 : i32
      %dma_start3A_227 = tpu.memref_slice %arg6[%arg0, %mul3A_225, %dma_start3A_226] : memref<2x10000x128xf32, #tpu.memory_space<hbm>> -> memref<1x200x128xf32, #tpu.memory_space<hbm>>
      %dma_start3A_228 = tpu.memref_squeeze %dma_start3A_227 : memref<1x200x128xf32, #tpu.memory_space<hbm>> -> memref<200x128xf32, #tpu.memory_space<hbm>>
      %dma_start3A_229 = arith.constant 0 : i32
      %dma_start3A_230 = tpu.memref_slice %arg14[%mul3A_223, %dma_start3A_229] : memref<10000x128xf32, #tpu.memory_space<vmem_shared>> -> memref<200x128xf32, #tpu.memory_space<vmem_shared>>
      tpu.enqueue_dma source(%dma_start3A_230 : memref<200x128xf32, #tpu.memory_space<vmem_shared>>) target(%dma_start3A_228 : memref<200x128xf32, #tpu.memory_space<hbm>>) target_semaphore(%arg24 : memref<!tpu.dma_semaphore, #tpu.memory_space<semaphore_mem>>)
    }
    %while3A_200 = arith.constant 1 : i32
    scf.for %while3A_219 = %while3A_198 to %while3A_194 step %while3A_200  : i32 {
      %mul3A_220 = arith.muli %while3A_219, %while3A_191 : i32
      %add3A_221 = arith.addi %arg1, %mul3A_220 : i32
      %mul3A_222 = arith.constant 200 : i32
      %mul3A_223 = arith.muli %add3A_221, %mul3A_222 : i32
      %mul3A_224 = arith.constant 200 : i32
      %mul3A_225 = arith.muli %add3A_221, %mul3A_224 : i32
      %dma_start3A_226 = arith.constant 0 : i32
      %dma_start3A_227 = tpu.memref_slice %arg6[%arg0, %mul3A_225, %dma_start3A_226] : memref<2x10000x128xf32, #tpu.memory_space<hbm>> -> memref<1x200x128xf32, #tpu.memory_space<hbm>>
      %dma_start3A_228 = tpu.memref_squeeze %dma_start3A_227 : memref<1x200x128xf32, #tpu.memory_space<hbm>> -> memref<200x128xf32, #tpu.memory_space<hbm>>
      %dma_start3A_229 = arith.constant 0 : i32
      %dma_start3A_230 = tpu.memref_slice %arg14[%mul3A_223, %dma_start3A_229] : memref<10000x128xf32, #tpu.memory_space<vmem_shared>> -> memref<200x128xf32, #tpu.memory_space<vmem_shared>>
      tpu.enqueue_dma source(%dma_start3A_230 : memref<200x128xf32, #tpu.memory_space<vmem_shared>>) target(%dma_start3A_228 : memref<200x128xf32, #tpu.memory_space<hbm>>) target_semaphore(%arg24 : memref<!tpu.dma_semaphore, #tpu.memory_space<semaphore_mem>>)
    }
    %sub3A_201 = arith.constant 50 : i32
    %sub3A_202 = arith.subi %sub3A_201, %arg1 : i32
    %sub3A_203 = arith.constant 16 : i32
    %sub3A_204 = arith.constant 1 : i32
    %sub3A_205 = arith.subi %sub3A_203, %sub3A_204 : i32
    %add3A_206 = arith.addi %sub3A_202, %sub3A_205 : i32
    %div3A_207 = arith.constant 16 : i32
    %div3A_208 = arith.divsi %add3A_206, %div3A_207 : i32
    %while3A_209 = arith.constant 16 : i32
    %while3A_210 = arith.constant 0 : i32
    %while3A_211 = arith.subi %div3A_208, %while3A_210 : i32
    %while3A_212 = arith.addi %while3A_210, %while3A_211 : i32
    %while3A_213 = arith.constant 1 : i32
    %while3A_214 = arith.divsi %while3A_211, %while3A_213 : i32
    %while3A_215 = arith.muli %while3A_214, %while3A_213 : i32
    %while3A_216 = arith.addi %while3A_210, %while3A_215 : i32
    %while3A_217 = arith.constant 1 : i32
    scf.for %while3A_219 = %while3A_210 to %while3A_216 step %while3A_217  : i32 {
      %mul3A_220 = arith.muli %while3A_219, %while3A_209 : i32
      %add3A_221 = arith.addi %arg1, %mul3A_220 : i32
      %mul3A_222 = arith.constant 200 : i32
      %mul3A_223 = arith.muli %add3A_221, %mul3A_222 : i32
      %mul3A_224 = arith.constant 200 : i32
      %mul3A_225 = arith.muli %add3A_221, %mul3A_224 : i32
      %dma_wait3A_226 = arith.constant 0 : i32
      %dma_wait3A_227 = tpu.memref_slice %arg6[%arg0, %mul3A_225, %dma_wait3A_226] : memref<2x10000x128xf32, #tpu.memory_space<hbm>> -> memref<1x200x128xf32, #tpu.memory_space<hbm>>
      %dma_wait3A_228 = tpu.memref_squeeze %dma_wait3A_227 : memref<1x200x128xf32, #tpu.memory_space<hbm>> -> memref<200x128xf32, #tpu.memory_space<hbm>>
      %dma_wait3A_229 = arith.constant 0 : i32
      %dma_wait3A_230 = tpu.memref_slice %arg14[%mul3A_223, %dma_wait3A_229] : memref<10000x128xf32, #tpu.memory_space<vmem_shared>> -> memref<200x128xf32, #tpu.memory_space<vmem_shared>>
      tpu.wait_dma2 semaphore(%arg24 : memref<!tpu.dma_semaphore, #tpu.memory_space<semaphore_mem>>) src(%dma_wait3A_230 : memref<200x128xf32, #tpu.memory_space<vmem_shared>>) dst(%dma_wait3A_228 : memref<200x128xf32, #tpu.memory_space<hbm>>)
    }
    %while3A_218 = arith.constant 1 : i32
    scf.for %while3A_219 = %while3A_216 to %while3A_212 step %while3A_218  : i32 {
      %mul3A_220 = arith.muli %while3A_219, %while3A_209 : i32
      %add3A_221 = arith.addi %arg1, %mul3A_220 : i32
      %mul3A_222 = arith.constant 200 : i32
      %mul3A_223 = arith.muli %add3A_221, %mul3A_222 : i32
      %mul3A_224 = arith.constant 200 : i32
      %mul3A_225 = arith.muli %add3A_221, %mul3A_224 : i32
      %dma_wait3A_226 = arith.constant 0 : i32
      %dma_wait3A_227 = tpu.memref_slice %arg6[%arg0, %mul3A_225, %dma_wait3A_226] : memref<2x10000x128xf32, #tpu.memory_space<hbm>> -> memref<1x200x128xf32, #tpu.memory_space<hbm>>
      %dma_wait3A_228 = tpu.memref_squeeze %dma_wait3A_227 : memref<1x200x128xf32, #tpu.memory_space<hbm>> -> memref<200x128xf32, #tpu.memory_space<hbm>>
      %dma_wait3A_229 = arith.constant 0 : i32
      %dma_wait3A_230 = tpu.memref_slice %arg14[%mul3A_223, %dma_wait3A_229] : memref<10000x128xf32, #tpu.memory_space<vmem_shared>> -> memref<200x128xf32, #tpu.memory_space<vmem_shared>>
      tpu.wait_dma2 semaphore(%arg24 : memref<!tpu.dma_semaphore, #tpu.memory_space<semaphore_mem>>) src(%dma_wait3A_230 : memref<200x128xf32, #tpu.memory_space<vmem_shared>>) dst(%dma_wait3A_228 : memref<200x128xf32, #tpu.memory_space<hbm>>)
    }
    return
  }
}

#map = affine_map<(d0, d1) -> (0, 0)>
#map1 = affine_map<(d0, d1) -> (0)>
#map2 = affine_map<(d0, d1) -> (0, 0, 0)>
module attributes {stable_mosaic.version = 14 : i64} {
  func.func @_sc_segment_sum(%arg0: i32, %arg1: i32, %arg2: memref<10000x128xf32, #tpu.memory_space<hbm>>, %arg3: memref<320000xi32, #tpu.memory_space<hbm>>, %arg4: memref<320000xi32, #tpu.memory_space<hbm>>, %arg5: memref<80x128xf32, #tpu.memory_space<hbm>>, %arg6: memref<2x10000x128xf32, #tpu.memory_space<hbm>>, %arg7: memref<10000xi32, #tpu.memory_space<vmem>>, %arg8: memref<80xi32, #tpu.memory_space<vmem>>, %arg9: memref<80xi32, #tpu.memory_space<vmem>>, %arg10: memref<80xi32, #tpu.memory_space<vmem>>, %arg11: memref<80x128xf32, #tpu.memory_space<vmem>>, %arg12: memref<80x128xf32, #tpu.memory_space<vmem>>, %arg13: memref<80x128xf32, #tpu.memory_space<vmem>>, %arg14: memref<10000x128xf32, #tpu.memory_space<vmem_shared>>, %arg15: memref<!tpu.dma_semaphore, #tpu.memory_space<semaphore_mem>>, %arg16: memref<!tpu.dma_semaphore, #tpu.memory_space<semaphore_mem>>, %arg17: memref<!tpu.dma_semaphore, #tpu.memory_space<semaphore_mem>>, %arg18: memref<!tpu.dma_semaphore, #tpu.memory_space<semaphore_mem>>, %arg19: memref<!tpu.dma_semaphore, #tpu.memory_space<semaphore_mem>>, %arg20: memref<!tpu.dma_semaphore, #tpu.memory_space<semaphore_mem>>, %arg21: memref<!tpu.dma_semaphore, #tpu.memory_space<semaphore_mem>>, %arg22: memref<!tpu.dma_semaphore, #tpu.memory_space<semaphore_mem>>, %arg23: memref<!tpu.dma_semaphore, #tpu.memory_space<semaphore_mem>>, %arg24: memref<!tpu.dma_semaphore, #tpu.memory_space<semaphore_mem>>) attributes {dimension_semantics = [#tpu.dimension_semantics<core_parallel>, #tpu.dimension_semantics<subcore_parallel>], iteration_bounds = array<i64: 2, 16>, scalar_prefetch = 0 : i64, scratch_operands = 18 : i64, tpu.core_type = #tpu.core_type<sc_vector_subcore>, window_params = [{transform_indices = #map}, {transform_indices = #map1}, {transform_indices = #map1}, {transform_indices = #map}, {transform_indices = #map2}]} {
    %mul3A = arith.constant 2 : i32
    %mul3A_0 = arith.muli %arg1, %mul3A : i32
    %add3A = arith.addi %mul3A_0, %arg0 : i32
    %mul3A_1 = arith.constant 125 : i32
    %mul3A_2 = arith.muli %add3A, %mul3A_1 : i32
    %mul3A_3 = arith.constant 125 : i32
    %mul3A_4 = arith.muli %add3A, %mul3A_3 : i32
    %mul3A_5 = arith.constant 80 : i32
    %mul3A_6 = arith.muli %mul3A_4, %mul3A_5 : i32
    "tpu.region"() ({
      %run_scoped3A = tpu.sem_alloc : memref<!tpu.dma_semaphore, #tpu.memory_space<semaphore_mem>>
      %dma_start3A_219 = tpu.memref_slice %arg3[%mul3A_6] : memref<320000xi32, #tpu.memory_space<hbm>> -> memref<10000xi32, #tpu.memory_space<hbm>>
      %dma_start3A_220 = tpu.memref_slice %arg3[%mul3A_6] : memref<320000xi32, #tpu.memory_space<hbm>> -> memref<10000xi32, #tpu.memory_space<hbm>>
      tpu.enqueue_dma source(%dma_start3A_220 : memref<10000xi32, #tpu.memory_space<hbm>>) target(%arg7 : memref<10000xi32, #tpu.memory_space<vmem>>) target_semaphore(%run_scoped3A : memref<!tpu.dma_semaphore, #tpu.memory_space<semaphore_mem>>)
      %dma_wait3A_221 = tpu.memref_slice %arg3[%mul3A_6] : memref<320000xi32, #tpu.memory_space<hbm>> -> memref<10000xi32, #tpu.memory_space<hbm>>
      %dma_wait3A_222 = tpu.memref_slice %arg3[%mul3A_6] : memref<320000xi32, #tpu.memory_space<hbm>> -> memref<10000xi32, #tpu.memory_space<hbm>>
      tpu.wait_dma2 semaphore(%run_scoped3A : memref<!tpu.dma_semaphore, #tpu.memory_space<semaphore_mem>>) src(%dma_wait3A_222 : memref<10000xi32, #tpu.memory_space<hbm>>) dst(%arg7 : memref<10000xi32, #tpu.memory_space<vmem>>)
      tpu.yield
    }) : () -> ()
    %add3A_7 = arith.constant 0 : i32
    %add3A_8 = arith.addi %mul3A_2, %add3A_7 : i32
    %mul3A_9 = arith.constant 80 : i32
    %mul3A_10 = arith.muli %add3A_8, %mul3A_9 : i32
    %dma_start3A = tpu.memref_slice %arg4[%mul3A_10] : memref<320000xi32, #tpu.memory_space<hbm>> -> memref<80xi32, #tpu.memory_space<hbm>>
    %dma_start3A_11 = tpu.memref_slice %arg4[%mul3A_10] : memref<320000xi32, #tpu.memory_space<hbm>> -> memref<80xi32, #tpu.memory_space<hbm>>
    tpu.enqueue_dma source(%dma_start3A_11 : memref<80xi32, #tpu.memory_space<hbm>>) target(%arg8 : memref<80xi32, #tpu.memory_space<vmem>>) target_semaphore(%arg21 : memref<!tpu.dma_semaphore, #tpu.memory_space<semaphore_mem>>)
    %dma_start3A_12 = arith.constant 0 : i32
    %dma_start3A_13 = tpu.memref_slice %arg7[%dma_start3A_12] : memref<10000xi32, #tpu.memory_space<vmem>> -> memref<80xi32, #tpu.memory_space<vmem>>
    %dma_start3A_14 = arith.constant 0 : i32
    %dma_start3A_15 = arith.constant 0 : i32
    %dma_start3A_16 = tpu.memref_slice %arg2[%dma_start3A_14, %dma_start3A_15] : memref<10000x128xf32, #tpu.memory_space<hbm>> -> memref<10000x128xf32, #tpu.memory_space<hbm>>
    tpu.enqueue_indirect_dma source(%dma_start3A_16 : memref<10000x128xf32, #tpu.memory_space<hbm>>) target(%arg11 : memref<80x128xf32, #tpu.memory_space<vmem>>) offsets(%dma_start3A_13 : memref<80xi32, #tpu.memory_space<vmem>>) semaphore(%arg15 : memref<!tpu.dma_semaphore, #tpu.memory_space<semaphore_mem>>)
    %add3A_17 = arith.constant 1 : i32
    %add3A_18 = arith.addi %mul3A_2, %add3A_17 : i32
    %mul3A_19 = arith.constant 80 : i32
    %mul3A_20 = arith.muli %add3A_18, %mul3A_19 : i32
    %dma_start3A_21 = tpu.memref_slice %arg4[%mul3A_20] : memref<320000xi32, #tpu.memory_space<hbm>> -> memref<80xi32, #tpu.memory_space<hbm>>
    %dma_start3A_22 = tpu.memref_slice %arg4[%mul3A_20] : memref<320000xi32, #tpu.memory_space<hbm>> -> memref<80xi32, #tpu.memory_space<hbm>>
    tpu.enqueue_dma source(%dma_start3A_22 : memref<80xi32, #tpu.memory_space<hbm>>) target(%arg9 : memref<80xi32, #tpu.memory_space<vmem>>) target_semaphore(%arg22 : memref<!tpu.dma_semaphore, #tpu.memory_space<semaphore_mem>>)
    %dma_start3A_23 = arith.constant 80 : i32
    %dma_start3A_24 = tpu.memref_slice %arg7[%dma_start3A_23] : memref<10000xi32, #tpu.memory_space<vmem>> -> memref<80xi32, #tpu.memory_space<vmem>>
    %dma_start3A_25 = arith.constant 0 : i32
    %dma_start3A_26 = arith.constant 0 : i32
    %dma_start3A_27 = tpu.memref_slice %arg2[%dma_start3A_25, %dma_start3A_26] : memref<10000x128xf32, #tpu.memory_space<hbm>> -> memref<10000x128xf32, #tpu.memory_space<hbm>>
    tpu.enqueue_indirect_dma source(%dma_start3A_27 : memref<10000x128xf32, #tpu.memory_space<hbm>>) target(%arg12 : memref<80x128xf32, #tpu.memory_space<vmem>>) offsets(%dma_start3A_24 : memref<80xi32, #tpu.memory_space<vmem>>) semaphore(%arg16 : memref<!tpu.dma_semaphore, #tpu.memory_space<semaphore_mem>>)
    "tpu.region"() ({
      %run_scoped3A = tpu.sem_alloc : memref<!tpu.dma_semaphore, #tpu.memory_space<semaphore_mem>>
      tpu.enqueue_dma source(%arg5 : memref<80x128xf32, #tpu.memory_space<hbm>>) target(%arg13 : memref<80x128xf32, #tpu.memory_space<vmem>>) target_semaphore(%run_scoped3A : memref<!tpu.dma_semaphore, #tpu.memory_space<semaphore_mem>>)
      tpu.wait_dma2 semaphore(%run_scoped3A : memref<!tpu.dma_semaphore, #tpu.memory_space<semaphore_mem>>) src(%arg5 : memref<80x128xf32, #tpu.memory_space<hbm>>) dst(%arg13 : memref<80x128xf32, #tpu.memory_space<vmem>>)
      tpu.yield
    }) : () -> ()
    %sub3A = arith.constant 125 : i32
    %sub3A_28 = arith.subi %sub3A, %arg1 : i32
    %sub3A_29 = arith.constant 16 : i32
    %sub3A_30 = arith.constant 1 : i32
    %sub3A_31 = arith.subi %sub3A_29, %sub3A_30 : i32
    %add3A_32 = arith.addi %sub3A_28, %sub3A_31 : i32
    %div3A = arith.constant 16 : i32
    %div3A_33 = arith.divsi %add3A_32, %div3A : i32
    %while3A = arith.constant 16 : i32
    %while3A_34 = arith.constant 0 : i32
    %while3A_35 = arith.subi %div3A_33, %while3A_34 : i32
    %while3A_36 = arith.addi %while3A_34, %while3A_35 : i32
    %while3A_37 = arith.constant 1 : i32
    %while3A_38 = arith.divsi %while3A_35, %while3A_37 : i32
    %while3A_39 = arith.muli %while3A_38, %while3A_37 : i32
    %while3A_40 = arith.addi %while3A_34, %while3A_39 : i32
    %while3A_41 = arith.constant 1 : i32
    scf.for %while3A_219 = %while3A_34 to %while3A_40 step %while3A_41  : i32 {
      %mul3A_220 = arith.muli %while3A_219, %while3A : i32
      %add3A_221 = arith.addi %arg1, %mul3A_220 : i32
      %mul3A_222 = arith.constant 80 : i32
      %mul3A_223 = arith.muli %add3A_221, %mul3A_222 : i32
      %dma_start3A_224 = arith.constant 0 : i32
      %dma_start3A_225 = arith.constant 0 : i32
      %dma_start3A_226 = tpu.memref_slice %arg13[%dma_start3A_224, %dma_start3A_225] : memref<80x128xf32, #tpu.memory_space<vmem>> -> memref<80x128xf32, #tpu.memory_space<vmem>>
      %dma_start3A_227 = arith.constant 0 : i32
      %dma_start3A_228 = tpu.memref_slice %arg14[%mul3A_223, %dma_start3A_227] : memref<10000x128xf32, #tpu.memory_space<vmem_shared>> -> memref<80x128xf32, #tpu.memory_space<vmem_shared>>
      %dma_start3A_229 = arith.constant 0 : i32
      %dma_start3A_230 = tpu.memref_slice %arg14[%mul3A_223, %dma_start3A_229] : memref<10000x128xf32, #tpu.memory_space<vmem_shared>> -> memref<80x128xf32, #tpu.memory_space<vmem_shared>>
      %dma_start3A_231 = arith.constant 0 : i32
      %dma_start3A_232 = arith.constant 0 : i32
      %dma_start3A_233 = tpu.memref_slice %arg13[%dma_start3A_231, %dma_start3A_232] : memref<80x128xf32, #tpu.memory_space<vmem>> -> memref<80x128xf32, #tpu.memory_space<vmem>>
      tpu.enqueue_dma source(%dma_start3A_233 : memref<80x128xf32, #tpu.memory_space<vmem>>) target(%dma_start3A_230 : memref<80x128xf32, #tpu.memory_space<vmem_shared>>) target_semaphore(%arg24 : memref<!tpu.dma_semaphore, #tpu.memory_space<semaphore_mem>>)
    }
    %while3A_42 = arith.constant 1 : i32
    scf.for %while3A_219 = %while3A_40 to %while3A_36 step %while3A_42  : i32 {
      %mul3A_220 = arith.muli %while3A_219, %while3A : i32
      %add3A_221 = arith.addi %arg1, %mul3A_220 : i32
      %mul3A_222 = arith.constant 80 : i32
      %mul3A_223 = arith.muli %add3A_221, %mul3A_222 : i32
      %dma_start3A_224 = arith.constant 0 : i32
      %dma_start3A_225 = arith.constant 0 : i32
      %dma_start3A_226 = tpu.memref_slice %arg13[%dma_start3A_224, %dma_start3A_225] : memref<80x128xf32, #tpu.memory_space<vmem>> -> memref<80x128xf32, #tpu.memory_space<vmem>>
      %dma_start3A_227 = arith.constant 0 : i32
      %dma_start3A_228 = tpu.memref_slice %arg14[%mul3A_223, %dma_start3A_227] : memref<10000x128xf32, #tpu.memory_space<vmem_shared>> -> memref<80x128xf32, #tpu.memory_space<vmem_shared>>
      %dma_start3A_229 = arith.constant 0 : i32
      %dma_start3A_230 = tpu.memref_slice %arg14[%mul3A_223, %dma_start3A_229] : memref<10000x128xf32, #tpu.memory_space<vmem_shared>> -> memref<80x128xf32, #tpu.memory_space<vmem_shared>>
      %dma_start3A_231 = arith.constant 0 : i32
      %dma_start3A_232 = arith.constant 0 : i32
      %dma_start3A_233 = tpu.memref_slice %arg13[%dma_start3A_231, %dma_start3A_232] : memref<80x128xf32, #tpu.memory_space<vmem>> -> memref<80x128xf32, #tpu.memory_space<vmem>>
      tpu.enqueue_dma source(%dma_start3A_233 : memref<80x128xf32, #tpu.memory_space<vmem>>) target(%dma_start3A_230 : memref<80x128xf32, #tpu.memory_space<vmem_shared>>) target_semaphore(%arg24 : memref<!tpu.dma_semaphore, #tpu.memory_space<semaphore_mem>>)
    }
    %sub3A_43 = arith.constant 125 : i32
    %sub3A_44 = arith.subi %sub3A_43, %arg1 : i32
    %sub3A_45 = arith.constant 16 : i32
    %sub3A_46 = arith.constant 1 : i32
    %sub3A_47 = arith.subi %sub3A_45, %sub3A_46 : i32
    %add3A_48 = arith.addi %sub3A_44, %sub3A_47 : i32
    %div3A_49 = arith.constant 16 : i32
    %div3A_50 = arith.divsi %add3A_48, %div3A_49 : i32
    %while3A_51 = arith.constant 16 : i32
    %while3A_52 = arith.constant 0 : i32
    %while3A_53 = arith.subi %div3A_50, %while3A_52 : i32
    %while3A_54 = arith.addi %while3A_52, %while3A_53 : i32
    %while3A_55 = arith.constant 1 : i32
    %while3A_56 = arith.divsi %while3A_53, %while3A_55 : i32
    %while3A_57 = arith.muli %while3A_56, %while3A_55 : i32
    %while3A_58 = arith.addi %while3A_52, %while3A_57 : i32
    %while3A_59 = arith.constant 1 : i32
    scf.for %while3A_219 = %while3A_52 to %while3A_58 step %while3A_59  : i32 {
      %mul3A_220 = arith.muli %while3A_219, %while3A_51 : i32
      %add3A_221 = arith.addi %arg1, %mul3A_220 : i32
      %mul3A_222 = arith.constant 80 : i32
      %mul3A_223 = arith.muli %add3A_221, %mul3A_222 : i32
      %dma_wait3A_224 = arith.constant 0 : i32
      %dma_wait3A_225 = arith.constant 0 : i32
      %dma_wait3A_226 = tpu.memref_slice %arg13[%dma_wait3A_224, %dma_wait3A_225] : memref<80x128xf32, #tpu.memory_space<vmem>> -> memref<80x128xf32, #tpu.memory_space<vmem>>
      %dma_wait3A_227 = arith.constant 0 : i32
      %dma_wait3A_228 = tpu.memref_slice %arg14[%mul3A_223, %dma_wait3A_227] : memref<10000x128xf32, #tpu.memory_space<vmem_shared>> -> memref<80x128xf32, #tpu.memory_space<vmem_shared>>
      %dma_wait3A_229 = arith.constant 0 : i32
      %dma_wait3A_230 = tpu.memref_slice %arg14[%mul3A_223, %dma_wait3A_229] : memref<10000x128xf32, #tpu.memory_space<vmem_shared>> -> memref<80x128xf32, #tpu.memory_space<vmem_shared>>
      %dma_wait3A_231 = arith.constant 0 : i32
      %dma_wait3A_232 = arith.constant 0 : i32
      %dma_wait3A_233 = tpu.memref_slice %arg13[%dma_wait3A_231, %dma_wait3A_232] : memref<80x128xf32, #tpu.memory_space<vmem>> -> memref<80x128xf32, #tpu.memory_space<vmem>>
      tpu.wait_dma2 semaphore(%arg24 : memref<!tpu.dma_semaphore, #tpu.memory_space<semaphore_mem>>) src(%dma_wait3A_233 : memref<80x128xf32, #tpu.memory_space<vmem>>) dst(%dma_wait3A_230 : memref<80x128xf32, #tpu.memory_space<vmem_shared>>)
    }
    %while3A_60 = arith.constant 1 : i32
    scf.for %while3A_219 = %while3A_58 to %while3A_54 step %while3A_60  : i32 {
      %mul3A_220 = arith.muli %while3A_219, %while3A_51 : i32
      %add3A_221 = arith.addi %arg1, %mul3A_220 : i32
      %mul3A_222 = arith.constant 80 : i32
      %mul3A_223 = arith.muli %add3A_221, %mul3A_222 : i32
      %dma_wait3A_224 = arith.constant 0 : i32
      %dma_wait3A_225 = arith.constant 0 : i32
      %dma_wait3A_226 = tpu.memref_slice %arg13[%dma_wait3A_224, %dma_wait3A_225] : memref<80x128xf32, #tpu.memory_space<vmem>> -> memref<80x128xf32, #tpu.memory_space<vmem>>
      %dma_wait3A_227 = arith.constant 0 : i32
      %dma_wait3A_228 = tpu.memref_slice %arg14[%mul3A_223, %dma_wait3A_227] : memref<10000x128xf32, #tpu.memory_space<vmem_shared>> -> memref<80x128xf32, #tpu.memory_space<vmem_shared>>
      %dma_wait3A_229 = arith.constant 0 : i32
      %dma_wait3A_230 = tpu.memref_slice %arg14[%mul3A_223, %dma_wait3A_229] : memref<10000x128xf32, #tpu.memory_space<vmem_shared>> -> memref<80x128xf32, #tpu.memory_space<vmem_shared>>
      %dma_wait3A_231 = arith.constant 0 : i32
      %dma_wait3A_232 = arith.constant 0 : i32
      %dma_wait3A_233 = tpu.memref_slice %arg13[%dma_wait3A_231, %dma_wait3A_232] : memref<80x128xf32, #tpu.memory_space<vmem>> -> memref<80x128xf32, #tpu.memory_space<vmem>>
      tpu.wait_dma2 semaphore(%arg24 : memref<!tpu.dma_semaphore, #tpu.memory_space<semaphore_mem>>) src(%dma_wait3A_233 : memref<80x128xf32, #tpu.memory_space<vmem>>) dst(%dma_wait3A_230 : memref<80x128xf32, #tpu.memory_space<vmem_shared>>)
    }
    %barrier3A = arith.constant 0 : index
    tpu.barrier barrier_id(%barrier3A)
    %add3A_61 = arith.constant 2 : i32
    %add3A_62 = arith.addi %mul3A_2, %add3A_61 : i32
    %mul3A_63 = arith.constant 80 : i32
    %mul3A_64 = arith.muli %add3A_62, %mul3A_63 : i32
    %dma_start3A_65 = tpu.memref_slice %arg4[%mul3A_64] : memref<320000xi32, #tpu.memory_space<hbm>> -> memref<80xi32, #tpu.memory_space<hbm>>
    %dma_start3A_66 = tpu.memref_slice %arg4[%mul3A_64] : memref<320000xi32, #tpu.memory_space<hbm>> -> memref<80xi32, #tpu.memory_space<hbm>>
    tpu.enqueue_dma source(%dma_start3A_66 : memref<80xi32, #tpu.memory_space<hbm>>) target(%arg10 : memref<80xi32, #tpu.memory_space<vmem>>) target_semaphore(%arg23 : memref<!tpu.dma_semaphore, #tpu.memory_space<semaphore_mem>>)
    %dma_start3A_67 = arith.constant 160 : i32
    %dma_start3A_68 = tpu.memref_slice %arg7[%dma_start3A_67] : memref<10000xi32, #tpu.memory_space<vmem>> -> memref<80xi32, #tpu.memory_space<vmem>>
    %dma_start3A_69 = arith.constant 0 : i32
    %dma_start3A_70 = arith.constant 0 : i32
    %dma_start3A_71 = tpu.memref_slice %arg2[%dma_start3A_69, %dma_start3A_70] : memref<10000x128xf32, #tpu.memory_space<hbm>> -> memref<10000x128xf32, #tpu.memory_space<hbm>>
    tpu.enqueue_indirect_dma source(%dma_start3A_71 : memref<10000x128xf32, #tpu.memory_space<hbm>>) target(%arg13 : memref<80x128xf32, #tpu.memory_space<vmem>>) offsets(%dma_start3A_68 : memref<80xi32, #tpu.memory_space<vmem>>) semaphore(%arg17 : memref<!tpu.dma_semaphore, #tpu.memory_space<semaphore_mem>>)
    %scan3A = arith.constant 0 : i32
    %scan3A_72 = arith.constant 40 : i32
    %scan3A_73 = arith.addi %scan3A, %scan3A_72 : i32
    %scan3A_74 = arith.constant 1 : i32
    scf.for %scan3A_219 = %scan3A to %scan3A_73 step %scan3A_74  : i32 {
      %mul3A_220 = arith.constant 1 : i32
      %mul3A_221 = arith.muli %scan3A_219, %mul3A_220 : i32
      %add3A_222 = arith.constant 0 : i32
      %add3A_223 = arith.addi %add3A_222, %mul3A_221 : i32
      %mul3A_224 = arith.constant 3 : i32
      %mul3A_225 = arith.muli %mul3A_224, %add3A_223 : i32
      %add3A_226 = arith.constant 0 : i32
      %add3A_227 = arith.addi %mul3A_225, %add3A_226 : i32
      %mul3A_228 = arith.constant 80 : i32
      %mul3A_229 = arith.muli %add3A_227, %mul3A_228 : i32
      %dma_wait3A_230 = tpu.memref_slice %arg7[%mul3A_229] : memref<10000xi32, #tpu.memory_space<vmem>> -> memref<80xi32, #tpu.memory_space<vmem>>
      %dma_wait3A_231 = arith.constant 0 : i32
      %dma_wait3A_232 = arith.constant 0 : i32
      %dma_wait3A_233 = tpu.memref_slice %arg2[%dma_wait3A_231, %dma_wait3A_232] : memref<10000x128xf32, #tpu.memory_space<hbm>> -> memref<10000x128xf32, #tpu.memory_space<hbm>>
      tpu.wait_indirect_dma semaphore(%arg15 : memref<!tpu.dma_semaphore, #tpu.memory_space<semaphore_mem>>) src(%dma_wait3A_233 : memref<10000x128xf32, #tpu.memory_space<hbm>>) dst(%arg11 : memref<80x128xf32, #tpu.memory_space<vmem>>)
      %add3A_234 = arith.addi %mul3A_2, %add3A_227 : i32
      %mul3A_235 = arith.constant 80 : i32
      %mul3A_236 = arith.muli %add3A_234, %mul3A_235 : i32
      %dma_wait3A_237 = tpu.memref_slice %arg4[%mul3A_236] : memref<320000xi32, #tpu.memory_space<hbm>> -> memref<80xi32, #tpu.memory_space<hbm>>
      %dma_wait3A_238 = tpu.memref_slice %arg4[%mul3A_236] : memref<320000xi32, #tpu.memory_space<hbm>> -> memref<80xi32, #tpu.memory_space<hbm>>
      tpu.wait_dma2 semaphore(%arg21 : memref<!tpu.dma_semaphore, #tpu.memory_space<semaphore_mem>>) src(%dma_wait3A_238 : memref<80xi32, #tpu.memory_space<hbm>>) dst(%arg8 : memref<80xi32, #tpu.memory_space<vmem>>)
      %dma_start3A_239 = arith.constant 0 : i32
      %dma_start3A_240 = arith.constant 0 : i32
      %dma_start3A_241 = tpu.memref_slice %arg14[%dma_start3A_239, %dma_start3A_240] : memref<10000x128xf32, #tpu.memory_space<vmem_shared>> -> memref<10000x128xf32, #tpu.memory_space<vmem_shared>>
      tpu.enqueue_indirect_dma source(%arg11 : memref<80x128xf32, #tpu.memory_space<vmem>>) target(%dma_start3A_241 : memref<10000x128xf32, #tpu.memory_space<vmem_shared>>) offsets(%arg8 : memref<80xi32, #tpu.memory_space<vmem>>) semaphore(%arg18 : memref<!tpu.dma_semaphore, #tpu.memory_space<semaphore_mem>>) {add = true}
      %dma_wait3A_242 = arith.constant 0 : i32
      %dma_wait3A_243 = arith.constant 0 : i32
      %dma_wait3A_244 = tpu.memref_slice %arg14[%dma_wait3A_242, %dma_wait3A_243] : memref<10000x128xf32, #tpu.memory_space<vmem_shared>> -> memref<10000x128xf32, #tpu.memory_space<vmem_shared>>
      tpu.wait_indirect_dma semaphore(%arg18 : memref<!tpu.dma_semaphore, #tpu.memory_space<semaphore_mem>>) src(%arg11 : memref<80x128xf32, #tpu.memory_space<vmem>>) dst(%dma_wait3A_244 : memref<10000x128xf32, #tpu.memory_space<vmem_shared>>)
      %add3A_245 = arith.constant 3 : i32
      %add3A_246 = arith.addi %mul3A_225, %add3A_245 : i32
      %add3A_247 = arith.constant 0 : i32
      %add3A_248 = arith.addi %add3A_246, %add3A_247 : i32
      %add3A_249 = arith.addi %mul3A_2, %add3A_248 : i32
      %mul3A_250 = arith.constant 80 : i32
      %mul3A_251 = arith.muli %add3A_249, %mul3A_250 : i32
      %dma_start3A_252 = tpu.memref_slice %arg4[%mul3A_251] : memref<320000xi32, #tpu.memory_space<hbm>> -> memref<80xi32, #tpu.memory_space<hbm>>
      %dma_start3A_253 = tpu.memref_slice %arg4[%mul3A_251] : memref<320000xi32, #tpu.memory_space<hbm>> -> memref<80xi32, #tpu.memory_space<hbm>>
      tpu.enqueue_dma source(%dma_start3A_253 : memref<80xi32, #tpu.memory_space<hbm>>) target(%arg8 : memref<80xi32, #tpu.memory_space<vmem>>) target_semaphore(%arg21 : memref<!tpu.dma_semaphore, #tpu.memory_space<semaphore_mem>>)
      %mul3A_254 = arith.constant 80 : i32
      %mul3A_255 = arith.muli %add3A_248, %mul3A_254 : i32
      %dma_start3A_256 = tpu.memref_slice %arg7[%mul3A_255] : memref<10000xi32, #tpu.memory_space<vmem>> -> memref<80xi32, #tpu.memory_space<vmem>>
      %dma_start3A_257 = arith.constant 0 : i32
      %dma_start3A_258 = arith.constant 0 : i32
      %dma_start3A_259 = tpu.memref_slice %arg2[%dma_start3A_257, %dma_start3A_258] : memref<10000x128xf32, #tpu.memory_space<hbm>> -> memref<10000x128xf32, #tpu.memory_space<hbm>>
      tpu.enqueue_indirect_dma source(%dma_start3A_259 : memref<10000x128xf32, #tpu.memory_space<hbm>>) target(%arg11 : memref<80x128xf32, #tpu.memory_space<vmem>>) offsets(%dma_start3A_256 : memref<80xi32, #tpu.memory_space<vmem>>) semaphore(%arg15 : memref<!tpu.dma_semaphore, #tpu.memory_space<semaphore_mem>>)
      %add3A_260 = arith.constant 1 : i32
      %add3A_261 = arith.addi %mul3A_225, %add3A_260 : i32
      %mul3A_262 = arith.constant 80 : i32
      %mul3A_263 = arith.muli %add3A_261, %mul3A_262 : i32
      %dma_wait3A_264 = tpu.memref_slice %arg7[%mul3A_263] : memref<10000xi32, #tpu.memory_space<vmem>> -> memref<80xi32, #tpu.memory_space<vmem>>
      %dma_wait3A_265 = arith.constant 0 : i32
      %dma_wait3A_266 = arith.constant 0 : i32
      %dma_wait3A_267 = tpu.memref_slice %arg2[%dma_wait3A_265, %dma_wait3A_266] : memref<10000x128xf32, #tpu.memory_space<hbm>> -> memref<10000x128xf32, #tpu.memory_space<hbm>>
      tpu.wait_indirect_dma semaphore(%arg16 : memref<!tpu.dma_semaphore, #tpu.memory_space<semaphore_mem>>) src(%dma_wait3A_267 : memref<10000x128xf32, #tpu.memory_space<hbm>>) dst(%arg12 : memref<80x128xf32, #tpu.memory_space<vmem>>)
      %add3A_268 = arith.addi %mul3A_2, %add3A_261 : i32
      %mul3A_269 = arith.constant 80 : i32
      %mul3A_270 = arith.muli %add3A_268, %mul3A_269 : i32
      %dma_wait3A_271 = tpu.memref_slice %arg4[%mul3A_270] : memref<320000xi32, #tpu.memory_space<hbm>> -> memref<80xi32, #tpu.memory_space<hbm>>
      %dma_wait3A_272 = tpu.memref_slice %arg4[%mul3A_270] : memref<320000xi32, #tpu.memory_space<hbm>> -> memref<80xi32, #tpu.memory_space<hbm>>
      tpu.wait_dma2 semaphore(%arg22 : memref<!tpu.dma_semaphore, #tpu.memory_space<semaphore_mem>>) src(%dma_wait3A_272 : memref<80xi32, #tpu.memory_space<hbm>>) dst(%arg9 : memref<80xi32, #tpu.memory_space<vmem>>)
      %dma_start3A_273 = arith.constant 0 : i32
      %dma_start3A_274 = arith.constant 0 : i32
      %dma_start3A_275 = tpu.memref_slice %arg14[%dma_start3A_273, %dma_start3A_274] : memref<10000x128xf32, #tpu.memory_space<vmem_shared>> -> memref<10000x128xf32, #tpu.memory_space<vmem_shared>>
      tpu.enqueue_indirect_dma source(%arg12 : memref<80x128xf32, #tpu.memory_space<vmem>>) target(%dma_start3A_275 : memref<10000x128xf32, #tpu.memory_space<vmem_shared>>) offsets(%arg9 : memref<80xi32, #tpu.memory_space<vmem>>) semaphore(%arg19 : memref<!tpu.dma_semaphore, #tpu.memory_space<semaphore_mem>>) {add = true}
      %dma_wait3A_276 = arith.constant 0 : i32
      %dma_wait3A_277 = arith.constant 0 : i32
      %dma_wait3A_278 = tpu.memref_slice %arg14[%dma_wait3A_276, %dma_wait3A_277] : memref<10000x128xf32, #tpu.memory_space<vmem_shared>> -> memref<10000x128xf32, #tpu.memory_space<vmem_shared>>
      tpu.wait_indirect_dma semaphore(%arg19 : memref<!tpu.dma_semaphore, #tpu.memory_space<semaphore_mem>>) src(%arg12 : memref<80x128xf32, #tpu.memory_space<vmem>>) dst(%dma_wait3A_278 : memref<10000x128xf32, #tpu.memory_space<vmem_shared>>)
      %add3A_279 = arith.constant 3 : i32
      %add3A_280 = arith.addi %mul3A_225, %add3A_279 : i32
      %add3A_281 = arith.constant 1 : i32
      %add3A_282 = arith.addi %add3A_280, %add3A_281 : i32
      %add3A_283 = arith.addi %mul3A_2, %add3A_282 : i32
      %mul3A_284 = arith.constant 80 : i32
      %mul3A_285 = arith.muli %add3A_283, %mul3A_284 : i32
      %dma_start3A_286 = tpu.memref_slice %arg4[%mul3A_285] : memref<320000xi32, #tpu.memory_space<hbm>> -> memref<80xi32, #tpu.memory_space<hbm>>
      %dma_start3A_287 = tpu.memref_slice %arg4[%mul3A_285] : memref<320000xi32, #tpu.memory_space<hbm>> -> memref<80xi32, #tpu.memory_space<hbm>>
      tpu.enqueue_dma source(%dma_start3A_287 : memref<80xi32, #tpu.memory_space<hbm>>) target(%arg9 : memref<80xi32, #tpu.memory_space<vmem>>) target_semaphore(%arg22 : memref<!tpu.dma_semaphore, #tpu.memory_space<semaphore_mem>>)
      %mul3A_288 = arith.constant 80 : i32
      %mul3A_289 = arith.muli %add3A_282, %mul3A_288 : i32
      %dma_start3A_290 = tpu.memref_slice %arg7[%mul3A_289] : memref<10000xi32, #tpu.memory_space<vmem>> -> memref<80xi32, #tpu.memory_space<vmem>>
      %dma_start3A_291 = arith.constant 0 : i32
      %dma_start3A_292 = arith.constant 0 : i32
      %dma_start3A_293 = tpu.memref_slice %arg2[%dma_start3A_291, %dma_start3A_292] : memref<10000x128xf32, #tpu.memory_space<hbm>> -> memref<10000x128xf32, #tpu.memory_space<hbm>>
      tpu.enqueue_indirect_dma source(%dma_start3A_293 : memref<10000x128xf32, #tpu.memory_space<hbm>>) target(%arg12 : memref<80x128xf32, #tpu.memory_space<vmem>>) offsets(%dma_start3A_290 : memref<80xi32, #tpu.memory_space<vmem>>) semaphore(%arg16 : memref<!tpu.dma_semaphore, #tpu.memory_space<semaphore_mem>>)
      %add3A_294 = arith.constant 2 : i32
      %add3A_295 = arith.addi %mul3A_225, %add3A_294 : i32
      %mul3A_296 = arith.constant 80 : i32
      %mul3A_297 = arith.muli %add3A_295, %mul3A_296 : i32
      %dma_wait3A_298 = tpu.memref_slice %arg7[%mul3A_297] : memref<10000xi32, #tpu.memory_space<vmem>> -> memref<80xi32, #tpu.memory_space<vmem>>
      %dma_wait3A_299 = arith.constant 0 : i32
      %dma_wait3A_300 = arith.constant 0 : i32
      %dma_wait3A_301 = tpu.memref_slice %arg2[%dma_wait3A_299, %dma_wait3A_300] : memref<10000x128xf32, #tpu.memory_space<hbm>> -> memref<10000x128xf32, #tpu.memory_space<hbm>>
      tpu.wait_indirect_dma semaphore(%arg17 : memref<!tpu.dma_semaphore, #tpu.memory_space<semaphore_mem>>) src(%dma_wait3A_301 : memref<10000x128xf32, #tpu.memory_space<hbm>>) dst(%arg13 : memref<80x128xf32, #tpu.memory_space<vmem>>)
      %add3A_302 = arith.addi %mul3A_2, %add3A_295 : i32
      %mul3A_303 = arith.constant 80 : i32
      %mul3A_304 = arith.muli %add3A_302, %mul3A_303 : i32
      %dma_wait3A_305 = tpu.memref_slice %arg4[%mul3A_304] : memref<320000xi32, #tpu.memory_space<hbm>> -> memref<80xi32, #tpu.memory_space<hbm>>
      %dma_wait3A_306 = tpu.memref_slice %arg4[%mul3A_304] : memref<320000xi32, #tpu.memory_space<hbm>> -> memref<80xi32, #tpu.memory_space<hbm>>
      tpu.wait_dma2 semaphore(%arg23 : memref<!tpu.dma_semaphore, #tpu.memory_space<semaphore_mem>>) src(%dma_wait3A_306 : memref<80xi32, #tpu.memory_space<hbm>>) dst(%arg10 : memref<80xi32, #tpu.memory_space<vmem>>)
      %dma_start3A_307 = arith.constant 0 : i32
      %dma_start3A_308 = arith.constant 0 : i32
      %dma_start3A_309 = tpu.memref_slice %arg14[%dma_start3A_307, %dma_start3A_308] : memref<10000x128xf32, #tpu.memory_space<vmem_shared>> -> memref<10000x128xf32, #tpu.memory_space<vmem_shared>>
      tpu.enqueue_indirect_dma source(%arg13 : memref<80x128xf32, #tpu.memory_space<vmem>>) target(%dma_start3A_309 : memref<10000x128xf32, #tpu.memory_space<vmem_shared>>) offsets(%arg10 : memref<80xi32, #tpu.memory_space<vmem>>) semaphore(%arg20 : memref<!tpu.dma_semaphore, #tpu.memory_space<semaphore_mem>>) {add = true}
      %dma_wait3A_310 = arith.constant 0 : i32
      %dma_wait3A_311 = arith.constant 0 : i32
      %dma_wait3A_312 = tpu.memref_slice %arg14[%dma_wait3A_310, %dma_wait3A_311] : memref<10000x128xf32, #tpu.memory_space<vmem_shared>> -> memref<10000x128xf32, #tpu.memory_space<vmem_shared>>
      tpu.wait_indirect_dma semaphore(%arg20 : memref<!tpu.dma_semaphore, #tpu.memory_space<semaphore_mem>>) src(%arg13 : memref<80x128xf32, #tpu.memory_space<vmem>>) dst(%dma_wait3A_312 : memref<10000x128xf32, #tpu.memory_space<vmem_shared>>)
      %add3A_313 = arith.constant 3 : i32
      %add3A_314 = arith.addi %mul3A_225, %add3A_313 : i32
      %add3A_315 = arith.constant 2 : i32
      %add3A_316 = arith.addi %add3A_314, %add3A_315 : i32
      %add3A_317 = arith.addi %mul3A_2, %add3A_316 : i32
      %mul3A_318 = arith.constant 80 : i32
      %mul3A_319 = arith.muli %add3A_317, %mul3A_318 : i32
      %dma_start3A_320 = tpu.memref_slice %arg4[%mul3A_319] : memref<320000xi32, #tpu.memory_space<hbm>> -> memref<80xi32, #tpu.memory_space<hbm>>
      %dma_start3A_321 = tpu.memref_slice %arg4[%mul3A_319] : memref<320000xi32, #tpu.memory_space<hbm>> -> memref<80xi32, #tpu.memory_space<hbm>>
      tpu.enqueue_dma source(%dma_start3A_321 : memref<80xi32, #tpu.memory_space<hbm>>) target(%arg10 : memref<80xi32, #tpu.memory_space<vmem>>) target_semaphore(%arg23 : memref<!tpu.dma_semaphore, #tpu.memory_space<semaphore_mem>>)
      %mul3A_322 = arith.constant 80 : i32
      %mul3A_323 = arith.muli %add3A_316, %mul3A_322 : i32
      %dma_start3A_324 = tpu.memref_slice %arg7[%mul3A_323] : memref<10000xi32, #tpu.memory_space<vmem>> -> memref<80xi32, #tpu.memory_space<vmem>>
      %dma_start3A_325 = arith.constant 0 : i32
      %dma_start3A_326 = arith.constant 0 : i32
      %dma_start3A_327 = tpu.memref_slice %arg2[%dma_start3A_325, %dma_start3A_326] : memref<10000x128xf32, #tpu.memory_space<hbm>> -> memref<10000x128xf32, #tpu.memory_space<hbm>>
      tpu.enqueue_indirect_dma source(%dma_start3A_327 : memref<10000x128xf32, #tpu.memory_space<hbm>>) target(%arg13 : memref<80x128xf32, #tpu.memory_space<vmem>>) offsets(%dma_start3A_324 : memref<80xi32, #tpu.memory_space<vmem>>) semaphore(%arg17 : memref<!tpu.dma_semaphore, #tpu.memory_space<semaphore_mem>>)
    }
    %scan3A_75 = arith.constant 40 : i32
    %dma_wait3A = arith.constant 9600 : i32
    %dma_wait3A_76 = tpu.memref_slice %arg7[%dma_wait3A] : memref<10000xi32, #tpu.memory_space<vmem>> -> memref<80xi32, #tpu.memory_space<vmem>>
    %dma_wait3A_77 = arith.constant 0 : i32
    %dma_wait3A_78 = arith.constant 0 : i32
    %dma_wait3A_79 = tpu.memref_slice %arg2[%dma_wait3A_77, %dma_wait3A_78] : memref<10000x128xf32, #tpu.memory_space<hbm>> -> memref<10000x128xf32, #tpu.memory_space<hbm>>
    tpu.wait_indirect_dma semaphore(%arg15 : memref<!tpu.dma_semaphore, #tpu.memory_space<semaphore_mem>>) src(%dma_wait3A_79 : memref<10000x128xf32, #tpu.memory_space<hbm>>) dst(%arg11 : memref<80x128xf32, #tpu.memory_space<vmem>>)
    %add3A_80 = arith.constant 120 : i32
    %add3A_81 = arith.addi %mul3A_2, %add3A_80 : i32
    %mul3A_82 = arith.constant 80 : i32
    %mul3A_83 = arith.muli %add3A_81, %mul3A_82 : i32
    %dma_wait3A_84 = tpu.memref_slice %arg4[%mul3A_83] : memref<320000xi32, #tpu.memory_space<hbm>> -> memref<80xi32, #tpu.memory_space<hbm>>
    %dma_wait3A_85 = tpu.memref_slice %arg4[%mul3A_83] : memref<320000xi32, #tpu.memory_space<hbm>> -> memref<80xi32, #tpu.memory_space<hbm>>
    tpu.wait_dma2 semaphore(%arg21 : memref<!tpu.dma_semaphore, #tpu.memory_space<semaphore_mem>>) src(%dma_wait3A_85 : memref<80xi32, #tpu.memory_space<hbm>>) dst(%arg8 : memref<80xi32, #tpu.memory_space<vmem>>)
    %dma_start3A_86 = arith.constant 0 : i32
    %dma_start3A_87 = arith.constant 0 : i32
    %dma_start3A_88 = tpu.memref_slice %arg14[%dma_start3A_86, %dma_start3A_87] : memref<10000x128xf32, #tpu.memory_space<vmem_shared>> -> memref<10000x128xf32, #tpu.memory_space<vmem_shared>>
    tpu.enqueue_indirect_dma source(%arg11 : memref<80x128xf32, #tpu.memory_space<vmem>>) target(%dma_start3A_88 : memref<10000x128xf32, #tpu.memory_space<vmem_shared>>) offsets(%arg8 : memref<80xi32, #tpu.memory_space<vmem>>) semaphore(%arg18 : memref<!tpu.dma_semaphore, #tpu.memory_space<semaphore_mem>>) {add = true}
    %dma_wait3A_89 = arith.constant 0 : i32
    %dma_wait3A_90 = arith.constant 0 : i32
    %dma_wait3A_91 = tpu.memref_slice %arg14[%dma_wait3A_89, %dma_wait3A_90] : memref<10000x128xf32, #tpu.memory_space<vmem_shared>> -> memref<10000x128xf32, #tpu.memory_space<vmem_shared>>
    tpu.wait_indirect_dma semaphore(%arg18 : memref<!tpu.dma_semaphore, #tpu.memory_space<semaphore_mem>>) src(%arg11 : memref<80x128xf32, #tpu.memory_space<vmem>>) dst(%dma_wait3A_91 : memref<10000x128xf32, #tpu.memory_space<vmem_shared>>)
    %add3A_92 = arith.constant 123 : i32
    %add3A_93 = arith.addi %mul3A_2, %add3A_92 : i32
    %mul3A_94 = arith.constant 80 : i32
    %mul3A_95 = arith.muli %add3A_93, %mul3A_94 : i32
    %dma_start3A_96 = tpu.memref_slice %arg4[%mul3A_95] : memref<320000xi32, #tpu.memory_space<hbm>> -> memref<80xi32, #tpu.memory_space<hbm>>
    %dma_start3A_97 = tpu.memref_slice %arg4[%mul3A_95] : memref<320000xi32, #tpu.memory_space<hbm>> -> memref<80xi32, #tpu.memory_space<hbm>>
    tpu.enqueue_dma source(%dma_start3A_97 : memref<80xi32, #tpu.memory_space<hbm>>) target(%arg8 : memref<80xi32, #tpu.memory_space<vmem>>) target_semaphore(%arg21 : memref<!tpu.dma_semaphore, #tpu.memory_space<semaphore_mem>>)
    %dma_start3A_98 = arith.constant 9840 : i32
    %dma_start3A_99 = tpu.memref_slice %arg7[%dma_start3A_98] : memref<10000xi32, #tpu.memory_space<vmem>> -> memref<80xi32, #tpu.memory_space<vmem>>
    %dma_start3A_100 = arith.constant 0 : i32
    %dma_start3A_101 = arith.constant 0 : i32
    %dma_start3A_102 = tpu.memref_slice %arg2[%dma_start3A_100, %dma_start3A_101] : memref<10000x128xf32, #tpu.memory_space<hbm>> -> memref<10000x128xf32, #tpu.memory_space<hbm>>
    tpu.enqueue_indirect_dma source(%dma_start3A_102 : memref<10000x128xf32, #tpu.memory_space<hbm>>) target(%arg11 : memref<80x128xf32, #tpu.memory_space<vmem>>) offsets(%dma_start3A_99 : memref<80xi32, #tpu.memory_space<vmem>>) semaphore(%arg15 : memref<!tpu.dma_semaphore, #tpu.memory_space<semaphore_mem>>)
    %dma_wait3A_103 = arith.constant 9680 : i32
    %dma_wait3A_104 = tpu.memref_slice %arg7[%dma_wait3A_103] : memref<10000xi32, #tpu.memory_space<vmem>> -> memref<80xi32, #tpu.memory_space<vmem>>
    %dma_wait3A_105 = arith.constant 0 : i32
    %dma_wait3A_106 = arith.constant 0 : i32
    %dma_wait3A_107 = tpu.memref_slice %arg2[%dma_wait3A_105, %dma_wait3A_106] : memref<10000x128xf32, #tpu.memory_space<hbm>> -> memref<10000x128xf32, #tpu.memory_space<hbm>>
    tpu.wait_indirect_dma semaphore(%arg16 : memref<!tpu.dma_semaphore, #tpu.memory_space<semaphore_mem>>) src(%dma_wait3A_107 : memref<10000x128xf32, #tpu.memory_space<hbm>>) dst(%arg12 : memref<80x128xf32, #tpu.memory_space<vmem>>)
    %add3A_108 = arith.constant 121 : i32
    %add3A_109 = arith.addi %mul3A_2, %add3A_108 : i32
    %mul3A_110 = arith.constant 80 : i32
    %mul3A_111 = arith.muli %add3A_109, %mul3A_110 : i32
    %dma_wait3A_112 = tpu.memref_slice %arg4[%mul3A_111] : memref<320000xi32, #tpu.memory_space<hbm>> -> memref<80xi32, #tpu.memory_space<hbm>>
    %dma_wait3A_113 = tpu.memref_slice %arg4[%mul3A_111] : memref<320000xi32, #tpu.memory_space<hbm>> -> memref<80xi32, #tpu.memory_space<hbm>>
    tpu.wait_dma2 semaphore(%arg22 : memref<!tpu.dma_semaphore, #tpu.memory_space<semaphore_mem>>) src(%dma_wait3A_113 : memref<80xi32, #tpu.memory_space<hbm>>) dst(%arg9 : memref<80xi32, #tpu.memory_space<vmem>>)
    %dma_start3A_114 = arith.constant 0 : i32
    %dma_start3A_115 = arith.constant 0 : i32
    %dma_start3A_116 = tpu.memref_slice %arg14[%dma_start3A_114, %dma_start3A_115] : memref<10000x128xf32, #tpu.memory_space<vmem_shared>> -> memref<10000x128xf32, #tpu.memory_space<vmem_shared>>
    tpu.enqueue_indirect_dma source(%arg12 : memref<80x128xf32, #tpu.memory_space<vmem>>) target(%dma_start3A_116 : memref<10000x128xf32, #tpu.memory_space<vmem_shared>>) offsets(%arg9 : memref<80xi32, #tpu.memory_space<vmem>>) semaphore(%arg19 : memref<!tpu.dma_semaphore, #tpu.memory_space<semaphore_mem>>) {add = true}
    %dma_wait3A_117 = arith.constant 0 : i32
    %dma_wait3A_118 = arith.constant 0 : i32
    %dma_wait3A_119 = tpu.memref_slice %arg14[%dma_wait3A_117, %dma_wait3A_118] : memref<10000x128xf32, #tpu.memory_space<vmem_shared>> -> memref<10000x128xf32, #tpu.memory_space<vmem_shared>>
    tpu.wait_indirect_dma semaphore(%arg19 : memref<!tpu.dma_semaphore, #tpu.memory_space<semaphore_mem>>) src(%arg12 : memref<80x128xf32, #tpu.memory_space<vmem>>) dst(%dma_wait3A_119 : memref<10000x128xf32, #tpu.memory_space<vmem_shared>>)
    %add3A_120 = arith.constant 124 : i32
    %add3A_121 = arith.addi %mul3A_2, %add3A_120 : i32
    %mul3A_122 = arith.constant 80 : i32
    %mul3A_123 = arith.muli %add3A_121, %mul3A_122 : i32
    %dma_start3A_124 = tpu.memref_slice %arg4[%mul3A_123] : memref<320000xi32, #tpu.memory_space<hbm>> -> memref<80xi32, #tpu.memory_space<hbm>>
    %dma_start3A_125 = tpu.memref_slice %arg4[%mul3A_123] : memref<320000xi32, #tpu.memory_space<hbm>> -> memref<80xi32, #tpu.memory_space<hbm>>
    tpu.enqueue_dma source(%dma_start3A_125 : memref<80xi32, #tpu.memory_space<hbm>>) target(%arg9 : memref<80xi32, #tpu.memory_space<vmem>>) target_semaphore(%arg22 : memref<!tpu.dma_semaphore, #tpu.memory_space<semaphore_mem>>)
    %dma_start3A_126 = arith.constant 9920 : i32
    %dma_start3A_127 = tpu.memref_slice %arg7[%dma_start3A_126] : memref<10000xi32, #tpu.memory_space<vmem>> -> memref<80xi32, #tpu.memory_space<vmem>>
    %dma_start3A_128 = arith.constant 0 : i32
    %dma_start3A_129 = arith.constant 0 : i32
    %dma_start3A_130 = tpu.memref_slice %arg2[%dma_start3A_128, %dma_start3A_129] : memref<10000x128xf32, #tpu.memory_space<hbm>> -> memref<10000x128xf32, #tpu.memory_space<hbm>>
    tpu.enqueue_indirect_dma source(%dma_start3A_130 : memref<10000x128xf32, #tpu.memory_space<hbm>>) target(%arg12 : memref<80x128xf32, #tpu.memory_space<vmem>>) offsets(%dma_start3A_127 : memref<80xi32, #tpu.memory_space<vmem>>) semaphore(%arg16 : memref<!tpu.dma_semaphore, #tpu.memory_space<semaphore_mem>>)
    %dma_wait3A_131 = arith.constant 9760 : i32
    %dma_wait3A_132 = tpu.memref_slice %arg7[%dma_wait3A_131] : memref<10000xi32, #tpu.memory_space<vmem>> -> memref<80xi32, #tpu.memory_space<vmem>>
    %dma_wait3A_133 = arith.constant 0 : i32
    %dma_wait3A_134 = arith.constant 0 : i32
    %dma_wait3A_135 = tpu.memref_slice %arg2[%dma_wait3A_133, %dma_wait3A_134] : memref<10000x128xf32, #tpu.memory_space<hbm>> -> memref<10000x128xf32, #tpu.memory_space<hbm>>
    tpu.wait_indirect_dma semaphore(%arg17 : memref<!tpu.dma_semaphore, #tpu.memory_space<semaphore_mem>>) src(%dma_wait3A_135 : memref<10000x128xf32, #tpu.memory_space<hbm>>) dst(%arg13 : memref<80x128xf32, #tpu.memory_space<vmem>>)
    %add3A_136 = arith.constant 122 : i32
    %add3A_137 = arith.addi %mul3A_2, %add3A_136 : i32
    %mul3A_138 = arith.constant 80 : i32
    %mul3A_139 = arith.muli %add3A_137, %mul3A_138 : i32
    %dma_wait3A_140 = tpu.memref_slice %arg4[%mul3A_139] : memref<320000xi32, #tpu.memory_space<hbm>> -> memref<80xi32, #tpu.memory_space<hbm>>
    %dma_wait3A_141 = tpu.memref_slice %arg4[%mul3A_139] : memref<320000xi32, #tpu.memory_space<hbm>> -> memref<80xi32, #tpu.memory_space<hbm>>
    tpu.wait_dma2 semaphore(%arg23 : memref<!tpu.dma_semaphore, #tpu.memory_space<semaphore_mem>>) src(%dma_wait3A_141 : memref<80xi32, #tpu.memory_space<hbm>>) dst(%arg10 : memref<80xi32, #tpu.memory_space<vmem>>)
    %dma_start3A_142 = arith.constant 0 : i32
    %dma_start3A_143 = arith.constant 0 : i32
    %dma_start3A_144 = tpu.memref_slice %arg14[%dma_start3A_142, %dma_start3A_143] : memref<10000x128xf32, #tpu.memory_space<vmem_shared>> -> memref<10000x128xf32, #tpu.memory_space<vmem_shared>>
    tpu.enqueue_indirect_dma source(%arg13 : memref<80x128xf32, #tpu.memory_space<vmem>>) target(%dma_start3A_144 : memref<10000x128xf32, #tpu.memory_space<vmem_shared>>) offsets(%arg10 : memref<80xi32, #tpu.memory_space<vmem>>) semaphore(%arg20 : memref<!tpu.dma_semaphore, #tpu.memory_space<semaphore_mem>>) {add = true}
    %dma_wait3A_145 = arith.constant 0 : i32
    %dma_wait3A_146 = arith.constant 0 : i32
    %dma_wait3A_147 = tpu.memref_slice %arg14[%dma_wait3A_145, %dma_wait3A_146] : memref<10000x128xf32, #tpu.memory_space<vmem_shared>> -> memref<10000x128xf32, #tpu.memory_space<vmem_shared>>
    tpu.wait_indirect_dma semaphore(%arg20 : memref<!tpu.dma_semaphore, #tpu.memory_space<semaphore_mem>>) src(%arg13 : memref<80x128xf32, #tpu.memory_space<vmem>>) dst(%dma_wait3A_147 : memref<10000x128xf32, #tpu.memory_space<vmem_shared>>)
    %dma_wait3A_148 = arith.constant 9840 : i32
    %dma_wait3A_149 = tpu.memref_slice %arg7[%dma_wait3A_148] : memref<10000xi32, #tpu.memory_space<vmem>> -> memref<80xi32, #tpu.memory_space<vmem>>
    %dma_wait3A_150 = arith.constant 0 : i32
    %dma_wait3A_151 = arith.constant 0 : i32
    %dma_wait3A_152 = tpu.memref_slice %arg2[%dma_wait3A_150, %dma_wait3A_151] : memref<10000x128xf32, #tpu.memory_space<hbm>> -> memref<10000x128xf32, #tpu.memory_space<hbm>>
    tpu.wait_indirect_dma semaphore(%arg15 : memref<!tpu.dma_semaphore, #tpu.memory_space<semaphore_mem>>) src(%dma_wait3A_152 : memref<10000x128xf32, #tpu.memory_space<hbm>>) dst(%arg11 : memref<80x128xf32, #tpu.memory_space<vmem>>)
    %add3A_153 = arith.constant 123 : i32
    %add3A_154 = arith.addi %mul3A_2, %add3A_153 : i32
    %mul3A_155 = arith.constant 80 : i32
    %mul3A_156 = arith.muli %add3A_154, %mul3A_155 : i32
    %dma_wait3A_157 = tpu.memref_slice %arg4[%mul3A_156] : memref<320000xi32, #tpu.memory_space<hbm>> -> memref<80xi32, #tpu.memory_space<hbm>>
    %dma_wait3A_158 = tpu.memref_slice %arg4[%mul3A_156] : memref<320000xi32, #tpu.memory_space<hbm>> -> memref<80xi32, #tpu.memory_space<hbm>>
    tpu.wait_dma2 semaphore(%arg21 : memref<!tpu.dma_semaphore, #tpu.memory_space<semaphore_mem>>) src(%dma_wait3A_158 : memref<80xi32, #tpu.memory_space<hbm>>) dst(%arg8 : memref<80xi32, #tpu.memory_space<vmem>>)
    %dma_start3A_159 = arith.constant 0 : i32
    %dma_start3A_160 = arith.constant 0 : i32
    %dma_start3A_161 = tpu.memref_slice %arg14[%dma_start3A_159, %dma_start3A_160] : memref<10000x128xf32, #tpu.memory_space<vmem_shared>> -> memref<10000x128xf32, #tpu.memory_space<vmem_shared>>
    tpu.enqueue_indirect_dma source(%arg11 : memref<80x128xf32, #tpu.memory_space<vmem>>) target(%dma_start3A_161 : memref<10000x128xf32, #tpu.memory_space<vmem_shared>>) offsets(%arg8 : memref<80xi32, #tpu.memory_space<vmem>>) semaphore(%arg18 : memref<!tpu.dma_semaphore, #tpu.memory_space<semaphore_mem>>) {add = true}
    %dma_wait3A_162 = arith.constant 0 : i32
    %dma_wait3A_163 = arith.constant 0 : i32
    %dma_wait3A_164 = tpu.memref_slice %arg14[%dma_wait3A_162, %dma_wait3A_163] : memref<10000x128xf32, #tpu.memory_space<vmem_shared>> -> memref<10000x128xf32, #tpu.memory_space<vmem_shared>>
    tpu.wait_indirect_dma semaphore(%arg18 : memref<!tpu.dma_semaphore, #tpu.memory_space<semaphore_mem>>) src(%arg11 : memref<80x128xf32, #tpu.memory_space<vmem>>) dst(%dma_wait3A_164 : memref<10000x128xf32, #tpu.memory_space<vmem_shared>>)
    %dma_wait3A_165 = arith.constant 9920 : i32
    %dma_wait3A_166 = tpu.memref_slice %arg7[%dma_wait3A_165] : memref<10000xi32, #tpu.memory_space<vmem>> -> memref<80xi32, #tpu.memory_space<vmem>>
    %dma_wait3A_167 = arith.constant 0 : i32
    %dma_wait3A_168 = arith.constant 0 : i32
    %dma_wait3A_169 = tpu.memref_slice %arg2[%dma_wait3A_167, %dma_wait3A_168] : memref<10000x128xf32, #tpu.memory_space<hbm>> -> memref<10000x128xf32, #tpu.memory_space<hbm>>
    tpu.wait_indirect_dma semaphore(%arg16 : memref<!tpu.dma_semaphore, #tpu.memory_space<semaphore_mem>>) src(%dma_wait3A_169 : memref<10000x128xf32, #tpu.memory_space<hbm>>) dst(%arg12 : memref<80x128xf32, #tpu.memory_space<vmem>>)
    %add3A_170 = arith.constant 124 : i32
    %add3A_171 = arith.addi %mul3A_2, %add3A_170 : i32
    %mul3A_172 = arith.constant 80 : i32
    %mul3A_173 = arith.muli %add3A_171, %mul3A_172 : i32
    %dma_wait3A_174 = tpu.memref_slice %arg4[%mul3A_173] : memref<320000xi32, #tpu.memory_space<hbm>> -> memref<80xi32, #tpu.memory_space<hbm>>
    %dma_wait3A_175 = tpu.memref_slice %arg4[%mul3A_173] : memref<320000xi32, #tpu.memory_space<hbm>> -> memref<80xi32, #tpu.memory_space<hbm>>
    tpu.wait_dma2 semaphore(%arg22 : memref<!tpu.dma_semaphore, #tpu.memory_space<semaphore_mem>>) src(%dma_wait3A_175 : memref<80xi32, #tpu.memory_space<hbm>>) dst(%arg9 : memref<80xi32, #tpu.memory_space<vmem>>)
    %dma_start3A_176 = arith.constant 0 : i32
    %dma_start3A_177 = arith.constant 0 : i32
    %dma_start3A_178 = tpu.memref_slice %arg14[%dma_start3A_176, %dma_start3A_177] : memref<10000x128xf32, #tpu.memory_space<vmem_shared>> -> memref<10000x128xf32, #tpu.memory_space<vmem_shared>>
    tpu.enqueue_indirect_dma source(%arg12 : memref<80x128xf32, #tpu.memory_space<vmem>>) target(%dma_start3A_178 : memref<10000x128xf32, #tpu.memory_space<vmem_shared>>) offsets(%arg9 : memref<80xi32, #tpu.memory_space<vmem>>) semaphore(%arg19 : memref<!tpu.dma_semaphore, #tpu.memory_space<semaphore_mem>>) {add = true}
    %dma_wait3A_179 = arith.constant 0 : i32
    %dma_wait3A_180 = arith.constant 0 : i32
    %dma_wait3A_181 = tpu.memref_slice %arg14[%dma_wait3A_179, %dma_wait3A_180] : memref<10000x128xf32, #tpu.memory_space<vmem_shared>> -> memref<10000x128xf32, #tpu.memory_space<vmem_shared>>
    tpu.wait_indirect_dma semaphore(%arg19 : memref<!tpu.dma_semaphore, #tpu.memory_space<semaphore_mem>>) src(%arg12 : memref<80x128xf32, #tpu.memory_space<vmem>>) dst(%dma_wait3A_181 : memref<10000x128xf32, #tpu.memory_space<vmem_shared>>)
    %barrier3A_182 = arith.constant 0 : index
    tpu.barrier barrier_id(%barrier3A_182)
    %sub3A_183 = arith.constant 50 : i32
    %sub3A_184 = arith.subi %sub3A_183, %arg1 : i32
    %sub3A_185 = arith.constant 16 : i32
    %sub3A_186 = arith.constant 1 : i32
    %sub3A_187 = arith.subi %sub3A_185, %sub3A_186 : i32
    %add3A_188 = arith.addi %sub3A_184, %sub3A_187 : i32
    %div3A_189 = arith.constant 16 : i32
    %div3A_190 = arith.divsi %add3A_188, %div3A_189 : i32
    %while3A_191 = arith.constant 16 : i32
    %while3A_192 = arith.constant 0 : i32
    %while3A_193 = arith.subi %div3A_190, %while3A_192 : i32
    %while3A_194 = arith.addi %while3A_192, %while3A_193 : i32
    %while3A_195 = arith.constant 1 : i32
    %while3A_196 = arith.divsi %while3A_193, %while3A_195 : i32
    %while3A_197 = arith.muli %while3A_196, %while3A_195 : i32
    %while3A_198 = arith.addi %while3A_192, %while3A_197 : i32
    %while3A_199 = arith.constant 1 : i32
    scf.for %while3A_219 = %while3A_192 to %while3A_198 step %while3A_199  : i32 {
      %mul3A_220 = arith.muli %while3A_219, %while3A_191 : i32
      %add3A_221 = arith.addi %arg1, %mul3A_220 : i32
      %mul3A_222 = arith.constant 200 : i32
      %mul3A_223 = arith.muli %add3A_221, %mul3A_222 : i32
      %mul3A_224 = arith.constant 200 : i32
      %mul3A_225 = arith.muli %add3A_221, %mul3A_224 : i32
      %dma_start3A_226 = arith.constant 0 : i32
      %dma_start3A_227 = tpu.memref_slice %arg6[%arg0, %mul3A_225, %dma_start3A_226] : memref<2x10000x128xf32, #tpu.memory_space<hbm>> -> memref<1x200x128xf32, #tpu.memory_space<hbm>>
      %dma_start3A_228 = tpu.memref_squeeze %dma_start3A_227 : memref<1x200x128xf32, #tpu.memory_space<hbm>> -> memref<200x128xf32, #tpu.memory_space<hbm>>
      %dma_start3A_229 = arith.constant 0 : i32
      %dma_start3A_230 = tpu.memref_slice %arg14[%mul3A_223, %dma_start3A_229] : memref<10000x128xf32, #tpu.memory_space<vmem_shared>> -> memref<200x128xf32, #tpu.memory_space<vmem_shared>>
      tpu.enqueue_dma source(%dma_start3A_230 : memref<200x128xf32, #tpu.memory_space<vmem_shared>>) target(%dma_start3A_228 : memref<200x128xf32, #tpu.memory_space<hbm>>) target_semaphore(%arg24 : memref<!tpu.dma_semaphore, #tpu.memory_space<semaphore_mem>>)
    }
    %while3A_200 = arith.constant 1 : i32
    scf.for %while3A_219 = %while3A_198 to %while3A_194 step %while3A_200  : i32 {
      %mul3A_220 = arith.muli %while3A_219, %while3A_191 : i32
      %add3A_221 = arith.addi %arg1, %mul3A_220 : i32
      %mul3A_222 = arith.constant 200 : i32
      %mul3A_223 = arith.muli %add3A_221, %mul3A_222 : i32
      %mul3A_224 = arith.constant 200 : i32
      %mul3A_225 = arith.muli %add3A_221, %mul3A_224 : i32
      %dma_start3A_226 = arith.constant 0 : i32
      %dma_start3A_227 = tpu.memref_slice %arg6[%arg0, %mul3A_225, %dma_start3A_226] : memref<2x10000x128xf32, #tpu.memory_space<hbm>> -> memref<1x200x128xf32, #tpu.memory_space<hbm>>
      %dma_start3A_228 = tpu.memref_squeeze %dma_start3A_227 : memref<1x200x128xf32, #tpu.memory_space<hbm>> -> memref<200x128xf32, #tpu.memory_space<hbm>>
      %dma_start3A_229 = arith.constant 0 : i32
      %dma_start3A_230 = tpu.memref_slice %arg14[%mul3A_223, %dma_start3A_229] : memref<10000x128xf32, #tpu.memory_space<vmem_shared>> -> memref<200x128xf32, #tpu.memory_space<vmem_shared>>
      tpu.enqueue_dma source(%dma_start3A_230 : memref<200x128xf32, #tpu.memory_space<vmem_shared>>) target(%dma_start3A_228 : memref<200x128xf32, #tpu.memory_space<hbm>>) target_semaphore(%arg24 : memref<!tpu.dma_semaphore, #tpu.memory_space<semaphore_mem>>)
    }
    %sub3A_201 = arith.constant 50 : i32
    %sub3A_202 = arith.subi %sub3A_201, %arg1 : i32
    %sub3A_203 = arith.constant 16 : i32
    %sub3A_204 = arith.constant 1 : i32
    %sub3A_205 = arith.subi %sub3A_203, %sub3A_204 : i32
    %add3A_206 = arith.addi %sub3A_202, %sub3A_205 : i32
    %div3A_207 = arith.constant 16 : i32
    %div3A_208 = arith.divsi %add3A_206, %div3A_207 : i32
    %while3A_209 = arith.constant 16 : i32
    %while3A_210 = arith.constant 0 : i32
    %while3A_211 = arith.subi %div3A_208, %while3A_210 : i32
    %while3A_212 = arith.addi %while3A_210, %while3A_211 : i32
    %while3A_213 = arith.constant 1 : i32
    %while3A_214 = arith.divsi %while3A_211, %while3A_213 : i32
    %while3A_215 = arith.muli %while3A_214, %while3A_213 : i32
    %while3A_216 = arith.addi %while3A_210, %while3A_215 : i32
    %while3A_217 = arith.constant 1 : i32
    scf.for %while3A_219 = %while3A_210 to %while3A_216 step %while3A_217  : i32 {
      %mul3A_220 = arith.muli %while3A_219, %while3A_209 : i32
      %add3A_221 = arith.addi %arg1, %mul3A_220 : i32
      %mul3A_222 = arith.constant 200 : i32
      %mul3A_223 = arith.muli %add3A_221, %mul3A_222 : i32
      %mul3A_224 = arith.constant 200 : i32
      %mul3A_225 = arith.muli %add3A_221, %mul3A_224 : i32
      %dma_wait3A_226 = arith.constant 0 : i32
      %dma_wait3A_227 = tpu.memref_slice %arg6[%arg0, %mul3A_225, %dma_wait3A_226] : memref<2x10000x128xf32, #tpu.memory_space<hbm>> -> memref<1x200x128xf32, #tpu.memory_space<hbm>>
      %dma_wait3A_228 = tpu.memref_squeeze %dma_wait3A_227 : memref<1x200x128xf32, #tpu.memory_space<hbm>> -> memref<200x128xf32, #tpu.memory_space<hbm>>
      %dma_wait3A_229 = arith.constant 0 : i32
      %dma_wait3A_230 = tpu.memref_slice %arg14[%mul3A_223, %dma_wait3A_229] : memref<10000x128xf32, #tpu.memory_space<vmem_shared>> -> memref<200x128xf32, #tpu.memory_space<vmem_shared>>
      tpu.wait_dma2 semaphore(%arg24 : memref<!tpu.dma_semaphore, #tpu.memory_space<semaphore_mem>>) src(%dma_wait3A_230 : memref<200x128xf32, #tpu.memory_space<vmem_shared>>) dst(%dma_wait3A_228 : memref<200x128xf32, #tpu.memory_space<hbm>>)
    }
    %while3A_218 = arith.constant 1 : i32
    scf.for %while3A_219 = %while3A_216 to %while3A_212 step %while3A_218  : i32 {
      %mul3A_220 = arith.muli %while3A_219, %while3A_209 : i32
      %add3A_221 = arith.addi %arg1, %mul3A_220 : i32
      %mul3A_222 = arith.constant 200 : i32
      %mul3A_223 = arith.muli %add3A_221, %mul3A_222 : i32
      %mul3A_224 = arith.constant 200 : i32
      %mul3A_225 = arith.muli %add3A_221, %mul3A_224 : i32
      %dma_wait3A_226 = arith.constant 0 : i32
      %dma_wait3A_227 = tpu.memref_slice %arg6[%arg0, %mul3A_225, %dma_wait3A_226] : memref<2x10000x128xf32, #tpu.memory_space<hbm>> -> memref<1x200x128xf32, #tpu.memory_space<hbm>>
      %dma_wait3A_228 = tpu.memref_squeeze %dma_wait3A_227 : memref<1x200x128xf32, #tpu.memory_space<hbm>> -> memref<200x128xf32, #tpu.memory_space<hbm>>
      %dma_wait3A_229 = arith.constant 0 : i32
      %dma_wait3A_230 = tpu.memref_slice %arg14[%mul3A_223, %dma_wait3A_229] : memref<10000x128xf32, #tpu.memory_space<vmem_shared>> -> memref<200x128xf32, #tpu.memory_space<vmem_shared>>
      tpu.wait_dma2 semaphore(%arg24 : memref<!tpu.dma_semaphore, #tpu.memory_space<semaphore_mem>>) src(%dma_wait3A_230 : memref<200x128xf32, #tpu.memory_space<vmem_shared>>) dst(%dma_wait3A_228 : memref<200x128xf32, #tpu.memory_space<hbm>>)
    }
    return
  }
}

#map = affine_map<(d0, d1) -> (0, 0)>
#map1 = affine_map<(d0, d1) -> (0)>
#map2 = affine_map<(d0, d1) -> (0, 0, 0)>
module attributes {stable_mosaic.version = 14 : i64} {
  func.func @_sc_segment_sum(%arg0: i32, %arg1: i32, %arg2: memref<10000x128xf32, #tpu.memory_space<hbm>>, %arg3: memref<320000xi32, #tpu.memory_space<hbm>>, %arg4: memref<320000xi32, #tpu.memory_space<hbm>>, %arg5: memref<80x128xf32, #tpu.memory_space<hbm>>, %arg6: memref<2x10000x128xf32, #tpu.memory_space<hbm>>, %arg7: memref<10000xi32, #tpu.memory_space<vmem>>, %arg8: memref<80xi32, #tpu.memory_space<vmem>>, %arg9: memref<80xi32, #tpu.memory_space<vmem>>, %arg10: memref<80xi32, #tpu.memory_space<vmem>>, %arg11: memref<80x128xf32, #tpu.memory_space<vmem>>, %arg12: memref<80x128xf32, #tpu.memory_space<vmem>>, %arg13: memref<80x128xf32, #tpu.memory_space<vmem>>, %arg14: memref<10000x128xf32, #tpu.memory_space<vmem_shared>>, %arg15: memref<!tpu.dma_semaphore, #tpu.memory_space<semaphore_mem>>, %arg16: memref<!tpu.dma_semaphore, #tpu.memory_space<semaphore_mem>>, %arg17: memref<!tpu.dma_semaphore, #tpu.memory_space<semaphore_mem>>, %arg18: memref<!tpu.dma_semaphore, #tpu.memory_space<semaphore_mem>>, %arg19: memref<!tpu.dma_semaphore, #tpu.memory_space<semaphore_mem>>, %arg20: memref<!tpu.dma_semaphore, #tpu.memory_space<semaphore_mem>>, %arg21: memref<!tpu.dma_semaphore, #tpu.memory_space<semaphore_mem>>, %arg22: memref<!tpu.dma_semaphore, #tpu.memory_space<semaphore_mem>>, %arg23: memref<!tpu.dma_semaphore, #tpu.memory_space<semaphore_mem>>, %arg24: memref<!tpu.dma_semaphore, #tpu.memory_space<semaphore_mem>>) attributes {dimension_semantics = [#tpu.dimension_semantics<core_parallel>, #tpu.dimension_semantics<subcore_parallel>], iteration_bounds = array<i64: 2, 16>, scalar_prefetch = 0 : i64, scratch_operands = 18 : i64, tpu.core_type = #tpu.core_type<sc_vector_subcore>, window_params = [{transform_indices = #map}, {transform_indices = #map1}, {transform_indices = #map1}, {transform_indices = #map}, {transform_indices = #map2}]} {
    %mul3A = arith.constant 2 : i32
    %mul3A_0 = arith.muli %arg1, %mul3A : i32
    %add3A = arith.addi %mul3A_0, %arg0 : i32
    %mul3A_1 = arith.constant 125 : i32
    %mul3A_2 = arith.muli %add3A, %mul3A_1 : i32
    %mul3A_3 = arith.constant 125 : i32
    %mul3A_4 = arith.muli %add3A, %mul3A_3 : i32
    %mul3A_5 = arith.constant 80 : i32
    %mul3A_6 = arith.muli %mul3A_4, %mul3A_5 : i32
    "tpu.region"() ({
      %run_scoped3A = tpu.sem_alloc : memref<!tpu.dma_semaphore, #tpu.memory_space<semaphore_mem>>
      %dma_start3A_219 = tpu.memref_slice %arg3[%mul3A_6] : memref<320000xi32, #tpu.memory_space<hbm>> -> memref<10000xi32, #tpu.memory_space<hbm>>
      %dma_start3A_220 = tpu.memref_slice %arg3[%mul3A_6] : memref<320000xi32, #tpu.memory_space<hbm>> -> memref<10000xi32, #tpu.memory_space<hbm>>
      tpu.enqueue_dma source(%dma_start3A_220 : memref<10000xi32, #tpu.memory_space<hbm>>) target(%arg7 : memref<10000xi32, #tpu.memory_space<vmem>>) target_semaphore(%run_scoped3A : memref<!tpu.dma_semaphore, #tpu.memory_space<semaphore_mem>>)
      %dma_wait3A_221 = tpu.memref_slice %arg3[%mul3A_6] : memref<320000xi32, #tpu.memory_space<hbm>> -> memref<10000xi32, #tpu.memory_space<hbm>>
      %dma_wait3A_222 = tpu.memref_slice %arg3[%mul3A_6] : memref<320000xi32, #tpu.memory_space<hbm>> -> memref<10000xi32, #tpu.memory_space<hbm>>
      tpu.wait_dma2 semaphore(%run_scoped3A : memref<!tpu.dma_semaphore, #tpu.memory_space<semaphore_mem>>) src(%dma_wait3A_222 : memref<10000xi32, #tpu.memory_space<hbm>>) dst(%arg7 : memref<10000xi32, #tpu.memory_space<vmem>>)
      tpu.yield
    }) : () -> ()
    %add3A_7 = arith.constant 0 : i32
    %add3A_8 = arith.addi %mul3A_2, %add3A_7 : i32
    %mul3A_9 = arith.constant 80 : i32
    %mul3A_10 = arith.muli %add3A_8, %mul3A_9 : i32
    %dma_start3A = tpu.memref_slice %arg4[%mul3A_10] : memref<320000xi32, #tpu.memory_space<hbm>> -> memref<80xi32, #tpu.memory_space<hbm>>
    %dma_start3A_11 = tpu.memref_slice %arg4[%mul3A_10] : memref<320000xi32, #tpu.memory_space<hbm>> -> memref<80xi32, #tpu.memory_space<hbm>>
    tpu.enqueue_dma source(%dma_start3A_11 : memref<80xi32, #tpu.memory_space<hbm>>) target(%arg8 : memref<80xi32, #tpu.memory_space<vmem>>) target_semaphore(%arg21 : memref<!tpu.dma_semaphore, #tpu.memory_space<semaphore_mem>>)
    %dma_start3A_12 = arith.constant 0 : i32
    %dma_start3A_13 = tpu.memref_slice %arg7[%dma_start3A_12] : memref<10000xi32, #tpu.memory_space<vmem>> -> memref<80xi32, #tpu.memory_space<vmem>>
    %dma_start3A_14 = arith.constant 0 : i32
    %dma_start3A_15 = arith.constant 0 : i32
    %dma_start3A_16 = tpu.memref_slice %arg2[%dma_start3A_14, %dma_start3A_15] : memref<10000x128xf32, #tpu.memory_space<hbm>> -> memref<10000x128xf32, #tpu.memory_space<hbm>>
    tpu.enqueue_indirect_dma source(%dma_start3A_16 : memref<10000x128xf32, #tpu.memory_space<hbm>>) target(%arg11 : memref<80x128xf32, #tpu.memory_space<vmem>>) offsets(%dma_start3A_13 : memref<80xi32, #tpu.memory_space<vmem>>) semaphore(%arg15 : memref<!tpu.dma_semaphore, #tpu.memory_space<semaphore_mem>>)
    %add3A_17 = arith.constant 1 : i32
    %add3A_18 = arith.addi %mul3A_2, %add3A_17 : i32
    %mul3A_19 = arith.constant 80 : i32
    %mul3A_20 = arith.muli %add3A_18, %mul3A_19 : i32
    %dma_start3A_21 = tpu.memref_slice %arg4[%mul3A_20] : memref<320000xi32, #tpu.memory_space<hbm>> -> memref<80xi32, #tpu.memory_space<hbm>>
    %dma_start3A_22 = tpu.memref_slice %arg4[%mul3A_20] : memref<320000xi32, #tpu.memory_space<hbm>> -> memref<80xi32, #tpu.memory_space<hbm>>
    tpu.enqueue_dma source(%dma_start3A_22 : memref<80xi32, #tpu.memory_space<hbm>>) target(%arg9 : memref<80xi32, #tpu.memory_space<vmem>>) target_semaphore(%arg22 : memref<!tpu.dma_semaphore, #tpu.memory_space<semaphore_mem>>)
    %dma_start3A_23 = arith.constant 80 : i32
    %dma_start3A_24 = tpu.memref_slice %arg7[%dma_start3A_23] : memref<10000xi32, #tpu.memory_space<vmem>> -> memref<80xi32, #tpu.memory_space<vmem>>
    %dma_start3A_25 = arith.constant 0 : i32
    %dma_start3A_26 = arith.constant 0 : i32
    %dma_start3A_27 = tpu.memref_slice %arg2[%dma_start3A_25, %dma_start3A_26] : memref<10000x128xf32, #tpu.memory_space<hbm>> -> memref<10000x128xf32, #tpu.memory_space<hbm>>
    tpu.enqueue_indirect_dma source(%dma_start3A_27 : memref<10000x128xf32, #tpu.memory_space<hbm>>) target(%arg12 : memref<80x128xf32, #tpu.memory_space<vmem>>) offsets(%dma_start3A_24 : memref<80xi32, #tpu.memory_space<vmem>>) semaphore(%arg16 : memref<!tpu.dma_semaphore, #tpu.memory_space<semaphore_mem>>)
    "tpu.region"() ({
      %run_scoped3A = tpu.sem_alloc : memref<!tpu.dma_semaphore, #tpu.memory_space<semaphore_mem>>
      tpu.enqueue_dma source(%arg5 : memref<80x128xf32, #tpu.memory_space<hbm>>) target(%arg13 : memref<80x128xf32, #tpu.memory_space<vmem>>) target_semaphore(%run_scoped3A : memref<!tpu.dma_semaphore, #tpu.memory_space<semaphore_mem>>)
      tpu.wait_dma2 semaphore(%run_scoped3A : memref<!tpu.dma_semaphore, #tpu.memory_space<semaphore_mem>>) src(%arg5 : memref<80x128xf32, #tpu.memory_space<hbm>>) dst(%arg13 : memref<80x128xf32, #tpu.memory_space<vmem>>)
      tpu.yield
    }) : () -> ()
    %sub3A = arith.constant 125 : i32
    %sub3A_28 = arith.subi %sub3A, %arg1 : i32
    %sub3A_29 = arith.constant 16 : i32
    %sub3A_30 = arith.constant 1 : i32
    %sub3A_31 = arith.subi %sub3A_29, %sub3A_30 : i32
    %add3A_32 = arith.addi %sub3A_28, %sub3A_31 : i32
    %div3A = arith.constant 16 : i32
    %div3A_33 = arith.divsi %add3A_32, %div3A : i32
    %while3A = arith.constant 16 : i32
    %while3A_34 = arith.constant 0 : i32
    %while3A_35 = arith.subi %div3A_33, %while3A_34 : i32
    %while3A_36 = arith.addi %while3A_34, %while3A_35 : i32
    %while3A_37 = arith.constant 1 : i32
    %while3A_38 = arith.divsi %while3A_35, %while3A_37 : i32
    %while3A_39 = arith.muli %while3A_38, %while3A_37 : i32
    %while3A_40 = arith.addi %while3A_34, %while3A_39 : i32
    %while3A_41 = arith.constant 1 : i32
    scf.for %while3A_219 = %while3A_34 to %while3A_40 step %while3A_41  : i32 {
      %mul3A_220 = arith.muli %while3A_219, %while3A : i32
      %add3A_221 = arith.addi %arg1, %mul3A_220 : i32
      %mul3A_222 = arith.constant 80 : i32
      %mul3A_223 = arith.muli %add3A_221, %mul3A_222 : i32
      %dma_start3A_224 = arith.constant 0 : i32
      %dma_start3A_225 = arith.constant 0 : i32
      %dma_start3A_226 = tpu.memref_slice %arg13[%dma_start3A_224, %dma_start3A_225] : memref<80x128xf32, #tpu.memory_space<vmem>> -> memref<80x128xf32, #tpu.memory_space<vmem>>
      %dma_start3A_227 = arith.constant 0 : i32
      %dma_start3A_228 = tpu.memref_slice %arg14[%mul3A_223, %dma_start3A_227] : memref<10000x128xf32, #tpu.memory_space<vmem_shared>> -> memref<80x128xf32, #tpu.memory_space<vmem_shared>>
      %dma_start3A_229 = arith.constant 0 : i32
      %dma_start3A_230 = tpu.memref_slice %arg14[%mul3A_223, %dma_start3A_229] : memref<10000x128xf32, #tpu.memory_space<vmem_shared>> -> memref<80x128xf32, #tpu.memory_space<vmem_shared>>
      %dma_start3A_231 = arith.constant 0 : i32
      %dma_start3A_232 = arith.constant 0 : i32
      %dma_start3A_233 = tpu.memref_slice %arg13[%dma_start3A_231, %dma_start3A_232] : memref<80x128xf32, #tpu.memory_space<vmem>> -> memref<80x128xf32, #tpu.memory_space<vmem>>
      tpu.enqueue_dma source(%dma_start3A_233 : memref<80x128xf32, #tpu.memory_space<vmem>>) target(%dma_start3A_230 : memref<80x128xf32, #tpu.memory_space<vmem_shared>>) target_semaphore(%arg24 : memref<!tpu.dma_semaphore, #tpu.memory_space<semaphore_mem>>)
    }
    %while3A_42 = arith.constant 1 : i32
    scf.for %while3A_219 = %while3A_40 to %while3A_36 step %while3A_42  : i32 {
      %mul3A_220 = arith.muli %while3A_219, %while3A : i32
      %add3A_221 = arith.addi %arg1, %mul3A_220 : i32
      %mul3A_222 = arith.constant 80 : i32
      %mul3A_223 = arith.muli %add3A_221, %mul3A_222 : i32
      %dma_start3A_224 = arith.constant 0 : i32
      %dma_start3A_225 = arith.constant 0 : i32
      %dma_start3A_226 = tpu.memref_slice %arg13[%dma_start3A_224, %dma_start3A_225] : memref<80x128xf32, #tpu.memory_space<vmem>> -> memref<80x128xf32, #tpu.memory_space<vmem>>
      %dma_start3A_227 = arith.constant 0 : i32
      %dma_start3A_228 = tpu.memref_slice %arg14[%mul3A_223, %dma_start3A_227] : memref<10000x128xf32, #tpu.memory_space<vmem_shared>> -> memref<80x128xf32, #tpu.memory_space<vmem_shared>>
      %dma_start3A_229 = arith.constant 0 : i32
      %dma_start3A_230 = tpu.memref_slice %arg14[%mul3A_223, %dma_start3A_229] : memref<10000x128xf32, #tpu.memory_space<vmem_shared>> -> memref<80x128xf32, #tpu.memory_space<vmem_shared>>
      %dma_start3A_231 = arith.constant 0 : i32
      %dma_start3A_232 = arith.constant 0 : i32
      %dma_start3A_233 = tpu.memref_slice %arg13[%dma_start3A_231, %dma_start3A_232] : memref<80x128xf32, #tpu.memory_space<vmem>> -> memref<80x128xf32, #tpu.memory_space<vmem>>
      tpu.enqueue_dma source(%dma_start3A_233 : memref<80x128xf32, #tpu.memory_space<vmem>>) target(%dma_start3A_230 : memref<80x128xf32, #tpu.memory_space<vmem_shared>>) target_semaphore(%arg24 : memref<!tpu.dma_semaphore, #tpu.memory_space<semaphore_mem>>)
    }
    %sub3A_43 = arith.constant 125 : i32
    %sub3A_44 = arith.subi %sub3A_43, %arg1 : i32
    %sub3A_45 = arith.constant 16 : i32
    %sub3A_46 = arith.constant 1 : i32
    %sub3A_47 = arith.subi %sub3A_45, %sub3A_46 : i32
    %add3A_48 = arith.addi %sub3A_44, %sub3A_47 : i32
    %div3A_49 = arith.constant 16 : i32
    %div3A_50 = arith.divsi %add3A_48, %div3A_49 : i32
    %while3A_51 = arith.constant 16 : i32
    %while3A_52 = arith.constant 0 : i32
    %while3A_53 = arith.subi %div3A_50, %while3A_52 : i32
    %while3A_54 = arith.addi %while3A_52, %while3A_53 : i32
    %while3A_55 = arith.constant 1 : i32
    %while3A_56 = arith.divsi %while3A_53, %while3A_55 : i32
    %while3A_57 = arith.muli %while3A_56, %while3A_55 : i32
    %while3A_58 = arith.addi %while3A_52, %while3A_57 : i32
    %while3A_59 = arith.constant 1 : i32
    scf.for %while3A_219 = %while3A_52 to %while3A_58 step %while3A_59  : i32 {
      %mul3A_220 = arith.muli %while3A_219, %while3A_51 : i32
      %add3A_221 = arith.addi %arg1, %mul3A_220 : i32
      %mul3A_222 = arith.constant 80 : i32
      %mul3A_223 = arith.muli %add3A_221, %mul3A_222 : i32
      %dma_wait3A_224 = arith.constant 0 : i32
      %dma_wait3A_225 = arith.constant 0 : i32
      %dma_wait3A_226 = tpu.memref_slice %arg13[%dma_wait3A_224, %dma_wait3A_225] : memref<80x128xf32, #tpu.memory_space<vmem>> -> memref<80x128xf32, #tpu.memory_space<vmem>>
      %dma_wait3A_227 = arith.constant 0 : i32
      %dma_wait3A_228 = tpu.memref_slice %arg14[%mul3A_223, %dma_wait3A_227] : memref<10000x128xf32, #tpu.memory_space<vmem_shared>> -> memref<80x128xf32, #tpu.memory_space<vmem_shared>>
      %dma_wait3A_229 = arith.constant 0 : i32
      %dma_wait3A_230 = tpu.memref_slice %arg14[%mul3A_223, %dma_wait3A_229] : memref<10000x128xf32, #tpu.memory_space<vmem_shared>> -> memref<80x128xf32, #tpu.memory_space<vmem_shared>>
      %dma_wait3A_231 = arith.constant 0 : i32
      %dma_wait3A_232 = arith.constant 0 : i32
      %dma_wait3A_233 = tpu.memref_slice %arg13[%dma_wait3A_231, %dma_wait3A_232] : memref<80x128xf32, #tpu.memory_space<vmem>> -> memref<80x128xf32, #tpu.memory_space<vmem>>
      tpu.wait_dma2 semaphore(%arg24 : memref<!tpu.dma_semaphore, #tpu.memory_space<semaphore_mem>>) src(%dma_wait3A_233 : memref<80x128xf32, #tpu.memory_space<vmem>>) dst(%dma_wait3A_230 : memref<80x128xf32, #tpu.memory_space<vmem_shared>>)
    }
    %while3A_60 = arith.constant 1 : i32
    scf.for %while3A_219 = %while3A_58 to %while3A_54 step %while3A_60  : i32 {
      %mul3A_220 = arith.muli %while3A_219, %while3A_51 : i32
      %add3A_221 = arith.addi %arg1, %mul3A_220 : i32
      %mul3A_222 = arith.constant 80 : i32
      %mul3A_223 = arith.muli %add3A_221, %mul3A_222 : i32
      %dma_wait3A_224 = arith.constant 0 : i32
      %dma_wait3A_225 = arith.constant 0 : i32
      %dma_wait3A_226 = tpu.memref_slice %arg13[%dma_wait3A_224, %dma_wait3A_225] : memref<80x128xf32, #tpu.memory_space<vmem>> -> memref<80x128xf32, #tpu.memory_space<vmem>>
      %dma_wait3A_227 = arith.constant 0 : i32
      %dma_wait3A_228 = tpu.memref_slice %arg14[%mul3A_223, %dma_wait3A_227] : memref<10000x128xf32, #tpu.memory_space<vmem_shared>> -> memref<80x128xf32, #tpu.memory_space<vmem_shared>>
      %dma_wait3A_229 = arith.constant 0 : i32
      %dma_wait3A_230 = tpu.memref_slice %arg14[%mul3A_223, %dma_wait3A_229] : memref<10000x128xf32, #tpu.memory_space<vmem_shared>> -> memref<80x128xf32, #tpu.memory_space<vmem_shared>>
      %dma_wait3A_231 = arith.constant 0 : i32
      %dma_wait3A_232 = arith.constant 0 : i32
      %dma_wait3A_233 = tpu.memref_slice %arg13[%dma_wait3A_231, %dma_wait3A_232] : memref<80x128xf32, #tpu.memory_space<vmem>> -> memref<80x128xf32, #tpu.memory_space<vmem>>
      tpu.wait_dma2 semaphore(%arg24 : memref<!tpu.dma_semaphore, #tpu.memory_space<semaphore_mem>>) src(%dma_wait3A_233 : memref<80x128xf32, #tpu.memory_space<vmem>>) dst(%dma_wait3A_230 : memref<80x128xf32, #tpu.memory_space<vmem_shared>>)
    }
    %barrier3A = arith.constant 0 : index
    tpu.barrier barrier_id(%barrier3A)
    %add3A_61 = arith.constant 2 : i32
    %add3A_62 = arith.addi %mul3A_2, %add3A_61 : i32
    %mul3A_63 = arith.constant 80 : i32
    %mul3A_64 = arith.muli %add3A_62, %mul3A_63 : i32
    %dma_start3A_65 = tpu.memref_slice %arg4[%mul3A_64] : memref<320000xi32, #tpu.memory_space<hbm>> -> memref<80xi32, #tpu.memory_space<hbm>>
    %dma_start3A_66 = tpu.memref_slice %arg4[%mul3A_64] : memref<320000xi32, #tpu.memory_space<hbm>> -> memref<80xi32, #tpu.memory_space<hbm>>
    tpu.enqueue_dma source(%dma_start3A_66 : memref<80xi32, #tpu.memory_space<hbm>>) target(%arg10 : memref<80xi32, #tpu.memory_space<vmem>>) target_semaphore(%arg23 : memref<!tpu.dma_semaphore, #tpu.memory_space<semaphore_mem>>)
    %dma_start3A_67 = arith.constant 160 : i32
    %dma_start3A_68 = tpu.memref_slice %arg7[%dma_start3A_67] : memref<10000xi32, #tpu.memory_space<vmem>> -> memref<80xi32, #tpu.memory_space<vmem>>
    %dma_start3A_69 = arith.constant 0 : i32
    %dma_start3A_70 = arith.constant 0 : i32
    %dma_start3A_71 = tpu.memref_slice %arg2[%dma_start3A_69, %dma_start3A_70] : memref<10000x128xf32, #tpu.memory_space<hbm>> -> memref<10000x128xf32, #tpu.memory_space<hbm>>
    tpu.enqueue_indirect_dma source(%dma_start3A_71 : memref<10000x128xf32, #tpu.memory_space<hbm>>) target(%arg13 : memref<80x128xf32, #tpu.memory_space<vmem>>) offsets(%dma_start3A_68 : memref<80xi32, #tpu.memory_space<vmem>>) semaphore(%arg17 : memref<!tpu.dma_semaphore, #tpu.memory_space<semaphore_mem>>)
    %scan3A = arith.constant 0 : i32
    %scan3A_72 = arith.constant 40 : i32
    %scan3A_73 = arith.addi %scan3A, %scan3A_72 : i32
    %scan3A_74 = arith.constant 1 : i32
    scf.for %scan3A_219 = %scan3A to %scan3A_73 step %scan3A_74  : i32 {
      %mul3A_220 = arith.constant 1 : i32
      %mul3A_221 = arith.muli %scan3A_219, %mul3A_220 : i32
      %add3A_222 = arith.constant 0 : i32
      %add3A_223 = arith.addi %add3A_222, %mul3A_221 : i32
      %mul3A_224 = arith.constant 3 : i32
      %mul3A_225 = arith.muli %mul3A_224, %add3A_223 : i32
      %add3A_226 = arith.constant 0 : i32
      %add3A_227 = arith.addi %mul3A_225, %add3A_226 : i32
      %mul3A_228 = arith.constant 80 : i32
      %mul3A_229 = arith.muli %add3A_227, %mul3A_228 : i32
      %dma_wait3A_230 = tpu.memref_slice %arg7[%mul3A_229] : memref<10000xi32, #tpu.memory_space<vmem>> -> memref<80xi32, #tpu.memory_space<vmem>>
      %dma_wait3A_231 = arith.constant 0 : i32
      %dma_wait3A_232 = arith.constant 0 : i32
      %dma_wait3A_233 = tpu.memref_slice %arg2[%dma_wait3A_231, %dma_wait3A_232] : memref<10000x128xf32, #tpu.memory_space<hbm>> -> memref<10000x128xf32, #tpu.memory_space<hbm>>
      tpu.wait_indirect_dma semaphore(%arg15 : memref<!tpu.dma_semaphore, #tpu.memory_space<semaphore_mem>>) src(%dma_wait3A_233 : memref<10000x128xf32, #tpu.memory_space<hbm>>) dst(%arg11 : memref<80x128xf32, #tpu.memory_space<vmem>>)
      %add3A_234 = arith.addi %mul3A_2, %add3A_227 : i32
      %mul3A_235 = arith.constant 80 : i32
      %mul3A_236 = arith.muli %add3A_234, %mul3A_235 : i32
      %dma_wait3A_237 = tpu.memref_slice %arg4[%mul3A_236] : memref<320000xi32, #tpu.memory_space<hbm>> -> memref<80xi32, #tpu.memory_space<hbm>>
      %dma_wait3A_238 = tpu.memref_slice %arg4[%mul3A_236] : memref<320000xi32, #tpu.memory_space<hbm>> -> memref<80xi32, #tpu.memory_space<hbm>>
      tpu.wait_dma2 semaphore(%arg21 : memref<!tpu.dma_semaphore, #tpu.memory_space<semaphore_mem>>) src(%dma_wait3A_238 : memref<80xi32, #tpu.memory_space<hbm>>) dst(%arg8 : memref<80xi32, #tpu.memory_space<vmem>>)
      %dma_start3A_239 = arith.constant 0 : i32
      %dma_start3A_240 = arith.constant 0 : i32
      %dma_start3A_241 = tpu.memref_slice %arg14[%dma_start3A_239, %dma_start3A_240] : memref<10000x128xf32, #tpu.memory_space<vmem_shared>> -> memref<10000x128xf32, #tpu.memory_space<vmem_shared>>
      tpu.enqueue_indirect_dma source(%arg11 : memref<80x128xf32, #tpu.memory_space<vmem>>) target(%dma_start3A_241 : memref<10000x128xf32, #tpu.memory_space<vmem_shared>>) offsets(%arg8 : memref<80xi32, #tpu.memory_space<vmem>>) semaphore(%arg18 : memref<!tpu.dma_semaphore, #tpu.memory_space<semaphore_mem>>) {add = true}
      %dma_wait3A_242 = arith.constant 0 : i32
      %dma_wait3A_243 = arith.constant 0 : i32
      %dma_wait3A_244 = tpu.memref_slice %arg14[%dma_wait3A_242, %dma_wait3A_243] : memref<10000x128xf32, #tpu.memory_space<vmem_shared>> -> memref<10000x128xf32, #tpu.memory_space<vmem_shared>>
      tpu.wait_indirect_dma semaphore(%arg18 : memref<!tpu.dma_semaphore, #tpu.memory_space<semaphore_mem>>) src(%arg11 : memref<80x128xf32, #tpu.memory_space<vmem>>) dst(%dma_wait3A_244 : memref<10000x128xf32, #tpu.memory_space<vmem_shared>>)
      %add3A_245 = arith.constant 3 : i32
      %add3A_246 = arith.addi %mul3A_225, %add3A_245 : i32
      %add3A_247 = arith.constant 0 : i32
      %add3A_248 = arith.addi %add3A_246, %add3A_247 : i32
      %add3A_249 = arith.addi %mul3A_2, %add3A_248 : i32
      %mul3A_250 = arith.constant 80 : i32
      %mul3A_251 = arith.muli %add3A_249, %mul3A_250 : i32
      %dma_start3A_252 = tpu.memref_slice %arg4[%mul3A_251] : memref<320000xi32, #tpu.memory_space<hbm>> -> memref<80xi32, #tpu.memory_space<hbm>>
      %dma_start3A_253 = tpu.memref_slice %arg4[%mul3A_251] : memref<320000xi32, #tpu.memory_space<hbm>> -> memref<80xi32, #tpu.memory_space<hbm>>
      tpu.enqueue_dma source(%dma_start3A_253 : memref<80xi32, #tpu.memory_space<hbm>>) target(%arg8 : memref<80xi32, #tpu.memory_space<vmem>>) target_semaphore(%arg21 : memref<!tpu.dma_semaphore, #tpu.memory_space<semaphore_mem>>)
      %mul3A_254 = arith.constant 80 : i32
      %mul3A_255 = arith.muli %add3A_248, %mul3A_254 : i32
      %dma_start3A_256 = tpu.memref_slice %arg7[%mul3A_255] : memref<10000xi32, #tpu.memory_space<vmem>> -> memref<80xi32, #tpu.memory_space<vmem>>
      %dma_start3A_257 = arith.constant 0 : i32
      %dma_start3A_258 = arith.constant 0 : i32
      %dma_start3A_259 = tpu.memref_slice %arg2[%dma_start3A_257, %dma_start3A_258] : memref<10000x128xf32, #tpu.memory_space<hbm>> -> memref<10000x128xf32, #tpu.memory_space<hbm>>
      tpu.enqueue_indirect_dma source(%dma_start3A_259 : memref<10000x128xf32, #tpu.memory_space<hbm>>) target(%arg11 : memref<80x128xf32, #tpu.memory_space<vmem>>) offsets(%dma_start3A_256 : memref<80xi32, #tpu.memory_space<vmem>>) semaphore(%arg15 : memref<!tpu.dma_semaphore, #tpu.memory_space<semaphore_mem>>)
      %add3A_260 = arith.constant 1 : i32
      %add3A_261 = arith.addi %mul3A_225, %add3A_260 : i32
      %mul3A_262 = arith.constant 80 : i32
      %mul3A_263 = arith.muli %add3A_261, %mul3A_262 : i32
      %dma_wait3A_264 = tpu.memref_slice %arg7[%mul3A_263] : memref<10000xi32, #tpu.memory_space<vmem>> -> memref<80xi32, #tpu.memory_space<vmem>>
      %dma_wait3A_265 = arith.constant 0 : i32
      %dma_wait3A_266 = arith.constant 0 : i32
      %dma_wait3A_267 = tpu.memref_slice %arg2[%dma_wait3A_265, %dma_wait3A_266] : memref<10000x128xf32, #tpu.memory_space<hbm>> -> memref<10000x128xf32, #tpu.memory_space<hbm>>
      tpu.wait_indirect_dma semaphore(%arg16 : memref<!tpu.dma_semaphore, #tpu.memory_space<semaphore_mem>>) src(%dma_wait3A_267 : memref<10000x128xf32, #tpu.memory_space<hbm>>) dst(%arg12 : memref<80x128xf32, #tpu.memory_space<vmem>>)
      %add3A_268 = arith.addi %mul3A_2, %add3A_261 : i32
      %mul3A_269 = arith.constant 80 : i32
      %mul3A_270 = arith.muli %add3A_268, %mul3A_269 : i32
      %dma_wait3A_271 = tpu.memref_slice %arg4[%mul3A_270] : memref<320000xi32, #tpu.memory_space<hbm>> -> memref<80xi32, #tpu.memory_space<hbm>>
      %dma_wait3A_272 = tpu.memref_slice %arg4[%mul3A_270] : memref<320000xi32, #tpu.memory_space<hbm>> -> memref<80xi32, #tpu.memory_space<hbm>>
      tpu.wait_dma2 semaphore(%arg22 : memref<!tpu.dma_semaphore, #tpu.memory_space<semaphore_mem>>) src(%dma_wait3A_272 : memref<80xi32, #tpu.memory_space<hbm>>) dst(%arg9 : memref<80xi32, #tpu.memory_space<vmem>>)
      %dma_start3A_273 = arith.constant 0 : i32
      %dma_start3A_274 = arith.constant 0 : i32
      %dma_start3A_275 = tpu.memref_slice %arg14[%dma_start3A_273, %dma_start3A_274] : memref<10000x128xf32, #tpu.memory_space<vmem_shared>> -> memref<10000x128xf32, #tpu.memory_space<vmem_shared>>
      tpu.enqueue_indirect_dma source(%arg12 : memref<80x128xf32, #tpu.memory_space<vmem>>) target(%dma_start3A_275 : memref<10000x128xf32, #tpu.memory_space<vmem_shared>>) offsets(%arg9 : memref<80xi32, #tpu.memory_space<vmem>>) semaphore(%arg19 : memref<!tpu.dma_semaphore, #tpu.memory_space<semaphore_mem>>) {add = true}
      %dma_wait3A_276 = arith.constant 0 : i32
      %dma_wait3A_277 = arith.constant 0 : i32
      %dma_wait3A_278 = tpu.memref_slice %arg14[%dma_wait3A_276, %dma_wait3A_277] : memref<10000x128xf32, #tpu.memory_space<vmem_shared>> -> memref<10000x128xf32, #tpu.memory_space<vmem_shared>>
      tpu.wait_indirect_dma semaphore(%arg19 : memref<!tpu.dma_semaphore, #tpu.memory_space<semaphore_mem>>) src(%arg12 : memref<80x128xf32, #tpu.memory_space<vmem>>) dst(%dma_wait3A_278 : memref<10000x128xf32, #tpu.memory_space<vmem_shared>>)
      %add3A_279 = arith.constant 3 : i32
      %add3A_280 = arith.addi %mul3A_225, %add3A_279 : i32
      %add3A_281 = arith.constant 1 : i32
      %add3A_282 = arith.addi %add3A_280, %add3A_281 : i32
      %add3A_283 = arith.addi %mul3A_2, %add3A_282 : i32
      %mul3A_284 = arith.constant 80 : i32
      %mul3A_285 = arith.muli %add3A_283, %mul3A_284 : i32
      %dma_start3A_286 = tpu.memref_slice %arg4[%mul3A_285] : memref<320000xi32, #tpu.memory_space<hbm>> -> memref<80xi32, #tpu.memory_space<hbm>>
      %dma_start3A_287 = tpu.memref_slice %arg4[%mul3A_285] : memref<320000xi32, #tpu.memory_space<hbm>> -> memref<80xi32, #tpu.memory_space<hbm>>
      tpu.enqueue_dma source(%dma_start3A_287 : memref<80xi32, #tpu.memory_space<hbm>>) target(%arg9 : memref<80xi32, #tpu.memory_space<vmem>>) target_semaphore(%arg22 : memref<!tpu.dma_semaphore, #tpu.memory_space<semaphore_mem>>)
      %mul3A_288 = arith.constant 80 : i32
      %mul3A_289 = arith.muli %add3A_282, %mul3A_288 : i32
      %dma_start3A_290 = tpu.memref_slice %arg7[%mul3A_289] : memref<10000xi32, #tpu.memory_space<vmem>> -> memref<80xi32, #tpu.memory_space<vmem>>
      %dma_start3A_291 = arith.constant 0 : i32
      %dma_start3A_292 = arith.constant 0 : i32
      %dma_start3A_293 = tpu.memref_slice %arg2[%dma_start3A_291, %dma_start3A_292] : memref<10000x128xf32, #tpu.memory_space<hbm>> -> memref<10000x128xf32, #tpu.memory_space<hbm>>
      tpu.enqueue_indirect_dma source(%dma_start3A_293 : memref<10000x128xf32, #tpu.memory_space<hbm>>) target(%arg12 : memref<80x128xf32, #tpu.memory_space<vmem>>) offsets(%dma_start3A_290 : memref<80xi32, #tpu.memory_space<vmem>>) semaphore(%arg16 : memref<!tpu.dma_semaphore, #tpu.memory_space<semaphore_mem>>)
      %add3A_294 = arith.constant 2 : i32
      %add3A_295 = arith.addi %mul3A_225, %add3A_294 : i32
      %mul3A_296 = arith.constant 80 : i32
      %mul3A_297 = arith.muli %add3A_295, %mul3A_296 : i32
      %dma_wait3A_298 = tpu.memref_slice %arg7[%mul3A_297] : memref<10000xi32, #tpu.memory_space<vmem>> -> memref<80xi32, #tpu.memory_space<vmem>>
      %dma_wait3A_299 = arith.constant 0 : i32
      %dma_wait3A_300 = arith.constant 0 : i32
      %dma_wait3A_301 = tpu.memref_slice %arg2[%dma_wait3A_299, %dma_wait3A_300] : memref<10000x128xf32, #tpu.memory_space<hbm>> -> memref<10000x128xf32, #tpu.memory_space<hbm>>
      tpu.wait_indirect_dma semaphore(%arg17 : memref<!tpu.dma_semaphore, #tpu.memory_space<semaphore_mem>>) src(%dma_wait3A_301 : memref<10000x128xf32, #tpu.memory_space<hbm>>) dst(%arg13 : memref<80x128xf32, #tpu.memory_space<vmem>>)
      %add3A_302 = arith.addi %mul3A_2, %add3A_295 : i32
      %mul3A_303 = arith.constant 80 : i32
      %mul3A_304 = arith.muli %add3A_302, %mul3A_303 : i32
      %dma_wait3A_305 = tpu.memref_slice %arg4[%mul3A_304] : memref<320000xi32, #tpu.memory_space<hbm>> -> memref<80xi32, #tpu.memory_space<hbm>>
      %dma_wait3A_306 = tpu.memref_slice %arg4[%mul3A_304] : memref<320000xi32, #tpu.memory_space<hbm>> -> memref<80xi32, #tpu.memory_space<hbm>>
      tpu.wait_dma2 semaphore(%arg23 : memref<!tpu.dma_semaphore, #tpu.memory_space<semaphore_mem>>) src(%dma_wait3A_306 : memref<80xi32, #tpu.memory_space<hbm>>) dst(%arg10 : memref<80xi32, #tpu.memory_space<vmem>>)
      %dma_start3A_307 = arith.constant 0 : i32
      %dma_start3A_308 = arith.constant 0 : i32
      %dma_start3A_309 = tpu.memref_slice %arg14[%dma_start3A_307, %dma_start3A_308] : memref<10000x128xf32, #tpu.memory_space<vmem_shared>> -> memref<10000x128xf32, #tpu.memory_space<vmem_shared>>
      tpu.enqueue_indirect_dma source(%arg13 : memref<80x128xf32, #tpu.memory_space<vmem>>) target(%dma_start3A_309 : memref<10000x128xf32, #tpu.memory_space<vmem_shared>>) offsets(%arg10 : memref<80xi32, #tpu.memory_space<vmem>>) semaphore(%arg20 : memref<!tpu.dma_semaphore, #tpu.memory_space<semaphore_mem>>) {add = true}
      %dma_wait3A_310 = arith.constant 0 : i32
      %dma_wait3A_311 = arith.constant 0 : i32
      %dma_wait3A_312 = tpu.memref_slice %arg14[%dma_wait3A_310, %dma_wait3A_311] : memref<10000x128xf32, #tpu.memory_space<vmem_shared>> -> memref<10000x128xf32, #tpu.memory_space<vmem_shared>>
      tpu.wait_indirect_dma semaphore(%arg20 : memref<!tpu.dma_semaphore, #tpu.memory_space<semaphore_mem>>) src(%arg13 : memref<80x128xf32, #tpu.memory_space<vmem>>) dst(%dma_wait3A_312 : memref<10000x128xf32, #tpu.memory_space<vmem_shared>>)
      %add3A_313 = arith.constant 3 : i32
      %add3A_314 = arith.addi %mul3A_225, %add3A_313 : i32
      %add3A_315 = arith.constant 2 : i32
      %add3A_316 = arith.addi %add3A_314, %add3A_315 : i32
      %add3A_317 = arith.addi %mul3A_2, %add3A_316 : i32
      %mul3A_318 = arith.constant 80 : i32
      %mul3A_319 = arith.muli %add3A_317, %mul3A_318 : i32
      %dma_start3A_320 = tpu.memref_slice %arg4[%mul3A_319] : memref<320000xi32, #tpu.memory_space<hbm>> -> memref<80xi32, #tpu.memory_space<hbm>>
      %dma_start3A_321 = tpu.memref_slice %arg4[%mul3A_319] : memref<320000xi32, #tpu.memory_space<hbm>> -> memref<80xi32, #tpu.memory_space<hbm>>
      tpu.enqueue_dma source(%dma_start3A_321 : memref<80xi32, #tpu.memory_space<hbm>>) target(%arg10 : memref<80xi32, #tpu.memory_space<vmem>>) target_semaphore(%arg23 : memref<!tpu.dma_semaphore, #tpu.memory_space<semaphore_mem>>)
      %mul3A_322 = arith.constant 80 : i32
      %mul3A_323 = arith.muli %add3A_316, %mul3A_322 : i32
      %dma_start3A_324 = tpu.memref_slice %arg7[%mul3A_323] : memref<10000xi32, #tpu.memory_space<vmem>> -> memref<80xi32, #tpu.memory_space<vmem>>
      %dma_start3A_325 = arith.constant 0 : i32
      %dma_start3A_326 = arith.constant 0 : i32
      %dma_start3A_327 = tpu.memref_slice %arg2[%dma_start3A_325, %dma_start3A_326] : memref<10000x128xf32, #tpu.memory_space<hbm>> -> memref<10000x128xf32, #tpu.memory_space<hbm>>
      tpu.enqueue_indirect_dma source(%dma_start3A_327 : memref<10000x128xf32, #tpu.memory_space<hbm>>) target(%arg13 : memref<80x128xf32, #tpu.memory_space<vmem>>) offsets(%dma_start3A_324 : memref<80xi32, #tpu.memory_space<vmem>>) semaphore(%arg17 : memref<!tpu.dma_semaphore, #tpu.memory_space<semaphore_mem>>)
    }
    %scan3A_75 = arith.constant 40 : i32
    %dma_wait3A = arith.constant 9600 : i32
    %dma_wait3A_76 = tpu.memref_slice %arg7[%dma_wait3A] : memref<10000xi32, #tpu.memory_space<vmem>> -> memref<80xi32, #tpu.memory_space<vmem>>
    %dma_wait3A_77 = arith.constant 0 : i32
    %dma_wait3A_78 = arith.constant 0 : i32
    %dma_wait3A_79 = tpu.memref_slice %arg2[%dma_wait3A_77, %dma_wait3A_78] : memref<10000x128xf32, #tpu.memory_space<hbm>> -> memref<10000x128xf32, #tpu.memory_space<hbm>>
    tpu.wait_indirect_dma semaphore(%arg15 : memref<!tpu.dma_semaphore, #tpu.memory_space<semaphore_mem>>) src(%dma_wait3A_79 : memref<10000x128xf32, #tpu.memory_space<hbm>>) dst(%arg11 : memref<80x128xf32, #tpu.memory_space<vmem>>)
    %add3A_80 = arith.constant 120 : i32
    %add3A_81 = arith.addi %mul3A_2, %add3A_80 : i32
    %mul3A_82 = arith.constant 80 : i32
    %mul3A_83 = arith.muli %add3A_81, %mul3A_82 : i32
    %dma_wait3A_84 = tpu.memref_slice %arg4[%mul3A_83] : memref<320000xi32, #tpu.memory_space<hbm>> -> memref<80xi32, #tpu.memory_space<hbm>>
    %dma_wait3A_85 = tpu.memref_slice %arg4[%mul3A_83] : memref<320000xi32, #tpu.memory_space<hbm>> -> memref<80xi32, #tpu.memory_space<hbm>>
    tpu.wait_dma2 semaphore(%arg21 : memref<!tpu.dma_semaphore, #tpu.memory_space<semaphore_mem>>) src(%dma_wait3A_85 : memref<80xi32, #tpu.memory_space<hbm>>) dst(%arg8 : memref<80xi32, #tpu.memory_space<vmem>>)
    %dma_start3A_86 = arith.constant 0 : i32
    %dma_start3A_87 = arith.constant 0 : i32
    %dma_start3A_88 = tpu.memref_slice %arg14[%dma_start3A_86, %dma_start3A_87] : memref<10000x128xf32, #tpu.memory_space<vmem_shared>> -> memref<10000x128xf32, #tpu.memory_space<vmem_shared>>
    tpu.enqueue_indirect_dma source(%arg11 : memref<80x128xf32, #tpu.memory_space<vmem>>) target(%dma_start3A_88 : memref<10000x128xf32, #tpu.memory_space<vmem_shared>>) offsets(%arg8 : memref<80xi32, #tpu.memory_space<vmem>>) semaphore(%arg18 : memref<!tpu.dma_semaphore, #tpu.memory_space<semaphore_mem>>) {add = true}
    %dma_wait3A_89 = arith.constant 0 : i32
    %dma_wait3A_90 = arith.constant 0 : i32
    %dma_wait3A_91 = tpu.memref_slice %arg14[%dma_wait3A_89, %dma_wait3A_90] : memref<10000x128xf32, #tpu.memory_space<vmem_shared>> -> memref<10000x128xf32, #tpu.memory_space<vmem_shared>>
    tpu.wait_indirect_dma semaphore(%arg18 : memref<!tpu.dma_semaphore, #tpu.memory_space<semaphore_mem>>) src(%arg11 : memref<80x128xf32, #tpu.memory_space<vmem>>) dst(%dma_wait3A_91 : memref<10000x128xf32, #tpu.memory_space<vmem_shared>>)
    %add3A_92 = arith.constant 123 : i32
    %add3A_93 = arith.addi %mul3A_2, %add3A_92 : i32
    %mul3A_94 = arith.constant 80 : i32
    %mul3A_95 = arith.muli %add3A_93, %mul3A_94 : i32
    %dma_start3A_96 = tpu.memref_slice %arg4[%mul3A_95] : memref<320000xi32, #tpu.memory_space<hbm>> -> memref<80xi32, #tpu.memory_space<hbm>>
    %dma_start3A_97 = tpu.memref_slice %arg4[%mul3A_95] : memref<320000xi32, #tpu.memory_space<hbm>> -> memref<80xi32, #tpu.memory_space<hbm>>
    tpu.enqueue_dma source(%dma_start3A_97 : memref<80xi32, #tpu.memory_space<hbm>>) target(%arg8 : memref<80xi32, #tpu.memory_space<vmem>>) target_semaphore(%arg21 : memref<!tpu.dma_semaphore, #tpu.memory_space<semaphore_mem>>)
    %dma_start3A_98 = arith.constant 9840 : i32
    %dma_start3A_99 = tpu.memref_slice %arg7[%dma_start3A_98] : memref<10000xi32, #tpu.memory_space<vmem>> -> memref<80xi32, #tpu.memory_space<vmem>>
    %dma_start3A_100 = arith.constant 0 : i32
    %dma_start3A_101 = arith.constant 0 : i32
    %dma_start3A_102 = tpu.memref_slice %arg2[%dma_start3A_100, %dma_start3A_101] : memref<10000x128xf32, #tpu.memory_space<hbm>> -> memref<10000x128xf32, #tpu.memory_space<hbm>>
    tpu.enqueue_indirect_dma source(%dma_start3A_102 : memref<10000x128xf32, #tpu.memory_space<hbm>>) target(%arg11 : memref<80x128xf32, #tpu.memory_space<vmem>>) offsets(%dma_start3A_99 : memref<80xi32, #tpu.memory_space<vmem>>) semaphore(%arg15 : memref<!tpu.dma_semaphore, #tpu.memory_space<semaphore_mem>>)
    %dma_wait3A_103 = arith.constant 9680 : i32
    %dma_wait3A_104 = tpu.memref_slice %arg7[%dma_wait3A_103] : memref<10000xi32, #tpu.memory_space<vmem>> -> memref<80xi32, #tpu.memory_space<vmem>>
    %dma_wait3A_105 = arith.constant 0 : i32
    %dma_wait3A_106 = arith.constant 0 : i32
    %dma_wait3A_107 = tpu.memref_slice %arg2[%dma_wait3A_105, %dma_wait3A_106] : memref<10000x128xf32, #tpu.memory_space<hbm>> -> memref<10000x128xf32, #tpu.memory_space<hbm>>
    tpu.wait_indirect_dma semaphore(%arg16 : memref<!tpu.dma_semaphore, #tpu.memory_space<semaphore_mem>>) src(%dma_wait3A_107 : memref<10000x128xf32, #tpu.memory_space<hbm>>) dst(%arg12 : memref<80x128xf32, #tpu.memory_space<vmem>>)
    %add3A_108 = arith.constant 121 : i32
    %add3A_109 = arith.addi %mul3A_2, %add3A_108 : i32
    %mul3A_110 = arith.constant 80 : i32
    %mul3A_111 = arith.muli %add3A_109, %mul3A_110 : i32
    %dma_wait3A_112 = tpu.memref_slice %arg4[%mul3A_111] : memref<320000xi32, #tpu.memory_space<hbm>> -> memref<80xi32, #tpu.memory_space<hbm>>
    %dma_wait3A_113 = tpu.memref_slice %arg4[%mul3A_111] : memref<320000xi32, #tpu.memory_space<hbm>> -> memref<80xi32, #tpu.memory_space<hbm>>
    tpu.wait_dma2 semaphore(%arg22 : memref<!tpu.dma_semaphore, #tpu.memory_space<semaphore_mem>>) src(%dma_wait3A_113 : memref<80xi32, #tpu.memory_space<hbm>>) dst(%arg9 : memref<80xi32, #tpu.memory_space<vmem>>)
    %dma_start3A_114 = arith.constant 0 : i32
    %dma_start3A_115 = arith.constant 0 : i32
    %dma_start3A_116 = tpu.memref_slice %arg14[%dma_start3A_114, %dma_start3A_115] : memref<10000x128xf32, #tpu.memory_space<vmem_shared>> -> memref<10000x128xf32, #tpu.memory_space<vmem_shared>>
    tpu.enqueue_indirect_dma source(%arg12 : memref<80x128xf32, #tpu.memory_space<vmem>>) target(%dma_start3A_116 : memref<10000x128xf32, #tpu.memory_space<vmem_shared>>) offsets(%arg9 : memref<80xi32, #tpu.memory_space<vmem>>) semaphore(%arg19 : memref<!tpu.dma_semaphore, #tpu.memory_space<semaphore_mem>>) {add = true}
    %dma_wait3A_117 = arith.constant 0 : i32
    %dma_wait3A_118 = arith.constant 0 : i32
    %dma_wait3A_119 = tpu.memref_slice %arg14[%dma_wait3A_117, %dma_wait3A_118] : memref<10000x128xf32, #tpu.memory_space<vmem_shared>> -> memref<10000x128xf32, #tpu.memory_space<vmem_shared>>
    tpu.wait_indirect_dma semaphore(%arg19 : memref<!tpu.dma_semaphore, #tpu.memory_space<semaphore_mem>>) src(%arg12 : memref<80x128xf32, #tpu.memory_space<vmem>>) dst(%dma_wait3A_119 : memref<10000x128xf32, #tpu.memory_space<vmem_shared>>)
    %add3A_120 = arith.constant 124 : i32
    %add3A_121 = arith.addi %mul3A_2, %add3A_120 : i32
    %mul3A_122 = arith.constant 80 : i32
    %mul3A_123 = arith.muli %add3A_121, %mul3A_122 : i32
    %dma_start3A_124 = tpu.memref_slice %arg4[%mul3A_123] : memref<320000xi32, #tpu.memory_space<hbm>> -> memref<80xi32, #tpu.memory_space<hbm>>
    %dma_start3A_125 = tpu.memref_slice %arg4[%mul3A_123] : memref<320000xi32, #tpu.memory_space<hbm>> -> memref<80xi32, #tpu.memory_space<hbm>>
    tpu.enqueue_dma source(%dma_start3A_125 : memref<80xi32, #tpu.memory_space<hbm>>) target(%arg9 : memref<80xi32, #tpu.memory_space<vmem>>) target_semaphore(%arg22 : memref<!tpu.dma_semaphore, #tpu.memory_space<semaphore_mem>>)
    %dma_start3A_126 = arith.constant 9920 : i32
    %dma_start3A_127 = tpu.memref_slice %arg7[%dma_start3A_126] : memref<10000xi32, #tpu.memory_space<vmem>> -> memref<80xi32, #tpu.memory_space<vmem>>
    %dma_start3A_128 = arith.constant 0 : i32
    %dma_start3A_129 = arith.constant 0 : i32
    %dma_start3A_130 = tpu.memref_slice %arg2[%dma_start3A_128, %dma_start3A_129] : memref<10000x128xf32, #tpu.memory_space<hbm>> -> memref<10000x128xf32, #tpu.memory_space<hbm>>
    tpu.enqueue_indirect_dma source(%dma_start3A_130 : memref<10000x128xf32, #tpu.memory_space<hbm>>) target(%arg12 : memref<80x128xf32, #tpu.memory_space<vmem>>) offsets(%dma_start3A_127 : memref<80xi32, #tpu.memory_space<vmem>>) semaphore(%arg16 : memref<!tpu.dma_semaphore, #tpu.memory_space<semaphore_mem>>)
    %dma_wait3A_131 = arith.constant 9760 : i32
    %dma_wait3A_132 = tpu.memref_slice %arg7[%dma_wait3A_131] : memref<10000xi32, #tpu.memory_space<vmem>> -> memref<80xi32, #tpu.memory_space<vmem>>
    %dma_wait3A_133 = arith.constant 0 : i32
    %dma_wait3A_134 = arith.constant 0 : i32
    %dma_wait3A_135 = tpu.memref_slice %arg2[%dma_wait3A_133, %dma_wait3A_134] : memref<10000x128xf32, #tpu.memory_space<hbm>> -> memref<10000x128xf32, #tpu.memory_space<hbm>>
    tpu.wait_indirect_dma semaphore(%arg17 : memref<!tpu.dma_semaphore, #tpu.memory_space<semaphore_mem>>) src(%dma_wait3A_135 : memref<10000x128xf32, #tpu.memory_space<hbm>>) dst(%arg13 : memref<80x128xf32, #tpu.memory_space<vmem>>)
    %add3A_136 = arith.constant 122 : i32
    %add3A_137 = arith.addi %mul3A_2, %add3A_136 : i32
    %mul3A_138 = arith.constant 80 : i32
    %mul3A_139 = arith.muli %add3A_137, %mul3A_138 : i32
    %dma_wait3A_140 = tpu.memref_slice %arg4[%mul3A_139] : memref<320000xi32, #tpu.memory_space<hbm>> -> memref<80xi32, #tpu.memory_space<hbm>>
    %dma_wait3A_141 = tpu.memref_slice %arg4[%mul3A_139] : memref<320000xi32, #tpu.memory_space<hbm>> -> memref<80xi32, #tpu.memory_space<hbm>>
    tpu.wait_dma2 semaphore(%arg23 : memref<!tpu.dma_semaphore, #tpu.memory_space<semaphore_mem>>) src(%dma_wait3A_141 : memref<80xi32, #tpu.memory_space<hbm>>) dst(%arg10 : memref<80xi32, #tpu.memory_space<vmem>>)
    %dma_start3A_142 = arith.constant 0 : i32
    %dma_start3A_143 = arith.constant 0 : i32
    %dma_start3A_144 = tpu.memref_slice %arg14[%dma_start3A_142, %dma_start3A_143] : memref<10000x128xf32, #tpu.memory_space<vmem_shared>> -> memref<10000x128xf32, #tpu.memory_space<vmem_shared>>
    tpu.enqueue_indirect_dma source(%arg13 : memref<80x128xf32, #tpu.memory_space<vmem>>) target(%dma_start3A_144 : memref<10000x128xf32, #tpu.memory_space<vmem_shared>>) offsets(%arg10 : memref<80xi32, #tpu.memory_space<vmem>>) semaphore(%arg20 : memref<!tpu.dma_semaphore, #tpu.memory_space<semaphore_mem>>) {add = true}
    %dma_wait3A_145 = arith.constant 0 : i32
    %dma_wait3A_146 = arith.constant 0 : i32
    %dma_wait3A_147 = tpu.memref_slice %arg14[%dma_wait3A_145, %dma_wait3A_146] : memref<10000x128xf32, #tpu.memory_space<vmem_shared>> -> memref<10000x128xf32, #tpu.memory_space<vmem_shared>>
    tpu.wait_indirect_dma semaphore(%arg20 : memref<!tpu.dma_semaphore, #tpu.memory_space<semaphore_mem>>) src(%arg13 : memref<80x128xf32, #tpu.memory_space<vmem>>) dst(%dma_wait3A_147 : memref<10000x128xf32, #tpu.memory_space<vmem_shared>>)
    %dma_wait3A_148 = arith.constant 9840 : i32
    %dma_wait3A_149 = tpu.memref_slice %arg7[%dma_wait3A_148] : memref<10000xi32, #tpu.memory_space<vmem>> -> memref<80xi32, #tpu.memory_space<vmem>>
    %dma_wait3A_150 = arith.constant 0 : i32
    %dma_wait3A_151 = arith.constant 0 : i32
    %dma_wait3A_152 = tpu.memref_slice %arg2[%dma_wait3A_150, %dma_wait3A_151] : memref<10000x128xf32, #tpu.memory_space<hbm>> -> memref<10000x128xf32, #tpu.memory_space<hbm>>
    tpu.wait_indirect_dma semaphore(%arg15 : memref<!tpu.dma_semaphore, #tpu.memory_space<semaphore_mem>>) src(%dma_wait3A_152 : memref<10000x128xf32, #tpu.memory_space<hbm>>) dst(%arg11 : memref<80x128xf32, #tpu.memory_space<vmem>>)
    %add3A_153 = arith.constant 123 : i32
    %add3A_154 = arith.addi %mul3A_2, %add3A_153 : i32
    %mul3A_155 = arith.constant 80 : i32
    %mul3A_156 = arith.muli %add3A_154, %mul3A_155 : i32
    %dma_wait3A_157 = tpu.memref_slice %arg4[%mul3A_156] : memref<320000xi32, #tpu.memory_space<hbm>> -> memref<80xi32, #tpu.memory_space<hbm>>
    %dma_wait3A_158 = tpu.memref_slice %arg4[%mul3A_156] : memref<320000xi32, #tpu.memory_space<hbm>> -> memref<80xi32, #tpu.memory_space<hbm>>
    tpu.wait_dma2 semaphore(%arg21 : memref<!tpu.dma_semaphore, #tpu.memory_space<semaphore_mem>>) src(%dma_wait3A_158 : memref<80xi32, #tpu.memory_space<hbm>>) dst(%arg8 : memref<80xi32, #tpu.memory_space<vmem>>)
    %dma_start3A_159 = arith.constant 0 : i32
    %dma_start3A_160 = arith.constant 0 : i32
    %dma_start3A_161 = tpu.memref_slice %arg14[%dma_start3A_159, %dma_start3A_160] : memref<10000x128xf32, #tpu.memory_space<vmem_shared>> -> memref<10000x128xf32, #tpu.memory_space<vmem_shared>>
    tpu.enqueue_indirect_dma source(%arg11 : memref<80x128xf32, #tpu.memory_space<vmem>>) target(%dma_start3A_161 : memref<10000x128xf32, #tpu.memory_space<vmem_shared>>) offsets(%arg8 : memref<80xi32, #tpu.memory_space<vmem>>) semaphore(%arg18 : memref<!tpu.dma_semaphore, #tpu.memory_space<semaphore_mem>>) {add = true}
    %dma_wait3A_162 = arith.constant 0 : i32
    %dma_wait3A_163 = arith.constant 0 : i32
    %dma_wait3A_164 = tpu.memref_slice %arg14[%dma_wait3A_162, %dma_wait3A_163] : memref<10000x128xf32, #tpu.memory_space<vmem_shared>> -> memref<10000x128xf32, #tpu.memory_space<vmem_shared>>
    tpu.wait_indirect_dma semaphore(%arg18 : memref<!tpu.dma_semaphore, #tpu.memory_space<semaphore_mem>>) src(%arg11 : memref<80x128xf32, #tpu.memory_space<vmem>>) dst(%dma_wait3A_164 : memref<10000x128xf32, #tpu.memory_space<vmem_shared>>)
    %dma_wait3A_165 = arith.constant 9920 : i32
    %dma_wait3A_166 = tpu.memref_slice %arg7[%dma_wait3A_165] : memref<10000xi32, #tpu.memory_space<vmem>> -> memref<80xi32, #tpu.memory_space<vmem>>
    %dma_wait3A_167 = arith.constant 0 : i32
    %dma_wait3A_168 = arith.constant 0 : i32
    %dma_wait3A_169 = tpu.memref_slice %arg2[%dma_wait3A_167, %dma_wait3A_168] : memref<10000x128xf32, #tpu.memory_space<hbm>> -> memref<10000x128xf32, #tpu.memory_space<hbm>>
    tpu.wait_indirect_dma semaphore(%arg16 : memref<!tpu.dma_semaphore, #tpu.memory_space<semaphore_mem>>) src(%dma_wait3A_169 : memref<10000x128xf32, #tpu.memory_space<hbm>>) dst(%arg12 : memref<80x128xf32, #tpu.memory_space<vmem>>)
    %add3A_170 = arith.constant 124 : i32
    %add3A_171 = arith.addi %mul3A_2, %add3A_170 : i32
    %mul3A_172 = arith.constant 80 : i32
    %mul3A_173 = arith.muli %add3A_171, %mul3A_172 : i32
    %dma_wait3A_174 = tpu.memref_slice %arg4[%mul3A_173] : memref<320000xi32, #tpu.memory_space<hbm>> -> memref<80xi32, #tpu.memory_space<hbm>>
    %dma_wait3A_175 = tpu.memref_slice %arg4[%mul3A_173] : memref<320000xi32, #tpu.memory_space<hbm>> -> memref<80xi32, #tpu.memory_space<hbm>>
    tpu.wait_dma2 semaphore(%arg22 : memref<!tpu.dma_semaphore, #tpu.memory_space<semaphore_mem>>) src(%dma_wait3A_175 : memref<80xi32, #tpu.memory_space<hbm>>) dst(%arg9 : memref<80xi32, #tpu.memory_space<vmem>>)
    %dma_start3A_176 = arith.constant 0 : i32
    %dma_start3A_177 = arith.constant 0 : i32
    %dma_start3A_178 = tpu.memref_slice %arg14[%dma_start3A_176, %dma_start3A_177] : memref<10000x128xf32, #tpu.memory_space<vmem_shared>> -> memref<10000x128xf32, #tpu.memory_space<vmem_shared>>
    tpu.enqueue_indirect_dma source(%arg12 : memref<80x128xf32, #tpu.memory_space<vmem>>) target(%dma_start3A_178 : memref<10000x128xf32, #tpu.memory_space<vmem_shared>>) offsets(%arg9 : memref<80xi32, #tpu.memory_space<vmem>>) semaphore(%arg19 : memref<!tpu.dma_semaphore, #tpu.memory_space<semaphore_mem>>) {add = true}
    %dma_wait3A_179 = arith.constant 0 : i32
    %dma_wait3A_180 = arith.constant 0 : i32
    %dma_wait3A_181 = tpu.memref_slice %arg14[%dma_wait3A_179, %dma_wait3A_180] : memref<10000x128xf32, #tpu.memory_space<vmem_shared>> -> memref<10000x128xf32, #tpu.memory_space<vmem_shared>>
    tpu.wait_indirect_dma semaphore(%arg19 : memref<!tpu.dma_semaphore, #tpu.memory_space<semaphore_mem>>) src(%arg12 : memref<80x128xf32, #tpu.memory_space<vmem>>) dst(%dma_wait3A_181 : memref<10000x128xf32, #tpu.memory_space<vmem_shared>>)
    %barrier3A_182 = arith.constant 0 : index
    tpu.barrier barrier_id(%barrier3A_182)
    %sub3A_183 = arith.constant 50 : i32
    %sub3A_184 = arith.subi %sub3A_183, %arg1 : i32
    %sub3A_185 = arith.constant 16 : i32
    %sub3A_186 = arith.constant 1 : i32
    %sub3A_187 = arith.subi %sub3A_185, %sub3A_186 : i32
    %add3A_188 = arith.addi %sub3A_184, %sub3A_187 : i32
    %div3A_189 = arith.constant 16 : i32
    %div3A_190 = arith.divsi %add3A_188, %div3A_189 : i32
    %while3A_191 = arith.constant 16 : i32
    %while3A_192 = arith.constant 0 : i32
    %while3A_193 = arith.subi %div3A_190, %while3A_192 : i32
    %while3A_194 = arith.addi %while3A_192, %while3A_193 : i32
    %while3A_195 = arith.constant 1 : i32
    %while3A_196 = arith.divsi %while3A_193, %while3A_195 : i32
    %while3A_197 = arith.muli %while3A_196, %while3A_195 : i32
    %while3A_198 = arith.addi %while3A_192, %while3A_197 : i32
    %while3A_199 = arith.constant 1 : i32
    scf.for %while3A_219 = %while3A_192 to %while3A_198 step %while3A_199  : i32 {
      %mul3A_220 = arith.muli %while3A_219, %while3A_191 : i32
      %add3A_221 = arith.addi %arg1, %mul3A_220 : i32
      %mul3A_222 = arith.constant 200 : i32
      %mul3A_223 = arith.muli %add3A_221, %mul3A_222 : i32
      %mul3A_224 = arith.constant 200 : i32
      %mul3A_225 = arith.muli %add3A_221, %mul3A_224 : i32
      %dma_start3A_226 = arith.constant 0 : i32
      %dma_start3A_227 = tpu.memref_slice %arg6[%arg0, %mul3A_225, %dma_start3A_226] : memref<2x10000x128xf32, #tpu.memory_space<hbm>> -> memref<1x200x128xf32, #tpu.memory_space<hbm>>
      %dma_start3A_228 = tpu.memref_squeeze %dma_start3A_227 : memref<1x200x128xf32, #tpu.memory_space<hbm>> -> memref<200x128xf32, #tpu.memory_space<hbm>>
      %dma_start3A_229 = arith.constant 0 : i32
      %dma_start3A_230 = tpu.memref_slice %arg14[%mul3A_223, %dma_start3A_229] : memref<10000x128xf32, #tpu.memory_space<vmem_shared>> -> memref<200x128xf32, #tpu.memory_space<vmem_shared>>
      tpu.enqueue_dma source(%dma_start3A_230 : memref<200x128xf32, #tpu.memory_space<vmem_shared>>) target(%dma_start3A_228 : memref<200x128xf32, #tpu.memory_space<hbm>>) target_semaphore(%arg24 : memref<!tpu.dma_semaphore, #tpu.memory_space<semaphore_mem>>)
    }
    %while3A_200 = arith.constant 1 : i32
    scf.for %while3A_219 = %while3A_198 to %while3A_194 step %while3A_200  : i32 {
      %mul3A_220 = arith.muli %while3A_219, %while3A_191 : i32
      %add3A_221 = arith.addi %arg1, %mul3A_220 : i32
      %mul3A_222 = arith.constant 200 : i32
      %mul3A_223 = arith.muli %add3A_221, %mul3A_222 : i32
      %mul3A_224 = arith.constant 200 : i32
      %mul3A_225 = arith.muli %add3A_221, %mul3A_224 : i32
      %dma_start3A_226 = arith.constant 0 : i32
      %dma_start3A_227 = tpu.memref_slice %arg6[%arg0, %mul3A_225, %dma_start3A_226] : memref<2x10000x128xf32, #tpu.memory_space<hbm>> -> memref<1x200x128xf32, #tpu.memory_space<hbm>>
      %dma_start3A_228 = tpu.memref_squeeze %dma_start3A_227 : memref<1x200x128xf32, #tpu.memory_space<hbm>> -> memref<200x128xf32, #tpu.memory_space<hbm>>
      %dma_start3A_229 = arith.constant 0 : i32
      %dma_start3A_230 = tpu.memref_slice %arg14[%mul3A_223, %dma_start3A_229] : memref<10000x128xf32, #tpu.memory_space<vmem_shared>> -> memref<200x128xf32, #tpu.memory_space<vmem_shared>>
      tpu.enqueue_dma source(%dma_start3A_230 : memref<200x128xf32, #tpu.memory_space<vmem_shared>>) target(%dma_start3A_228 : memref<200x128xf32, #tpu.memory_space<hbm>>) target_semaphore(%arg24 : memref<!tpu.dma_semaphore, #tpu.memory_space<semaphore_mem>>)
    }
    %sub3A_201 = arith.constant 50 : i32
    %sub3A_202 = arith.subi %sub3A_201, %arg1 : i32
    %sub3A_203 = arith.constant 16 : i32
    %sub3A_204 = arith.constant 1 : i32
    %sub3A_205 = arith.subi %sub3A_203, %sub3A_204 : i32
    %add3A_206 = arith.addi %sub3A_202, %sub3A_205 : i32
    %div3A_207 = arith.constant 16 : i32
    %div3A_208 = arith.divsi %add3A_206, %div3A_207 : i32
    %while3A_209 = arith.constant 16 : i32
    %while3A_210 = arith.constant 0 : i32
    %while3A_211 = arith.subi %div3A_208, %while3A_210 : i32
    %while3A_212 = arith.addi %while3A_210, %while3A_211 : i32
    %while3A_213 = arith.constant 1 : i32
    %while3A_214 = arith.divsi %while3A_211, %while3A_213 : i32
    %while3A_215 = arith.muli %while3A_214, %while3A_213 : i32
    %while3A_216 = arith.addi %while3A_210, %while3A_215 : i32
    %while3A_217 = arith.constant 1 : i32
    scf.for %while3A_219 = %while3A_210 to %while3A_216 step %while3A_217  : i32 {
      %mul3A_220 = arith.muli %while3A_219, %while3A_209 : i32
      %add3A_221 = arith.addi %arg1, %mul3A_220 : i32
      %mul3A_222 = arith.constant 200 : i32
      %mul3A_223 = arith.muli %add3A_221, %mul3A_222 : i32
      %mul3A_224 = arith.constant 200 : i32
      %mul3A_225 = arith.muli %add3A_221, %mul3A_224 : i32
      %dma_wait3A_226 = arith.constant 0 : i32
      %dma_wait3A_227 = tpu.memref_slice %arg6[%arg0, %mul3A_225, %dma_wait3A_226] : memref<2x10000x128xf32, #tpu.memory_space<hbm>> -> memref<1x200x128xf32, #tpu.memory_space<hbm>>
      %dma_wait3A_228 = tpu.memref_squeeze %dma_wait3A_227 : memref<1x200x128xf32, #tpu.memory_space<hbm>> -> memref<200x128xf32, #tpu.memory_space<hbm>>
      %dma_wait3A_229 = arith.constant 0 : i32
      %dma_wait3A_230 = tpu.memref_slice %arg14[%mul3A_223, %dma_wait3A_229] : memref<10000x128xf32, #tpu.memory_space<vmem_shared>> -> memref<200x128xf32, #tpu.memory_space<vmem_shared>>
      tpu.wait_dma2 semaphore(%arg24 : memref<!tpu.dma_semaphore, #tpu.memory_space<semaphore_mem>>) src(%dma_wait3A_230 : memref<200x128xf32, #tpu.memory_space<vmem_shared>>) dst(%dma_wait3A_228 : memref<200x128xf32, #tpu.memory_space<hbm>>)
    }
    %while3A_218 = arith.constant 1 : i32
    scf.for %while3A_219 = %while3A_216 to %while3A_212 step %while3A_218  : i32 {
      %mul3A_220 = arith.muli %while3A_219, %while3A_209 : i32
      %add3A_221 = arith.addi %arg1, %mul3A_220 : i32
      %mul3A_222 = arith.constant 200 : i32
      %mul3A_223 = arith.muli %add3A_221, %mul3A_222 : i32
      %mul3A_224 = arith.constant 200 : i32
      %mul3A_225 = arith.muli %add3A_221, %mul3A_224 : i32
      %dma_wait3A_226 = arith.constant 0 : i32
      %dma_wait3A_227 = tpu.memref_slice %arg6[%arg0, %mul3A_225, %dma_wait3A_226] : memref<2x10000x128xf32, #tpu.memory_space<hbm>> -> memref<1x200x128xf32, #tpu.memory_space<hbm>>
      %dma_wait3A_228 = tpu.memref_squeeze %dma_wait3A_227 : memref<1x200x128xf32, #tpu.memory_space<hbm>> -> memref<200x128xf32, #tpu.memory_space<hbm>>
      %dma_wait3A_229 = arith.constant 0 : i32
      %dma_wait3A_230 = tpu.memref_slice %arg14[%mul3A_223, %dma_wait3A_229] : memref<10000x128xf32, #tpu.memory_space<vmem_shared>> -> memref<200x128xf32, #tpu.memory_space<vmem_shared>>
      tpu.wait_dma2 semaphore(%arg24 : memref<!tpu.dma_semaphore, #tpu.memory_space<semaphore_mem>>) src(%dma_wait3A_230 : memref<200x128xf32, #tpu.memory_space<vmem_shared>>) dst(%dma_wait3A_228 : memref<200x128xf32, #tpu.memory_space<hbm>>)
    }
    return
  }
}

#map = affine_map<(d0, d1) -> (0, 0)>
#map1 = affine_map<(d0, d1) -> (0)>
#map2 = affine_map<(d0, d1) -> (0, 0, 0)>
module attributes {stable_mosaic.version = 14 : i64} {
  func.func @_sc_segment_sum(%arg0: i32, %arg1: i32, %arg2: memref<10000x128xf32, #tpu.memory_space<hbm>>, %arg3: memref<320000xi32, #tpu.memory_space<hbm>>, %arg4: memref<320000xi32, #tpu.memory_space<hbm>>, %arg5: memref<80x128xf32, #tpu.memory_space<hbm>>, %arg6: memref<2x10000x128xf32, #tpu.memory_space<hbm>>, %arg7: memref<10000xi32, #tpu.memory_space<vmem>>, %arg8: memref<80xi32, #tpu.memory_space<vmem>>, %arg9: memref<80xi32, #tpu.memory_space<vmem>>, %arg10: memref<80xi32, #tpu.memory_space<vmem>>, %arg11: memref<80x128xf32, #tpu.memory_space<vmem>>, %arg12: memref<80x128xf32, #tpu.memory_space<vmem>>, %arg13: memref<80x128xf32, #tpu.memory_space<vmem>>, %arg14: memref<10000x128xf32, #tpu.memory_space<vmem_shared>>, %arg15: memref<!tpu.dma_semaphore, #tpu.memory_space<semaphore_mem>>, %arg16: memref<!tpu.dma_semaphore, #tpu.memory_space<semaphore_mem>>, %arg17: memref<!tpu.dma_semaphore, #tpu.memory_space<semaphore_mem>>, %arg18: memref<!tpu.dma_semaphore, #tpu.memory_space<semaphore_mem>>, %arg19: memref<!tpu.dma_semaphore, #tpu.memory_space<semaphore_mem>>, %arg20: memref<!tpu.dma_semaphore, #tpu.memory_space<semaphore_mem>>, %arg21: memref<!tpu.dma_semaphore, #tpu.memory_space<semaphore_mem>>, %arg22: memref<!tpu.dma_semaphore, #tpu.memory_space<semaphore_mem>>, %arg23: memref<!tpu.dma_semaphore, #tpu.memory_space<semaphore_mem>>, %arg24: memref<!tpu.dma_semaphore, #tpu.memory_space<semaphore_mem>>) attributes {dimension_semantics = [#tpu.dimension_semantics<core_parallel>, #tpu.dimension_semantics<subcore_parallel>], iteration_bounds = array<i64: 2, 16>, scalar_prefetch = 0 : i64, scratch_operands = 18 : i64, tpu.core_type = #tpu.core_type<sc_vector_subcore>, window_params = [{transform_indices = #map}, {transform_indices = #map1}, {transform_indices = #map1}, {transform_indices = #map}, {transform_indices = #map2}]} {
    %mul3A = arith.constant 2 : i32
    %mul3A_0 = arith.muli %arg1, %mul3A : i32
    %add3A = arith.addi %mul3A_0, %arg0 : i32
    %mul3A_1 = arith.constant 125 : i32
    %mul3A_2 = arith.muli %add3A, %mul3A_1 : i32
    %mul3A_3 = arith.constant 125 : i32
    %mul3A_4 = arith.muli %add3A, %mul3A_3 : i32
    %mul3A_5 = arith.constant 80 : i32
    %mul3A_6 = arith.muli %mul3A_4, %mul3A_5 : i32
    "tpu.region"() ({
      %run_scoped3A = tpu.sem_alloc : memref<!tpu.dma_semaphore, #tpu.memory_space<semaphore_mem>>
      %dma_start3A_219 = tpu.memref_slice %arg3[%mul3A_6] : memref<320000xi32, #tpu.memory_space<hbm>> -> memref<10000xi32, #tpu.memory_space<hbm>>
      %dma_start3A_220 = tpu.memref_slice %arg3[%mul3A_6] : memref<320000xi32, #tpu.memory_space<hbm>> -> memref<10000xi32, #tpu.memory_space<hbm>>
      tpu.enqueue_dma source(%dma_start3A_220 : memref<10000xi32, #tpu.memory_space<hbm>>) target(%arg7 : memref<10000xi32, #tpu.memory_space<vmem>>) target_semaphore(%run_scoped3A : memref<!tpu.dma_semaphore, #tpu.memory_space<semaphore_mem>>)
      %dma_wait3A_221 = tpu.memref_slice %arg3[%mul3A_6] : memref<320000xi32, #tpu.memory_space<hbm>> -> memref<10000xi32, #tpu.memory_space<hbm>>
      %dma_wait3A_222 = tpu.memref_slice %arg3[%mul3A_6] : memref<320000xi32, #tpu.memory_space<hbm>> -> memref<10000xi32, #tpu.memory_space<hbm>>
      tpu.wait_dma2 semaphore(%run_scoped3A : memref<!tpu.dma_semaphore, #tpu.memory_space<semaphore_mem>>) src(%dma_wait3A_222 : memref<10000xi32, #tpu.memory_space<hbm>>) dst(%arg7 : memref<10000xi32, #tpu.memory_space<vmem>>)
      tpu.yield
    }) : () -> ()
    %add3A_7 = arith.constant 0 : i32
    %add3A_8 = arith.addi %mul3A_2, %add3A_7 : i32
    %mul3A_9 = arith.constant 80 : i32
    %mul3A_10 = arith.muli %add3A_8, %mul3A_9 : i32
    %dma_start3A = tpu.memref_slice %arg4[%mul3A_10] : memref<320000xi32, #tpu.memory_space<hbm>> -> memref<80xi32, #tpu.memory_space<hbm>>
    %dma_start3A_11 = tpu.memref_slice %arg4[%mul3A_10] : memref<320000xi32, #tpu.memory_space<hbm>> -> memref<80xi32, #tpu.memory_space<hbm>>
    tpu.enqueue_dma source(%dma_start3A_11 : memref<80xi32, #tpu.memory_space<hbm>>) target(%arg8 : memref<80xi32, #tpu.memory_space<vmem>>) target_semaphore(%arg21 : memref<!tpu.dma_semaphore, #tpu.memory_space<semaphore_mem>>)
    %dma_start3A_12 = arith.constant 0 : i32
    %dma_start3A_13 = tpu.memref_slice %arg7[%dma_start3A_12] : memref<10000xi32, #tpu.memory_space<vmem>> -> memref<80xi32, #tpu.memory_space<vmem>>
    %dma_start3A_14 = arith.constant 0 : i32
    %dma_start3A_15 = arith.constant 0 : i32
    %dma_start3A_16 = tpu.memref_slice %arg2[%dma_start3A_14, %dma_start3A_15] : memref<10000x128xf32, #tpu.memory_space<hbm>> -> memref<10000x128xf32, #tpu.memory_space<hbm>>
    tpu.enqueue_indirect_dma source(%dma_start3A_16 : memref<10000x128xf32, #tpu.memory_space<hbm>>) target(%arg11 : memref<80x128xf32, #tpu.memory_space<vmem>>) offsets(%dma_start3A_13 : memref<80xi32, #tpu.memory_space<vmem>>) semaphore(%arg15 : memref<!tpu.dma_semaphore, #tpu.memory_space<semaphore_mem>>)
    %add3A_17 = arith.constant 1 : i32
    %add3A_18 = arith.addi %mul3A_2, %add3A_17 : i32
    %mul3A_19 = arith.constant 80 : i32
    %mul3A_20 = arith.muli %add3A_18, %mul3A_19 : i32
    %dma_start3A_21 = tpu.memref_slice %arg4[%mul3A_20] : memref<320000xi32, #tpu.memory_space<hbm>> -> memref<80xi32, #tpu.memory_space<hbm>>
    %dma_start3A_22 = tpu.memref_slice %arg4[%mul3A_20] : memref<320000xi32, #tpu.memory_space<hbm>> -> memref<80xi32, #tpu.memory_space<hbm>>
    tpu.enqueue_dma source(%dma_start3A_22 : memref<80xi32, #tpu.memory_space<hbm>>) target(%arg9 : memref<80xi32, #tpu.memory_space<vmem>>) target_semaphore(%arg22 : memref<!tpu.dma_semaphore, #tpu.memory_space<semaphore_mem>>)
    %dma_start3A_23 = arith.constant 80 : i32
    %dma_start3A_24 = tpu.memref_slice %arg7[%dma_start3A_23] : memref<10000xi32, #tpu.memory_space<vmem>> -> memref<80xi32, #tpu.memory_space<vmem>>
    %dma_start3A_25 = arith.constant 0 : i32
    %dma_start3A_26 = arith.constant 0 : i32
    %dma_start3A_27 = tpu.memref_slice %arg2[%dma_start3A_25, %dma_start3A_26] : memref<10000x128xf32, #tpu.memory_space<hbm>> -> memref<10000x128xf32, #tpu.memory_space<hbm>>
    tpu.enqueue_indirect_dma source(%dma_start3A_27 : memref<10000x128xf32, #tpu.memory_space<hbm>>) target(%arg12 : memref<80x128xf32, #tpu.memory_space<vmem>>) offsets(%dma_start3A_24 : memref<80xi32, #tpu.memory_space<vmem>>) semaphore(%arg16 : memref<!tpu.dma_semaphore, #tpu.memory_space<semaphore_mem>>)
    "tpu.region"() ({
      %run_scoped3A = tpu.sem_alloc : memref<!tpu.dma_semaphore, #tpu.memory_space<semaphore_mem>>
      tpu.enqueue_dma source(%arg5 : memref<80x128xf32, #tpu.memory_space<hbm>>) target(%arg13 : memref<80x128xf32, #tpu.memory_space<vmem>>) target_semaphore(%run_scoped3A : memref<!tpu.dma_semaphore, #tpu.memory_space<semaphore_mem>>)
      tpu.wait_dma2 semaphore(%run_scoped3A : memref<!tpu.dma_semaphore, #tpu.memory_space<semaphore_mem>>) src(%arg5 : memref<80x128xf32, #tpu.memory_space<hbm>>) dst(%arg13 : memref<80x128xf32, #tpu.memory_space<vmem>>)
      tpu.yield
    }) : () -> ()
    %sub3A = arith.constant 125 : i32
    %sub3A_28 = arith.subi %sub3A, %arg1 : i32
    %sub3A_29 = arith.constant 16 : i32
    %sub3A_30 = arith.constant 1 : i32
    %sub3A_31 = arith.subi %sub3A_29, %sub3A_30 : i32
    %add3A_32 = arith.addi %sub3A_28, %sub3A_31 : i32
    %div3A = arith.constant 16 : i32
    %div3A_33 = arith.divsi %add3A_32, %div3A : i32
    %while3A = arith.constant 16 : i32
    %while3A_34 = arith.constant 0 : i32
    %while3A_35 = arith.subi %div3A_33, %while3A_34 : i32
    %while3A_36 = arith.addi %while3A_34, %while3A_35 : i32
    %while3A_37 = arith.constant 1 : i32
    %while3A_38 = arith.divsi %while3A_35, %while3A_37 : i32
    %while3A_39 = arith.muli %while3A_38, %while3A_37 : i32
    %while3A_40 = arith.addi %while3A_34, %while3A_39 : i32
    %while3A_41 = arith.constant 1 : i32
    scf.for %while3A_219 = %while3A_34 to %while3A_40 step %while3A_41  : i32 {
      %mul3A_220 = arith.muli %while3A_219, %while3A : i32
      %add3A_221 = arith.addi %arg1, %mul3A_220 : i32
      %mul3A_222 = arith.constant 80 : i32
      %mul3A_223 = arith.muli %add3A_221, %mul3A_222 : i32
      %dma_start3A_224 = arith.constant 0 : i32
      %dma_start3A_225 = arith.constant 0 : i32
      %dma_start3A_226 = tpu.memref_slice %arg13[%dma_start3A_224, %dma_start3A_225] : memref<80x128xf32, #tpu.memory_space<vmem>> -> memref<80x128xf32, #tpu.memory_space<vmem>>
      %dma_start3A_227 = arith.constant 0 : i32
      %dma_start3A_228 = tpu.memref_slice %arg14[%mul3A_223, %dma_start3A_227] : memref<10000x128xf32, #tpu.memory_space<vmem_shared>> -> memref<80x128xf32, #tpu.memory_space<vmem_shared>>
      %dma_start3A_229 = arith.constant 0 : i32
      %dma_start3A_230 = tpu.memref_slice %arg14[%mul3A_223, %dma_start3A_229] : memref<10000x128xf32, #tpu.memory_space<vmem_shared>> -> memref<80x128xf32, #tpu.memory_space<vmem_shared>>
      %dma_start3A_231 = arith.constant 0 : i32
      %dma_start3A_232 = arith.constant 0 : i32
      %dma_start3A_233 = tpu.memref_slice %arg13[%dma_start3A_231, %dma_start3A_232] : memref<80x128xf32, #tpu.memory_space<vmem>> -> memref<80x128xf32, #tpu.memory_space<vmem>>
      tpu.enqueue_dma source(%dma_start3A_233 : memref<80x128xf32, #tpu.memory_space<vmem>>) target(%dma_start3A_230 : memref<80x128xf32, #tpu.memory_space<vmem_shared>>) target_semaphore(%arg24 : memref<!tpu.dma_semaphore, #tpu.memory_space<semaphore_mem>>)
    }
    %while3A_42 = arith.constant 1 : i32
    scf.for %while3A_219 = %while3A_40 to %while3A_36 step %while3A_42  : i32 {
      %mul3A_220 = arith.muli %while3A_219, %while3A : i32
      %add3A_221 = arith.addi %arg1, %mul3A_220 : i32
      %mul3A_222 = arith.constant 80 : i32
      %mul3A_223 = arith.muli %add3A_221, %mul3A_222 : i32
      %dma_start3A_224 = arith.constant 0 : i32
      %dma_start3A_225 = arith.constant 0 : i32
      %dma_start3A_226 = tpu.memref_slice %arg13[%dma_start3A_224, %dma_start3A_225] : memref<80x128xf32, #tpu.memory_space<vmem>> -> memref<80x128xf32, #tpu.memory_space<vmem>>
      %dma_start3A_227 = arith.constant 0 : i32
      %dma_start3A_228 = tpu.memref_slice %arg14[%mul3A_223, %dma_start3A_227] : memref<10000x128xf32, #tpu.memory_space<vmem_shared>> -> memref<80x128xf32, #tpu.memory_space<vmem_shared>>
      %dma_start3A_229 = arith.constant 0 : i32
      %dma_start3A_230 = tpu.memref_slice %arg14[%mul3A_223, %dma_start3A_229] : memref<10000x128xf32, #tpu.memory_space<vmem_shared>> -> memref<80x128xf32, #tpu.memory_space<vmem_shared>>
      %dma_start3A_231 = arith.constant 0 : i32
      %dma_start3A_232 = arith.constant 0 : i32
      %dma_start3A_233 = tpu.memref_slice %arg13[%dma_start3A_231, %dma_start3A_232] : memref<80x128xf32, #tpu.memory_space<vmem>> -> memref<80x128xf32, #tpu.memory_space<vmem>>
      tpu.enqueue_dma source(%dma_start3A_233 : memref<80x128xf32, #tpu.memory_space<vmem>>) target(%dma_start3A_230 : memref<80x128xf32, #tpu.memory_space<vmem_shared>>) target_semaphore(%arg24 : memref<!tpu.dma_semaphore, #tpu.memory_space<semaphore_mem>>)
    }
    %sub3A_43 = arith.constant 125 : i32
    %sub3A_44 = arith.subi %sub3A_43, %arg1 : i32
    %sub3A_45 = arith.constant 16 : i32
    %sub3A_46 = arith.constant 1 : i32
    %sub3A_47 = arith.subi %sub3A_45, %sub3A_46 : i32
    %add3A_48 = arith.addi %sub3A_44, %sub3A_47 : i32
    %div3A_49 = arith.constant 16 : i32
    %div3A_50 = arith.divsi %add3A_48, %div3A_49 : i32
    %while3A_51 = arith.constant 16 : i32
    %while3A_52 = arith.constant 0 : i32
    %while3A_53 = arith.subi %div3A_50, %while3A_52 : i32
    %while3A_54 = arith.addi %while3A_52, %while3A_53 : i32
    %while3A_55 = arith.constant 1 : i32
    %while3A_56 = arith.divsi %while3A_53, %while3A_55 : i32
    %while3A_57 = arith.muli %while3A_56, %while3A_55 : i32
    %while3A_58 = arith.addi %while3A_52, %while3A_57 : i32
    %while3A_59 = arith.constant 1 : i32
    scf.for %while3A_219 = %while3A_52 to %while3A_58 step %while3A_59  : i32 {
      %mul3A_220 = arith.muli %while3A_219, %while3A_51 : i32
      %add3A_221 = arith.addi %arg1, %mul3A_220 : i32
      %mul3A_222 = arith.constant 80 : i32
      %mul3A_223 = arith.muli %add3A_221, %mul3A_222 : i32
      %dma_wait3A_224 = arith.constant 0 : i32
      %dma_wait3A_225 = arith.constant 0 : i32
      %dma_wait3A_226 = tpu.memref_slice %arg13[%dma_wait3A_224, %dma_wait3A_225] : memref<80x128xf32, #tpu.memory_space<vmem>> -> memref<80x128xf32, #tpu.memory_space<vmem>>
      %dma_wait3A_227 = arith.constant 0 : i32
      %dma_wait3A_228 = tpu.memref_slice %arg14[%mul3A_223, %dma_wait3A_227] : memref<10000x128xf32, #tpu.memory_space<vmem_shared>> -> memref<80x128xf32, #tpu.memory_space<vmem_shared>>
      %dma_wait3A_229 = arith.constant 0 : i32
      %dma_wait3A_230 = tpu.memref_slice %arg14[%mul3A_223, %dma_wait3A_229] : memref<10000x128xf32, #tpu.memory_space<vmem_shared>> -> memref<80x128xf32, #tpu.memory_space<vmem_shared>>
      %dma_wait3A_231 = arith.constant 0 : i32
      %dma_wait3A_232 = arith.constant 0 : i32
      %dma_wait3A_233 = tpu.memref_slice %arg13[%dma_wait3A_231, %dma_wait3A_232] : memref<80x128xf32, #tpu.memory_space<vmem>> -> memref<80x128xf32, #tpu.memory_space<vmem>>
      tpu.wait_dma2 semaphore(%arg24 : memref<!tpu.dma_semaphore, #tpu.memory_space<semaphore_mem>>) src(%dma_wait3A_233 : memref<80x128xf32, #tpu.memory_space<vmem>>) dst(%dma_wait3A_230 : memref<80x128xf32, #tpu.memory_space<vmem_shared>>)
    }
    %while3A_60 = arith.constant 1 : i32
    scf.for %while3A_219 = %while3A_58 to %while3A_54 step %while3A_60  : i32 {
      %mul3A_220 = arith.muli %while3A_219, %while3A_51 : i32
      %add3A_221 = arith.addi %arg1, %mul3A_220 : i32
      %mul3A_222 = arith.constant 80 : i32
      %mul3A_223 = arith.muli %add3A_221, %mul3A_222 : i32
      %dma_wait3A_224 = arith.constant 0 : i32
      %dma_wait3A_225 = arith.constant 0 : i32
      %dma_wait3A_226 = tpu.memref_slice %arg13[%dma_wait3A_224, %dma_wait3A_225] : memref<80x128xf32, #tpu.memory_space<vmem>> -> memref<80x128xf32, #tpu.memory_space<vmem>>
      %dma_wait3A_227 = arith.constant 0 : i32
      %dma_wait3A_228 = tpu.memref_slice %arg14[%mul3A_223, %dma_wait3A_227] : memref<10000x128xf32, #tpu.memory_space<vmem_shared>> -> memref<80x128xf32, #tpu.memory_space<vmem_shared>>
      %dma_wait3A_229 = arith.constant 0 : i32
      %dma_wait3A_230 = tpu.memref_slice %arg14[%mul3A_223, %dma_wait3A_229] : memref<10000x128xf32, #tpu.memory_space<vmem_shared>> -> memref<80x128xf32, #tpu.memory_space<vmem_shared>>
      %dma_wait3A_231 = arith.constant 0 : i32
      %dma_wait3A_232 = arith.constant 0 : i32
      %dma_wait3A_233 = tpu.memref_slice %arg13[%dma_wait3A_231, %dma_wait3A_232] : memref<80x128xf32, #tpu.memory_space<vmem>> -> memref<80x128xf32, #tpu.memory_space<vmem>>
      tpu.wait_dma2 semaphore(%arg24 : memref<!tpu.dma_semaphore, #tpu.memory_space<semaphore_mem>>) src(%dma_wait3A_233 : memref<80x128xf32, #tpu.memory_space<vmem>>) dst(%dma_wait3A_230 : memref<80x128xf32, #tpu.memory_space<vmem_shared>>)
    }
    %barrier3A = arith.constant 0 : index
    tpu.barrier barrier_id(%barrier3A)
    %add3A_61 = arith.constant 2 : i32
    %add3A_62 = arith.addi %mul3A_2, %add3A_61 : i32
    %mul3A_63 = arith.constant 80 : i32
    %mul3A_64 = arith.muli %add3A_62, %mul3A_63 : i32
    %dma_start3A_65 = tpu.memref_slice %arg4[%mul3A_64] : memref<320000xi32, #tpu.memory_space<hbm>> -> memref<80xi32, #tpu.memory_space<hbm>>
    %dma_start3A_66 = tpu.memref_slice %arg4[%mul3A_64] : memref<320000xi32, #tpu.memory_space<hbm>> -> memref<80xi32, #tpu.memory_space<hbm>>
    tpu.enqueue_dma source(%dma_start3A_66 : memref<80xi32, #tpu.memory_space<hbm>>) target(%arg10 : memref<80xi32, #tpu.memory_space<vmem>>) target_semaphore(%arg23 : memref<!tpu.dma_semaphore, #tpu.memory_space<semaphore_mem>>)
    %dma_start3A_67 = arith.constant 160 : i32
    %dma_start3A_68 = tpu.memref_slice %arg7[%dma_start3A_67] : memref<10000xi32, #tpu.memory_space<vmem>> -> memref<80xi32, #tpu.memory_space<vmem>>
    %dma_start3A_69 = arith.constant 0 : i32
    %dma_start3A_70 = arith.constant 0 : i32
    %dma_start3A_71 = tpu.memref_slice %arg2[%dma_start3A_69, %dma_start3A_70] : memref<10000x128xf32, #tpu.memory_space<hbm>> -> memref<10000x128xf32, #tpu.memory_space<hbm>>
    tpu.enqueue_indirect_dma source(%dma_start3A_71 : memref<10000x128xf32, #tpu.memory_space<hbm>>) target(%arg13 : memref<80x128xf32, #tpu.memory_space<vmem>>) offsets(%dma_start3A_68 : memref<80xi32, #tpu.memory_space<vmem>>) semaphore(%arg17 : memref<!tpu.dma_semaphore, #tpu.memory_space<semaphore_mem>>)
    %scan3A = arith.constant 0 : i32
    %scan3A_72 = arith.constant 40 : i32
    %scan3A_73 = arith.addi %scan3A, %scan3A_72 : i32
    %scan3A_74 = arith.constant 1 : i32
    scf.for %scan3A_219 = %scan3A to %scan3A_73 step %scan3A_74  : i32 {
      %mul3A_220 = arith.constant 1 : i32
      %mul3A_221 = arith.muli %scan3A_219, %mul3A_220 : i32
      %add3A_222 = arith.constant 0 : i32
      %add3A_223 = arith.addi %add3A_222, %mul3A_221 : i32
      %mul3A_224 = arith.constant 3 : i32
      %mul3A_225 = arith.muli %mul3A_224, %add3A_223 : i32
      %add3A_226 = arith.constant 0 : i32
      %add3A_227 = arith.addi %mul3A_225, %add3A_226 : i32
      %mul3A_228 = arith.constant 80 : i32
      %mul3A_229 = arith.muli %add3A_227, %mul3A_228 : i32
      %dma_wait3A_230 = tpu.memref_slice %arg7[%mul3A_229] : memref<10000xi32, #tpu.memory_space<vmem>> -> memref<80xi32, #tpu.memory_space<vmem>>
      %dma_wait3A_231 = arith.constant 0 : i32
      %dma_wait3A_232 = arith.constant 0 : i32
      %dma_wait3A_233 = tpu.memref_slice %arg2[%dma_wait3A_231, %dma_wait3A_232] : memref<10000x128xf32, #tpu.memory_space<hbm>> -> memref<10000x128xf32, #tpu.memory_space<hbm>>
      tpu.wait_indirect_dma semaphore(%arg15 : memref<!tpu.dma_semaphore, #tpu.memory_space<semaphore_mem>>) src(%dma_wait3A_233 : memref<10000x128xf32, #tpu.memory_space<hbm>>) dst(%arg11 : memref<80x128xf32, #tpu.memory_space<vmem>>)
      %add3A_234 = arith.addi %mul3A_2, %add3A_227 : i32
      %mul3A_235 = arith.constant 80 : i32
      %mul3A_236 = arith.muli %add3A_234, %mul3A_235 : i32
      %dma_wait3A_237 = tpu.memref_slice %arg4[%mul3A_236] : memref<320000xi32, #tpu.memory_space<hbm>> -> memref<80xi32, #tpu.memory_space<hbm>>
      %dma_wait3A_238 = tpu.memref_slice %arg4[%mul3A_236] : memref<320000xi32, #tpu.memory_space<hbm>> -> memref<80xi32, #tpu.memory_space<hbm>>
      tpu.wait_dma2 semaphore(%arg21 : memref<!tpu.dma_semaphore, #tpu.memory_space<semaphore_mem>>) src(%dma_wait3A_238 : memref<80xi32, #tpu.memory_space<hbm>>) dst(%arg8 : memref<80xi32, #tpu.memory_space<vmem>>)
      %dma_start3A_239 = arith.constant 0 : i32
      %dma_start3A_240 = arith.constant 0 : i32
      %dma_start3A_241 = tpu.memref_slice %arg14[%dma_start3A_239, %dma_start3A_240] : memref<10000x128xf32, #tpu.memory_space<vmem_shared>> -> memref<10000x128xf32, #tpu.memory_space<vmem_shared>>
      tpu.enqueue_indirect_dma source(%arg11 : memref<80x128xf32, #tpu.memory_space<vmem>>) target(%dma_start3A_241 : memref<10000x128xf32, #tpu.memory_space<vmem_shared>>) offsets(%arg8 : memref<80xi32, #tpu.memory_space<vmem>>) semaphore(%arg18 : memref<!tpu.dma_semaphore, #tpu.memory_space<semaphore_mem>>) {add = true}
      %dma_wait3A_242 = arith.constant 0 : i32
      %dma_wait3A_243 = arith.constant 0 : i32
      %dma_wait3A_244 = tpu.memref_slice %arg14[%dma_wait3A_242, %dma_wait3A_243] : memref<10000x128xf32, #tpu.memory_space<vmem_shared>> -> memref<10000x128xf32, #tpu.memory_space<vmem_shared>>
      tpu.wait_indirect_dma semaphore(%arg18 : memref<!tpu.dma_semaphore, #tpu.memory_space<semaphore_mem>>) src(%arg11 : memref<80x128xf32, #tpu.memory_space<vmem>>) dst(%dma_wait3A_244 : memref<10000x128xf32, #tpu.memory_space<vmem_shared>>)
      %add3A_245 = arith.constant 3 : i32
      %add3A_246 = arith.addi %mul3A_225, %add3A_245 : i32
      %add3A_247 = arith.constant 0 : i32
      %add3A_248 = arith.addi %add3A_246, %add3A_247 : i32
      %add3A_249 = arith.addi %mul3A_2, %add3A_248 : i32
      %mul3A_250 = arith.constant 80 : i32
      %mul3A_251 = arith.muli %add3A_249, %mul3A_250 : i32
      %dma_start3A_252 = tpu.memref_slice %arg4[%mul3A_251] : memref<320000xi32, #tpu.memory_space<hbm>> -> memref<80xi32, #tpu.memory_space<hbm>>
      %dma_start3A_253 = tpu.memref_slice %arg4[%mul3A_251] : memref<320000xi32, #tpu.memory_space<hbm>> -> memref<80xi32, #tpu.memory_space<hbm>>
      tpu.enqueue_dma source(%dma_start3A_253 : memref<80xi32, #tpu.memory_space<hbm>>) target(%arg8 : memref<80xi32, #tpu.memory_space<vmem>>) target_semaphore(%arg21 : memref<!tpu.dma_semaphore, #tpu.memory_space<semaphore_mem>>)
      %mul3A_254 = arith.constant 80 : i32
      %mul3A_255 = arith.muli %add3A_248, %mul3A_254 : i32
      %dma_start3A_256 = tpu.memref_slice %arg7[%mul3A_255] : memref<10000xi32, #tpu.memory_space<vmem>> -> memref<80xi32, #tpu.memory_space<vmem>>
      %dma_start3A_257 = arith.constant 0 : i32
      %dma_start3A_258 = arith.constant 0 : i32
      %dma_start3A_259 = tpu.memref_slice %arg2[%dma_start3A_257, %dma_start3A_258] : memref<10000x128xf32, #tpu.memory_space<hbm>> -> memref<10000x128xf32, #tpu.memory_space<hbm>>
      tpu.enqueue_indirect_dma source(%dma_start3A_259 : memref<10000x128xf32, #tpu.memory_space<hbm>>) target(%arg11 : memref<80x128xf32, #tpu.memory_space<vmem>>) offsets(%dma_start3A_256 : memref<80xi32, #tpu.memory_space<vmem>>) semaphore(%arg15 : memref<!tpu.dma_semaphore, #tpu.memory_space<semaphore_mem>>)
      %add3A_260 = arith.constant 1 : i32
      %add3A_261 = arith.addi %mul3A_225, %add3A_260 : i32
      %mul3A_262 = arith.constant 80 : i32
      %mul3A_263 = arith.muli %add3A_261, %mul3A_262 : i32
      %dma_wait3A_264 = tpu.memref_slice %arg7[%mul3A_263] : memref<10000xi32, #tpu.memory_space<vmem>> -> memref<80xi32, #tpu.memory_space<vmem>>
      %dma_wait3A_265 = arith.constant 0 : i32
      %dma_wait3A_266 = arith.constant 0 : i32
      %dma_wait3A_267 = tpu.memref_slice %arg2[%dma_wait3A_265, %dma_wait3A_266] : memref<10000x128xf32, #tpu.memory_space<hbm>> -> memref<10000x128xf32, #tpu.memory_space<hbm>>
      tpu.wait_indirect_dma semaphore(%arg16 : memref<!tpu.dma_semaphore, #tpu.memory_space<semaphore_mem>>) src(%dma_wait3A_267 : memref<10000x128xf32, #tpu.memory_space<hbm>>) dst(%arg12 : memref<80x128xf32, #tpu.memory_space<vmem>>)
      %add3A_268 = arith.addi %mul3A_2, %add3A_261 : i32
      %mul3A_269 = arith.constant 80 : i32
      %mul3A_270 = arith.muli %add3A_268, %mul3A_269 : i32
      %dma_wait3A_271 = tpu.memref_slice %arg4[%mul3A_270] : memref<320000xi32, #tpu.memory_space<hbm>> -> memref<80xi32, #tpu.memory_space<hbm>>
      %dma_wait3A_272 = tpu.memref_slice %arg4[%mul3A_270] : memref<320000xi32, #tpu.memory_space<hbm>> -> memref<80xi32, #tpu.memory_space<hbm>>
      tpu.wait_dma2 semaphore(%arg22 : memref<!tpu.dma_semaphore, #tpu.memory_space<semaphore_mem>>) src(%dma_wait3A_272 : memref<80xi32, #tpu.memory_space<hbm>>) dst(%arg9 : memref<80xi32, #tpu.memory_space<vmem>>)
      %dma_start3A_273 = arith.constant 0 : i32
      %dma_start3A_274 = arith.constant 0 : i32
      %dma_start3A_275 = tpu.memref_slice %arg14[%dma_start3A_273, %dma_start3A_274] : memref<10000x128xf32, #tpu.memory_space<vmem_shared>> -> memref<10000x128xf32, #tpu.memory_space<vmem_shared>>
      tpu.enqueue_indirect_dma source(%arg12 : memref<80x128xf32, #tpu.memory_space<vmem>>) target(%dma_start3A_275 : memref<10000x128xf32, #tpu.memory_space<vmem_shared>>) offsets(%arg9 : memref<80xi32, #tpu.memory_space<vmem>>) semaphore(%arg19 : memref<!tpu.dma_semaphore, #tpu.memory_space<semaphore_mem>>) {add = true}
      %dma_wait3A_276 = arith.constant 0 : i32
      %dma_wait3A_277 = arith.constant 0 : i32
      %dma_wait3A_278 = tpu.memref_slice %arg14[%dma_wait3A_276, %dma_wait3A_277] : memref<10000x128xf32, #tpu.memory_space<vmem_shared>> -> memref<10000x128xf32, #tpu.memory_space<vmem_shared>>
      tpu.wait_indirect_dma semaphore(%arg19 : memref<!tpu.dma_semaphore, #tpu.memory_space<semaphore_mem>>) src(%arg12 : memref<80x128xf32, #tpu.memory_space<vmem>>) dst(%dma_wait3A_278 : memref<10000x128xf32, #tpu.memory_space<vmem_shared>>)
      %add3A_279 = arith.constant 3 : i32
      %add3A_280 = arith.addi %mul3A_225, %add3A_279 : i32
      %add3A_281 = arith.constant 1 : i32
      %add3A_282 = arith.addi %add3A_280, %add3A_281 : i32
      %add3A_283 = arith.addi %mul3A_2, %add3A_282 : i32
      %mul3A_284 = arith.constant 80 : i32
      %mul3A_285 = arith.muli %add3A_283, %mul3A_284 : i32
      %dma_start3A_286 = tpu.memref_slice %arg4[%mul3A_285] : memref<320000xi32, #tpu.memory_space<hbm>> -> memref<80xi32, #tpu.memory_space<hbm>>
      %dma_start3A_287 = tpu.memref_slice %arg4[%mul3A_285] : memref<320000xi32, #tpu.memory_space<hbm>> -> memref<80xi32, #tpu.memory_space<hbm>>
      tpu.enqueue_dma source(%dma_start3A_287 : memref<80xi32, #tpu.memory_space<hbm>>) target(%arg9 : memref<80xi32, #tpu.memory_space<vmem>>) target_semaphore(%arg22 : memref<!tpu.dma_semaphore, #tpu.memory_space<semaphore_mem>>)
      %mul3A_288 = arith.constant 80 : i32
      %mul3A_289 = arith.muli %add3A_282, %mul3A_288 : i32
      %dma_start3A_290 = tpu.memref_slice %arg7[%mul3A_289] : memref<10000xi32, #tpu.memory_space<vmem>> -> memref<80xi32, #tpu.memory_space<vmem>>
      %dma_start3A_291 = arith.constant 0 : i32
      %dma_start3A_292 = arith.constant 0 : i32
      %dma_start3A_293 = tpu.memref_slice %arg2[%dma_start3A_291, %dma_start3A_292] : memref<10000x128xf32, #tpu.memory_space<hbm>> -> memref<10000x128xf32, #tpu.memory_space<hbm>>
      tpu.enqueue_indirect_dma source(%dma_start3A_293 : memref<10000x128xf32, #tpu.memory_space<hbm>>) target(%arg12 : memref<80x128xf32, #tpu.memory_space<vmem>>) offsets(%dma_start3A_290 : memref<80xi32, #tpu.memory_space<vmem>>) semaphore(%arg16 : memref<!tpu.dma_semaphore, #tpu.memory_space<semaphore_mem>>)
      %add3A_294 = arith.constant 2 : i32
      %add3A_295 = arith.addi %mul3A_225, %add3A_294 : i32
      %mul3A_296 = arith.constant 80 : i32
      %mul3A_297 = arith.muli %add3A_295, %mul3A_296 : i32
      %dma_wait3A_298 = tpu.memref_slice %arg7[%mul3A_297] : memref<10000xi32, #tpu.memory_space<vmem>> -> memref<80xi32, #tpu.memory_space<vmem>>
      %dma_wait3A_299 = arith.constant 0 : i32
      %dma_wait3A_300 = arith.constant 0 : i32
      %dma_wait3A_301 = tpu.memref_slice %arg2[%dma_wait3A_299, %dma_wait3A_300] : memref<10000x128xf32, #tpu.memory_space<hbm>> -> memref<10000x128xf32, #tpu.memory_space<hbm>>
      tpu.wait_indirect_dma semaphore(%arg17 : memref<!tpu.dma_semaphore, #tpu.memory_space<semaphore_mem>>) src(%dma_wait3A_301 : memref<10000x128xf32, #tpu.memory_space<hbm>>) dst(%arg13 : memref<80x128xf32, #tpu.memory_space<vmem>>)
      %add3A_302 = arith.addi %mul3A_2, %add3A_295 : i32
      %mul3A_303 = arith.constant 80 : i32
      %mul3A_304 = arith.muli %add3A_302, %mul3A_303 : i32
      %dma_wait3A_305 = tpu.memref_slice %arg4[%mul3A_304] : memref<320000xi32, #tpu.memory_space<hbm>> -> memref<80xi32, #tpu.memory_space<hbm>>
      %dma_wait3A_306 = tpu.memref_slice %arg4[%mul3A_304] : memref<320000xi32, #tpu.memory_space<hbm>> -> memref<80xi32, #tpu.memory_space<hbm>>
      tpu.wait_dma2 semaphore(%arg23 : memref<!tpu.dma_semaphore, #tpu.memory_space<semaphore_mem>>) src(%dma_wait3A_306 : memref<80xi32, #tpu.memory_space<hbm>>) dst(%arg10 : memref<80xi32, #tpu.memory_space<vmem>>)
      %dma_start3A_307 = arith.constant 0 : i32
      %dma_start3A_308 = arith.constant 0 : i32
      %dma_start3A_309 = tpu.memref_slice %arg14[%dma_start3A_307, %dma_start3A_308] : memref<10000x128xf32, #tpu.memory_space<vmem_shared>> -> memref<10000x128xf32, #tpu.memory_space<vmem_shared>>
      tpu.enqueue_indirect_dma source(%arg13 : memref<80x128xf32, #tpu.memory_space<vmem>>) target(%dma_start3A_309 : memref<10000x128xf32, #tpu.memory_space<vmem_shared>>) offsets(%arg10 : memref<80xi32, #tpu.memory_space<vmem>>) semaphore(%arg20 : memref<!tpu.dma_semaphore, #tpu.memory_space<semaphore_mem>>) {add = true}
      %dma_wait3A_310 = arith.constant 0 : i32
      %dma_wait3A_311 = arith.constant 0 : i32
      %dma_wait3A_312 = tpu.memref_slice %arg14[%dma_wait3A_310, %dma_wait3A_311] : memref<10000x128xf32, #tpu.memory_space<vmem_shared>> -> memref<10000x128xf32, #tpu.memory_space<vmem_shared>>
      tpu.wait_indirect_dma semaphore(%arg20 : memref<!tpu.dma_semaphore, #tpu.memory_space<semaphore_mem>>) src(%arg13 : memref<80x128xf32, #tpu.memory_space<vmem>>) dst(%dma_wait3A_312 : memref<10000x128xf32, #tpu.memory_space<vmem_shared>>)
      %add3A_313 = arith.constant 3 : i32
      %add3A_314 = arith.addi %mul3A_225, %add3A_313 : i32
      %add3A_315 = arith.constant 2 : i32
      %add3A_316 = arith.addi %add3A_314, %add3A_315 : i32
      %add3A_317 = arith.addi %mul3A_2, %add3A_316 : i32
      %mul3A_318 = arith.constant 80 : i32
      %mul3A_319 = arith.muli %add3A_317, %mul3A_318 : i32
      %dma_start3A_320 = tpu.memref_slice %arg4[%mul3A_319] : memref<320000xi32, #tpu.memory_space<hbm>> -> memref<80xi32, #tpu.memory_space<hbm>>
      %dma_start3A_321 = tpu.memref_slice %arg4[%mul3A_319] : memref<320000xi32, #tpu.memory_space<hbm>> -> memref<80xi32, #tpu.memory_space<hbm>>
      tpu.enqueue_dma source(%dma_start3A_321 : memref<80xi32, #tpu.memory_space<hbm>>) target(%arg10 : memref<80xi32, #tpu.memory_space<vmem>>) target_semaphore(%arg23 : memref<!tpu.dma_semaphore, #tpu.memory_space<semaphore_mem>>)
      %mul3A_322 = arith.constant 80 : i32
      %mul3A_323 = arith.muli %add3A_316, %mul3A_322 : i32
      %dma_start3A_324 = tpu.memref_slice %arg7[%mul3A_323] : memref<10000xi32, #tpu.memory_space<vmem>> -> memref<80xi32, #tpu.memory_space<vmem>>
      %dma_start3A_325 = arith.constant 0 : i32
      %dma_start3A_326 = arith.constant 0 : i32
      %dma_start3A_327 = tpu.memref_slice %arg2[%dma_start3A_325, %dma_start3A_326] : memref<10000x128xf32, #tpu.memory_space<hbm>> -> memref<10000x128xf32, #tpu.memory_space<hbm>>
      tpu.enqueue_indirect_dma source(%dma_start3A_327 : memref<10000x128xf32, #tpu.memory_space<hbm>>) target(%arg13 : memref<80x128xf32, #tpu.memory_space<vmem>>) offsets(%dma_start3A_324 : memref<80xi32, #tpu.memory_space<vmem>>) semaphore(%arg17 : memref<!tpu.dma_semaphore, #tpu.memory_space<semaphore_mem>>)
    }
    %scan3A_75 = arith.constant 40 : i32
    %dma_wait3A = arith.constant 9600 : i32
    %dma_wait3A_76 = tpu.memref_slice %arg7[%dma_wait3A] : memref<10000xi32, #tpu.memory_space<vmem>> -> memref<80xi32, #tpu.memory_space<vmem>>
    %dma_wait3A_77 = arith.constant 0 : i32
    %dma_wait3A_78 = arith.constant 0 : i32
    %dma_wait3A_79 = tpu.memref_slice %arg2[%dma_wait3A_77, %dma_wait3A_78] : memref<10000x128xf32, #tpu.memory_space<hbm>> -> memref<10000x128xf32, #tpu.memory_space<hbm>>
    tpu.wait_indirect_dma semaphore(%arg15 : memref<!tpu.dma_semaphore, #tpu.memory_space<semaphore_mem>>) src(%dma_wait3A_79 : memref<10000x128xf32, #tpu.memory_space<hbm>>) dst(%arg11 : memref<80x128xf32, #tpu.memory_space<vmem>>)
    %add3A_80 = arith.constant 120 : i32
    %add3A_81 = arith.addi %mul3A_2, %add3A_80 : i32
    %mul3A_82 = arith.constant 80 : i32
    %mul3A_83 = arith.muli %add3A_81, %mul3A_82 : i32
    %dma_wait3A_84 = tpu.memref_slice %arg4[%mul3A_83] : memref<320000xi32, #tpu.memory_space<hbm>> -> memref<80xi32, #tpu.memory_space<hbm>>
    %dma_wait3A_85 = tpu.memref_slice %arg4[%mul3A_83] : memref<320000xi32, #tpu.memory_space<hbm>> -> memref<80xi32, #tpu.memory_space<hbm>>
    tpu.wait_dma2 semaphore(%arg21 : memref<!tpu.dma_semaphore, #tpu.memory_space<semaphore_mem>>) src(%dma_wait3A_85 : memref<80xi32, #tpu.memory_space<hbm>>) dst(%arg8 : memref<80xi32, #tpu.memory_space<vmem>>)
    %dma_start3A_86 = arith.constant 0 : i32
    %dma_start3A_87 = arith.constant 0 : i32
    %dma_start3A_88 = tpu.memref_slice %arg14[%dma_start3A_86, %dma_start3A_87] : memref<10000x128xf32, #tpu.memory_space<vmem_shared>> -> memref<10000x128xf32, #tpu.memory_space<vmem_shared>>
    tpu.enqueue_indirect_dma source(%arg11 : memref<80x128xf32, #tpu.memory_space<vmem>>) target(%dma_start3A_88 : memref<10000x128xf32, #tpu.memory_space<vmem_shared>>) offsets(%arg8 : memref<80xi32, #tpu.memory_space<vmem>>) semaphore(%arg18 : memref<!tpu.dma_semaphore, #tpu.memory_space<semaphore_mem>>) {add = true}
    %dma_wait3A_89 = arith.constant 0 : i32
    %dma_wait3A_90 = arith.constant 0 : i32
    %dma_wait3A_91 = tpu.memref_slice %arg14[%dma_wait3A_89, %dma_wait3A_90] : memref<10000x128xf32, #tpu.memory_space<vmem_shared>> -> memref<10000x128xf32, #tpu.memory_space<vmem_shared>>
    tpu.wait_indirect_dma semaphore(%arg18 : memref<!tpu.dma_semaphore, #tpu.memory_space<semaphore_mem>>) src(%arg11 : memref<80x128xf32, #tpu.memory_space<vmem>>) dst(%dma_wait3A_91 : memref<10000x128xf32, #tpu.memory_space<vmem_shared>>)
    %add3A_92 = arith.constant 123 : i32
    %add3A_93 = arith.addi %mul3A_2, %add3A_92 : i32
    %mul3A_94 = arith.constant 80 : i32
    %mul3A_95 = arith.muli %add3A_93, %mul3A_94 : i32
    %dma_start3A_96 = tpu.memref_slice %arg4[%mul3A_95] : memref<320000xi32, #tpu.memory_space<hbm>> -> memref<80xi32, #tpu.memory_space<hbm>>
    %dma_start3A_97 = tpu.memref_slice %arg4[%mul3A_95] : memref<320000xi32, #tpu.memory_space<hbm>> -> memref<80xi32, #tpu.memory_space<hbm>>
    tpu.enqueue_dma source(%dma_start3A_97 : memref<80xi32, #tpu.memory_space<hbm>>) target(%arg8 : memref<80xi32, #tpu.memory_space<vmem>>) target_semaphore(%arg21 : memref<!tpu.dma_semaphore, #tpu.memory_space<semaphore_mem>>)
    %dma_start3A_98 = arith.constant 9840 : i32
    %dma_start3A_99 = tpu.memref_slice %arg7[%dma_start3A_98] : memref<10000xi32, #tpu.memory_space<vmem>> -> memref<80xi32, #tpu.memory_space<vmem>>
    %dma_start3A_100 = arith.constant 0 : i32
    %dma_start3A_101 = arith.constant 0 : i32
    %dma_start3A_102 = tpu.memref_slice %arg2[%dma_start3A_100, %dma_start3A_101] : memref<10000x128xf32, #tpu.memory_space<hbm>> -> memref<10000x128xf32, #tpu.memory_space<hbm>>
    tpu.enqueue_indirect_dma source(%dma_start3A_102 : memref<10000x128xf32, #tpu.memory_space<hbm>>) target(%arg11 : memref<80x128xf32, #tpu.memory_space<vmem>>) offsets(%dma_start3A_99 : memref<80xi32, #tpu.memory_space<vmem>>) semaphore(%arg15 : memref<!tpu.dma_semaphore, #tpu.memory_space<semaphore_mem>>)
    %dma_wait3A_103 = arith.constant 9680 : i32
    %dma_wait3A_104 = tpu.memref_slice %arg7[%dma_wait3A_103] : memref<10000xi32, #tpu.memory_space<vmem>> -> memref<80xi32, #tpu.memory_space<vmem>>
    %dma_wait3A_105 = arith.constant 0 : i32
    %dma_wait3A_106 = arith.constant 0 : i32
    %dma_wait3A_107 = tpu.memref_slice %arg2[%dma_wait3A_105, %dma_wait3A_106] : memref<10000x128xf32, #tpu.memory_space<hbm>> -> memref<10000x128xf32, #tpu.memory_space<hbm>>
    tpu.wait_indirect_dma semaphore(%arg16 : memref<!tpu.dma_semaphore, #tpu.memory_space<semaphore_mem>>) src(%dma_wait3A_107 : memref<10000x128xf32, #tpu.memory_space<hbm>>) dst(%arg12 : memref<80x128xf32, #tpu.memory_space<vmem>>)
    %add3A_108 = arith.constant 121 : i32
    %add3A_109 = arith.addi %mul3A_2, %add3A_108 : i32
    %mul3A_110 = arith.constant 80 : i32
    %mul3A_111 = arith.muli %add3A_109, %mul3A_110 : i32
    %dma_wait3A_112 = tpu.memref_slice %arg4[%mul3A_111] : memref<320000xi32, #tpu.memory_space<hbm>> -> memref<80xi32, #tpu.memory_space<hbm>>
    %dma_wait3A_113 = tpu.memref_slice %arg4[%mul3A_111] : memref<320000xi32, #tpu.memory_space<hbm>> -> memref<80xi32, #tpu.memory_space<hbm>>
    tpu.wait_dma2 semaphore(%arg22 : memref<!tpu.dma_semaphore, #tpu.memory_space<semaphore_mem>>) src(%dma_wait3A_113 : memref<80xi32, #tpu.memory_space<hbm>>) dst(%arg9 : memref<80xi32, #tpu.memory_space<vmem>>)
    %dma_start3A_114 = arith.constant 0 : i32
    %dma_start3A_115 = arith.constant 0 : i32
    %dma_start3A_116 = tpu.memref_slice %arg14[%dma_start3A_114, %dma_start3A_115] : memref<10000x128xf32, #tpu.memory_space<vmem_shared>> -> memref<10000x128xf32, #tpu.memory_space<vmem_shared>>
    tpu.enqueue_indirect_dma source(%arg12 : memref<80x128xf32, #tpu.memory_space<vmem>>) target(%dma_start3A_116 : memref<10000x128xf32, #tpu.memory_space<vmem_shared>>) offsets(%arg9 : memref<80xi32, #tpu.memory_space<vmem>>) semaphore(%arg19 : memref<!tpu.dma_semaphore, #tpu.memory_space<semaphore_mem>>) {add = true}
    %dma_wait3A_117 = arith.constant 0 : i32
    %dma_wait3A_118 = arith.constant 0 : i32
    %dma_wait3A_119 = tpu.memref_slice %arg14[%dma_wait3A_117, %dma_wait3A_118] : memref<10000x128xf32, #tpu.memory_space<vmem_shared>> -> memref<10000x128xf32, #tpu.memory_space<vmem_shared>>
    tpu.wait_indirect_dma semaphore(%arg19 : memref<!tpu.dma_semaphore, #tpu.memory_space<semaphore_mem>>) src(%arg12 : memref<80x128xf32, #tpu.memory_space<vmem>>) dst(%dma_wait3A_119 : memref<10000x128xf32, #tpu.memory_space<vmem_shared>>)
    %add3A_120 = arith.constant 124 : i32
    %add3A_121 = arith.addi %mul3A_2, %add3A_120 : i32
    %mul3A_122 = arith.constant 80 : i32
    %mul3A_123 = arith.muli %add3A_121, %mul3A_122 : i32
    %dma_start3A_124 = tpu.memref_slice %arg4[%mul3A_123] : memref<320000xi32, #tpu.memory_space<hbm>> -> memref<80xi32, #tpu.memory_space<hbm>>
    %dma_start3A_125 = tpu.memref_slice %arg4[%mul3A_123] : memref<320000xi32, #tpu.memory_space<hbm>> -> memref<80xi32, #tpu.memory_space<hbm>>
    tpu.enqueue_dma source(%dma_start3A_125 : memref<80xi32, #tpu.memory_space<hbm>>) target(%arg9 : memref<80xi32, #tpu.memory_space<vmem>>) target_semaphore(%arg22 : memref<!tpu.dma_semaphore, #tpu.memory_space<semaphore_mem>>)
    %dma_start3A_126 = arith.constant 9920 : i32
    %dma_start3A_127 = tpu.memref_slice %arg7[%dma_start3A_126] : memref<10000xi32, #tpu.memory_space<vmem>> -> memref<80xi32, #tpu.memory_space<vmem>>
    %dma_start3A_128 = arith.constant 0 : i32
    %dma_start3A_129 = arith.constant 0 : i32
    %dma_start3A_130 = tpu.memref_slice %arg2[%dma_start3A_128, %dma_start3A_129] : memref<10000x128xf32, #tpu.memory_space<hbm>> -> memref<10000x128xf32, #tpu.memory_space<hbm>>
    tpu.enqueue_indirect_dma source(%dma_start3A_130 : memref<10000x128xf32, #tpu.memory_space<hbm>>) target(%arg12 : memref<80x128xf32, #tpu.memory_space<vmem>>) offsets(%dma_start3A_127 : memref<80xi32, #tpu.memory_space<vmem>>) semaphore(%arg16 : memref<!tpu.dma_semaphore, #tpu.memory_space<semaphore_mem>>)
    %dma_wait3A_131 = arith.constant 9760 : i32
    %dma_wait3A_132 = tpu.memref_slice %arg7[%dma_wait3A_131] : memref<10000xi32, #tpu.memory_space<vmem>> -> memref<80xi32, #tpu.memory_space<vmem>>
    %dma_wait3A_133 = arith.constant 0 : i32
    %dma_wait3A_134 = arith.constant 0 : i32
    %dma_wait3A_135 = tpu.memref_slice %arg2[%dma_wait3A_133, %dma_wait3A_134] : memref<10000x128xf32, #tpu.memory_space<hbm>> -> memref<10000x128xf32, #tpu.memory_space<hbm>>
    tpu.wait_indirect_dma semaphore(%arg17 : memref<!tpu.dma_semaphore, #tpu.memory_space<semaphore_mem>>) src(%dma_wait3A_135 : memref<10000x128xf32, #tpu.memory_space<hbm>>) dst(%arg13 : memref<80x128xf32, #tpu.memory_space<vmem>>)
    %add3A_136 = arith.constant 122 : i32
    %add3A_137 = arith.addi %mul3A_2, %add3A_136 : i32
    %mul3A_138 = arith.constant 80 : i32
    %mul3A_139 = arith.muli %add3A_137, %mul3A_138 : i32
    %dma_wait3A_140 = tpu.memref_slice %arg4[%mul3A_139] : memref<320000xi32, #tpu.memory_space<hbm>> -> memref<80xi32, #tpu.memory_space<hbm>>
    %dma_wait3A_141 = tpu.memref_slice %arg4[%mul3A_139] : memref<320000xi32, #tpu.memory_space<hbm>> -> memref<80xi32, #tpu.memory_space<hbm>>
    tpu.wait_dma2 semaphore(%arg23 : memref<!tpu.dma_semaphore, #tpu.memory_space<semaphore_mem>>) src(%dma_wait3A_141 : memref<80xi32, #tpu.memory_space<hbm>>) dst(%arg10 : memref<80xi32, #tpu.memory_space<vmem>>)
    %dma_start3A_142 = arith.constant 0 : i32
    %dma_start3A_143 = arith.constant 0 : i32
    %dma_start3A_144 = tpu.memref_slice %arg14[%dma_start3A_142, %dma_start3A_143] : memref<10000x128xf32, #tpu.memory_space<vmem_shared>> -> memref<10000x128xf32, #tpu.memory_space<vmem_shared>>
    tpu.enqueue_indirect_dma source(%arg13 : memref<80x128xf32, #tpu.memory_space<vmem>>) target(%dma_start3A_144 : memref<10000x128xf32, #tpu.memory_space<vmem_shared>>) offsets(%arg10 : memref<80xi32, #tpu.memory_space<vmem>>) semaphore(%arg20 : memref<!tpu.dma_semaphore, #tpu.memory_space<semaphore_mem>>) {add = true}
    %dma_wait3A_145 = arith.constant 0 : i32
    %dma_wait3A_146 = arith.constant 0 : i32
    %dma_wait3A_147 = tpu.memref_slice %arg14[%dma_wait3A_145, %dma_wait3A_146] : memref<10000x128xf32, #tpu.memory_space<vmem_shared>> -> memref<10000x128xf32, #tpu.memory_space<vmem_shared>>
    tpu.wait_indirect_dma semaphore(%arg20 : memref<!tpu.dma_semaphore, #tpu.memory_space<semaphore_mem>>) src(%arg13 : memref<80x128xf32, #tpu.memory_space<vmem>>) dst(%dma_wait3A_147 : memref<10000x128xf32, #tpu.memory_space<vmem_shared>>)
    %dma_wait3A_148 = arith.constant 9840 : i32
    %dma_wait3A_149 = tpu.memref_slice %arg7[%dma_wait3A_148] : memref<10000xi32, #tpu.memory_space<vmem>> -> memref<80xi32, #tpu.memory_space<vmem>>
    %dma_wait3A_150 = arith.constant 0 : i32
    %dma_wait3A_151 = arith.constant 0 : i32
    %dma_wait3A_152 = tpu.memref_slice %arg2[%dma_wait3A_150, %dma_wait3A_151] : memref<10000x128xf32, #tpu.memory_space<hbm>> -> memref<10000x128xf32, #tpu.memory_space<hbm>>
    tpu.wait_indirect_dma semaphore(%arg15 : memref<!tpu.dma_semaphore, #tpu.memory_space<semaphore_mem>>) src(%dma_wait3A_152 : memref<10000x128xf32, #tpu.memory_space<hbm>>) dst(%arg11 : memref<80x128xf32, #tpu.memory_space<vmem>>)
    %add3A_153 = arith.constant 123 : i32
    %add3A_154 = arith.addi %mul3A_2, %add3A_153 : i32
    %mul3A_155 = arith.constant 80 : i32
    %mul3A_156 = arith.muli %add3A_154, %mul3A_155 : i32
    %dma_wait3A_157 = tpu.memref_slice %arg4[%mul3A_156] : memref<320000xi32, #tpu.memory_space<hbm>> -> memref<80xi32, #tpu.memory_space<hbm>>
    %dma_wait3A_158 = tpu.memref_slice %arg4[%mul3A_156] : memref<320000xi32, #tpu.memory_space<hbm>> -> memref<80xi32, #tpu.memory_space<hbm>>
    tpu.wait_dma2 semaphore(%arg21 : memref<!tpu.dma_semaphore, #tpu.memory_space<semaphore_mem>>) src(%dma_wait3A_158 : memref<80xi32, #tpu.memory_space<hbm>>) dst(%arg8 : memref<80xi32, #tpu.memory_space<vmem>>)
    %dma_start3A_159 = arith.constant 0 : i32
    %dma_start3A_160 = arith.constant 0 : i32
    %dma_start3A_161 = tpu.memref_slice %arg14[%dma_start3A_159, %dma_start3A_160] : memref<10000x128xf32, #tpu.memory_space<vmem_shared>> -> memref<10000x128xf32, #tpu.memory_space<vmem_shared>>
    tpu.enqueue_indirect_dma source(%arg11 : memref<80x128xf32, #tpu.memory_space<vmem>>) target(%dma_start3A_161 : memref<10000x128xf32, #tpu.memory_space<vmem_shared>>) offsets(%arg8 : memref<80xi32, #tpu.memory_space<vmem>>) semaphore(%arg18 : memref<!tpu.dma_semaphore, #tpu.memory_space<semaphore_mem>>) {add = true}
    %dma_wait3A_162 = arith.constant 0 : i32
    %dma_wait3A_163 = arith.constant 0 : i32
    %dma_wait3A_164 = tpu.memref_slice %arg14[%dma_wait3A_162, %dma_wait3A_163] : memref<10000x128xf32, #tpu.memory_space<vmem_shared>> -> memref<10000x128xf32, #tpu.memory_space<vmem_shared>>
    tpu.wait_indirect_dma semaphore(%arg18 : memref<!tpu.dma_semaphore, #tpu.memory_space<semaphore_mem>>) src(%arg11 : memref<80x128xf32, #tpu.memory_space<vmem>>) dst(%dma_wait3A_164 : memref<10000x128xf32, #tpu.memory_space<vmem_shared>>)
    %dma_wait3A_165 = arith.constant 9920 : i32
    %dma_wait3A_166 = tpu.memref_slice %arg7[%dma_wait3A_165] : memref<10000xi32, #tpu.memory_space<vmem>> -> memref<80xi32, #tpu.memory_space<vmem>>
    %dma_wait3A_167 = arith.constant 0 : i32
    %dma_wait3A_168 = arith.constant 0 : i32
    %dma_wait3A_169 = tpu.memref_slice %arg2[%dma_wait3A_167, %dma_wait3A_168] : memref<10000x128xf32, #tpu.memory_space<hbm>> -> memref<10000x128xf32, #tpu.memory_space<hbm>>
    tpu.wait_indirect_dma semaphore(%arg16 : memref<!tpu.dma_semaphore, #tpu.memory_space<semaphore_mem>>) src(%dma_wait3A_169 : memref<10000x128xf32, #tpu.memory_space<hbm>>) dst(%arg12 : memref<80x128xf32, #tpu.memory_space<vmem>>)
    %add3A_170 = arith.constant 124 : i32
    %add3A_171 = arith.addi %mul3A_2, %add3A_170 : i32
    %mul3A_172 = arith.constant 80 : i32
    %mul3A_173 = arith.muli %add3A_171, %mul3A_172 : i32
    %dma_wait3A_174 = tpu.memref_slice %arg4[%mul3A_173] : memref<320000xi32, #tpu.memory_space<hbm>> -> memref<80xi32, #tpu.memory_space<hbm>>
    %dma_wait3A_175 = tpu.memref_slice %arg4[%mul3A_173] : memref<320000xi32, #tpu.memory_space<hbm>> -> memref<80xi32, #tpu.memory_space<hbm>>
    tpu.wait_dma2 semaphore(%arg22 : memref<!tpu.dma_semaphore, #tpu.memory_space<semaphore_mem>>) src(%dma_wait3A_175 : memref<80xi32, #tpu.memory_space<hbm>>) dst(%arg9 : memref<80xi32, #tpu.memory_space<vmem>>)
    %dma_start3A_176 = arith.constant 0 : i32
    %dma_start3A_177 = arith.constant 0 : i32
    %dma_start3A_178 = tpu.memref_slice %arg14[%dma_start3A_176, %dma_start3A_177] : memref<10000x128xf32, #tpu.memory_space<vmem_shared>> -> memref<10000x128xf32, #tpu.memory_space<vmem_shared>>
    tpu.enqueue_indirect_dma source(%arg12 : memref<80x128xf32, #tpu.memory_space<vmem>>) target(%dma_start3A_178 : memref<10000x128xf32, #tpu.memory_space<vmem_shared>>) offsets(%arg9 : memref<80xi32, #tpu.memory_space<vmem>>) semaphore(%arg19 : memref<!tpu.dma_semaphore, #tpu.memory_space<semaphore_mem>>) {add = true}
    %dma_wait3A_179 = arith.constant 0 : i32
    %dma_wait3A_180 = arith.constant 0 : i32
    %dma_wait3A_181 = tpu.memref_slice %arg14[%dma_wait3A_179, %dma_wait3A_180] : memref<10000x128xf32, #tpu.memory_space<vmem_shared>> -> memref<10000x128xf32, #tpu.memory_space<vmem_shared>>
    tpu.wait_indirect_dma semaphore(%arg19 : memref<!tpu.dma_semaphore, #tpu.memory_space<semaphore_mem>>) src(%arg12 : memref<80x128xf32, #tpu.memory_space<vmem>>) dst(%dma_wait3A_181 : memref<10000x128xf32, #tpu.memory_space<vmem_shared>>)
    %barrier3A_182 = arith.constant 0 : index
    tpu.barrier barrier_id(%barrier3A_182)
    %sub3A_183 = arith.constant 50 : i32
    %sub3A_184 = arith.subi %sub3A_183, %arg1 : i32
    %sub3A_185 = arith.constant 16 : i32
    %sub3A_186 = arith.constant 1 : i32
    %sub3A_187 = arith.subi %sub3A_185, %sub3A_186 : i32
    %add3A_188 = arith.addi %sub3A_184, %sub3A_187 : i32
    %div3A_189 = arith.constant 16 : i32
    %div3A_190 = arith.divsi %add3A_188, %div3A_189 : i32
    %while3A_191 = arith.constant 16 : i32
    %while3A_192 = arith.constant 0 : i32
    %while3A_193 = arith.subi %div3A_190, %while3A_192 : i32
    %while3A_194 = arith.addi %while3A_192, %while3A_193 : i32
    %while3A_195 = arith.constant 1 : i32
    %while3A_196 = arith.divsi %while3A_193, %while3A_195 : i32
    %while3A_197 = arith.muli %while3A_196, %while3A_195 : i32
    %while3A_198 = arith.addi %while3A_192, %while3A_197 : i32
    %while3A_199 = arith.constant 1 : i32
    scf.for %while3A_219 = %while3A_192 to %while3A_198 step %while3A_199  : i32 {
      %mul3A_220 = arith.muli %while3A_219, %while3A_191 : i32
      %add3A_221 = arith.addi %arg1, %mul3A_220 : i32
      %mul3A_222 = arith.constant 200 : i32
      %mul3A_223 = arith.muli %add3A_221, %mul3A_222 : i32
      %mul3A_224 = arith.constant 200 : i32
      %mul3A_225 = arith.muli %add3A_221, %mul3A_224 : i32
      %dma_start3A_226 = arith.constant 0 : i32
      %dma_start3A_227 = tpu.memref_slice %arg6[%arg0, %mul3A_225, %dma_start3A_226] : memref<2x10000x128xf32, #tpu.memory_space<hbm>> -> memref<1x200x128xf32, #tpu.memory_space<hbm>>
      %dma_start3A_228 = tpu.memref_squeeze %dma_start3A_227 : memref<1x200x128xf32, #tpu.memory_space<hbm>> -> memref<200x128xf32, #tpu.memory_space<hbm>>
      %dma_start3A_229 = arith.constant 0 : i32
      %dma_start3A_230 = tpu.memref_slice %arg14[%mul3A_223, %dma_start3A_229] : memref<10000x128xf32, #tpu.memory_space<vmem_shared>> -> memref<200x128xf32, #tpu.memory_space<vmem_shared>>
      tpu.enqueue_dma source(%dma_start3A_230 : memref<200x128xf32, #tpu.memory_space<vmem_shared>>) target(%dma_start3A_228 : memref<200x128xf32, #tpu.memory_space<hbm>>) target_semaphore(%arg24 : memref<!tpu.dma_semaphore, #tpu.memory_space<semaphore_mem>>)
    }
    %while3A_200 = arith.constant 1 : i32
    scf.for %while3A_219 = %while3A_198 to %while3A_194 step %while3A_200  : i32 {
      %mul3A_220 = arith.muli %while3A_219, %while3A_191 : i32
      %add3A_221 = arith.addi %arg1, %mul3A_220 : i32
      %mul3A_222 = arith.constant 200 : i32
      %mul3A_223 = arith.muli %add3A_221, %mul3A_222 : i32
      %mul3A_224 = arith.constant 200 : i32
      %mul3A_225 = arith.muli %add3A_221, %mul3A_224 : i32
      %dma_start3A_226 = arith.constant 0 : i32
      %dma_start3A_227 = tpu.memref_slice %arg6[%arg0, %mul3A_225, %dma_start3A_226] : memref<2x10000x128xf32, #tpu.memory_space<hbm>> -> memref<1x200x128xf32, #tpu.memory_space<hbm>>
      %dma_start3A_228 = tpu.memref_squeeze %dma_start3A_227 : memref<1x200x128xf32, #tpu.memory_space<hbm>> -> memref<200x128xf32, #tpu.memory_space<hbm>>
      %dma_start3A_229 = arith.constant 0 : i32
      %dma_start3A_230 = tpu.memref_slice %arg14[%mul3A_223, %dma_start3A_229] : memref<10000x128xf32, #tpu.memory_space<vmem_shared>> -> memref<200x128xf32, #tpu.memory_space<vmem_shared>>
      tpu.enqueue_dma source(%dma_start3A_230 : memref<200x128xf32, #tpu.memory_space<vmem_shared>>) target(%dma_start3A_228 : memref<200x128xf32, #tpu.memory_space<hbm>>) target_semaphore(%arg24 : memref<!tpu.dma_semaphore, #tpu.memory_space<semaphore_mem>>)
    }
    %sub3A_201 = arith.constant 50 : i32
    %sub3A_202 = arith.subi %sub3A_201, %arg1 : i32
    %sub3A_203 = arith.constant 16 : i32
    %sub3A_204 = arith.constant 1 : i32
    %sub3A_205 = arith.subi %sub3A_203, %sub3A_204 : i32
    %add3A_206 = arith.addi %sub3A_202, %sub3A_205 : i32
    %div3A_207 = arith.constant 16 : i32
    %div3A_208 = arith.divsi %add3A_206, %div3A_207 : i32
    %while3A_209 = arith.constant 16 : i32
    %while3A_210 = arith.constant 0 : i32
    %while3A_211 = arith.subi %div3A_208, %while3A_210 : i32
    %while3A_212 = arith.addi %while3A_210, %while3A_211 : i32
    %while3A_213 = arith.constant 1 : i32
    %while3A_214 = arith.divsi %while3A_211, %while3A_213 : i32
    %while3A_215 = arith.muli %while3A_214, %while3A_213 : i32
    %while3A_216 = arith.addi %while3A_210, %while3A_215 : i32
    %while3A_217 = arith.constant 1 : i32
    scf.for %while3A_219 = %while3A_210 to %while3A_216 step %while3A_217  : i32 {
      %mul3A_220 = arith.muli %while3A_219, %while3A_209 : i32
      %add3A_221 = arith.addi %arg1, %mul3A_220 : i32
      %mul3A_222 = arith.constant 200 : i32
      %mul3A_223 = arith.muli %add3A_221, %mul3A_222 : i32
      %mul3A_224 = arith.constant 200 : i32
      %mul3A_225 = arith.muli %add3A_221, %mul3A_224 : i32
      %dma_wait3A_226 = arith.constant 0 : i32
      %dma_wait3A_227 = tpu.memref_slice %arg6[%arg0, %mul3A_225, %dma_wait3A_226] : memref<2x10000x128xf32, #tpu.memory_space<hbm>> -> memref<1x200x128xf32, #tpu.memory_space<hbm>>
      %dma_wait3A_228 = tpu.memref_squeeze %dma_wait3A_227 : memref<1x200x128xf32, #tpu.memory_space<hbm>> -> memref<200x128xf32, #tpu.memory_space<hbm>>
      %dma_wait3A_229 = arith.constant 0 : i32
      %dma_wait3A_230 = tpu.memref_slice %arg14[%mul3A_223, %dma_wait3A_229] : memref<10000x128xf32, #tpu.memory_space<vmem_shared>> -> memref<200x128xf32, #tpu.memory_space<vmem_shared>>
      tpu.wait_dma2 semaphore(%arg24 : memref<!tpu.dma_semaphore, #tpu.memory_space<semaphore_mem>>) src(%dma_wait3A_230 : memref<200x128xf32, #tpu.memory_space<vmem_shared>>) dst(%dma_wait3A_228 : memref<200x128xf32, #tpu.memory_space<hbm>>)
    }
    %while3A_218 = arith.constant 1 : i32
    scf.for %while3A_219 = %while3A_216 to %while3A_212 step %while3A_218  : i32 {
      %mul3A_220 = arith.muli %while3A_219, %while3A_209 : i32
      %add3A_221 = arith.addi %arg1, %mul3A_220 : i32
      %mul3A_222 = arith.constant 200 : i32
      %mul3A_223 = arith.muli %add3A_221, %mul3A_222 : i32
      %mul3A_224 = arith.constant 200 : i32
      %mul3A_225 = arith.muli %add3A_221, %mul3A_224 : i32
      %dma_wait3A_226 = arith.constant 0 : i32
      %dma_wait3A_227 = tpu.memref_slice %arg6[%arg0, %mul3A_225, %dma_wait3A_226] : memref<2x10000x128xf32, #tpu.memory_space<hbm>> -> memref<1x200x128xf32, #tpu.memory_space<hbm>>
      %dma_wait3A_228 = tpu.memref_squeeze %dma_wait3A_227 : memref<1x200x128xf32, #tpu.memory_space<hbm>> -> memref<200x128xf32, #tpu.memory_space<hbm>>
      %dma_wait3A_229 = arith.constant 0 : i32
      %dma_wait3A_230 = tpu.memref_slice %arg14[%mul3A_223, %dma_wait3A_229] : memref<10000x128xf32, #tpu.memory_space<vmem_shared>> -> memref<200x128xf32, #tpu.memory_space<vmem_shared>>
      tpu.wait_dma2 semaphore(%arg24 : memref<!tpu.dma_semaphore, #tpu.memory_space<semaphore_mem>>) src(%dma_wait3A_230 : memref<200x128xf32, #tpu.memory_space<vmem_shared>>) dst(%dma_wait3A_228 : memref<200x128xf32, #tpu.memory_space<hbm>>)
    }
    return
  }
}

#map = affine_map<(d0, d1) -> (0, 0)>
#map1 = affine_map<(d0, d1) -> (0)>
#map2 = affine_map<(d0, d1) -> (0, 0, 0)>
module attributes {stable_mosaic.version = 14 : i64} {
  func.func @_sc_pool(%arg0: i32, %arg1: i32, %arg2: memref<10000x128xf32, #tpu.memory_space<hbm>>, %arg3: memref<10000xi32, #tpu.memory_space<hbm>>, %arg4: memref<10000xi32, #tpu.memory_space<hbm>>, %arg5: memref<64xi32, #tpu.memory_space<hbm>>, %arg6: memref<80x128xf32, #tpu.memory_space<hbm>>, %arg7: memref<80x128xf32, #tpu.memory_space<hbm>>, %arg8: memref<2x512x128xf32, #tpu.memory_space<hbm>>, %arg9: memref<2x512x128xf32, #tpu.memory_space<hbm>>, %arg10: memref<64xi32, #tpu.memory_space<vmem>>, %arg11: memref<64xi32, #tpu.memory_space<vmem>>, %arg12: memref<80xi32, #tpu.memory_space<vmem>>, %arg13: memref<80xi32, #tpu.memory_space<vmem>>, %arg14: memref<80xi32, #tpu.memory_space<vmem>>, %arg15: memref<80x128xf32, #tpu.memory_space<vmem>>, %arg16: memref<80x128xf32, #tpu.memory_space<vmem>>, %arg17: memref<512x128xf32, #tpu.memory_space<vmem_shared>>, %arg18: memref<512x128xf32, #tpu.memory_space<vmem_shared>>) attributes {dimension_semantics = [#tpu.dimension_semantics<core_parallel>, #tpu.dimension_semantics<subcore_parallel>], iteration_bounds = array<i64: 2, 16>, scalar_prefetch = 0 : i64, scratch_operands = 9 : i64, tpu.core_type = #tpu.core_type<sc_vector_subcore>, window_params = [{transform_indices = #map}, {transform_indices = #map1}, {transform_indices = #map1}, {transform_indices = #map1}, {transform_indices = #map}, {transform_indices = #map}, {transform_indices = #map2}, {transform_indices = #map2}]} {
    %mul3A = arith.constant 2 : i32
    %mul3A_0 = arith.muli %arg1, %mul3A : i32
    %add3A = arith.addi %mul3A_0, %arg0 : i32
    "tpu.region"() ({
      %run_scoped3A = tpu.sem_alloc : memref<!tpu.dma_semaphore, #tpu.memory_space<semaphore_mem>>
      tpu.enqueue_dma source(%arg5 : memref<64xi32, #tpu.memory_space<hbm>>) target(%arg10 : memref<64xi32, #tpu.memory_space<vmem>>) target_semaphore(%run_scoped3A : memref<!tpu.dma_semaphore, #tpu.memory_space<semaphore_mem>>)
      tpu.wait_dma2 semaphore(%run_scoped3A : memref<!tpu.dma_semaphore, #tpu.memory_space<semaphore_mem>>) src(%arg5 : memref<64xi32, #tpu.memory_space<hbm>>) dst(%arg10 : memref<64xi32, #tpu.memory_space<vmem>>)
      tpu.yield
    }) : () -> ()
    %get3A = arith.constant 0 : index
    %get3A_1 = tpu.vector_load %arg10[%get3A] {strides = array<i32>} : memref<64xi32, #tpu.memory_space<vmem>>, vector<16xi32>,
    %broadcast_in_dim3A = arith.constant true
    %broadcast_in_dim3A_2 = vector.broadcast %broadcast_in_dim3A : i1 to vector<16xi1>
    %masked_cumsum3A = tpu.scan <sum>, %get3A_1 masked %broadcast_in_dim3A_2 : vector<16xi32>, vector<16xi1> -> vector<16xi32>
    %sub3A = arith.subi %masked_cumsum3A, %get3A_1 : vector<16xi32>
    %add3A_3 = arith.constant 0 : i32
    %add3A_4 = vector.broadcast %add3A_3 : i32 to vector<16xi32>
    %add3A_5 = arith.addi %sub3A, %add3A_4 : vector<16xi32>
    %swap3A = arith.constant 0 : index
    %swap3A_6 = tpu.vector_load %arg11[%swap3A] {strides = array<i32>} : memref<64xi32, #tpu.memory_space<vmem>>, vector<16xi32>,
    tpu.vector_store %arg11[%swap3A], %add3A_5 {strides = array<i32>} : memref<64xi32, #tpu.memory_space<vmem>>, vector<16xi32>,
    %reduce_sum3A = arith.constant true
    %reduce_sum3A_7 = vector.broadcast %reduce_sum3A : i1 to vector<16xi1>
    %reduce_sum3A_8 = tpu.scan <sum>, %get3A_1 masked %reduce_sum3A_7 : vector<16xi32>, vector<16xi1> -> vector<16xi32>
    %reduce_sum3A_9 = vector.extract %reduce_sum3A_8[15] : i32 from vector<16xi32>
    %add3A_10 = arith.constant 0 : i32
    %add3A_11 = arith.addi %add3A_10, %reduce_sum3A_9 : i32
    %get3A_12 = arith.constant 16 : index
    %get3A_13 = tpu.vector_load %arg10[%get3A_12] {strides = array<i32>} : memref<64xi32, #tpu.memory_space<vmem>>, vector<16xi32>,
    %broadcast_in_dim3A_14 = arith.constant true
    %broadcast_in_dim3A_15 = vector.broadcast %broadcast_in_dim3A_14 : i1 to vector<16xi1>
    %masked_cumsum3A_16 = tpu.scan <sum>, %get3A_13 masked %broadcast_in_dim3A_15 : vector<16xi32>, vector<16xi1> -> vector<16xi32>
    %sub3A_17 = arith.subi %masked_cumsum3A_16, %get3A_13 : vector<16xi32>
    %add3A_18 = vector.broadcast %add3A_11 : i32 to vector<16xi32>
    %add3A_19 = arith.addi %sub3A_17, %add3A_18 : vector<16xi32>
    %swap3A_20 = arith.constant 16 : index
    %swap3A_21 = tpu.vector_load %arg11[%swap3A_20] {strides = array<i32>} : memref<64xi32, #tpu.memory_space<vmem>>, vector<16xi32>,
    tpu.vector_store %arg11[%swap3A_20], %add3A_19 {strides = array<i32>} : memref<64xi32, #tpu.memory_space<vmem>>, vector<16xi32>,
    %reduce_sum3A_22 = arith.constant true
    %reduce_sum3A_23 = vector.broadcast %reduce_sum3A_22 : i1 to vector<16xi1>
    %reduce_sum3A_24 = tpu.scan <sum>, %get3A_13 masked %reduce_sum3A_23 : vector<16xi32>, vector<16xi1> -> vector<16xi32>
    %reduce_sum3A_25 = vector.extract %reduce_sum3A_24[15] : i32 from vector<16xi32>
    %add3A_26 = arith.addi %add3A_11, %reduce_sum3A_25 : i32
    %get3A_27 = arith.constant 32 : index
    %get3A_28 = tpu.vector_load %arg10[%get3A_27] {strides = array<i32>} : memref<64xi32, #tpu.memory_space<vmem>>, vector<16xi32>,
    %broadcast_in_dim3A_29 = arith.constant true
    %broadcast_in_dim3A_30 = vector.broadcast %broadcast_in_dim3A_29 : i1 to vector<16xi1>
    %masked_cumsum3A_31 = tpu.scan <sum>, %get3A_28 masked %broadcast_in_dim3A_30 : vector<16xi32>, vector<16xi1> -> vector<16xi32>
    %sub3A_32 = arith.subi %masked_cumsum3A_31, %get3A_28 : vector<16xi32>
    %add3A_33 = vector.broadcast %add3A_26 : i32 to vector<16xi32>
    %add3A_34 = arith.addi %sub3A_32, %add3A_33 : vector<16xi32>
    %swap3A_35 = arith.constant 32 : index
    %swap3A_36 = tpu.vector_load %arg11[%swap3A_35] {strides = array<i32>} : memref<64xi32, #tpu.memory_space<vmem>>, vector<16xi32>,
    tpu.vector_store %arg11[%swap3A_35], %add3A_34 {strides = array<i32>} : memref<64xi32, #tpu.memory_space<vmem>>, vector<16xi32>,
    %reduce_sum3A_37 = arith.constant true
    %reduce_sum3A_38 = vector.broadcast %reduce_sum3A_37 : i1 to vector<16xi1>
    %reduce_sum3A_39 = tpu.scan <sum>, %get3A_28 masked %reduce_sum3A_38 : vector<16xi32>, vector<16xi1> -> vector<16xi32>
    %reduce_sum3A_40 = vector.extract %reduce_sum3A_39[15] : i32 from vector<16xi32>
    %add3A_41 = arith.addi %add3A_26, %reduce_sum3A_40 : i32
    %get3A_42 = arith.constant 48 : index
    %get3A_43 = tpu.vector_load %arg10[%get3A_42] {strides = array<i32>} : memref<64xi32, #tpu.memory_space<vmem>>, vector<16xi32>,
    %broadcast_in_dim3A_44 = arith.constant true
    %broadcast_in_dim3A_45 = vector.broadcast %broadcast_in_dim3A_44 : i1 to vector<16xi1>
    %masked_cumsum3A_46 = tpu.scan <sum>, %get3A_43 masked %broadcast_in_dim3A_45 : vector<16xi32>, vector<16xi1> -> vector<16xi32>
    %sub3A_47 = arith.subi %masked_cumsum3A_46, %get3A_43 : vector<16xi32>
    %add3A_48 = vector.broadcast %add3A_41 : i32 to vector<16xi32>
    %add3A_49 = arith.addi %sub3A_47, %add3A_48 : vector<16xi32>
    %swap3A_50 = arith.constant 48 : index
    %swap3A_51 = tpu.vector_load %arg11[%swap3A_50] {strides = array<i32>} : memref<64xi32, #tpu.memory_space<vmem>>, vector<16xi32>,
    tpu.vector_store %arg11[%swap3A_50], %add3A_49 {strides = array<i32>} : memref<64xi32, #tpu.memory_space<vmem>>, vector<16xi32>,
    %reduce_sum3A_52 = arith.constant true
    %reduce_sum3A_53 = vector.broadcast %reduce_sum3A_52 : i1 to vector<16xi1>
    %reduce_sum3A_54 = tpu.scan <sum>, %get3A_43 masked %reduce_sum3A_53 : vector<16xi32>, vector<16xi1> -> vector<16xi32>
    %reduce_sum3A_55 = vector.extract %reduce_sum3A_54[15] : i32 from vector<16xi32>
    %add3A_56 = arith.addi %add3A_41, %reduce_sum3A_55 : i32
    "tpu.region"() ({
      %run_scoped3A = tpu.sem_alloc : memref<!tpu.dma_semaphore, #tpu.memory_space<semaphore_mem>>
      tpu.enqueue_dma source(%arg6 : memref<80x128xf32, #tpu.memory_space<hbm>>) target(%arg15 : memref<80x128xf32, #tpu.memory_space<vmem>>) target_semaphore(%run_scoped3A : memref<!tpu.dma_semaphore, #tpu.memory_space<semaphore_mem>>)
      tpu.wait_dma2 semaphore(%run_scoped3A : memref<!tpu.dma_semaphore, #tpu.memory_space<semaphore_mem>>) src(%arg6 : memref<80x128xf32, #tpu.memory_space<hbm>>) dst(%arg15 : memref<80x128xf32, #tpu.memory_space<vmem>>)
      tpu.yield
    }) : () -> ()
    "tpu.region"() ({
      %run_scoped3A = tpu.sem_alloc : memref<!tpu.dma_semaphore, #tpu.memory_space<semaphore_mem>>
      tpu.enqueue_dma source(%arg7 : memref<80x128xf32, #tpu.memory_space<hbm>>) target(%arg16 : memref<80x128xf32, #tpu.memory_space<vmem>>) target_semaphore(%run_scoped3A : memref<!tpu.dma_semaphore, #tpu.memory_space<semaphore_mem>>)
      tpu.wait_dma2 semaphore(%run_scoped3A : memref<!tpu.dma_semaphore, #tpu.memory_space<semaphore_mem>>) src(%arg7 : memref<80x128xf32, #tpu.memory_space<hbm>>) dst(%arg16 : memref<80x128xf32, #tpu.memory_space<vmem>>)
      tpu.yield
    }) : () -> ()
    %mul3A_57 = arith.constant 32 : i32
    %mul3A_58 = arith.muli %arg1, %mul3A_57 : i32
    "tpu.region"() ({
      %run_scoped3A = tpu.sem_alloc : memref<!tpu.dma_semaphore, #tpu.memory_space<semaphore_mem>>
      %dma_start3A = arith.constant 0 : i32
      %dma_start3A_76 = arith.constant 0 : i32
      %dma_start3A_77 = tpu.memref_slice %arg15[%dma_start3A, %dma_start3A_76] : memref<80x128xf32, #tpu.memory_space<vmem>> -> memref<32x128xf32, #tpu.memory_space<vmem>>
      %dma_start3A_78 = arith.constant 0 : i32
      %dma_start3A_79 = tpu.memref_slice %arg17[%mul3A_58, %dma_start3A_78] : memref<512x128xf32, #tpu.memory_space<vmem_shared>> -> memref<32x128xf32, #tpu.memory_space<vmem_shared>>
      %dma_start3A_80 = arith.constant 0 : i32
      %dma_start3A_81 = tpu.memref_slice %arg17[%mul3A_58, %dma_start3A_80] : memref<512x128xf32, #tpu.memory_space<vmem_shared>> -> memref<32x128xf32, #tpu.memory_space<vmem_shared>>
      %dma_start3A_82 = arith.constant 0 : i32
      %dma_start3A_83 = arith.constant 0 : i32
      %dma_start3A_84 = tpu.memref_slice %arg15[%dma_start3A_82, %dma_start3A_83] : memref<80x128xf32, #tpu.memory_space<vmem>> -> memref<32x128xf32, #tpu.memory_space<vmem>>
      tpu.enqueue_dma source(%dma_start3A_84 : memref<32x128xf32, #tpu.memory_space<vmem>>) target(%dma_start3A_81 : memref<32x128xf32, #tpu.memory_space<vmem_shared>>) target_semaphore(%run_scoped3A : memref<!tpu.dma_semaphore, #tpu.memory_space<semaphore_mem>>)
      %dma_wait3A = arith.constant 0 : i32
      %dma_wait3A_85 = arith.constant 0 : i32
      %dma_wait3A_86 = tpu.memref_slice %arg15[%dma_wait3A, %dma_wait3A_85] : memref<80x128xf32, #tpu.memory_space<vmem>> -> memref<32x128xf32, #tpu.memory_space<vmem>>
      %dma_wait3A_87 = arith.constant 0 : i32
      %dma_wait3A_88 = tpu.memref_slice %arg17[%mul3A_58, %dma_wait3A_87] : memref<512x128xf32, #tpu.memory_space<vmem_shared>> -> memref<32x128xf32, #tpu.memory_space<vmem_shared>>
      %dma_wait3A_89 = arith.constant 0 : i32
      %dma_wait3A_90 = tpu.memref_slice %arg17[%mul3A_58, %dma_wait3A_89] : memref<512x128xf32, #tpu.memory_space<vmem_shared>> -> memref<32x128xf32, #tpu.memory_space<vmem_shared>>
      %dma_wait3A_91 = arith.constant 0 : i32
      %dma_wait3A_92 = arith.constant 0 : i32
      %dma_wait3A_93 = tpu.memref_slice %arg15[%dma_wait3A_91, %dma_wait3A_92] : memref<80x128xf32, #tpu.memory_space<vmem>> -> memref<32x128xf32, #tpu.memory_space<vmem>>
      tpu.wait_dma2 semaphore(%run_scoped3A : memref<!tpu.dma_semaphore, #tpu.memory_space<semaphore_mem>>) src(%dma_wait3A_93 : memref<32x128xf32, #tpu.memory_space<vmem>>) dst(%dma_wait3A_90 : memref<32x128xf32, #tpu.memory_space<vmem_shared>>)
      tpu.yield
    }) : () -> ()
    "tpu.region"() ({
      %run_scoped3A = tpu.sem_alloc : memref<!tpu.dma_semaphore, #tpu.memory_space<semaphore_mem>>
      %dma_start3A = arith.constant 0 : i32
      %dma_start3A_76 = arith.constant 0 : i32
      %dma_start3A_77 = tpu.memref_slice %arg15[%dma_start3A, %dma_start3A_76] : memref<80x128xf32, #tpu.memory_space<vmem>> -> memref<32x128xf32, #tpu.memory_space<vmem>>
      %dma_start3A_78 = arith.constant 0 : i32
      %dma_start3A_79 = tpu.memref_slice %arg18[%mul3A_58, %dma_start3A_78] : memref<512x128xf32, #tpu.memory_space<vmem_shared>> -> memref<32x128xf32, #tpu.memory_space<vmem_shared>>
      %dma_start3A_80 = arith.constant 0 : i32
      %dma_start3A_81 = tpu.memref_slice %arg18[%mul3A_58, %dma_start3A_80] : memref<512x128xf32, #tpu.memory_space<vmem_shared>> -> memref<32x128xf32, #tpu.memory_space<vmem_shared>>
      %dma_start3A_82 = arith.constant 0 : i32
      %dma_start3A_83 = arith.constant 0 : i32
      %dma_start3A_84 = tpu.memref_slice %arg15[%dma_start3A_82, %dma_start3A_83] : memref<80x128xf32, #tpu.memory_space<vmem>> -> memref<32x128xf32, #tpu.memory_space<vmem>>
      tpu.enqueue_dma source(%dma_start3A_84 : memref<32x128xf32, #tpu.memory_space<vmem>>) target(%dma_start3A_81 : memref<32x128xf32, #tpu.memory_space<vmem_shared>>) target_semaphore(%run_scoped3A : memref<!tpu.dma_semaphore, #tpu.memory_space<semaphore_mem>>)
      %dma_wait3A = arith.constant 0 : i32
      %dma_wait3A_85 = arith.constant 0 : i32
      %dma_wait3A_86 = tpu.memref_slice %arg15[%dma_wait3A, %dma_wait3A_85] : memref<80x128xf32, #tpu.memory_space<vmem>> -> memref<32x128xf32, #tpu.memory_space<vmem>>
      %dma_wait3A_87 = arith.constant 0 : i32
      %dma_wait3A_88 = tpu.memref_slice %arg18[%mul3A_58, %dma_wait3A_87] : memref<512x128xf32, #tpu.memory_space<vmem_shared>> -> memref<32x128xf32, #tpu.memory_space<vmem_shared>>
      %dma_wait3A_89 = arith.constant 0 : i32
      %dma_wait3A_90 = tpu.memref_slice %arg18[%mul3A_58, %dma_wait3A_89] : memref<512x128xf32, #tpu.memory_space<vmem_shared>> -> memref<32x128xf32, #tpu.memory_space<vmem_shared>>
      %dma_wait3A_91 = arith.constant 0 : i32
      %dma_wait3A_92 = arith.constant 0 : i32
      %dma_wait3A_93 = tpu.memref_slice %arg15[%dma_wait3A_91, %dma_wait3A_92] : memref<80x128xf32, #tpu.memory_space<vmem>> -> memref<32x128xf32, #tpu.memory_space<vmem>>
      tpu.wait_dma2 semaphore(%run_scoped3A : memref<!tpu.dma_semaphore, #tpu.memory_space<semaphore_mem>>) src(%dma_wait3A_93 : memref<32x128xf32, #tpu.memory_space<vmem>>) dst(%dma_wait3A_90 : memref<32x128xf32, #tpu.memory_space<vmem_shared>>)
      tpu.yield
    }) : () -> ()
    %barrier3A = arith.constant 0 : index
    tpu.barrier barrier_id(%barrier3A)
    %sub3A_59 = arith.constant 125 : i32
    %sub3A_60 = arith.subi %sub3A_59, %add3A : i32
    %sub3A_61 = arith.constant 32 : i32
    %sub3A_62 = arith.constant 1 : i32
    %sub3A_63 = arith.subi %sub3A_61, %sub3A_62 : i32
    %add3A_64 = arith.addi %sub3A_60, %sub3A_63 : i32
    %div3A = arith.constant 32 : i32
    %div3A_65 = arith.divsi %add3A_64, %div3A : i32
    %while3A = arith.constant 32 : i32
    %while3A_66 = arith.constant 0 : i32
    %while3A_67 = arith.subi %div3A_65, %while3A_66 : i32
    %while3A_68 = arith.addi %while3A_66, %while3A_67 : i32
    %while3A_69 = arith.constant 1 : i32
    %while3A_70 = arith.divsi %while3A_67, %while3A_69 : i32
    %while3A_71 = arith.muli %while3A_70, %while3A_69 : i32
    %while3A_72 = arith.addi %while3A_66, %while3A_71 : i32
    %while3A_73 = arith.constant 1 : i32
    scf.for %while3A_76 = %while3A_66 to %while3A_72 step %while3A_73  : i32 {
      %mul3A_77 = arith.muli %while3A_76, %while3A : i32
      %add3A_78 = arith.addi %add3A, %mul3A_77 : i32
      %mul3A_79 = arith.constant 80 : i32
      %mul3A_80 = arith.muli %add3A_78, %mul3A_79 : i32
      "tpu.region"() ({
        %run_scoped3A = tpu.sem_alloc : memref<!tpu.dma_semaphore, #tpu.memory_space<semaphore_mem>>
        %dma_start3A = tpu.memref_slice %arg3[%mul3A_80] : memref<10000xi32, #tpu.memory_space<hbm>> -> memref<80xi32, #tpu.memory_space<hbm>>
        %dma_start3A_120 = tpu.memref_slice %arg3[%mul3A_80] : memref<10000xi32, #tpu.memory_space<hbm>> -> memref<80xi32, #tpu.memory_space<hbm>>
        tpu.enqueue_dma source(%dma_start3A_120 : memref<80xi32, #tpu.memory_space<hbm>>) target(%arg12 : memref<80xi32, #tpu.memory_space<vmem>>) target_semaphore(%run_scoped3A : memref<!tpu.dma_semaphore, #tpu.memory_space<semaphore_mem>>)
        %dma_wait3A = tpu.memref_slice %arg3[%mul3A_80] : memref<10000xi32, #tpu.memory_space<hbm>> -> memref<80xi32, #tpu.memory_space<hbm>>
        %dma_wait3A_121 = tpu.memref_slice %arg3[%mul3A_80] : memref<10000xi32, #tpu.memory_space<hbm>> -> memref<80xi32, #tpu.memory_space<hbm>>
        tpu.wait_dma2 semaphore(%run_scoped3A : memref<!tpu.dma_semaphore, #tpu.memory_space<semaphore_mem>>) src(%dma_wait3A_121 : memref<80xi32, #tpu.memory_space<hbm>>) dst(%arg12 : memref<80xi32, #tpu.memory_space<vmem>>)
        tpu.yield
      }) : () -> ()
      "tpu.region"() ({
        %run_scoped3A = tpu.sem_alloc : memref<!tpu.dma_semaphore, #tpu.memory_space<semaphore_mem>>
        %dma_start3A = tpu.memref_slice %arg4[%mul3A_80] : memref<10000xi32, #tpu.memory_space<hbm>> -> memref<80xi32, #tpu.memory_space<hbm>>
        %dma_start3A_120 = tpu.memref_slice %arg4[%mul3A_80] : memref<10000xi32, #tpu.memory_space<hbm>> -> memref<80xi32, #tpu.memory_space<hbm>>
        tpu.enqueue_dma source(%dma_start3A_120 : memref<80xi32, #tpu.memory_space<hbm>>) target(%arg13 : memref<80xi32, #tpu.memory_space<vmem>>) target_semaphore(%run_scoped3A : memref<!tpu.dma_semaphore, #tpu.memory_space<semaphore_mem>>)
        %dma_wait3A = tpu.memref_slice %arg4[%mul3A_80] : memref<10000xi32, #tpu.memory_space<hbm>> -> memref<80xi32, #tpu.memory_space<hbm>>
        %dma_wait3A_121 = tpu.memref_slice %arg4[%mul3A_80] : memref<10000xi32, #tpu.memory_space<hbm>> -> memref<80xi32, #tpu.memory_space<hbm>>
        tpu.wait_dma2 semaphore(%run_scoped3A : memref<!tpu.dma_semaphore, #tpu.memory_space<semaphore_mem>>) src(%dma_wait3A_121 : memref<80xi32, #tpu.memory_space<hbm>>) dst(%arg13 : memref<80xi32, #tpu.memory_space<vmem>>)
        tpu.yield
      }) : () -> ()
      %get3A_81 = arith.constant 0 : index
      %get3A_82 = tpu.vector_load %arg12[%get3A_81] {strides = array<i32>} : memref<80xi32, #tpu.memory_space<vmem>>, vector<16xi32>,
      %gather3A = tpu.vector_load_idx %arg11[%get3A_82] : memref<64xi32, #tpu.memory_space<vmem>>[vector<16xi32>], vector<16xi32>,
      %get3A_83 = arith.constant 0 : index
      %get3A_84 = tpu.vector_load %arg13[%get3A_83] {strides = array<i32>} : memref<80xi32, #tpu.memory_space<vmem>>, vector<16xi32>,
      %add3A_85 = arith.addi %get3A_84, %gather3A : vector<16xi32>
      %swap3A_86 = arith.constant 0 : index
      %swap3A_87 = tpu.vector_load %arg14[%swap3A_86] {strides = array<i32>} : memref<80xi32, #tpu.memory_space<vmem>>, vector<16xi32>,
      tpu.vector_store %arg14[%swap3A_86], %add3A_85 {strides = array<i32>} : memref<80xi32, #tpu.memory_space<vmem>>, vector<16xi32>,
      %get3A_88 = arith.constant 16 : index
      %get3A_89 = tpu.vector_load %arg12[%get3A_88] {strides = array<i32>} : memref<80xi32, #tpu.memory_space<vmem>>, vector<16xi32>,
      %gather3A_90 = tpu.vector_load_idx %arg11[%get3A_89] : memref<64xi32, #tpu.memory_space<vmem>>[vector<16xi32>], vector<16xi32>,
      %get3A_91 = arith.constant 16 : index
      %get3A_92 = tpu.vector_load %arg13[%get3A_91] {strides = array<i32>} : memref<80xi32, #tpu.memory_space<vmem>>, vector<16xi32>,
      %add3A_93 = arith.addi %get3A_92, %gather3A_90 : vector<16xi32>
      %swap3A_94 = arith.constant 16 : index
      %swap3A_95 = tpu.vector_load %arg14[%swap3A_94] {strides = array<i32>} : memref<80xi32, #tpu.memory_space<vmem>>, vector<16xi32>,
      tpu.vector_store %arg14[%swap3A_94], %add3A_93 {strides = array<i32>} : memref<80xi32, #tpu.memory_space<vmem>>, vector<16xi32>,
      %get3A_96 = arith.constant 32 : index
      %get3A_97 = tpu.vector_load %arg12[%get3A_96] {strides = array<i32>} : memref<80xi32, #tpu.memory_space<vmem>>, vector<16xi32>,
      %gather3A_98 = tpu.vector_load_idx %arg11[%get3A_97] : memref<64xi32, #tpu.memory_space<vmem>>[vector<16xi32>], vector<16xi32>,
      %get3A_99 = arith.constant 32 : index
      %get3A_100 = tpu.vector_load %arg13[%get3A_99] {strides = array<i32>} : memref<80xi32, #tpu.memory_space<vmem>>, vector<16xi32>,
      %add3A_101 = arith.addi %get3A_100, %gather3A_98 : vector<16xi32>
      %swap3A_102 = arith.constant 32 : index
      %swap3A_103 = tpu.vector_load %arg14[%swap3A_102] {strides = array<i32>} : memref<80xi32, #tpu.memory_space<vmem>>, vector<16xi32>,
      tpu.vector_store %arg14[%swap3A_102], %add3A_101 {strides = array<i32>} : memref<80xi32, #tpu.memory_space<vmem>>, vector<16xi32>,
      %get3A_104 = arith.constant 48 : index
      %get3A_105 = tpu.vector_load %arg12[%get3A_104] {strides = array<i32>} : memref<80xi32, #tpu.memory_space<vmem>>, vector<16xi32>,
      %gather3A_106 = tpu.vector_load_idx %arg11[%get3A_105] : memref<64xi32, #tpu.memory_space<vmem>>[vector<16xi32>], vector<16xi32>,
      %get3A_107 = arith.constant 48 : index
      %get3A_108 = tpu.vector_load %arg13[%get3A_107] {strides = array<i32>} : memref<80xi32, #tpu.memory_space<vmem>>, vector<16xi32>,
      %add3A_109 = arith.addi %get3A_108, %gather3A_106 : vector<16xi32>
      %swap3A_110 = arith.constant 48 : index
      %swap3A_111 = tpu.vector_load %arg14[%swap3A_110] {strides = array<i32>} : memref<80xi32, #tpu.memory_space<vmem>>, vector<16xi32>,
      tpu.vector_store %arg14[%swap3A_110], %add3A_109 {strides = array<i32>} : memref<80xi32, #tpu.memory_space<vmem>>, vector<16xi32>,
      %get3A_112 = arith.constant 64 : index
      %get3A_113 = tpu.vector_load %arg12[%get3A_112] {strides = array<i32>} : memref<80xi32, #tpu.memory_space<vmem>>, vector<16xi32>,
      %gather3A_114 = tpu.vector_load_idx %arg11[%get3A_113] : memref<64xi32, #tpu.memory_space<vmem>>[vector<16xi32>], vector<16xi32>,
      %get3A_115 = arith.constant 64 : index
      %get3A_116 = tpu.vector_load %arg13[%get3A_115] {strides = array<i32>} : memref<80xi32, #tpu.memory_space<vmem>>, vector<16xi32>,
      %add3A_117 = arith.addi %get3A_116, %gather3A_114 : vector<16xi32>
      %swap3A_118 = arith.constant 64 : index
      %swap3A_119 = tpu.vector_load %arg14[%swap3A_118] {strides = array<i32>} : memref<80xi32, #tpu.memory_space<vmem>>, vector<16xi32>,
      tpu.vector_store %arg14[%swap3A_118], %add3A_117 {strides = array<i32>} : memref<80xi32, #tpu.memory_space<vmem>>, vector<16xi32>,
      "tpu.region"() ({
        %run_scoped3A = tpu.sem_alloc : memref<!tpu.dma_semaphore, #tpu.memory_space<semaphore_mem>>
        %dma_start3A = arith.constant 0 : i32
        %dma_start3A_120 = tpu.memref_slice %arg2[%mul3A_80, %dma_start3A] : memref<10000x128xf32, #tpu.memory_space<hbm>> -> memref<80x128xf32, #tpu.memory_space<hbm>>
        %dma_start3A_121 = arith.constant 0 : i32
        %dma_start3A_122 = tpu.memref_slice %arg2[%mul3A_80, %dma_start3A_121] : memref<10000x128xf32, #tpu.memory_space<hbm>> -> memref<80x128xf32, #tpu.memory_space<hbm>>
        tpu.enqueue_dma source(%dma_start3A_122 : memref<80x128xf32, #tpu.memory_space<hbm>>) target(%arg15 : memref<80x128xf32, #tpu.memory_space<vmem>>) target_semaphore(%run_scoped3A : memref<!tpu.dma_semaphore, #tpu.memory_space<semaphore_mem>>)
        %dma_wait3A = arith.constant 0 : i32
        %dma_wait3A_123 = tpu.memref_slice %arg2[%mul3A_80, %dma_wait3A] : memref<10000x128xf32, #tpu.memory_space<hbm>> -> memref<80x128xf32, #tpu.memory_space<hbm>>
        %dma_wait3A_124 = arith.constant 0 : i32
        %dma_wait3A_125 = tpu.memref_slice %arg2[%mul3A_80, %dma_wait3A_124] : memref<10000x128xf32, #tpu.memory_space<hbm>> -> memref<80x128xf32, #tpu.memory_space<hbm>>
        tpu.wait_dma2 semaphore(%run_scoped3A : memref<!tpu.dma_semaphore, #tpu.memory_space<semaphore_mem>>) src(%dma_wait3A_125 : memref<80x128xf32, #tpu.memory_space<hbm>>) dst(%arg15 : memref<80x128xf32, #tpu.memory_space<vmem>>)
        tpu.yield
      }) : () -> ()
      "tpu.region"() ({
        %run_scoped3A = tpu.sem_alloc : memref<!tpu.dma_semaphore, #tpu.memory_space<semaphore_mem>>
        %dma_start3A = arith.constant 0 : i32
        %dma_start3A_120 = arith.constant 0 : i32
        %dma_start3A_121 = tpu.memref_slice %arg17[%dma_start3A, %dma_start3A_120] : memref<512x128xf32, #tpu.memory_space<vmem_shared>> -> memref<512x128xf32, #tpu.memory_space<vmem_shared>>
        tpu.enqueue_indirect_dma source(%arg15 : memref<80x128xf32, #tpu.memory_space<vmem>>) target(%dma_start3A_121 : memref<512x128xf32, #tpu.memory_space<vmem_shared>>) offsets(%arg14 : memref<80xi32, #tpu.memory_space<vmem>>) semaphore(%run_scoped3A : memref<!tpu.dma_semaphore, #tpu.memory_space<semaphore_mem>>) {add = true}
        %dma_wait3A = arith.constant 0 : i32
        %dma_wait3A_122 = arith.constant 0 : i32
        %dma_wait3A_123 = tpu.memref_slice %arg17[%dma_wait3A, %dma_wait3A_122] : memref<512x128xf32, #tpu.memory_space<vmem_shared>> -> memref<512x128xf32, #tpu.memory_space<vmem_shared>>
        tpu.wait_indirect_dma semaphore(%run_scoped3A : memref<!tpu.dma_semaphore, #tpu.memory_space<semaphore_mem>>) src(%arg15 : memref<80x128xf32, #tpu.memory_space<vmem>>) dst(%dma_wait3A_123 : memref<512x128xf32, #tpu.memory_space<vmem_shared>>)
        tpu.yield
      }) : () -> ()
      "tpu.region"() ({
        %run_scoped3A = tpu.sem_alloc : memref<!tpu.dma_semaphore, #tpu.memory_space<semaphore_mem>>
        %dma_start3A = arith.constant 0 : i32
        %dma_start3A_120 = arith.constant 0 : i32
        %dma_start3A_121 = tpu.memref_slice %arg18[%dma_start3A, %dma_start3A_120] : memref<512x128xf32, #tpu.memory_space<vmem_shared>> -> memref<512x128xf32, #tpu.memory_space<vmem_shared>>
        tpu.enqueue_indirect_dma source(%arg16 : memref<80x128xf32, #tpu.memory_space<vmem>>) target(%dma_start3A_121 : memref<512x128xf32, #tpu.memory_space<vmem_shared>>) offsets(%arg14 : memref<80xi32, #tpu.memory_space<vmem>>) semaphore(%run_scoped3A : memref<!tpu.dma_semaphore, #tpu.memory_space<semaphore_mem>>) {add = true}
        %dma_wait3A = arith.constant 0 : i32
        %dma_wait3A_122 = arith.constant 0 : i32
        %dma_wait3A_123 = tpu.memref_slice %arg18[%dma_wait3A, %dma_wait3A_122] : memref<512x128xf32, #tpu.memory_space<vmem_shared>> -> memref<512x128xf32, #tpu.memory_space<vmem_shared>>
        tpu.wait_indirect_dma semaphore(%run_scoped3A : memref<!tpu.dma_semaphore, #tpu.memory_space<semaphore_mem>>) src(%arg16 : memref<80x128xf32, #tpu.memory_space<vmem>>) dst(%dma_wait3A_123 : memref<512x128xf32, #tpu.memory_space<vmem_shared>>)
        tpu.yield
      }) : () -> ()
    }
    %while3A_74 = arith.constant 1 : i32
    scf.for %while3A_76 = %while3A_72 to %while3A_68 step %while3A_74  : i32 {
      %mul3A_77 = arith.muli %while3A_76, %while3A : i32
      %add3A_78 = arith.addi %add3A, %mul3A_77 : i32
      %mul3A_79 = arith.constant 80 : i32
      %mul3A_80 = arith.muli %add3A_78, %mul3A_79 : i32
      "tpu.region"() ({
        %run_scoped3A = tpu.sem_alloc : memref<!tpu.dma_semaphore, #tpu.memory_space<semaphore_mem>>
        %dma_start3A = tpu.memref_slice %arg3[%mul3A_80] : memref<10000xi32, #tpu.memory_space<hbm>> -> memref<80xi32, #tpu.memory_space<hbm>>
        %dma_start3A_120 = tpu.memref_slice %arg3[%mul3A_80] : memref<10000xi32, #tpu.memory_space<hbm>> -> memref<80xi32, #tpu.memory_space<hbm>>
        tpu.enqueue_dma source(%dma_start3A_120 : memref<80xi32, #tpu.memory_space<hbm>>) target(%arg12 : memref<80xi32, #tpu.memory_space<vmem>>) target_semaphore(%run_scoped3A : memref<!tpu.dma_semaphore, #tpu.memory_space<semaphore_mem>>)
        %dma_wait3A = tpu.memref_slice %arg3[%mul3A_80] : memref<10000xi32, #tpu.memory_space<hbm>> -> memref<80xi32, #tpu.memory_space<hbm>>
        %dma_wait3A_121 = tpu.memref_slice %arg3[%mul3A_80] : memref<10000xi32, #tpu.memory_space<hbm>> -> memref<80xi32, #tpu.memory_space<hbm>>
        tpu.wait_dma2 semaphore(%run_scoped3A : memref<!tpu.dma_semaphore, #tpu.memory_space<semaphore_mem>>) src(%dma_wait3A_121 : memref<80xi32, #tpu.memory_space<hbm>>) dst(%arg12 : memref<80xi32, #tpu.memory_space<vmem>>)
        tpu.yield
      }) : () -> ()
      "tpu.region"() ({
        %run_scoped3A = tpu.sem_alloc : memref<!tpu.dma_semaphore, #tpu.memory_space<semaphore_mem>>
        %dma_start3A = tpu.memref_slice %arg4[%mul3A_80] : memref<10000xi32, #tpu.memory_space<hbm>> -> memref<80xi32, #tpu.memory_space<hbm>>
        %dma_start3A_120 = tpu.memref_slice %arg4[%mul3A_80] : memref<10000xi32, #tpu.memory_space<hbm>> -> memref<80xi32, #tpu.memory_space<hbm>>
        tpu.enqueue_dma source(%dma_start3A_120 : memref<80xi32, #tpu.memory_space<hbm>>) target(%arg13 : memref<80xi32, #tpu.memory_space<vmem>>) target_semaphore(%run_scoped3A : memref<!tpu.dma_semaphore, #tpu.memory_space<semaphore_mem>>)
        %dma_wait3A = tpu.memref_slice %arg4[%mul3A_80] : memref<10000xi32, #tpu.memory_space<hbm>> -> memref<80xi32, #tpu.memory_space<hbm>>
        %dma_wait3A_121 = tpu.memref_slice %arg4[%mul3A_80] : memref<10000xi32, #tpu.memory_space<hbm>> -> memref<80xi32, #tpu.memory_space<hbm>>
        tpu.wait_dma2 semaphore(%run_scoped3A : memref<!tpu.dma_semaphore, #tpu.memory_space<semaphore_mem>>) src(%dma_wait3A_121 : memref<80xi32, #tpu.memory_space<hbm>>) dst(%arg13 : memref<80xi32, #tpu.memory_space<vmem>>)
        tpu.yield
      }) : () -> ()
      %get3A_81 = arith.constant 0 : index
      %get3A_82 = tpu.vector_load %arg12[%get3A_81] {strides = array<i32>} : memref<80xi32, #tpu.memory_space<vmem>>, vector<16xi32>,
      %gather3A = tpu.vector_load_idx %arg11[%get3A_82] : memref<64xi32, #tpu.memory_space<vmem>>[vector<16xi32>], vector<16xi32>,
      %get3A_83 = arith.constant 0 : index
      %get3A_84 = tpu.vector_load %arg13[%get3A_83] {strides = array<i32>} : memref<80xi32, #tpu.memory_space<vmem>>, vector<16xi32>,
      %add3A_85 = arith.addi %get3A_84, %gather3A : vector<16xi32>
      %swap3A_86 = arith.constant 0 : index
      %swap3A_87 = tpu.vector_load %arg14[%swap3A_86] {strides = array<i32>} : memref<80xi32, #tpu.memory_space<vmem>>, vector<16xi32>,
      tpu.vector_store %arg14[%swap3A_86], %add3A_85 {strides = array<i32>} : memref<80xi32, #tpu.memory_space<vmem>>, vector<16xi32>,
      %get3A_88 = arith.constant 16 : index
      %get3A_89 = tpu.vector_load %arg12[%get3A_88] {strides = array<i32>} : memref<80xi32, #tpu.memory_space<vmem>>, vector<16xi32>,
      %gather3A_90 = tpu.vector_load_idx %arg11[%get3A_89] : memref<64xi32, #tpu.memory_space<vmem>>[vector<16xi32>], vector<16xi32>,
      %get3A_91 = arith.constant 16 : index
      %get3A_92 = tpu.vector_load %arg13[%get3A_91] {strides = array<i32>} : memref<80xi32, #tpu.memory_space<vmem>>, vector<16xi32>,
      %add3A_93 = arith.addi %get3A_92, %gather3A_90 : vector<16xi32>
      %swap3A_94 = arith.constant 16 : index
      %swap3A_95 = tpu.vector_load %arg14[%swap3A_94] {strides = array<i32>} : memref<80xi32, #tpu.memory_space<vmem>>, vector<16xi32>,
      tpu.vector_store %arg14[%swap3A_94], %add3A_93 {strides = array<i32>} : memref<80xi32, #tpu.memory_space<vmem>>, vector<16xi32>,
      %get3A_96 = arith.constant 32 : index
      %get3A_97 = tpu.vector_load %arg12[%get3A_96] {strides = array<i32>} : memref<80xi32, #tpu.memory_space<vmem>>, vector<16xi32>,
      %gather3A_98 = tpu.vector_load_idx %arg11[%get3A_97] : memref<64xi32, #tpu.memory_space<vmem>>[vector<16xi32>], vector<16xi32>,
      %get3A_99 = arith.constant 32 : index
      %get3A_100 = tpu.vector_load %arg13[%get3A_99] {strides = array<i32>} : memref<80xi32, #tpu.memory_space<vmem>>, vector<16xi32>,
      %add3A_101 = arith.addi %get3A_100, %gather3A_98 : vector<16xi32>
      %swap3A_102 = arith.constant 32 : index
      %swap3A_103 = tpu.vector_load %arg14[%swap3A_102] {strides = array<i32>} : memref<80xi32, #tpu.memory_space<vmem>>, vector<16xi32>,
      tpu.vector_store %arg14[%swap3A_102], %add3A_101 {strides = array<i32>} : memref<80xi32, #tpu.memory_space<vmem>>, vector<16xi32>,
      %get3A_104 = arith.constant 48 : index
      %get3A_105 = tpu.vector_load %arg12[%get3A_104] {strides = array<i32>} : memref<80xi32, #tpu.memory_space<vmem>>, vector<16xi32>,
      %gather3A_106 = tpu.vector_load_idx %arg11[%get3A_105] : memref<64xi32, #tpu.memory_space<vmem>>[vector<16xi32>], vector<16xi32>,
      %get3A_107 = arith.constant 48 : index
      %get3A_108 = tpu.vector_load %arg13[%get3A_107] {strides = array<i32>} : memref<80xi32, #tpu.memory_space<vmem>>, vector<16xi32>,
      %add3A_109 = arith.addi %get3A_108, %gather3A_106 : vector<16xi32>
      %swap3A_110 = arith.constant 48 : index
      %swap3A_111 = tpu.vector_load %arg14[%swap3A_110] {strides = array<i32>} : memref<80xi32, #tpu.memory_space<vmem>>, vector<16xi32>,
      tpu.vector_store %arg14[%swap3A_110], %add3A_109 {strides = array<i32>} : memref<80xi32, #tpu.memory_space<vmem>>, vector<16xi32>,
      %get3A_112 = arith.constant 64 : index
      %get3A_113 = tpu.vector_load %arg12[%get3A_112] {strides = array<i32>} : memref<80xi32, #tpu.memory_space<vmem>>, vector<16xi32>,
      %gather3A_114 = tpu.vector_load_idx %arg11[%get3A_113] : memref<64xi32, #tpu.memory_space<vmem>>[vector<16xi32>], vector<16xi32>,
      %get3A_115 = arith.constant 64 : index
      %get3A_116 = tpu.vector_load %arg13[%get3A_115] {strides = array<i32>} : memref<80xi32, #tpu.memory_space<vmem>>, vector<16xi32>,
      %add3A_117 = arith.addi %get3A_116, %gather3A_114 : vector<16xi32>
      %swap3A_118 = arith.constant 64 : index
      %swap3A_119 = tpu.vector_load %arg14[%swap3A_118] {strides = array<i32>} : memref<80xi32, #tpu.memory_space<vmem>>, vector<16xi32>,
      tpu.vector_store %arg14[%swap3A_118], %add3A_117 {strides = array<i32>} : memref<80xi32, #tpu.memory_space<vmem>>, vector<16xi32>,
      "tpu.region"() ({
        %run_scoped3A = tpu.sem_alloc : memref<!tpu.dma_semaphore, #tpu.memory_space<semaphore_mem>>
        %dma_start3A = arith.constant 0 : i32
        %dma_start3A_120 = tpu.memref_slice %arg2[%mul3A_80, %dma_start3A] : memref<10000x128xf32, #tpu.memory_space<hbm>> -> memref<80x128xf32, #tpu.memory_space<hbm>>
        %dma_start3A_121 = arith.constant 0 : i32
        %dma_start3A_122 = tpu.memref_slice %arg2[%mul3A_80, %dma_start3A_121] : memref<10000x128xf32, #tpu.memory_space<hbm>> -> memref<80x128xf32, #tpu.memory_space<hbm>>
        tpu.enqueue_dma source(%dma_start3A_122 : memref<80x128xf32, #tpu.memory_space<hbm>>) target(%arg15 : memref<80x128xf32, #tpu.memory_space<vmem>>) target_semaphore(%run_scoped3A : memref<!tpu.dma_semaphore, #tpu.memory_space<semaphore_mem>>)
        %dma_wait3A = arith.constant 0 : i32
        %dma_wait3A_123 = tpu.memref_slice %arg2[%mul3A_80, %dma_wait3A] : memref<10000x128xf32, #tpu.memory_space<hbm>> -> memref<80x128xf32, #tpu.memory_space<hbm>>
        %dma_wait3A_124 = arith.constant 0 : i32
        %dma_wait3A_125 = tpu.memref_slice %arg2[%mul3A_80, %dma_wait3A_124] : memref<10000x128xf32, #tpu.memory_space<hbm>> -> memref<80x128xf32, #tpu.memory_space<hbm>>
        tpu.wait_dma2 semaphore(%run_scoped3A : memref<!tpu.dma_semaphore, #tpu.memory_space<semaphore_mem>>) src(%dma_wait3A_125 : memref<80x128xf32, #tpu.memory_space<hbm>>) dst(%arg15 : memref<80x128xf32, #tpu.memory_space<vmem>>)
        tpu.yield
      }) : () -> ()
      "tpu.region"() ({
        %run_scoped3A = tpu.sem_alloc : memref<!tpu.dma_semaphore, #tpu.memory_space<semaphore_mem>>
        %dma_start3A = arith.constant 0 : i32
        %dma_start3A_120 = arith.constant 0 : i32
        %dma_start3A_121 = tpu.memref_slice %arg17[%dma_start3A, %dma_start3A_120] : memref<512x128xf32, #tpu.memory_space<vmem_shared>> -> memref<512x128xf32, #tpu.memory_space<vmem_shared>>
        tpu.enqueue_indirect_dma source(%arg15 : memref<80x128xf32, #tpu.memory_space<vmem>>) target(%dma_start3A_121 : memref<512x128xf32, #tpu.memory_space<vmem_shared>>) offsets(%arg14 : memref<80xi32, #tpu.memory_space<vmem>>) semaphore(%run_scoped3A : memref<!tpu.dma_semaphore, #tpu.memory_space<semaphore_mem>>) {add = true}
        %dma_wait3A = arith.constant 0 : i32
        %dma_wait3A_122 = arith.constant 0 : i32
        %dma_wait3A_123 = tpu.memref_slice %arg17[%dma_wait3A, %dma_wait3A_122] : memref<512x128xf32, #tpu.memory_space<vmem_shared>> -> memref<512x128xf32, #tpu.memory_space<vmem_shared>>
        tpu.wait_indirect_dma semaphore(%run_scoped3A : memref<!tpu.dma_semaphore, #tpu.memory_space<semaphore_mem>>) src(%arg15 : memref<80x128xf32, #tpu.memory_space<vmem>>) dst(%dma_wait3A_123 : memref<512x128xf32, #tpu.memory_space<vmem_shared>>)
        tpu.yield
      }) : () -> ()
      "tpu.region"() ({
        %run_scoped3A = tpu.sem_alloc : memref<!tpu.dma_semaphore, #tpu.memory_space<semaphore_mem>>
        %dma_start3A = arith.constant 0 : i32
        %dma_start3A_120 = arith.constant 0 : i32
        %dma_start3A_121 = tpu.memref_slice %arg18[%dma_start3A, %dma_start3A_120] : memref<512x128xf32, #tpu.memory_space<vmem_shared>> -> memref<512x128xf32, #tpu.memory_space<vmem_shared>>
        tpu.enqueue_indirect_dma source(%arg16 : memref<80x128xf32, #tpu.memory_space<vmem>>) target(%dma_start3A_121 : memref<512x128xf32, #tpu.memory_space<vmem_shared>>) offsets(%arg14 : memref<80xi32, #tpu.memory_space<vmem>>) semaphore(%run_scoped3A : memref<!tpu.dma_semaphore, #tpu.memory_space<semaphore_mem>>) {add = true}
        %dma_wait3A = arith.constant 0 : i32
        %dma_wait3A_122 = arith.constant 0 : i32
        %dma_wait3A_123 = tpu.memref_slice %arg18[%dma_wait3A, %dma_wait3A_122] : memref<512x128xf32, #tpu.memory_space<vmem_shared>> -> memref<512x128xf32, #tpu.memory_space<vmem_shared>>
        tpu.wait_indirect_dma semaphore(%run_scoped3A : memref<!tpu.dma_semaphore, #tpu.memory_space<semaphore_mem>>) src(%arg16 : memref<80x128xf32, #tpu.memory_space<vmem>>) dst(%dma_wait3A_123 : memref<512x128xf32, #tpu.memory_space<vmem_shared>>)
        tpu.yield
      }) : () -> ()
    }
    %barrier3A_75 = arith.constant 0 : index
    tpu.barrier barrier_id(%barrier3A_75)
    "tpu.region"() ({
      %run_scoped3A = tpu.sem_alloc : memref<!tpu.dma_semaphore, #tpu.memory_space<semaphore_mem>>
      %dma_start3A = arith.constant 0 : i32
      %dma_start3A_76 = tpu.memref_slice %arg8[%arg0, %mul3A_58, %dma_start3A] : memref<2x512x128xf32, #tpu.memory_space<hbm>> -> memref<1x32x128xf32, #tpu.memory_space<hbm>>
      %dma_start3A_77 = tpu.memref_squeeze %dma_start3A_76 : memref<1x32x128xf32, #tpu.memory_space<hbm>> -> memref<32x128xf32, #tpu.memory_space<hbm>>
      %dma_start3A_78 = arith.constant 0 : i32
      %dma_start3A_79 = tpu.memref_slice %arg17[%mul3A_58, %dma_start3A_78] : memref<512x128xf32, #tpu.memory_space<vmem_shared>> -> memref<32x128xf32, #tpu.memory_space<vmem_shared>>
      tpu.enqueue_dma source(%dma_start3A_79 : memref<32x128xf32, #tpu.memory_space<vmem_shared>>) target(%dma_start3A_77 : memref<32x128xf32, #tpu.memory_space<hbm>>) target_semaphore(%run_scoped3A : memref<!tpu.dma_semaphore, #tpu.memory_space<semaphore_mem>>)
      %dma_wait3A = arith.constant 0 : i32
      %dma_wait3A_80 = tpu.memref_slice %arg8[%arg0, %mul3A_58, %dma_wait3A] : memref<2x512x128xf32, #tpu.memory_space<hbm>> -> memref<1x32x128xf32, #tpu.memory_space<hbm>>
      %dma_wait3A_81 = tpu.memref_squeeze %dma_wait3A_80 : memref<1x32x128xf32, #tpu.memory_space<hbm>> -> memref<32x128xf32, #tpu.memory_space<hbm>>
      %dma_wait3A_82 = arith.constant 0 : i32
      %dma_wait3A_83 = tpu.memref_slice %arg17[%mul3A_58, %dma_wait3A_82] : memref<512x128xf32, #tpu.memory_space<vmem_shared>> -> memref<32x128xf32, #tpu.memory_space<vmem_shared>>
      tpu.wait_dma2 semaphore(%run_scoped3A : memref<!tpu.dma_semaphore, #tpu.memory_space<semaphore_mem>>) src(%dma_wait3A_83 : memref<32x128xf32, #tpu.memory_space<vmem_shared>>) dst(%dma_wait3A_81 : memref<32x128xf32, #tpu.memory_space<hbm>>)
      tpu.yield
    }) : () -> ()
    "tpu.region"() ({
      %run_scoped3A = tpu.sem_alloc : memref<!tpu.dma_semaphore, #tpu.memory_space<semaphore_mem>>
      %dma_start3A = arith.constant 0 : i32
      %dma_start3A_76 = tpu.memref_slice %arg9[%arg0, %mul3A_58, %dma_start3A] : memref<2x512x128xf32, #tpu.memory_space<hbm>> -> memref<1x32x128xf32, #tpu.memory_space<hbm>>
      %dma_start3A_77 = tpu.memref_squeeze %dma_start3A_76 : memref<1x32x128xf32, #tpu.memory_space<hbm>> -> memref<32x128xf32, #tpu.memory_space<hbm>>
      %dma_start3A_78 = arith.constant 0 : i32
      %dma_start3A_79 = tpu.memref_slice %arg18[%mul3A_58, %dma_start3A_78] : memref<512x128xf32, #tpu.memory_space<vmem_shared>> -> memref<32x128xf32, #tpu.memory_space<vmem_shared>>
      tpu.enqueue_dma source(%dma_start3A_79 : memref<32x128xf32, #tpu.memory_space<vmem_shared>>) target(%dma_start3A_77 : memref<32x128xf32, #tpu.memory_space<hbm>>) target_semaphore(%run_scoped3A : memref<!tpu.dma_semaphore, #tpu.memory_space<semaphore_mem>>)
      %dma_wait3A = arith.constant 0 : i32
      %dma_wait3A_80 = tpu.memref_slice %arg9[%arg0, %mul3A_58, %dma_wait3A] : memref<2x512x128xf32, #tpu.memory_space<hbm>> -> memref<1x32x128xf32, #tpu.memory_space<hbm>>
      %dma_wait3A_81 = tpu.memref_squeeze %dma_wait3A_80 : memref<1x32x128xf32, #tpu.memory_space<hbm>> -> memref<32x128xf32, #tpu.memory_space<hbm>>
      %dma_wait3A_82 = arith.constant 0 : i32
      %dma_wait3A_83 = tpu.memref_slice %arg18[%mul3A_58, %dma_wait3A_82] : memref<512x128xf32, #tpu.memory_space<vmem_shared>> -> memref<32x128xf32, #tpu.memory_space<vmem_shared>>
      tpu.wait_dma2 semaphore(%run_scoped3A : memref<!tpu.dma_semaphore, #tpu.memory_space<semaphore_mem>>) src(%dma_wait3A_83 : memref<32x128xf32, #tpu.memory_space<vmem_shared>>) dst(%dma_wait3A_81 : memref<32x128xf32, #tpu.memory_space<hbm>>)
      tpu.yield
    }) : () -> ()
    return
  }
}

module attributes {stable_mosaic.version = 14 : i64} {
  func.func @_tc_layer_body(%arg0: memref<10000x128xf32, #tpu.memory_space<vmem>>, %arg1: memref<2x10000x128xf32, #tpu.memory_space<vmem>>, %arg2: memref<128x128xf32, #tpu.memory_space<vmem>>, %arg3: memref<128x128xf32, #tpu.memory_space<vmem>>, %arg4: memref<1x128xf32, #tpu.memory_space<vmem>>, %arg5: memref<1x128xf32, #tpu.memory_space<vmem>>, %arg6: memref<1x128xf32, #tpu.memory_space<vmem>>, %arg7: memref<10000x128xf32, #tpu.memory_space<vmem>>) attributes {dimension_semantics = [], scalar_prefetch = 0 : i64, scratch_operands = 0 : i64, tpu.core_type = #tpu.core_type<tc>} {
    %get3A = arith.constant 0 : index
    %get3A_0 = arith.constant 0 : index
    %get3A_1 = arith.constant 0 : index
    %get3A_2 = vector.load %arg1[%get3A, %get3A_0, %get3A_1] : memref<2x10000x128xf32, #tpu.memory_space<vmem>>, vector<1x10000x128xf32>
    %get3A_3 = vector.shape_cast %get3A_2 : vector<1x10000x128xf32> to vector<10000x128xf32>
    %get3A_4 = arith.constant 1 : index
    %get3A_5 = arith.constant 0 : index
    %get3A_6 = arith.constant 0 : index
    %get3A_7 = vector.load %arg1[%get3A_4, %get3A_5, %get3A_6] : memref<2x10000x128xf32, #tpu.memory_space<vmem>>, vector<1x10000x128xf32>
    %get3A_8 = vector.shape_cast %get3A_7 : vector<1x10000x128xf32> to vector<10000x128xf32>
    %add3A = arith.addf %get3A_3, %get3A_8 : vector<10000x128xf32>
    %get3A_9 = arith.constant 0 : index
    %get3A_10 = arith.constant 0 : index
    %get3A_11 = vector.load %arg2[%get3A_9, %get3A_10] : memref<128x128xf32, #tpu.memory_space<vmem>>, vector<128x128xf32>
    %dot_general3A = arith.constant dense<0.000000e+00> : vector<10000x128xf32>
    %dot_general3A_12 = tpu.matmul %add3A, %get3A_11, %dot_general3A {dimension_numbers = #tpu.dot_dimension_numbers<[1], [0], [0], [1], [0, 0, 1, 1], [], []>, transpose_lhs_hint = false} : vector<10000x128xf32>, vector<128x128xf32>, vector<10000x128xf32> -> vector<10000x128xf32>
    %get3A_13 = arith.constant 0 : index
    %get3A_14 = arith.constant 0 : index
    %get3A_15 = vector.load %arg0[%get3A_13, %get3A_14] : memref<10000x128xf32, #tpu.memory_space<vmem>>, vector<10000x128xf32>
    %get3A_16 = arith.constant 0 : index
    %get3A_17 = arith.constant 0 : index
    %get3A_18 = vector.load %arg3[%get3A_16, %get3A_17] : memref<128x128xf32, #tpu.memory_space<vmem>>, vector<128x128xf32>
    %dot_general3A_19 = arith.constant dense<0.000000e+00> : vector<10000x128xf32>
    %dot_general3A_20 = tpu.matmul %get3A_15, %get3A_18, %dot_general3A_19 {dimension_numbers = #tpu.dot_dimension_numbers<[1], [0], [0], [1], [0, 0, 1, 1], [], []>, transpose_lhs_hint = false} : vector<10000x128xf32>, vector<128x128xf32>, vector<10000x128xf32> -> vector<10000x128xf32>
    %add3A_21 = arith.addf %dot_general3A_12, %dot_general3A_20 : vector<10000x128xf32>
    %get3A_22 = arith.constant 0 : index
    %get3A_23 = arith.constant 0 : index
    %get3A_24 = vector.load %arg4[%get3A_22, %get3A_23] : memref<1x128xf32, #tpu.memory_space<vmem>>, vector<1x128xf32>
    %add3A_25 = vector.broadcast %get3A_24 : vector<1x128xf32> to vector<10000x128xf32>
    %add3A_26 = arith.addf %add3A_21, %add3A_25 : vector<10000x128xf32>
    %reduce_sum3A = arith.constant dense<0.000000e+00> : vector<128xf32>
    %reduce_sum3A_27 = vector.multi_reduction <add>, %add3A_26, %reduce_sum3A [0] : vector<10000x128xf32> to vector<128xf32>
    %broadcast_in_dim3A = vector.shape_cast %reduce_sum3A_27 : vector<128xf32> to vector<1x128xf32>
    %div3A = arith.constant 1.000000e+04 : f32
    %div3A_28 = vector.broadcast %div3A : f32 to vector<1x128xf32>
    %div3A_29 = arith.divf %broadcast_in_dim3A, %div3A_28 : vector<1x128xf32>
    %sub3A = vector.broadcast %div3A_29 : vector<1x128xf32> to vector<10000x128xf32>
    %sub3A_30 = arith.subf %add3A_26, %sub3A : vector<10000x128xf32>
    %integer_pow3A = arith.mulf %sub3A_30, %sub3A_30 : vector<10000x128xf32>
    %reduce_sum3A_31 = arith.constant dense<0.000000e+00> : vector<128xf32>
    %reduce_sum3A_32 = vector.multi_reduction <add>, %integer_pow3A, %reduce_sum3A_31 [0] : vector<10000x128xf32> to vector<128xf32>
    %broadcast_in_dim3A_33 = vector.shape_cast %reduce_sum3A_32 : vector<128xf32> to vector<1x128xf32>
    %div3A_34 = arith.constant 1.000000e+04 : f32
    %div3A_35 = vector.broadcast %div3A_34 : f32 to vector<1x128xf32>
    %div3A_36 = arith.divf %broadcast_in_dim3A_33, %div3A_35 : vector<1x128xf32>
    %sub3A_37 = vector.broadcast %div3A_29 : vector<1x128xf32> to vector<10000x128xf32>
    %sub3A_38 = arith.subf %add3A_26, %sub3A_37 : vector<10000x128xf32>
    %add3A_39 = arith.constant 9.99999974E-6 : f32
    %add3A_40 = vector.broadcast %add3A_39 : f32 to vector<1x128xf32>
    %add3A_41 = arith.addf %div3A_36, %add3A_40 : vector<1x128xf32>
    %rsqrt3A = math.rsqrt %add3A_41 : vector<1x128xf32>
    %mul3A = vector.broadcast %rsqrt3A : vector<1x128xf32> to vector<10000x128xf32>
    %mul3A_42 = arith.mulf %sub3A_38, %mul3A : vector<10000x128xf32>
    %get3A_43 = arith.constant 0 : index
    %get3A_44 = arith.constant 0 : index
    %get3A_45 = vector.load %arg5[%get3A_43, %get3A_44] : memref<1x128xf32, #tpu.memory_space<vmem>>, vector<1x128xf32>
    %mul3A_46 = vector.broadcast %get3A_45 : vector<1x128xf32> to vector<10000x128xf32>
    %mul3A_47 = arith.mulf %mul3A_42, %mul3A_46 : vector<10000x128xf32>
    %get3A_48 = arith.constant 0 : index
    %get3A_49 = arith.constant 0 : index
    %get3A_50 = vector.load %arg6[%get3A_48, %get3A_49] : memref<1x128xf32, #tpu.memory_space<vmem>>, vector<1x128xf32>
    %add3A_51 = vector.broadcast %get3A_50 : vector<1x128xf32> to vector<10000x128xf32>
    %add3A_52 = arith.addf %mul3A_47, %add3A_51 : vector<10000x128xf32>
    %max3A = arith.constant 0.000000e+00 : f32
    %max3A_53 = vector.broadcast %max3A : f32 to vector<10000x128xf32>
    %max3A_54 = arith.maximumf %add3A_52, %max3A_53 : vector<10000x128xf32>
    %swap3A = arith.constant 0 : index
    %swap3A_55 = arith.constant 0 : index
    %swap3A_56 = vector.load %arg7[%swap3A, %swap3A_55] : memref<10000x128xf32, #tpu.memory_space<vmem>>, vector<10000x128xf32>
    tpu.vector_store %arg7[%swap3A, %swap3A_55], %max3A_54 {strides = array<i32>} : memref<10000x128xf32, #tpu.memory_space<vmem>>, vector<10000x128xf32>,
    return
  }
}

module attributes {stable_mosaic.version = 14 : i64} {
  func.func @_tc_finalize_body(%arg0: memref<2x512x128xf32, #tpu.memory_space<vmem>>, %arg1: memref<2x512x128xf32, #tpu.memory_space<vmem>>, %arg2: memref<512x128xf32, #tpu.memory_space<vmem>>) attributes {dimension_semantics = [], scalar_prefetch = 0 : i64, scratch_operands = 0 : i64, tpu.core_type = #tpu.core_type<tc>} {
    %get3A = arith.constant 0 : index
    %get3A_0 = arith.constant 0 : index
    %get3A_1 = arith.constant 0 : index
    %get3A_2 = vector.load %arg0[%get3A, %get3A_0, %get3A_1] : memref<2x512x128xf32, #tpu.memory_space<vmem>>, vector<1x512x128xf32>
    %get3A_3 = vector.shape_cast %get3A_2 : vector<1x512x128xf32> to vector<512x128xf32>
    %get3A_4 = arith.constant 1 : index
    %get3A_5 = arith.constant 0 : index
    %get3A_6 = arith.constant 0 : index
    %get3A_7 = vector.load %arg0[%get3A_4, %get3A_5, %get3A_6] : memref<2x512x128xf32, #tpu.memory_space<vmem>>, vector<1x512x128xf32>
    %get3A_8 = vector.shape_cast %get3A_7 : vector<1x512x128xf32> to vector<512x128xf32>
    %add3A = arith.addf %get3A_3, %get3A_8 : vector<512x128xf32>
    %get3A_9 = arith.constant 0 : index
    %get3A_10 = arith.constant 0 : index
    %get3A_11 = arith.constant 0 : index
    %get3A_12 = vector.load %arg1[%get3A_9, %get3A_10, %get3A_11] : memref<2x512x128xf32, #tpu.memory_space<vmem>>, vector<1x512x128xf32>
    %get3A_13 = vector.shape_cast %get3A_12 : vector<1x512x128xf32> to vector<512x128xf32>
    %get3A_14 = arith.constant 1 : index
    %get3A_15 = arith.constant 0 : index
    %get3A_16 = arith.constant 0 : index
    %get3A_17 = vector.load %arg1[%get3A_14, %get3A_15, %get3A_16] : memref<2x512x128xf32, #tpu.memory_space<vmem>>, vector<1x512x128xf32>
    %get3A_18 = vector.shape_cast %get3A_17 : vector<1x512x128xf32> to vector<512x128xf32>
    %add3A_19 = arith.addf %get3A_13, %get3A_18 : vector<512x128xf32>
    %slice3A = vector.extract_strided_slice %add3A_19 {offsets = [0, 0], sizes = [512, 1], strides = [1, 1]} : vector<512x128xf32> to vector<512x1xf32>
    %max3A = arith.constant 1.000000e+00 : f32
    %max3A_20 = vector.broadcast %max3A : f32 to vector<512x1xf32>
    %max3A_21 = arith.maximumf %slice3A, %max3A_20 : vector<512x1xf32>
    %div3A = vector.broadcast %max3A_21 : vector<512x1xf32> to vector<512x128xf32>
    %div3A_22 = arith.divf %add3A, %div3A : vector<512x128xf32>
    %swap3A = arith.constant 0 : index
    %swap3A_23 = arith.constant 0 : index
    %swap3A_24 = vector.load %arg2[%swap3A, %swap3A_23] : memref<512x128xf32, #tpu.memory_space<vmem>>, vector<512x128xf32>
    tpu.vector_store %arg2[%swap3A, %swap3A_23], %div3A_22 {strides = array<i32>} : memref<512x128xf32, #tpu.memory_space<vmem>>, vector<512x128xf32>,
    return
  }
}

</mosaic_0001>

<sc_bundles>
// kernel: kernel.14.cloned.1.call-start
scs
__scs_entry_jumppad:
0x0: {  	(pc) =	sbr.rel $0x88, $3  }
0x1: {  	(tag) =	ssettag $0x0;
	lr =	simm.s32 $0x1  }
0x2: {  	[smem:$0x3F97] =	sst lr;
	_ =	strace $0xD0000000  }
0x3: {  	_ = 	snop  }
0x4: {  	_ = 	snop  }
0x5: {  	_ = 	snop  }
0x6: {  	_ = 	snop  }
0x7: {  	_ = 	snop  }
__scs_overlays_trampoline_lowered:
0x8: {  	[smem:$0x3FA6] =	sst s0  }
0x9: {  	[smem:$0x3FA7] =	sst s1  }
0xa: {  	[smem:$0x3FA8] =	sst s2  }
0xb: {  	[smem:$0x3FA9] =	sst s3  }
0xc: {  	[smem:$0x3FAA] =	sst s4  }
0xd: {  	[smem:$0x3FAB] =	sst s5  }
0xe: {  	[smem:$0x3FAC] =	sst s6  }
0xf: {  	[smem:$0x3FAD] =	sst s7  }
0x10: {  	[smem:$0x3FAE] =	sst s8  }
0x11: {  	[smem:$0x3FAF] =	sst s9;
	s0 =	simm.s32 @!p0 $0x0  }
0x12: {  	s1 =	sld [smem:$0x3F95];
	s0 =	simm.s32 @p0 $0x1  }
0x13: {  	[smem:$0x3FB0] =	sst s0;
	s0 =	simm.s32 @!p1 $0x0  }
0x14: {  	s2 =	sld [smem:$0x3F94];
	s0 =	simm.s32 @p1 $0x1  }
0x15: {  	[smem:$0x3FB1] =	sst s0;
	s0 =	simm.s32 @!p2 $0x0  }
0x16: {  	s3 =	sld [smem:$0x3FDB];
	s0 =	simm.s32 @p2 $0x1  }
0x17: {  	s4 =	simm.s32 $0x1BF5;
	[smem:$0x3FB3] =	sst s0  }
0x18: {  	s0 =	sld [smem:$0x3F96];
	_ =	swait.ge [sflag:s4], $0x0  }
0x19: {  	s7 =	sld [smem:$0x3F97]  }
0x1a: {  	s8 =	sadd.s32 $0xFFFFE003, lr  }
0x1b: {  	s9 =	sadd.s32 $0xFFFFFEF7, lr;
	s5 =	simm.s32 $0xFFFFFFFF;
	p2 =	slt.u32 s8, $0xFFFFF086  }
0x1c: {  	p1 =	slt.u32 s9, $0xF7A;
	s5 =	simm.s32 @!p2 $0x0  }
0x1d: {  	s5 =	simm.s32 @p1 $0x1;
	p0 =	seq.s32 s7, s2  }
0x1e: {  	s7 =	smul.u32 @!p0 $0xF7A, s2;
	p2 =	seq.s32 @!p0 s5, $0x0  }
0x1f: {  	s9 =	smul.u32 $0xF7A, s1;
	s8 =	simm.s32 @!p0 $0x1BF5;
	p2 =	por !p2, p0  }
0x20: {  	[sflag:s8] =	ssyncset.s32 @!p0 $0xFFFFF086;
	s6 =	sadd.s32 @!p0 s3, s7;
	s7 =	simm.s32 @!p0 $0x108  }
0x21: {  	s3 =	sadd.s32 s3, s9;
	s6 =	sadd.s32 @!p0 $0x88, s6;
	s7 =	simm.s32 @p2 $0x1082  }
0x22: {  	[simem:s7], [sflag:s8] =	dma.local @!p0 [hbm:s6], $0xF7A  }
0x23: {  	s9 =	sor.u32 $0xD0000000, s2;
	s6 =	simm.s32 $0x108;
	_ =	swait.ge @!p0 [sflag:s8], $0x0  }
0x24: {  	s3 =	sadd.s32 $0x88, s3;
	s6 =	simm.s32 @!p1 $0x1082;
	[sflag:s4] =	ssyncset.s32 $0xFFFFF086  }
0x25: {  	[simem:s6], [sflag:s4] =	dma.local [hbm:s3], $0xF7A  }
0x26: {  	[smem:$0x3F97] =	sst s1;
	(tag) =	ssettag s2;
	_ =	strace s9  }
0x27: {  	s1 =	sld [smem:$0x3FA7]  }
0x28: {  	s2 =	sld [smem:$0x3FA8]  }
0x29: {  	s4 =	sld [smem:$0x3FAA]  }
0x2a: {  	p0 =	seq.s32 s5, $0x0;
	s5 =	sld [smem:$0x3FAB]  }
0x2b: {  	s6 =	sld [smem:$0x3FAC]  }
0x2c: {  	s7 =	sld [smem:$0x3FAD]  }
0x2d: {  	s3 =	simm.s32 $0x108;
	s8 =	sld [smem:$0x3FAE]  }
0x2e: {  	s3 =	simm.s32 @!p0 $0x1082;
	s9 =	sld [smem:$0x3FAF]  }
0x2f: {  	lr =	sadd.s32 s0, s3;
	s0 =	sld [smem:$0x3FA6]  }
0x30: {  	s3 =	sld [smem:$0x3FA9]  }
0x31: {  	[smem:$0x3FB2] =	sst s10  }
0x32: {  	s10 =	sld [smem:$0x3FB0];
	_ =	sdelay $0x3  }
0x33: {  	p0 =	seq.s32 s10, $0x1;
	s10 =	sld [smem:$0x3FB2];
	_ =	sdelay $0x3  }
0x34: {  	[smem:$0x3FB2] =	sst s10  }
0x35: {  	s10 =	sld [smem:$0x3FB1];
	_ =	sdelay $0x3  }
0x36: {  	p1 =	seq.s32 s10, $0x1;
	s10 =	sld [smem:$0x3FB2];
	_ =	sdelay $0x3  }
0x37: {  	[smem:$0x3FB2] =	sst s10  }
0x38: {  	s10 =	sld [smem:$0x3FB3]  }
0x39: {  	_ = 	snop;
	(pc) =	sbr.ind lr, $3  }
0x3a: {  	_ = 	snop  }
0x3b: {  	_ = 	snop  }
0x3c: {  	p2 =	seq.s32 s10, $0x1;
	s10 =	sld [smem:$0x3FB2]  }
0x3d: {  	_ =	shalt  }
0x3e: {  	_ =	shalt  }
0x3f: {  	_ =	shalt  }
0x40: {  	_ =	shalt  }
0x41: {  	_ =	shalt  }
0x42: {  	_ =	shalt  }
0x43: {  	_ =	shalt  }
0x44: {  	_ =	shalt  }
0x45: {  	_ =	shalt  }
0x46: {  	_ =	shalt  }
0x47: {  	_ =	shalt  }
0x48: {  	_ =	shalt  }
0x49: {  	_ =	shalt  }
0x4a: {  	_ =	shalt  }
0x4b: {  	_ =	shalt  }
0x4c: {  	_ =	shalt  }
0x4d: {  	_ =	shalt  }
0x4e: {  	_ =	shalt  }
0x4f: {  	_ =	shalt  }
0x50: {  	_ =	shalt  }
0x51: {  	_ =	shalt  }
0x52: {  	_ =	shalt  }
0x53: {  	_ =	shalt  }
0x54: {  	_ =	shalt  }
0x55: {  	_ =	shalt  }
0x56: {  	_ =	shalt  }
0x57: {  	_ =	shalt  }
0x58: {  	_ =	shalt  }
0x59: {  	_ =	shalt  }
0x5a: {  	_ =	shalt  }
0x5b: {  	_ =	shalt  }
0x5c: {  	_ =	shalt  }
0x5d: {  	_ =	shalt  }
0x5e: {  	_ =	shalt  }
0x5f: {  	_ =	shalt  }
0x60: {  	_ =	shalt  }
0x61: {  	_ =	shalt  }
0x62: {  	_ =	shalt  }
0x63: {  	_ =	shalt  }
0x64: {  	_ =	shalt  }
0x65: {  	_ =	shalt  }
0x66: {  	_ =	shalt  }
0x67: {  	_ =	shalt  }
0x68: {  	_ =	shalt  }
0x69: {  	_ =	shalt  }
0x6a: {  	_ =	shalt  }
0x6b: {  	_ =	shalt  }
0x6c: {  	_ =	shalt  }
0x6d: {  	_ =	shalt  }
0x6e: {  	_ =	shalt  }
0x6f: {  	_ =	shalt  }
0x70: {  	_ =	shalt  }
0x71: {  	_ =	shalt  }
0x72: {  	_ =	shalt  }
0x73: {  	_ =	shalt  }
0x74: {  	_ =	shalt  }
0x75: {  	_ =	shalt  }
0x76: {  	_ =	shalt  }
0x77: {  	_ =	shalt  }
0x78: {  	_ =	shalt  }
0x79: {  	_ =	shalt  }
0x7a: {  	_ =	shalt  }
0x7b: {  	_ =	shalt  }
0x7c: {  	_ =	shalt  }
0x7d: {  	_ =	shalt  }
0x7e: {  	_ =	shalt  }
0x7f: {  	_ =	shalt  }
0x80: {  	_ =	shalt  }
0x81: {  	_ =	shalt  }
0x82: {  	_ =	shalt  }
0x83: {  	_ =	shalt  }
0x84: {  	_ =	shalt  }
0x85: {  	_ =	shalt  }
0x86: {  	_ =	shalt  }
0x87: {  	_ =	shalt  }
.Lfunc_end0:
.L_simem_size_0:
called_computation_lowered:
.L_overlay_start_0:
0x88: {  	s2 =	sld [smem:$0x3FD9]  }
0x89: {  	s3 =	sld [smem:$0x3FFE];
	_ =	sdelay $0x1  }
0x8a: {  	s1 =	srdreg.scid  }
0x8b: {  	s0 =	sand.u32 $0x1, s1  }
0x8c: {  	s17 =	sshll.u32 s0, $0xA;
	s2 =	sadd.s32 s3, s2  }
0x8d: {  	s2 =	sadd.s32 s2, s17  }
0x8e: {  	[smem:$0x3FBE] =	sst s2  }
0x8f: {  	_ = 	snop  }
0x90: {  	s2 =	sld [smem:$0x3FC9]  }
0x91: {  	s18 =	sld [smem:$0x3FD0];
	(tm) =	ssettm $0x1  }
0x92: {  	s4 =	sld [smem:$0x3FFB];
	_ =	sdelay $0x3  }
0x93: {  	_ =	strace s4  }
0x94: {  	s4 =	sld [smem:$0x3FFC];
	_ =	sdelay $0x3  }
0x95: {  	_ =	strace s4  }
0x96: {  	s4 =	sld [smem:$0x3FFD];
	_ =	sdelay $0x3  }
0x97: {  	_ =	strace s4  }
0x98: {  	_ =	strace $0x8FFFFFFF  }
0x99: {  	s19 =	sld [smem:$0x3FDB];
	_ =	sdelay $0x1  }
0x9a: {  	s5 =	simm.s32 $_scs_section_size  }
0x9b: {  	s6 =	simm.s32 $_size__tile_overlayer_lowered;
	s7 =	simm.s32 $_tile_overlayer_lowered  }
0x9c: {  	s22 =	simm.s32 $0x1BFF;
	s21 =	sshll.u32 s7, $0x1;
	s4 =	sadd.s32 s5, s19  }
0x9d: {  	s8 =	simm.s32 $0x0;
	s20 =	sshll.u32 s6, $0x1;
	s6 =	sadd.s32 s21, s4  }
0x9e: {  	[timem:s8], [sflag:s22] =	dma.local [hbm:s6], s20  }
0x9f: {  	_ =	swait.ge [sflag:s22], s20  }
0xa0: {  	s5 =	ssub.s32 $0x0, s20;
	[sflag:s22] =	ssyncset.done $0x0  }
0xa1: {  	[sflag:s22] =	ssyncadd.s32 s5;
	_ =	sdelay $0x1  }
0xa2: {  	s23 =	simm.s32 $0x1B8B  }
0xa3: {  	_ =	swait.ge [sflag:s23], $0x1  }
0xa4: {  	[sflag:s23] =	ssyncset.done $0x0  }
0xa5: {  	s25 =	simm.s32 $0x1B8E;
	s24 =	sld [smem:$0x3FFE];
	[sflag:s23] =	ssyncadd.s32 $0xFFFFFFFF  }
0xa6: {  	s26 =	simm.s32 $execute0_lowered;
	[smem:$0x3FD2] =	sst s25  }
0xa7: {  	s6 =	sshll.u32 s26, $0x1;
	_ =	strace $0x80000046;
	[dreg:$0x1] =	wrdreg $0xFFFFFFFF  }
0xa8: {  	s28 =	simm.s32 $_size_execute0_lowered;
	s4 =	sadd.s32 s4, s6;
	[dreg:$0x0] =	wrdreg $0x0  }
0xa9: {  	s6 =	sshll.u32 s28, $0x1;
	[dreg:$0x2] =	wrdreg s4  }
0xaa: {  	[dreg:$0x3] =	wrdreg s6  }
0xab: {  	[dreg:$0x4] =	wrdreg $0xC0  }
0xac: {  	_ =	task [dreg:s8], $0x5FFFF  }
0xad: {  	[dreg:$0x1] =	wrdreg $0xFFFFFFFF  }
0xae: {  	[dreg:$0x0] =	wrdreg $0x60  }
0xaf: {  	[dreg:$0x2] =	wrdreg s2  }
0xb0: {  	[dreg:$0x3] =	wrdreg s24  }
0xb1: {  	[dreg:$0x4] =	wrdreg s18  }
0xb2: {  	[dreg:$0x5] =	wrdreg $0xA1000  }
0xb3: {  	[dreg:$0x6] =	wrdreg $0x9  }
0xb4: {  	_ =	task.clear_ibuf [dreg:s8], $0x7FFFF;
	_ =	strace $0x90000046  }
0xb5: {  	s29 =	simm.s32 $0x9;
	_ =	strace $0x80000048  }
0xb6: {  	_ =	swait.ge [sflag:s29], $0x1  }
0xb7: {  	[sflag:s29] =	ssyncadd.s32 $0xFFFFFFFF  }
0xb8: {  	_ =	strace $0x90000048  }
0xb9: {  	_ =	sfence  }
0xba: {  	s30 =	sld [smem:$0x0];
	_ =	sdelay $0x2  }
0xbb: {  	s31 =	sshll.u32 s1, $0xD;
	s1 =	sshrl.u32 s1, $0x2  }
0xbc: {  	s3 =	sand.u32 $0x4000, s31;
	s1 =	sadd.s32 s1, s30  }
0xbd: {  	s0 =	sor.u32 s3, s0;
	s1 =	sshll.u32 s1, $0x11  }
0xbe: {  	s0 =	sor.u32 s1, s0  }
0xbf: {  	s0 =	sadd.s32 $0x8F2B, s0  }
0xc0: {  	[sflag:s0] =	ssyncadd.remote.s32 $0x1  }
0xc1: {  	_ =	sfence.sel $0xFFFF  }
0xc2: {  	[dreg:$0x0] =	wrdreg $0xFFFFFFFF;
	(pc) =	sbr.abs _section_cstart, $3  }
0xc3: {  	[dreg:$0x1] =	wrdreg $0xFFFFFFFF  }
0xc4: {  	_ =	task.clear_ibuf [dreg:s8], $0x2FFFF;
	_ =	strace $0x9FFFFFFF  }
0xc5: {  	(tm) =	ssettm $0x7FFFFFFF  }
tec
execute0_lowered:
.L_overlay_start_1:
0x0: {  	(tag) =	ssettag $0x1  }
0x1: {  	s0 =	srdreg.scid;
	s1 =	rddreg [dreg:$0x0]  }
0x2: {  	s11 =	stileid.u32;
	s3 =	rddreg [dreg:$0x1]  }
0x3: {  	s4 =	rddreg [dreg:$0x3];
	s5 =	simm.s32 $0x0;
	s8 =	smul.u32 $0x6400, s11  }
0x4: {  	s28 =	simm.s32 $0x2880;
	s30 =	simm.s32 $0x1;
	s18 =	smul.u32 $0xA000, s11  }
0x5: {  	s31 =	simm.s32 $0x7;
	s29 =	simm.s32 $0x8;
	s21 =	smul.u32 $0x9C4, s11  }
0x6: {  	s0 =	sand.u32 $0x1, s0;
	s2 =	sshll.u32 s11, $0x1;
	s24 =	smul.u32 $0x19000, s11  }
0x7: {  	[smem:$0x7FF] =	sst s5;
	s10 =	sadd.s32 $0x4C00, s3;
	s7 =	smul.u32 $0x138800, s0  }
0x8: {  	s2 =	sor.u32 s0, s2;
	s13 =	ssub.s32 $0x2, s0;
	s0 =	smul.u32 $0x4E2, s0  }
0x9: {  	s16 =	ssub.s32 $0x8C, s11;
	s22 =	ssub.s32 $0x41, s11;
	s6 =	smul.u32 $0x4E2, s2  }
0xa: {  	_ =	strace $0x80000047;
	s2 =	smul.u32 $0x2710, s2;
	s14 =	sshrl.u32 s13, $0x1  }
0xb: {  	s23 =	sadd.s32 s21, s10;
	s26 =	sshrl.u32 s24, $0x2;
	s21 =	simm.s32 $0x50  }
0xc: {  	s24 =	simm.s32 $0x5100;
	s7 =	sadd.s32 s8, s7;
	s0 =	sadd.s32 s0, s23  }
0xd: {  	s23 =	simm.s32 $0x2800;
	s8 =	simm.s32 $0x6;
	s9 =	sadd.s32 s6, s3  }
0xe: {  	s7 =	sshrl.u32 s7, $0x3;
	s2 =	sshrl.u32 s2, $0x3;
	s6 =	sadd.s32 s10, s6  }
0xf: {  	s3 =	sadd.s32 s7, s3;
	s7 =	ssub.s32 s13, s14;
	s15 =	sadd.s32 $0xEA00, s9  }
0x10: {  	[dreg:$0x6] =	wrdreg s6;
	s2 =	sadd.s32 s10, s2;
	s9 =	sshrl.u32 s16, $0x4  }
0x11: {  	s13 =	sshrl.u32 s22, $0x4;
	s6 =	sshrl.u32 s18, $0x2;
	s16 =	sadd.s32 $0x32, s0  }
0x12: {  	s0 =	sadd.s32 s26, s4;
	s22 =	simm.s32 $0x2900;
	[dreg:$0x5] =	wrdreg s15  }
0x13: {  	s26 =	simm.s32 $0xA;
	s17 =	sadd.s32 $0xA, s2;
	[dreg:$0xd] =	wrdreg s0  }
0x14: {  	s10 =	simm.s32 $0x0;
	s19 =	sadd.s32 $0x14, s2;
	[dreg:$0x7] =	wrdreg s17  }
0x15: {  	s20 =	sadd.s32 $0x4CE, s2;
	s2 =	sadd.s32 $0x4D8, s2;
	[dreg:$0x8] =	wrdreg s19  }
0x16: {  	s7 =	smax.u32 s7, $0x1;
	s25 =	sadd.s32 s6, s4;
	[dreg:$0x9] =	wrdreg s20  }
0x17: {  	s15 =	sadd.s32 $0x18800, s3;
	s3 =	simm.s32 $0x2;
	[dreg:$0xa] =	wrdreg s2  }
0x18: {  	s0 =	simm.s32 $0x5;
	s6 =	simm.s32 $0x3;
	[dreg:$0xb] =	wrdreg s7  }
0x19: {  	[dreg:$0xc] =	wrdreg s25;
	s19 =	simm.s32 $0xB;
	s20 =	simm.s32 $0x2780  }
0x1a: {  	s25 =	simm.s32 $0x7900;
	s2 =	simm.s32 $0x4;
	s7 =	simm.s32 $0x9  }
.LBB2_1:
0x1b: {  	s11 =	rddreg [dreg:$0x5]  }
0x1c: {  	[tilespmem:s5], [sflag:$0xB] =	stream.linear.gather [hbm4b:s11+s5], $0x2710, $0x38;
	[tilespmem:$0x1D980] =	vst v63  }
0x1d: {  	_ =	swait.ge [sflag:s19], $0x2710  }
0x1e: {  	[sflag:s19] =	ssyncset.done $0x0  }
0x1f: {  	s14 =	rddreg [dreg:$0x6];
	[sflag:s19] =	ssyncadd.s32 $0xFFFFD8F0  }
0x20: {  	[tilespmem:s20], [sflag:$0x7] =	stream.linear.gather [hbm4b:s14+s5], $0x50, $0x38;
	[tilespmem:$0x1D980] =	vst v63  }
0x21: {  	_ = 	snop  }
0x22: {  	[tilespmem:s22], [sflag:$0x1] =	stream.indirect.gather [hbm4b:s1+s21], $0x80, s5, s21, $0xb8;
	[tilespmem:$0x1D980] =	vst v63  }
0x23: {  	s17 =	rddreg [dreg:$0x7]  }
0x24: {  	[tilespmem:s23], [sflag:$0x8] =	stream.linear.gather [hbm4b:s17+s5], $0x50, $0x38;
	[tilespmem:$0x1D980] =	vst v63  }
0x25: {  	_ = 	snop  }
0x26: {  	[tilespmem:s24], [sflag:$0x2] =	stream.indirect.gather [hbm4b:s1+s21], $0x80, s21, s21, $0xb8;
	[tilespmem:$0x1D980] =	vst v63  }
0x27: {  	p0 =	sne.s32 s9, $0x1;
	s18 =	rddreg [dreg:$0x2]  }
0x28: {  	[tilespmem:s25], [sflag:$0xB] =	stream.linear.gather [hbm4b:s18+s5], $0x2800, $0x38;
	[tilespmem:$0x1D980] =	vst v63  }
.Ltmp0:
0x29: {  	_ = 	snop;
	(pc) =	sbr.rel @!p0 .LBB2_3-.Ltmp0, $4  }
0x2a: {  	_ =	swait.ge [sflag:s19], $0x2800  }
0x2b: {  	[sflag:s19] =	ssyncset.done $0x0  }
0x2c: {  	s11 =	sadd.s32 $0xFFFFFFFF, s9;
	s12 =	rddreg [dreg:$0xc];
	[sflag:s19] =	ssyncadd.s32 $0xFFFFD800  }
0x2d: {  	[spmem:s12] =	stream.linear.scatter [tilespmem:s25], [sflag:$0xA], $0x2800, $0x38;
	[tilespmem:$0x1D980] =	vst v63  }
.LBB2_2:
0x2e: {  	p1 =	sne.s32 s11, $0x1  }
.Ltmp1:
0x2f: {  	_ = 	snop;
	(pc) =	sbr.rel @p1 .LBB2_2-.Ltmp1, $3  }
0x30: {  	_ = 	snop  }
0x31: {  	s11 =	sadd.s32 $0xFFFFFFFF, s11;
	s12 =	sadd.s32 $0x28000, s12;
	_ =	sdelay $0x1  }
0x32: {  	[spmem:s12] =	stream.linear.scatter [tilespmem:s25], [sflag:$0xA], $0x2800, $0x38;
	[tilespmem:$0x1D980] =	vst v63  }
.LBB2_3:
.Ltmp2:
0x33: {  	(pc) =	sbr.rel @!p0 .LBB2_5-.Ltmp2, $3  }
0x34: {  	_ =	sdelay $0x1  }
0x35: {  	_ =	swait.ge [sflag:s26], $0x2800  }
0x36: {  	s11 =	sadd.s32 $0xFFFFFFFF, s9;
	[sflag:s26] =	ssyncset.done $0x0  }
.LBB2_4:
0x37: {  	p0 =	sne.s32 s11, $0x1;
	s11 =	sadd.s32 $0xFFFFFFFF, s11;
	[sflag:s26] =	ssyncadd.s32 $0xFFFFD800  }
.Ltmp3:
0x38: {  	(pc) =	sbr.rel @p0 .LBB2_4-.Ltmp3, $3  }
0x39: {  	_ =	sdelay $0x1  }
0x3a: {  	_ =	swait.ge [sflag:s26], $0x2800  }
0x3b: {  	[sflag:s26] =	ssyncset.done $0x0  }
.LBB2_5:
0x3c: {  	[sflag:s26] =	ssyncadd.s32 $0xFFFFD800  }
0x3d: {  	[bflag:$0x0] =	sbarrier.arrive $0xFFFF  }
0x3e: {  	s11 =	simm.s32 $0x0;
	s12 =	rddreg [dreg:$0x8]  }
0x3f: {  	[tilespmem:s28], [sflag:$0x9] =	stream.linear.gather [hbm4b:s12+s11], $0x50, $0x38;
	[tilespmem:$0x1D980] =	vst v63  }
0x40: {  	s18 =	simm.s32 $0xA0  }
0x41: {  	[tilespmem:s25], [sflag:$0x3] =	stream.indirect.gather [hbm4b:s1+s21], $0x80, s18, s21, $0xb8;
	[tilespmem:$0x1D980] =	vst v63  }
0x42: {  	_ =	swait.ge [sflag:s30], $0x2800  }
0x43: {  	[sflag:s30] =	ssyncset.done $0x0  }
0x44: {  	[sflag:s30] =	ssyncadd.s32 $0xFFFFD800  }
0x45: {  	_ =	swait.ge [sflag:s31], $0x50  }
0x46: {  	[sflag:s31] =	ssyncset.done $0x0  }
0x47: {  	[sflag:s31] =	ssyncadd.s32 $0xFFFFFFB0  }
0x48: {  	[spmem:s4] =	stream.indirect.scatter.add.f32 [tilespmem:s22], [sflag:$0x4], $0x80, s20, s21, $0xb8;
	[tilespmem:$0x1D980] =	vst v63  }
0x49: {  	_ =	swait.ge [sflag:s2], $0x2800  }
0x4a: {  	[sflag:s2] =	ssyncset.done $0x0  }
0x4b: {  	s12 =	sadd.s32 $0xFFFFFFEC, s16;
	[sflag:s2] =	ssyncadd.s32 $0xFFFFD800  }
0x4c: {  	[tilespmem:s20], [sflag:$0x7] =	stream.linear.gather [hbm4b:s12+s5], $0x50, $0x38;
	[tilespmem:$0x1D980] =	vst v63  }
0x4d: {  	s14 =	simm.s32 $0xF0  }
0x4e: {  	[tilespmem:s22], [sflag:$0x1] =	stream.indirect.gather [hbm4b:s1+s21], $0x80, s14, s21, $0xb8;
	[tilespmem:$0x1D980] =	vst v63  }
0x4f: {  	_ =	swait.ge [sflag:s3], $0x2800  }
0x50: {  	[sflag:s3] =	ssyncset.done $0x0  }
0x51: {  	[sflag:s3] =	ssyncadd.s32 $0xFFFFD800  }
0x52: {  	_ =	swait.ge [sflag:s29], $0x50  }
0x53: {  	[sflag:s29] =	ssyncset.done $0x0  }
0x54: {  	[sflag:s29] =	ssyncadd.s32 $0xFFFFFFB0  }
0x55: {  	[spmem:s4] =	stream.indirect.scatter.add.f32 [tilespmem:s24], [sflag:$0x5], $0x80, s23, s21, $0xb8;
	[tilespmem:$0x1D980] =	vst v63  }
0x56: {  	_ =	swait.ge [sflag:s0], $0x2800  }
0x57: {  	[sflag:s0] =	ssyncset.done $0x0  }
0x58: {  	s17 =	sadd.s32 $0xFFFFFFF6, s16;
	[sflag:s0] =	ssyncadd.s32 $0xFFFFD800  }
0x59: {  	[tilespmem:s23], [sflag:$0x8] =	stream.linear.gather [hbm4b:s17+s5], $0x50, $0x38;
	[tilespmem:$0x1D980] =	vst v63  }
0x5a: {  	s18 =	simm.s32 $0x140  }
0x5b: {  	[tilespmem:s24], [sflag:$0x2] =	stream.indirect.gather [hbm4b:s1+s21], $0x80, s18, s21, $0xb8;
	[tilespmem:$0x1D980] =	vst v63  }
0x5c: {  	_ =	swait.ge [sflag:s6], $0x2800  }
0x5d: {  	[sflag:s6] =	ssyncset.done $0x0  }
0x5e: {  	[sflag:s6] =	ssyncadd.s32 $0xFFFFD800  }
0x5f: {  	_ =	swait.ge [sflag:s7], $0x50  }
0x60: {  	[sflag:s7] =	ssyncset.done $0x0  }
0x61: {  	[sflag:s7] =	ssyncadd.s32 $0xFFFFFFB0  }
0x62: {  	[spmem:s4] =	stream.indirect.scatter.add.f32 [tilespmem:s25], [sflag:$0x6], $0x80, s28, s21, $0xb8;
	[tilespmem:$0x1D980] =	vst v63  }
0x63: {  	_ =	swait.ge [sflag:s8], $0x2800  }
0x64: {  	s11 =	simm.s32 $0x3C0;
	[sflag:s8] =	ssyncset.done $0x0  }
0x65: {  	s12 =	sadd.s32 $0x1E, s16;
	s14 =	simm.s32 $0x190;
	[sflag:s8] =	ssyncadd.s32 $0xFFFFD800  }
0x66: {  	[tilespmem:s28], [sflag:$0x9] =	stream.linear.gather [hbm4b:s16+s5], $0x50, $0x38;
	[tilespmem:$0x1D980] =	vst v63  }
.LBB2_6:
0x67: {  	[tilespmem:s25], [sflag:$0x3] =	stream.indirect.gather [hbm4b:s1+s21], $0x80, s14, s21, $0xb8;
	[tilespmem:$0x1D980] =	vst v63  }
0x68: {  	s14 =	smov.u32 s11  }
0x69: {  	p0 =	sne.s32 s11, $0x9240;
	s11 =	sadd.s32 $0x3C0, s11;
	_ =	swait.ge [sflag:s30], $0x2800  }
0x6a: {  	[sflag:s30] =	ssyncset.done $0x0  }
0x6b: {  	[sflag:s30] =	ssyncadd.s32 $0xFFFFD800  }
0x6c: {  	_ =	swait.ge [sflag:s31], $0x50  }
0x6d: {  	[sflag:s31] =	ssyncset.done $0x0  }
0x6e: {  	[sflag:s31] =	ssyncadd.s32 $0xFFFFFFB0  }
0x6f: {  	[spmem:s4] =	stream.indirect.scatter.add.f32 [tilespmem:s22], [sflag:$0x4], $0x80, s20, s21, $0xb8;
	[tilespmem:$0x1D980] =	vst v63  }
0x70: {  	_ =	swait.ge [sflag:s2], $0x2800  }
0x71: {  	[sflag:s2] =	ssyncset.done $0x0  }
0x72: {  	s17 =	sadd.s32 $0xFFFFFFEC, s12;
	s14 =	sshra.s32 s14, $0x2;
	[sflag:s2] =	ssyncadd.s32 $0xFFFFD800  }
0x73: {  	[tilespmem:s20], [sflag:$0x7] =	stream.linear.gather [hbm4b:s17+s5], $0x50, $0x38;
	[tilespmem:$0x1D980] =	vst v63  }
0x74: {  	s17 =	sadd.s32 $0xF0, s14  }
0x75: {  	[tilespmem:s22], [sflag:$0x1] =	stream.indirect.gather [hbm4b:s1+s21], $0x80, s17, s21, $0xb8;
	[tilespmem:$0x1D980] =	vst v63  }
0x76: {  	_ =	swait.ge [sflag:s3], $0x2800  }
0x77: {  	[sflag:s3] =	ssyncset.done $0x0  }
0x78: {  	[sflag:s3] =	ssyncadd.s32 $0xFFFFD800  }
0x79: {  	_ =	swait.ge [sflag:s29], $0x50  }
0x7a: {  	[sflag:s29] =	ssyncset.done $0x0  }
0x7b: {  	[sflag:s29] =	ssyncadd.s32 $0xFFFFFFB0  }
0x7c: {  	[spmem:s4] =	stream.indirect.scatter.add.f32 [tilespmem:s24], [sflag:$0x5], $0x80, s23, s21, $0xb8;
	[tilespmem:$0x1D980] =	vst v63  }
0x7d: {  	_ =	swait.ge [sflag:s0], $0x2800  }
0x7e: {  	[sflag:s0] =	ssyncset.done $0x0  }
0x7f: {  	s17 =	sadd.s32 $0xFFFFFFF6, s12;
	[sflag:s0] =	ssyncadd.s32 $0xFFFFD800  }
0x80: {  	[tilespmem:s23], [sflag:$0x8] =	stream.linear.gather [hbm4b:s17+s5], $0x50, $0x38;
	[tilespmem:$0x1D980] =	vst v63  }
0x81: {  	s17 =	sadd.s32 $0x140, s14  }
0x82: {  	[tilespmem:s24], [sflag:$0x2] =	stream.indirect.gather [hbm4b:s1+s21], $0x80, s17, s21, $0xb8;
	[tilespmem:$0x1D980] =	vst v63  }
0x83: {  	_ =	swait.ge [sflag:s6], $0x2800  }
0x84: {  	[sflag:s6] =	ssyncset.done $0x0  }
0x85: {  	[sflag:s6] =	ssyncadd.s32 $0xFFFFD800  }
0x86: {  	_ =	swait.ge [sflag:s7], $0x50  }
0x87: {  	[sflag:s7] =	ssyncset.done $0x0  }
0x88: {  	[sflag:s7] =	ssyncadd.s32 $0xFFFFFFB0  }
0x89: {  	[spmem:s4] =	stream.indirect.scatter.add.f32 [tilespmem:s25], [sflag:$0x6], $0x80, s28, s21, $0xb8;
	[tilespmem:$0x1D980] =	vst v63  }
.Ltmp4:
0x8a: {  	_ =	swait.ge [sflag:s8], $0x2800;
	(pc) =	sbr.rel @p0 .LBB2_6-.Ltmp4, $4  }
0x8b: {  	[sflag:s8] =	ssyncset.done $0x0  }
0x8c: {  	[sflag:s8] =	ssyncadd.s32 $0xFFFFD800  }
0x8d: {  	[tilespmem:s28], [sflag:$0x9] =	stream.linear.gather [hbm4b:s12+s5], $0x50, $0x38;
	[tilespmem:$0x1D980] =	vst v63  }
0x8e: {  	s14 =	sadd.s32 $0x190, s14;
	s12 =	sadd.s32 $0x1E, s12  }
0x8f: {  	[tilespmem:s25], [sflag:$0x3] =	stream.indirect.gather [hbm4b:s1+s21], $0x80, s14, s21, $0xb8;
	[tilespmem:$0x1D980] =	vst v63  }
0x90: {  	_ =	swait.ge [sflag:s30], $0x2800  }
0x91: {  	[sflag:s30] =	ssyncset.done $0x0  }
0x92: {  	[sflag:s30] =	ssyncadd.s32 $0xFFFFD800  }
0x93: {  	_ =	swait.ge [sflag:s31], $0x50  }
0x94: {  	[sflag:s31] =	ssyncset.done $0x0  }
0x95: {  	[sflag:s31] =	ssyncadd.s32 $0xFFFFFFB0  }
0x96: {  	[spmem:s4] =	stream.indirect.scatter.add.f32 [tilespmem:s22], [sflag:$0x4], $0x80, s20, s21, $0xb8;
	[tilespmem:$0x1D980] =	vst v63  }
0x97: {  	_ =	swait.ge [sflag:s2], $0x2800  }
0x98: {  	[sflag:s2] =	ssyncset.done $0x0  }
0x99: {  	s11 =	rddreg [dreg:$0x9];
	[sflag:s2] =	ssyncadd.s32 $0xFFFFD800  }
0x9a: {  	[tilespmem:s20], [sflag:$0x7] =	stream.linear.gather [hbm4b:s11+s5], $0x50, $0x38;
	[tilespmem:$0x1D980] =	vst v63  }
0x9b: {  	s18 =	simm.s32 $0x2670  }
0x9c: {  	[tilespmem:s22], [sflag:$0x1] =	stream.indirect.gather [hbm4b:s1+s21], $0x80, s18, s21, $0xb8;
	[tilespmem:$0x1D980] =	vst v63  }
0x9d: {  	_ =	swait.ge [sflag:s3], $0x2800  }
0x9e: {  	[sflag:s3] =	ssyncset.done $0x0  }
0x9f: {  	[sflag:s3] =	ssyncadd.s32 $0xFFFFD800  }
0xa0: {  	_ =	swait.ge [sflag:s29], $0x50  }
0xa1: {  	[sflag:s29] =	ssyncset.done $0x0  }
0xa2: {  	[sflag:s29] =	ssyncadd.s32 $0xFFFFFFB0  }
0xa3: {  	[spmem:s4] =	stream.indirect.scatter.add.f32 [tilespmem:s24], [sflag:$0x5], $0x80, s23, s21, $0xb8;
	[tilespmem:$0x1D980] =	vst v63  }
0xa4: {  	_ =	swait.ge [sflag:s0], $0x2800  }
0xa5: {  	[sflag:s0] =	ssyncset.done $0x0  }
0xa6: {  	s12 =	rddreg [dreg:$0xa];
	[sflag:s0] =	ssyncadd.s32 $0xFFFFD800  }
0xa7: {  	[tilespmem:s23], [sflag:$0x8] =	stream.linear.gather [hbm4b:s12+s5], $0x50, $0x38;
	[tilespmem:$0x1D980] =	vst v63  }
0xa8: {  	s14 =	simm.s32 $0x26C0  }
0xa9: {  	[tilespmem:s24], [sflag:$0x2] =	stream.indirect.gather [hbm4b:s1+s21], $0x80, s14, s21, $0xb8;
	[tilespmem:$0x1D980] =	vst v63  }
0xaa: {  	_ =	swait.ge [sflag:s6], $0x2800  }
0xab: {  	[sflag:s6] =	ssyncset.done $0x0  }
0xac: {  	[sflag:s6] =	ssyncadd.s32 $0xFFFFD800  }
0xad: {  	_ =	swait.ge [sflag:s7], $0x50  }
0xae: {  	[sflag:s7] =	ssyncset.done $0x0  }
0xaf: {  	[sflag:s7] =	ssyncadd.s32 $0xFFFFFFB0  }
0xb0: {  	[spmem:s4] =	stream.indirect.scatter.add.f32 [tilespmem:s25], [sflag:$0x6], $0x80, s28, s21, $0xb8;
	[tilespmem:$0x1D980] =	vst v63  }
0xb1: {  	_ =	swait.ge [sflag:s8], $0x2800  }
0xb2: {  	[sflag:s8] =	ssyncset.done $0x0  }
0xb3: {  	[sflag:s8] =	ssyncadd.s32 $0xFFFFD800  }
0xb4: {  	_ =	swait.ge [sflag:s30], $0x2800  }
0xb5: {  	[sflag:s30] =	ssyncset.done $0x0  }
0xb6: {  	[sflag:s30] =	ssyncadd.s32 $0xFFFFD800  }
0xb7: {  	_ =	swait.ge [sflag:s31], $0x50  }
0xb8: {  	[sflag:s31] =	ssyncset.done $0x0  }
0xb9: {  	[sflag:s31] =	ssyncadd.s32 $0xFFFFFFB0  }
0xba: {  	[spmem:s4] =	stream.indirect.scatter.add.f32 [tilespmem:s22], [sflag:$0x4], $0x80, s20, s21, $0xb8;
	[tilespmem:$0x1D980] =	vst v63  }
0xbb: {  	_ =	swait.ge [sflag:s2], $0x2800  }
0xbc: {  	[sflag:s2] =	ssyncset.done $0x0  }
0xbd: {  	[sflag:s2] =	ssyncadd.s32 $0xFFFFD800  }
0xbe: {  	_ =	swait.ge [sflag:s3], $0x2800  }
0xbf: {  	[sflag:s3] =	ssyncset.done $0x0  }
0xc0: {  	[sflag:s3] =	ssyncadd.s32 $0xFFFFD800  }
0xc1: {  	_ =	swait.ge [sflag:s29], $0x50  }
0xc2: {  	[sflag:s29] =	ssyncset.done $0x0  }
0xc3: {  	[sflag:s29] =	ssyncadd.s32 $0xFFFFFFB0  }
0xc4: {  	[spmem:s4] =	stream.indirect.scatter.add.f32 [tilespmem:s24], [sflag:$0x5], $0x80, s23, s21, $0xb8;
	[tilespmem:$0x1D980] =	vst v63  }
0xc5: {  	_ =	swait.ge [sflag:s0], $0x2800  }
0xc6: {  	[sflag:s0] =	ssyncset.done $0x0  }
0xc7: {  	p0 =	sne.s32 s13, $0x1;
	[sflag:s0] =	ssyncadd.s32 $0xFFFFD800  }
.Ltmp5:
0xc8: {  	s17 =	stileid.u32;
	[bflag:$0x0] =	sbarrier.arrive $0xFFFF;
	(pc) =	sbr.rel @!p0 .LBB2_9-.Ltmp5, $4  }
0xc9: {  	s11 =	sshll.u32 s17, $0x6;
	s18 =	rddreg [dreg:$0xd]  }
0xca: {  	s11 =	sor.u32 $0x1C0A, s11;
	s12 =	sshrl.u32 s18, $0x3  }
0xcb: {  	[hbm:s15], [sflag:s11] =	dma.local [spmem:s12], $0xC80  }
0xcc: {  	s17 =	smov.u32 s15;
	s14 =	sadd.s32 $0x64000, s18;
	s12 =	sadd.s32 $0xFFFFFFFF, s13  }
.LBB2_8:
0xcd: {  	p1 =	sne.s32 s12, $0x1;
	s12 =	sadd.s32 $0xFFFFFFFF, s12  }
.Ltmp6:
0xce: {  	s18 =	sshrl.u32 s14, $0x3;
	s17 =	sadd.s32 $0xC800, s17;
	(pc) =	sbr.rel @p1 .LBB2_8-.Ltmp6, $3  }
0xcf: {  	[hbm:s17], [sflag:s11] =	dma.local [spmem:s18], $0xC80  }
0xd0: {  	_ =	sdelay $0x1  }
0xd1: {  	s14 =	sadd.s32 $0x64000, s14  }
.LBB2_9:
.Ltmp7:
0xd2: {  	(pc) =	sbr.rel @!p0 .LBB2_11-.Ltmp7, $3  }
0xd3: {  	_ =	sdelay $0x1  }
0xd4: {  	_ =	swait.ge [sflag:s26], $0xC80  }
0xd5: {  	s11 =	sadd.s32 $0xFFFFFFFF, s13;
	[sflag:s26] =	ssyncset.done $0x0  }
.LBB2_10:
0xd6: {  	p0 =	sne.s32 s11, $0x1;
	s11 =	sadd.s32 $0xFFFFFFFF, s11;
	[sflag:s26] =	ssyncadd.s32 $0xFFFFF380  }
.Ltmp8:
0xd7: {  	(pc) =	sbr.rel @p0 .LBB2_10-.Ltmp8, $3  }
0xd8: {  	_ =	sdelay $0x1  }
0xd9: {  	_ =	swait.ge [sflag:s26], $0xC80  }
0xda: {  	[sflag:s26] =	ssyncset.done $0x0  }
.LBB2_11:
0xdb: {  	s10 =	sadd.s32 $0x1, s10;
	s11 =	rddreg [dreg:$0xb]  }
0xdc: {  	p0 =	sne.s32 s10, s11  }
.Ltmp9:
0xdd: {  	_ = 	snop;
	(pc) =	sbr.rel @p0 .LBB2_1-.Ltmp9, $2  }
0xde: {  	_ =	sdelay $0x2  }
0xdf: {  	[sflag:s26] =	ssyncadd.s32 $0xFFFFF380  }
0xe0: {  	_ =	sfence.sel $0x180000  }
0xe1: {  	[bflag:$0x0] =	sbarrier.arrive $0xFFFF  }
0xe2: {  	_ =	strace $0x90000047  }
0xe3: {  	s0 =	stileid.u32;
	[bflag:$0x2] =	sbarrier.arrive $0xFFFF  }
0xe4: {  	p0 =	sne.s32 s0, $0x0;
	s0 =	rddreg [dreg:$0x4]  }
0xe5: {  	s0 =	sadd.s32 @!p0 $0x100000, s0  }
0xe6: {  	[sflag:s0] =	ssyncadd.tile.s32 @!p0 $0x1;
	_ =	shalt  }
.Lfunc_end2:
_tile_overlayer_lowered:
.L_overlay_start_2:
0xe7: {  	(tag) =	ssettag $0x2  }
0xe8: {  	s0 =	rddreg [dreg:$0x0];
	s2 =	stileid.u32  }
0xe9: {  	s1 =	rddreg [dreg:$0x1];
	p0 =	sne.s32 s2, $0x0  }
0xea: {  	s3 =	rddreg [dreg:$0x2];
	[bflag:$0x3] =	sbarrier.arrive $0xFFFF;
	s2 =	simm.s32 @!p0 $0x1C0B  }
0xeb: {  	[timem:s3], [sflag:s2] =	dma.local @!p0 [hbm:s0], s1  }
0xec: {  	s0 =	simm.s32 @!p0 $0xB  }
0xed: {  	_ =	swait.ge @!p0 [sflag:s0], s1  }
0xee: {  	s1 =	ssub.s32 @!p0 $0x0, s1;
	[sflag:s0] =	ssyncset.done @!p0 $0x0  }
0xef: {  	[sflag:s0] =	ssyncadd.s32 @!p0 s1  }
0xf0: {  	[bflag:$0x3] =	sbarrier.arrive $0xFFFF  }
0xf1: {  	_ =	shalt  }

// kernel: kernel.17.cloned.1.call-start
scs
__scs_entry_jumppad:
0x0: {  	(pc) =	sbr.rel $0x88, $3  }
0x1: {  	(tag) =	ssettag $0x0;
	lr =	simm.s32 $0x1  }
0x2: {  	[smem:$0x3F97] =	sst lr;
	_ =	strace $0xD0000000  }
0x3: {  	_ = 	snop  }
0x4: {  	_ = 	snop  }
0x5: {  	_ = 	snop  }
0x6: {  	_ = 	snop  }
0x7: {  	_ = 	snop  }
__scs_overlays_trampoline_lowered:
0x8: {  	[smem:$0x3FA6] =	sst s0  }
0x9: {  	[smem:$0x3FA7] =	sst s1  }
0xa: {  	[smem:$0x3FA8] =	sst s2  }
0xb: {  	[smem:$0x3FA9] =	sst s3  }
0xc: {  	[smem:$0x3FAA] =	sst s4  }
0xd: {  	[smem:$0x3FAB] =	sst s5  }
0xe: {  	[smem:$0x3FAC] =	sst s6  }
0xf: {  	[smem:$0x3FAD] =	sst s7  }
0x10: {  	[smem:$0x3FAE] =	sst s8  }
0x11: {  	[smem:$0x3FAF] =	sst s9;
	s0 =	simm.s32 @!p0 $0x0  }
0x12: {  	s1 =	sld [smem:$0x3F95];
	s0 =	simm.s32 @p0 $0x1  }
0x13: {  	[smem:$0x3FB0] =	sst s0;
	s0 =	simm.s32 @!p1 $0x0  }
0x14: {  	s2 =	sld [smem:$0x3F94];
	s0 =	simm.s32 @p1 $0x1  }
0x15: {  	[smem:$0x3FB1] =	sst s0;
	s0 =	simm.s32 @!p2 $0x0  }
0x16: {  	s3 =	sld [smem:$0x3FDB];
	s0 =	simm.s32 @p2 $0x1  }
0x17: {  	s4 =	simm.s32 $0x1BF5;
	[smem:$0x3FB3] =	sst s0  }
0x18: {  	s0 =	sld [smem:$0x3F96];
	_ =	swait.ge [sflag:s4], $0x0  }
0x19: {  	s7 =	sld [smem:$0x3F97]  }
0x1a: {  	s8 =	sadd.s32 $0xFFFFE003, lr  }
0x1b: {  	s9 =	sadd.s32 $0xFFFFFEF7, lr;
	s5 =	simm.s32 $0xFFFFFFFF;
	p2 =	slt.u32 s8, $0xFFFFF086  }
0x1c: {  	p1 =	slt.u32 s9, $0xF7A;
	s5 =	simm.s32 @!p2 $0x0  }
0x1d: {  	s5 =	simm.s32 @p1 $0x1;
	p0 =	seq.s32 s7, s2  }
0x1e: {  	s7 =	smul.u32 @!p0 $0xF7A, s2;
	p2 =	seq.s32 @!p0 s5, $0x0  }
0x1f: {  	s9 =	smul.u32 $0xF7A, s1;
	s8 =	simm.s32 @!p0 $0x1BF5;
	p2 =	por !p2, p0  }
0x20: {  	[sflag:s8] =	ssyncset.s32 @!p0 $0xFFFFF086;
	s6 =	sadd.s32 @!p0 s3, s7;
	s7 =	simm.s32 @!p0 $0x108  }
0x21: {  	s3 =	sadd.s32 s3, s9;
	s6 =	sadd.s32 @!p0 $0x88, s6;
	s7 =	simm.s32 @p2 $0x1082  }
0x22: {  	[simem:s7], [sflag:s8] =	dma.local @!p0 [hbm:s6], $0xF7A  }
0x23: {  	s9 =	sor.u32 $0xD0000000, s2;
	s6 =	simm.s32 $0x108;
	_ =	swait.ge @!p0 [sflag:s8], $0x0  }
0x24: {  	s3 =	sadd.s32 $0x88, s3;
	s6 =	simm.s32 @!p1 $0x1082;
	[sflag:s4] =	ssyncset.s32 $0xFFFFF086  }
0x25: {  	[simem:s6], [sflag:s4] =	dma.local [hbm:s3], $0xF7A  }
0x26: {  	[smem:$0x3F97] =	sst s1;
	(tag) =	ssettag s2;
	_ =	strace s9  }
0x27: {  	s1 =	sld [smem:$0x3FA7]  }
0x28: {  	s2 =	sld [smem:$0x3FA8]  }
0x29: {  	s4 =	sld [smem:$0x3FAA]  }
0x2a: {  	p0 =	seq.s32 s5, $0x0;
	s5 =	sld [smem:$0x3FAB]  }
0x2b: {  	s6 =	sld [smem:$0x3FAC]  }
0x2c: {  	s7 =	sld [smem:$0x3FAD]  }
0x2d: {  	s3 =	simm.s32 $0x108;
	s8 =	sld [smem:$0x3FAE]  }
0x2e: {  	s3 =	simm.s32 @!p0 $0x1082;
	s9 =	sld [smem:$0x3FAF]  }
0x2f: {  	lr =	sadd.s32 s0, s3;
	s0 =	sld [smem:$0x3FA6]  }
0x30: {  	s3 =	sld [smem:$0x3FA9]  }
0x31: {  	[smem:$0x3FB2] =	sst s10  }
0x32: {  	s10 =	sld [smem:$0x3FB0];
	_ =	sdelay $0x3  }
0x33: {  	p0 =	seq.s32 s10, $0x1;
	s10 =	sld [smem:$0x3FB2];
	_ =	sdelay $0x3  }
0x34: {  	[smem:$0x3FB2] =	sst s10  }
0x35: {  	s10 =	sld [smem:$0x3FB1];
	_ =	sdelay $0x3  }
0x36: {  	p1 =	seq.s32 s10, $0x1;
	s10 =	sld [smem:$0x3FB2];
	_ =	sdelay $0x3  }
0x37: {  	[smem:$0x3FB2] =	sst s10  }
0x38: {  	s10 =	sld [smem:$0x3FB3]  }
0x39: {  	_ = 	snop;
	(pc) =	sbr.ind lr, $3  }
0x3a: {  	_ = 	snop  }
0x3b: {  	_ = 	snop  }
0x3c: {  	p2 =	seq.s32 s10, $0x1;
	s10 =	sld [smem:$0x3FB2]  }
0x3d: {  	_ =	shalt  }
0x3e: {  	_ =	shalt  }
0x3f: {  	_ =	shalt  }
0x40: {  	_ =	shalt  }
0x41: {  	_ =	shalt  }
0x42: {  	_ =	shalt  }
0x43: {  	_ =	shalt  }
0x44: {  	_ =	shalt  }
0x45: {  	_ =	shalt  }
0x46: {  	_ =	shalt  }
0x47: {  	_ =	shalt  }
0x48: {  	_ =	shalt  }
0x49: {  	_ =	shalt  }
0x4a: {  	_ =	shalt  }
0x4b: {  	_ =	shalt  }
0x4c: {  	_ =	shalt  }
0x4d: {  	_ =	shalt  }
0x4e: {  	_ =	shalt  }
0x4f: {  	_ =	shalt  }
0x50: {  	_ =	shalt  }
0x51: {  	_ =	shalt  }
0x52: {  	_ =	shalt  }
0x53: {  	_ =	shalt  }
0x54: {  	_ =	shalt  }
0x55: {  	_ =	shalt  }
0x56: {  	_ =	shalt  }
0x57: {  	_ =	shalt  }
0x58: {  	_ =	shalt  }
0x59: {  	_ =	shalt  }
0x5a: {  	_ =	shalt  }
0x5b: {  	_ =	shalt  }
0x5c: {  	_ =	shalt  }
0x5d: {  	_ =	shalt  }
0x5e: {  	_ =	shalt  }
0x5f: {  	_ =	shalt  }
0x60: {  	_ =	shalt  }
0x61: {  	_ =	shalt  }
0x62: {  	_ =	shalt  }
0x63: {  	_ =	shalt  }
0x64: {  	_ =	shalt  }
0x65: {  	_ =	shalt  }
0x66: {  	_ =	shalt  }
0x67: {  	_ =	shalt  }
0x68: {  	_ =	shalt  }
0x69: {  	_ =	shalt  }
0x6a: {  	_ =	shalt  }
0x6b: {  	_ =	shalt  }
0x6c: {  	_ =	shalt  }
0x6d: {  	_ =	shalt  }
0x6e: {  	_ =	shalt  }
0x6f: {  	_ =	shalt  }
0x70: {  	_ =	shalt  }
0x71: {  	_ =	shalt  }
0x72: {  	_ =	shalt  }
0x73: {  	_ =	shalt  }
0x74: {  	_ =	shalt  }
0x75: {  	_ =	shalt  }
0x76: {  	_ =	shalt  }
0x77: {  	_ =	shalt  }
0x78: {  	_ =	shalt  }
0x79: {  	_ =	shalt  }
0x7a: {  	_ =	shalt  }
0x7b: {  	_ =	shalt  }
0x7c: {  	_ =	shalt  }
0x7d: {  	_ =	shalt  }
0x7e: {  	_ =	shalt  }
0x7f: {  	_ =	shalt  }
0x80: {  	_ =	shalt  }
0x81: {  	_ =	shalt  }
0x82: {  	_ =	shalt  }
0x83: {  	_ =	shalt  }
0x84: {  	_ =	shalt  }
0x85: {  	_ =	shalt  }
0x86: {  	_ =	shalt  }
0x87: {  	_ =	shalt  }
.Lfunc_end0:
.L_simem_size_0:
called_computation.1_lowered:
.L_overlay_start_0:
0x88: {  	s2 =	sld [smem:$0x3FD9]  }
0x89: {  	s3 =	sld [smem:$0x3FFE];
	_ =	sdelay $0x1  }
0x8a: {  	s1 =	srdreg.scid  }
0x8b: {  	s0 =	sand.u32 $0x1, s1  }
0x8c: {  	s17 =	sshll.u32 s0, $0xA;
	s2 =	sadd.s32 s3, s2  }
0x8d: {  	s2 =	sadd.s32 s2, s17  }
0x8e: {  	[smem:$0x3FBE] =	sst s2  }
0x8f: {  	_ = 	snop  }
0x90: {  	s2 =	sld [smem:$0x3FD0];
	(tm) =	ssettm $0x1  }
0x91: {  	s18 =	sld [smem:$0x3FFB];
	_ =	sdelay $0x3  }
0x92: {  	_ =	strace s18  }
0x93: {  	s3 =	sld [smem:$0x3FFC];
	_ =	sdelay $0x3  }
0x94: {  	_ =	strace s3  }
0x95: {  	s3 =	sld [smem:$0x3FFD];
	_ =	sdelay $0x3  }
0x96: {  	_ =	strace s3  }
0x97: {  	_ =	strace $0x8FFFFFFF  }
0x98: {  	s19 =	sld [smem:$0x3FDB];
	_ =	sdelay $0x1  }
0x99: {  	s4 =	simm.s32 $_scs_section_size  }
0x9a: {  	s5 =	simm.s32 $_size__tile_overlayer_lowered;
	s6 =	simm.s32 $_tile_overlayer_lowered  }
0x9b: {  	s22 =	simm.s32 $0x1BFF;
	s21 =	sshll.u32 s6, $0x1;
	s3 =	sadd.s32 s4, s19  }
0x9c: {  	s7 =	simm.s32 $0x0;
	s20 =	sshll.u32 s5, $0x1;
	s5 =	sadd.s32 s21, s3  }
0x9d: {  	[timem:s7], [sflag:s22] =	dma.local [hbm:s5], s20  }
0x9e: {  	_ =	swait.ge [sflag:s22], s20  }
0x9f: {  	s4 =	ssub.s32 $0x0, s20;
	[sflag:s22] =	ssyncset.done $0x0  }
0xa0: {  	[sflag:s22] =	ssyncadd.s32 s4;
	_ =	sdelay $0x1  }
0xa1: {  	s23 =	simm.s32 $0x1B8B  }
0xa2: {  	_ =	swait.ge [sflag:s23], $0x1  }
0xa3: {  	[sflag:s23] =	ssyncset.done $0x0  }
0xa4: {  	s25 =	simm.s32 $0x1B8E;
	s24 =	sld [smem:$0x3FFE];
	[sflag:s23] =	ssyncadd.s32 $0xFFFFFFFF  }
0xa5: {  	s26 =	simm.s32 $execute0_lowered;
	[smem:$0x3FD2] =	sst s25  }
0xa6: {  	s5 =	sshll.u32 s26, $0x1;
	_ =	strace $0x80000049;
	[dreg:$0x1] =	wrdreg $0xFFFFFFFF  }
0xa7: {  	s28 =	simm.s32 $_size_execute0_lowered;
	s3 =	sadd.s32 s3, s5;
	[dreg:$0x0] =	wrdreg $0x0  }
0xa8: {  	s5 =	sshll.u32 s28, $0x1;
	[dreg:$0x2] =	wrdreg s3  }
0xa9: {  	[dreg:$0x3] =	wrdreg s5  }
0xaa: {  	[dreg:$0x4] =	wrdreg $0xC0  }
0xab: {  	_ =	task [dreg:s7], $0x5FFFF  }
0xac: {  	[dreg:$0x1] =	wrdreg $0xFFFFFFFF  }
0xad: {  	[dreg:$0x0] =	wrdreg $0x60  }
0xae: {  	[dreg:$0x2] =	wrdreg s24  }
0xaf: {  	[dreg:$0x3] =	wrdreg s2  }
0xb0: {  	[dreg:$0x4] =	wrdreg $0xA1000  }
0xb1: {  	[dreg:$0x5] =	wrdreg $0x9  }
0xb2: {  	_ =	task.clear_ibuf [dreg:s7], $0x6FFFF;
	_ =	strace $0x90000049  }
0xb3: {  	s29 =	simm.s32 $0x9;
	_ =	strace $0x8000004B  }
0xb4: {  	_ =	swait.ge [sflag:s29], $0x1  }
0xb5: {  	[sflag:s29] =	ssyncadd.s32 $0xFFFFFFFF  }
0xb6: {  	_ =	strace $0x9000004B  }
0xb7: {  	_ =	sfence  }
0xb8: {  	s30 =	sld [smem:$0x0];
	_ =	sdelay $0x2  }
0xb9: {  	s31 =	sshll.u32 s1, $0xD;
	s1 =	sshrl.u32 s1, $0x2  }
0xba: {  	s3 =	sand.u32 $0x4000, s31;
	s1 =	sadd.s32 s1, s30  }
0xbb: {  	s0 =	sor.u32 s3, s0;
	s1 =	sshll.u32 s1, $0x11  }
0xbc: {  	s0 =	sor.u32 s1, s0  }
0xbd: {  	s0 =	sadd.s32 $0x8F2B, s0  }
0xbe: {  	[sflag:s0] =	ssyncadd.remote.s32 $0x1  }
0xbf: {  	_ =	sfence.sel $0xFFFF  }
0xc0: {  	[dreg:$0x0] =	wrdreg $0xFFFFFFFF;
	(pc) =	sbr.abs _section_cstart, $3  }
0xc1: {  	[dreg:$0x1] =	wrdreg $0xFFFFFFFF  }
0xc2: {  	_ =	task.clear_ibuf [dreg:s7], $0x2FFFF;
	_ =	strace $0x9FFFFFFF  }
0xc3: {  	(tm) =	ssettm $0x7FFFFFFF  }
tec
execute0_lowered:
.L_overlay_start_1:
0x0: {  	(tag) =	ssettag $0x1  }
0x1: {  	s0 =	srdreg.scid;
	s1 =	rddreg [dreg:$0x0]  }
0x2: {  	s11 =	stileid.u32;
	s3 =	rddreg [dreg:$0x2]  }
0x3: {  	s4 =	simm.s32 $0x0;
	s28 =	simm.s32 $0x2880;
	s8 =	smul.u32 $0x6400, s11  }
0x4: {  	s30 =	simm.s32 $0x1;
	s31 =	simm.s32 $0x7;
	s18 =	smul.u32 $0xA000, s11  }
0x5: {  	s29 =	simm.s32 $0x8;
	s0 =	sand.u32 $0x1, s0;
	s21 =	smul.u32 $0x9C4, s11  }
0x6: {  	s2 =	sshll.u32 s11, $0x1;
	[smem:$0x7FF] =	sst s4;
	s24 =	smul.u32 $0x19000, s11  }
0x7: {  	s5 =	sadd.s32 $0x18800, s1;
	s10 =	sadd.s32 $0x4C00, s1;
	s7 =	smul.u32 $0x138800, s0  }
0x8: {  	s2 =	sor.u32 s0, s2;
	s13 =	ssub.s32 $0x2, s0;
	s0 =	smul.u32 $0x4E2, s0  }
0x9: {  	s16 =	ssub.s32 $0x8C, s11;
	s22 =	ssub.s32 $0x41, s11;
	s6 =	smul.u32 $0x4E2, s2  }
0xa: {  	_ =	strace $0x8000004A;
	s2 =	smul.u32 $0x2710, s2;
	s14 =	sshrl.u32 s13, $0x1  }
0xb: {  	s23 =	sadd.s32 s21, s10;
	s26 =	sshrl.u32 s24, $0x2;
	s21 =	simm.s32 $0x50  }
0xc: {  	s24 =	simm.s32 $0x5100;
	s7 =	sadd.s32 s8, s7;
	s0 =	sadd.s32 s0, s23  }
0xd: {  	s23 =	simm.s32 $0x2800;
	s8 =	simm.s32 $0x6;
	s9 =	sadd.s32 s6, s1  }
0xe: {  	s7 =	sshrl.u32 s7, $0x3;
	s2 =	sshrl.u32 s2, $0x3;
	s6 =	sadd.s32 s10, s6  }
0xf: {  	s1 =	sadd.s32 s7, s1;
	s7 =	ssub.s32 s13, s14;
	s15 =	sadd.s32 $0xEA00, s9  }
0x10: {  	[dreg:$0x5] =	wrdreg s6;
	s2 =	sadd.s32 s10, s2;
	s9 =	sshrl.u32 s16, $0x4  }
0x11: {  	s13 =	sshrl.u32 s22, $0x4;
	s6 =	sshrl.u32 s18, $0x2;
	s16 =	sadd.s32 $0x32, s0  }
0x12: {  	s0 =	sadd.s32 s26, s3;
	s22 =	simm.s32 $0x2900;
	[dreg:$0x4] =	wrdreg s15  }
0x13: {  	s26 =	simm.s32 $0xA;
	s17 =	sadd.s32 $0xA, s2;
	[dreg:$0xc] =	wrdreg s0  }
0x14: {  	s10 =	simm.s32 $0x0;
	s19 =	sadd.s32 $0x14, s2;
	[dreg:$0x6] =	wrdreg s17  }
0x15: {  	s20 =	sadd.s32 $0x4CE, s2;
	s2 =	sadd.s32 $0x4D8, s2;
	[dreg:$0x7] =	wrdreg s19  }
0x16: {  	s7 =	smax.u32 s7, $0x1;
	s25 =	sadd.s32 s6, s3;
	[dreg:$0x8] =	wrdreg s20  }
0x17: {  	s15 =	sadd.s32 $0x3FA00, s1;
	s1 =	simm.s32 $0x4;
	[dreg:$0x9] =	wrdreg s2  }
0x18: {  	s0 =	simm.s32 $0x5;
	s6 =	simm.s32 $0x3;
	[dreg:$0xa] =	wrdreg s7  }
0x19: {  	[dreg:$0xb] =	wrdreg s25;
	s19 =	simm.s32 $0xB;
	s20 =	simm.s32 $0x2780  }
0x1a: {  	s25 =	simm.s32 $0x7900;
	s2 =	simm.s32 $0x2;
	s7 =	simm.s32 $0x9  }
.LBB2_1:
0x1b: {  	s11 =	rddreg [dreg:$0x4]  }
0x1c: {  	[tilespmem:s4], [sflag:$0xB] =	stream.linear.gather [hbm4b:s11+s4], $0x2710, $0x38;
	[tilespmem:$0x1D980] =	vst v63  }
0x1d: {  	_ =	swait.ge [sflag:s19], $0x2710  }
0x1e: {  	[sflag:s19] =	ssyncset.done $0x0  }
0x1f: {  	s14 =	rddreg [dreg:$0x5];
	[sflag:s19] =	ssyncadd.s32 $0xFFFFD8F0  }
0x20: {  	[tilespmem:s20], [sflag:$0x7] =	stream.linear.gather [hbm4b:s14+s4], $0x50, $0x38;
	[tilespmem:$0x1D980] =	vst v63  }
0x21: {  	_ = 	snop  }
0x22: {  	[tilespmem:s22], [sflag:$0x1] =	stream.indirect.gather [hbm4b:s5+s21], $0x80, s4, s21, $0xb8;
	[tilespmem:$0x1D980] =	vst v63  }
0x23: {  	s17 =	rddreg [dreg:$0x6]  }
0x24: {  	[tilespmem:s23], [sflag:$0x8] =	stream.linear.gather [hbm4b:s17+s4], $0x50, $0x38;
	[tilespmem:$0x1D980] =	vst v63  }
0x25: {  	_ = 	snop  }
0x26: {  	[tilespmem:s24], [sflag:$0x2] =	stream.indirect.gather [hbm4b:s5+s21], $0x80, s21, s21, $0xb8;
	[tilespmem:$0x1D980] =	vst v63  }
0x27: {  	p0 =	sne.s32 s9, $0x1;
	s18 =	rddreg [dreg:$0x1]  }
0x28: {  	[tilespmem:s25], [sflag:$0xB] =	stream.linear.gather [hbm4b:s18+s4], $0x2800, $0x38;
	[tilespmem:$0x1D980] =	vst v63  }
.Ltmp0:
0x29: {  	_ = 	snop;
	(pc) =	sbr.rel @!p0 .LBB2_3-.Ltmp0, $4  }
0x2a: {  	_ =	swait.ge [sflag:s19], $0x2800  }
0x2b: {  	[sflag:s19] =	ssyncset.done $0x0  }
0x2c: {  	s11 =	sadd.s32 $0xFFFFFFFF, s9;
	s12 =	rddreg [dreg:$0xb];
	[sflag:s19] =	ssyncadd.s32 $0xFFFFD800  }
0x2d: {  	[spmem:s12] =	stream.linear.scatter [tilespmem:s25], [sflag:$0xA], $0x2800, $0x38;
	[tilespmem:$0x1D980] =	vst v63  }
.LBB2_2:
0x2e: {  	p1 =	sne.s32 s11, $0x1  }
.Ltmp1:
0x2f: {  	_ = 	snop;
	(pc) =	sbr.rel @p1 .LBB2_2-.Ltmp1, $3  }
0x30: {  	_ = 	snop  }
0x31: {  	s11 =	sadd.s32 $0xFFFFFFFF, s11;
	s12 =	sadd.s32 $0x28000, s12;
	_ =	sdelay $0x1  }
0x32: {  	[spmem:s12] =	stream.linear.scatter [tilespmem:s25], [sflag:$0xA], $0x2800, $0x38;
	[tilespmem:$0x1D980] =	vst v63  }
.LBB2_3:
.Ltmp2:
0x33: {  	(pc) =	sbr.rel @!p0 .LBB2_5-.Ltmp2, $3  }
0x34: {  	_ =	sdelay $0x1  }
0x35: {  	_ =	swait.ge [sflag:s26], $0x2800  }
0x36: {  	s11 =	sadd.s32 $0xFFFFFFFF, s9;
	[sflag:s26] =	ssyncset.done $0x0  }
.LBB2_4:
0x37: {  	p0 =	sne.s32 s11, $0x1;
	s11 =	sadd.s32 $0xFFFFFFFF, s11;
	[sflag:s26] =	ssyncadd.s32 $0xFFFFD800  }
.Ltmp3:
0x38: {  	(pc) =	sbr.rel @p0 .LBB2_4-.Ltmp3, $3  }
0x39: {  	_ =	sdelay $0x1  }
0x3a: {  	_ =	swait.ge [sflag:s26], $0x2800  }
0x3b: {  	[sflag:s26] =	ssyncset.done $0x0  }
.LBB2_5:
0x3c: {  	[sflag:s26] =	ssyncadd.s32 $0xFFFFD800  }
0x3d: {  	[bflag:$0x0] =	sbarrier.arrive $0xFFFF  }
0x3e: {  	s11 =	simm.s32 $0x0;
	s12 =	rddreg [dreg:$0x7]  }
0x3f: {  	[tilespmem:s28], [sflag:$0x9] =	stream.linear.gather [hbm4b:s12+s11], $0x50, $0x38;
	[tilespmem:$0x1D980] =	vst v63  }
0x40: {  	s18 =	simm.s32 $0xA0  }
0x41: {  	[tilespmem:s25], [sflag:$0x3] =	stream.indirect.gather [hbm4b:s5+s21], $0x80, s18, s21, $0xb8;
	[tilespmem:$0x1D980] =	vst v63  }
0x42: {  	_ =	swait.ge [sflag:s30], $0x2800  }
0x43: {  	[sflag:s30] =	ssyncset.done $0x0  }
0x44: {  	[sflag:s30] =	ssyncadd.s32 $0xFFFFD800  }
0x45: {  	_ =	swait.ge [sflag:s31], $0x50  }
0x46: {  	[sflag:s31] =	ssyncset.done $0x0  }
0x47: {  	[sflag:s31] =	ssyncadd.s32 $0xFFFFFFB0  }
0x48: {  	[spmem:s3] =	stream.indirect.scatter.add.f32 [tilespmem:s22], [sflag:$0x4], $0x80, s20, s21, $0xb8;
	[tilespmem:$0x1D980] =	vst v63  }
0x49: {  	_ =	swait.ge [sflag:s1], $0x2800  }
0x4a: {  	[sflag:s1] =	ssyncset.done $0x0  }
0x4b: {  	s12 =	sadd.s32 $0xFFFFFFEC, s16;
	[sflag:s1] =	ssyncadd.s32 $0xFFFFD800  }
0x4c: {  	[tilespmem:s20], [sflag:$0x7] =	stream.linear.gather [hbm4b:s12+s4], $0x50, $0x38;
	[tilespmem:$0x1D980] =	vst v63  }
0x4d: {  	s14 =	simm.s32 $0xF0  }
0x4e: {  	[tilespmem:s22], [sflag:$0x1] =	stream.indirect.gather [hbm4b:s5+s21], $0x80, s14, s21, $0xb8;
	[tilespmem:$0x1D980] =	vst v63  }
0x4f: {  	_ =	swait.ge [sflag:s2], $0x2800  }
0x50: {  	[sflag:s2] =	ssyncset.done $0x0  }
0x51: {  	[sflag:s2] =	ssyncadd.s32 $0xFFFFD800  }
0x52: {  	_ =	swait.ge [sflag:s29], $0x50  }
0x53: {  	[sflag:s29] =	ssyncset.done $0x0  }
0x54: {  	[sflag:s29] =	ssyncadd.s32 $0xFFFFFFB0  }
0x55: {  	[spmem:s3] =	stream.indirect.scatter.add.f32 [tilespmem:s24], [sflag:$0x5], $0x80, s23, s21, $0xb8;
	[tilespmem:$0x1D980] =	vst v63  }
0x56: {  	_ =	swait.ge [sflag:s0], $0x2800  }
0x57: {  	[sflag:s0] =	ssyncset.done $0x0  }
0x58: {  	s17 =	sadd.s32 $0xFFFFFFF6, s16;
	[sflag:s0] =	ssyncadd.s32 $0xFFFFD800  }
0x59: {  	[tilespmem:s23], [sflag:$0x8] =	stream.linear.gather [hbm4b:s17+s4], $0x50, $0x38;
	[tilespmem:$0x1D980] =	vst v63  }
0x5a: {  	s18 =	simm.s32 $0x140  }
0x5b: {  	[tilespmem:s24], [sflag:$0x2] =	stream.indirect.gather [hbm4b:s5+s21], $0x80, s18, s21, $0xb8;
	[tilespmem:$0x1D980] =	vst v63  }
0x5c: {  	_ =	swait.ge [sflag:s6], $0x2800  }
0x5d: {  	[sflag:s6] =	ssyncset.done $0x0  }
0x5e: {  	[sflag:s6] =	ssyncadd.s32 $0xFFFFD800  }
0x5f: {  	_ =	swait.ge [sflag:s7], $0x50  }
0x60: {  	[sflag:s7] =	ssyncset.done $0x0  }
0x61: {  	[sflag:s7] =	ssyncadd.s32 $0xFFFFFFB0  }
0x62: {  	[spmem:s3] =	stream.indirect.scatter.add.f32 [tilespmem:s25], [sflag:$0x6], $0x80, s28, s21, $0xb8;
	[tilespmem:$0x1D980] =	vst v63  }
0x63: {  	_ =	swait.ge [sflag:s8], $0x2800  }
0x64: {  	s11 =	simm.s32 $0x3C0;
	[sflag:s8] =	ssyncset.done $0x0  }
0x65: {  	s12 =	sadd.s32 $0x1E, s16;
	s14 =	simm.s32 $0x190;
	[sflag:s8] =	ssyncadd.s32 $0xFFFFD800  }
0x66: {  	[tilespmem:s28], [sflag:$0x9] =	stream.linear.gather [hbm4b:s16+s4], $0x50, $0x38;
	[tilespmem:$0x1D980] =	vst v63  }
.LBB2_6:
0x67: {  	[tilespmem:s25], [sflag:$0x3] =	stream.indirect.gather [hbm4b:s5+s21], $0x80, s14, s21, $0xb8;
	[tilespmem:$0x1D980] =	vst v63  }
0x68: {  	s14 =	smov.u32 s11  }
0x69: {  	p0 =	sne.s32 s11, $0x9240;
	s11 =	sadd.s32 $0x3C0, s11;
	_ =	swait.ge [sflag:s30], $0x2800  }
0x6a: {  	[sflag:s30] =	ssyncset.done $0x0  }
0x6b: {  	[sflag:s30] =	ssyncadd.s32 $0xFFFFD800  }
0x6c: {  	_ =	swait.ge [sflag:s31], $0x50  }
0x6d: {  	[sflag:s31] =	ssyncset.done $0x0  }
0x6e: {  	[sflag:s31] =	ssyncadd.s32 $0xFFFFFFB0  }
0x6f: {  	[spmem:s3] =	stream.indirect.scatter.add.f32 [tilespmem:s22], [sflag:$0x4], $0x80, s20, s21, $0xb8;
	[tilespmem:$0x1D980] =	vst v63  }
0x70: {  	_ =	swait.ge [sflag:s1], $0x2800  }
0x71: {  	[sflag:s1] =	ssyncset.done $0x0  }
0x72: {  	s17 =	sadd.s32 $0xFFFFFFEC, s12;
	s14 =	sshra.s32 s14, $0x2;
	[sflag:s1] =	ssyncadd.s32 $0xFFFFD800  }
0x73: {  	[tilespmem:s20], [sflag:$0x7] =	stream.linear.gather [hbm4b:s17+s4], $0x50, $0x38;
	[tilespmem:$0x1D980] =	vst v63  }
0x74: {  	s17 =	sadd.s32 $0xF0, s14  }
0x75: {  	[tilespmem:s22], [sflag:$0x1] =	stream.indirect.gather [hbm4b:s5+s21], $0x80, s17, s21, $0xb8;
	[tilespmem:$0x1D980] =	vst v63  }
0x76: {  	_ =	swait.ge [sflag:s2], $0x2800  }
0x77: {  	[sflag:s2] =	ssyncset.done $0x0  }
0x78: {  	[sflag:s2] =	ssyncadd.s32 $0xFFFFD800  }
0x79: {  	_ =	swait.ge [sflag:s29], $0x50  }
0x7a: {  	[sflag:s29] =	ssyncset.done $0x0  }
0x7b: {  	[sflag:s29] =	ssyncadd.s32 $0xFFFFFFB0  }
0x7c: {  	[spmem:s3] =	stream.indirect.scatter.add.f32 [tilespmem:s24], [sflag:$0x5], $0x80, s23, s21, $0xb8;
	[tilespmem:$0x1D980] =	vst v63  }
0x7d: {  	_ =	swait.ge [sflag:s0], $0x2800  }
0x7e: {  	[sflag:s0] =	ssyncset.done $0x0  }
0x7f: {  	s17 =	sadd.s32 $0xFFFFFFF6, s12;
	[sflag:s0] =	ssyncadd.s32 $0xFFFFD800  }
0x80: {  	[tilespmem:s23], [sflag:$0x8] =	stream.linear.gather [hbm4b:s17+s4], $0x50, $0x38;
	[tilespmem:$0x1D980] =	vst v63  }
0x81: {  	s17 =	sadd.s32 $0x140, s14  }
0x82: {  	[tilespmem:s24], [sflag:$0x2] =	stream.indirect.gather [hbm4b:s5+s21], $0x80, s17, s21, $0xb8;
	[tilespmem:$0x1D980] =	vst v63  }
0x83: {  	_ =	swait.ge [sflag:s6], $0x2800  }
0x84: {  	[sflag:s6] =	ssyncset.done $0x0  }
0x85: {  	[sflag:s6] =	ssyncadd.s32 $0xFFFFD800  }
0x86: {  	_ =	swait.ge [sflag:s7], $0x50  }
0x87: {  	[sflag:s7] =	ssyncset.done $0x0  }
0x88: {  	[sflag:s7] =	ssyncadd.s32 $0xFFFFFFB0  }
0x89: {  	[spmem:s3] =	stream.indirect.scatter.add.f32 [tilespmem:s25], [sflag:$0x6], $0x80, s28, s21, $0xb8;
	[tilespmem:$0x1D980] =	vst v63  }
.Ltmp4:
0x8a: {  	_ =	swait.ge [sflag:s8], $0x2800;
	(pc) =	sbr.rel @p0 .LBB2_6-.Ltmp4, $4  }
0x8b: {  	[sflag:s8] =	ssyncset.done $0x0  }
0x8c: {  	[sflag:s8] =	ssyncadd.s32 $0xFFFFD800  }
0x8d: {  	[tilespmem:s28], [sflag:$0x9] =	stream.linear.gather [hbm4b:s12+s4], $0x50, $0x38;
	[tilespmem:$0x1D980] =	vst v63  }
0x8e: {  	s14 =	sadd.s32 $0x190, s14;
	s12 =	sadd.s32 $0x1E, s12  }
0x8f: {  	[tilespmem:s25], [sflag:$0x3] =	stream.indirect.gather [hbm4b:s5+s21], $0x80, s14, s21, $0xb8;
	[tilespmem:$0x1D980] =	vst v63  }
0x90: {  	_ =	swait.ge [sflag:s30], $0x2800  }
0x91: {  	[sflag:s30] =	ssyncset.done $0x0  }
0x92: {  	[sflag:s30] =	ssyncadd.s32 $0xFFFFD800  }
0x93: {  	_ =	swait.ge [sflag:s31], $0x50  }
0x94: {  	[sflag:s31] =	ssyncset.done $0x0  }
0x95: {  	[sflag:s31] =	ssyncadd.s32 $0xFFFFFFB0  }
0x96: {  	[spmem:s3] =	stream.indirect.scatter.add.f32 [tilespmem:s22], [sflag:$0x4], $0x80, s20, s21, $0xb8;
	[tilespmem:$0x1D980] =	vst v63  }
0x97: {  	_ =	swait.ge [sflag:s1], $0x2800  }
0x98: {  	[sflag:s1] =	ssyncset.done $0x0  }
0x99: {  	s11 =	rddreg [dreg:$0x8];
	[sflag:s1] =	ssyncadd.s32 $0xFFFFD800  }
0x9a: {  	[tilespmem:s20], [sflag:$0x7] =	stream.linear.gather [hbm4b:s11+s4], $0x50, $0x38;
	[tilespmem:$0x1D980] =	vst v63  }
0x9b: {  	s18 =	simm.s32 $0x2670  }
0x9c: {  	[tilespmem:s22], [sflag:$0x1] =	stream.indirect.gather [hbm4b:s5+s21], $0x80, s18, s21, $0xb8;
	[tilespmem:$0x1D980] =	vst v63  }
0x9d: {  	_ =	swait.ge [sflag:s2], $0x2800  }
0x9e: {  	[sflag:s2] =	ssyncset.done $0x0  }
0x9f: {  	[sflag:s2] =	ssyncadd.s32 $0xFFFFD800  }
0xa0: {  	_ =	swait.ge [sflag:s29], $0x50  }
0xa1: {  	[sflag:s29] =	ssyncset.done $0x0  }
0xa2: {  	[sflag:s29] =	ssyncadd.s32 $0xFFFFFFB0  }
0xa3: {  	[spmem:s3] =	stream.indirect.scatter.add.f32 [tilespmem:s24], [sflag:$0x5], $0x80, s23, s21, $0xb8;
	[tilespmem:$0x1D980] =	vst v63  }
0xa4: {  	_ =	swait.ge [sflag:s0], $0x2800  }
0xa5: {  	[sflag:s0] =	ssyncset.done $0x0  }
0xa6: {  	s12 =	rddreg [dreg:$0x9];
	[sflag:s0] =	ssyncadd.s32 $0xFFFFD800  }
0xa7: {  	[tilespmem:s23], [sflag:$0x8] =	stream.linear.gather [hbm4b:s12+s4], $0x50, $0x38;
	[tilespmem:$0x1D980] =	vst v63  }
0xa8: {  	s14 =	simm.s32 $0x26C0  }
0xa9: {  	[tilespmem:s24], [sflag:$0x2] =	stream.indirect.gather [hbm4b:s5+s21], $0x80, s14, s21, $0xb8;
	[tilespmem:$0x1D980] =	vst v63  }
0xaa: {  	_ =	swait.ge [sflag:s6], $0x2800  }
0xab: {  	[sflag:s6] =	ssyncset.done $0x0  }
0xac: {  	[sflag:s6] =	ssyncadd.s32 $0xFFFFD800  }
0xad: {  	_ =	swait.ge [sflag:s7], $0x50  }
0xae: {  	[sflag:s7] =	ssyncset.done $0x0  }
0xaf: {  	[sflag:s7] =	ssyncadd.s32 $0xFFFFFFB0  }
0xb0: {  	[spmem:s3] =	stream.indirect.scatter.add.f32 [tilespmem:s25], [sflag:$0x6], $0x80, s28, s21, $0xb8;
	[tilespmem:$0x1D980] =	vst v63  }
0xb1: {  	_ =	swait.ge [sflag:s8], $0x2800  }
0xb2: {  	[sflag:s8] =	ssyncset.done $0x0  }
0xb3: {  	[sflag:s8] =	ssyncadd.s32 $0xFFFFD800  }
0xb4: {  	_ =	swait.ge [sflag:s30], $0x2800  }
0xb5: {  	[sflag:s30] =	ssyncset.done $0x0  }
0xb6: {  	[sflag:s30] =	ssyncadd.s32 $0xFFFFD800  }
0xb7: {  	_ =	swait.ge [sflag:s31], $0x50  }
0xb8: {  	[sflag:s31] =	ssyncset.done $0x0  }
0xb9: {  	[sflag:s31] =	ssyncadd.s32 $0xFFFFFFB0  }
0xba: {  	[spmem:s3] =	stream.indirect.scatter.add.f32 [tilespmem:s22], [sflag:$0x4], $0x80, s20, s21, $0xb8;
	[tilespmem:$0x1D980] =	vst v63  }
0xbb: {  	_ =	swait.ge [sflag:s1], $0x2800  }
0xbc: {  	[sflag:s1] =	ssyncset.done $0x0  }
0xbd: {  	[sflag:s1] =	ssyncadd.s32 $0xFFFFD800  }
0xbe: {  	_ =	swait.ge [sflag:s2], $0x2800  }
0xbf: {  	[sflag:s2] =	ssyncset.done $0x0  }
0xc0: {  	[sflag:s2] =	ssyncadd.s32 $0xFFFFD800  }
0xc1: {  	_ =	swait.ge [sflag:s29], $0x50  }
0xc2: {  	[sflag:s29] =	ssyncset.done $0x0  }
0xc3: {  	[sflag:s29] =	ssyncadd.s32 $0xFFFFFFB0  }
0xc4: {  	[spmem:s3] =	stream.indirect.scatter.add.f32 [tilespmem:s24], [sflag:$0x5], $0x80, s23, s21, $0xb8;
	[tilespmem:$0x1D980] =	vst v63  }
0xc5: {  	_ =	swait.ge [sflag:s0], $0x2800  }
0xc6: {  	[sflag:s0] =	ssyncset.done $0x0  }
0xc7: {  	p0 =	sne.s32 s13, $0x1;
	[sflag:s0] =	ssyncadd.s32 $0xFFFFD800  }
.Ltmp5:
0xc8: {  	s17 =	stileid.u32;
	[bflag:$0x0] =	sbarrier.arrive $0xFFFF;
	(pc) =	sbr.rel @!p0 .LBB2_9-.Ltmp5, $4  }
0xc9: {  	s11 =	sshll.u32 s17, $0x6;
	s18 =	rddreg [dreg:$0xc]  }
0xca: {  	s11 =	sor.u32 $0x1C0A, s11;
	s12 =	sshrl.u32 s18, $0x3  }
0xcb: {  	[hbm:s15], [sflag:s11] =	dma.local [spmem:s12], $0xC80  }
0xcc: {  	s17 =	smov.u32 s15;
	s14 =	sadd.s32 $0x64000, s18;
	s12 =	sadd.s32 $0xFFFFFFFF, s13  }
.LBB2_8:
0xcd: {  	p1 =	sne.s32 s12, $0x1;
	s12 =	sadd.s32 $0xFFFFFFFF, s12  }
.Ltmp6:
0xce: {  	s18 =	sshrl.u32 s14, $0x3;
	s17 =	sadd.s32 $0xC800, s17;
	(pc) =	sbr.rel @p1 .LBB2_8-.Ltmp6, $3  }
0xcf: {  	[hbm:s17], [sflag:s11] =	dma.local [spmem:s18], $0xC80  }
0xd0: {  	_ =	sdelay $0x1  }
0xd1: {  	s14 =	sadd.s32 $0x64000, s14  }
.LBB2_9:
.Ltmp7:
0xd2: {  	(pc) =	sbr.rel @!p0 .LBB2_11-.Ltmp7, $3  }
0xd3: {  	_ =	sdelay $0x1  }
0xd4: {  	_ =	swait.ge [sflag:s26], $0xC80  }
0xd5: {  	s11 =	sadd.s32 $0xFFFFFFFF, s13;
	[sflag:s26] =	ssyncset.done $0x0  }
.LBB2_10:
0xd6: {  	p0 =	sne.s32 s11, $0x1;
	s11 =	sadd.s32 $0xFFFFFFFF, s11;
	[sflag:s26] =	ssyncadd.s32 $0xFFFFF380  }
.Ltmp8:
0xd7: {  	(pc) =	sbr.rel @p0 .LBB2_10-.Ltmp8, $3  }
0xd8: {  	_ =	sdelay $0x1  }
0xd9: {  	_ =	swait.ge [sflag:s26], $0xC80  }
0xda: {  	[sflag:s26] =	ssyncset.done $0x0  }
.LBB2_11:
0xdb: {  	s10 =	sadd.s32 $0x1, s10;
	s11 =	rddreg [dreg:$0xa]  }
0xdc: {  	p0 =	sne.s32 s10, s11  }
.Ltmp9:
0xdd: {  	_ = 	snop;
	(pc) =	sbr.rel @p0 .LBB2_1-.Ltmp9, $2  }
0xde: {  	_ =	sdelay $0x2  }
0xdf: {  	[sflag:s26] =	ssyncadd.s32 $0xFFFFF380  }
0xe0: {  	_ =	sfence.sel $0x180000  }
0xe1: {  	[bflag:$0x0] =	sbarrier.arrive $0xFFFF  }
0xe2: {  	_ =	strace $0x9000004A  }
0xe3: {  	s0 =	stileid.u32;
	[bflag:$0x2] =	sbarrier.arrive $0xFFFF  }
0xe4: {  	p0 =	sne.s32 s0, $0x0;
	s0 =	rddreg [dreg:$0x3]  }
0xe5: {  	s0 =	sadd.s32 @!p0 $0x100000, s0  }
0xe6: {  	[sflag:s0] =	ssyncadd.tile.s32 @!p0 $0x1;
	_ =	shalt  }
.Lfunc_end2:
_tile_overlayer_lowered:
.L_overlay_start_2:
0xe7: {  	(tag) =	ssettag $0x2  }
0xe8: {  	s0 =	rddreg [dreg:$0x0];
	s2 =	stileid.u32  }
0xe9: {  	s1 =	rddreg [dreg:$0x1];
	p0 =	sne.s32 s2, $0x0  }
0xea: {  	s3 =	rddreg [dreg:$0x2];
	[bflag:$0x3] =	sbarrier.arrive $0xFFFF;
	s2 =	simm.s32 @!p0 $0x1C0B  }
0xeb: {  	[timem:s3], [sflag:s2] =	dma.local @!p0 [hbm:s0], s1  }
0xec: {  	s0 =	simm.s32 @!p0 $0xB  }
0xed: {  	_ =	swait.ge @!p0 [sflag:s0], s1  }
0xee: {  	s1 =	ssub.s32 @!p0 $0x0, s1;
	[sflag:s0] =	ssyncset.done @!p0 $0x0  }
0xef: {  	[sflag:s0] =	ssyncadd.s32 @!p0 s1  }
0xf0: {  	[bflag:$0x3] =	sbarrier.arrive $0xFFFF  }
0xf1: {  	_ =	shalt  }

// kernel: kernel.20.cloned.1.call-start
scs
__scs_entry_jumppad:
0x0: {  	(pc) =	sbr.rel $0x88, $3  }
0x1: {  	(tag) =	ssettag $0x0;
	lr =	simm.s32 $0x1  }
0x2: {  	[smem:$0x3F97] =	sst lr;
	_ =	strace $0xD0000000  }
0x3: {  	_ = 	snop  }
0x4: {  	_ = 	snop  }
0x5: {  	_ = 	snop  }
0x6: {  	_ = 	snop  }
0x7: {  	_ = 	snop  }
__scs_overlays_trampoline_lowered:
0x8: {  	[smem:$0x3FA6] =	sst s0  }
0x9: {  	[smem:$0x3FA7] =	sst s1  }
0xa: {  	[smem:$0x3FA8] =	sst s2  }
0xb: {  	[smem:$0x3FA9] =	sst s3  }
0xc: {  	[smem:$0x3FAA] =	sst s4  }
0xd: {  	[smem:$0x3FAB] =	sst s5  }
0xe: {  	[smem:$0x3FAC] =	sst s6  }
0xf: {  	[smem:$0x3FAD] =	sst s7  }
0x10: {  	[smem:$0x3FAE] =	sst s8  }
0x11: {  	[smem:$0x3FAF] =	sst s9;
	s0 =	simm.s32 @!p0 $0x0  }
0x12: {  	s1 =	sld [smem:$0x3F95];
	s0 =	simm.s32 @p0 $0x1  }
0x13: {  	[smem:$0x3FB0] =	sst s0;
	s0 =	simm.s32 @!p1 $0x0  }
0x14: {  	s2 =	sld [smem:$0x3F94];
	s0 =	simm.s32 @p1 $0x1  }
0x15: {  	[smem:$0x3FB1] =	sst s0;
	s0 =	simm.s32 @!p2 $0x0  }
0x16: {  	s3 =	sld [smem:$0x3FDB];
	s0 =	simm.s32 @p2 $0x1  }
0x17: {  	s4 =	simm.s32 $0x1BF5;
	[smem:$0x3FB3] =	sst s0  }
0x18: {  	s0 =	sld [smem:$0x3F96];
	_ =	swait.ge [sflag:s4], $0x0  }
0x19: {  	s7 =	sld [smem:$0x3F97]  }
0x1a: {  	s8 =	sadd.s32 $0xFFFFE003, lr  }
0x1b: {  	s9 =	sadd.s32 $0xFFFFFEF7, lr;
	s5 =	simm.s32 $0xFFFFFFFF;
	p2 =	slt.u32 s8, $0xFFFFF086  }
0x1c: {  	p1 =	slt.u32 s9, $0xF7A;
	s5 =	simm.s32 @!p2 $0x0  }
0x1d: {  	s5 =	simm.s32 @p1 $0x1;
	p0 =	seq.s32 s7, s2  }
0x1e: {  	s7 =	smul.u32 @!p0 $0xF7A, s2;
	p2 =	seq.s32 @!p0 s5, $0x0  }
0x1f: {  	s9 =	smul.u32 $0xF7A, s1;
	s8 =	simm.s32 @!p0 $0x1BF5;
	p2 =	por !p2, p0  }
0x20: {  	[sflag:s8] =	ssyncset.s32 @!p0 $0xFFFFF086;
	s6 =	sadd.s32 @!p0 s3, s7;
	s7 =	simm.s32 @!p0 $0x108  }
0x21: {  	s3 =	sadd.s32 s3, s9;
	s6 =	sadd.s32 @!p0 $0x88, s6;
	s7 =	simm.s32 @p2 $0x1082  }
0x22: {  	[simem:s7], [sflag:s8] =	dma.local @!p0 [hbm:s6], $0xF7A  }
0x23: {  	s9 =	sor.u32 $0xD0000000, s2;
	s6 =	simm.s32 $0x108;
	_ =	swait.ge @!p0 [sflag:s8], $0x0  }
0x24: {  	s3 =	sadd.s32 $0x88, s3;
	s6 =	simm.s32 @!p1 $0x1082;
	[sflag:s4] =	ssyncset.s32 $0xFFFFF086  }
0x25: {  	[simem:s6], [sflag:s4] =	dma.local [hbm:s3], $0xF7A  }
0x26: {  	[smem:$0x3F97] =	sst s1;
	(tag) =	ssettag s2;
	_ =	strace s9  }
0x27: {  	s1 =	sld [smem:$0x3FA7]  }
0x28: {  	s2 =	sld [smem:$0x3FA8]  }
0x29: {  	s4 =	sld [smem:$0x3FAA]  }
0x2a: {  	p0 =	seq.s32 s5, $0x0;
	s5 =	sld [smem:$0x3FAB]  }
0x2b: {  	s6 =	sld [smem:$0x3FAC]  }
0x2c: {  	s7 =	sld [smem:$0x3FAD]  }
0x2d: {  	s3 =	simm.s32 $0x108;
	s8 =	sld [smem:$0x3FAE]  }
0x2e: {  	s3 =	simm.s32 @!p0 $0x1082;
	s9 =	sld [smem:$0x3FAF]  }
0x2f: {  	lr =	sadd.s32 s0, s3;
	s0 =	sld [smem:$0x3FA6]  }
0x30: {  	s3 =	sld [smem:$0x3FA9]  }
0x31: {  	[smem:$0x3FB2] =	sst s10  }
0x32: {  	s10 =	sld [smem:$0x3FB0];
	_ =	sdelay $0x3  }
0x33: {  	p0 =	seq.s32 s10, $0x1;
	s10 =	sld [smem:$0x3FB2];
	_ =	sdelay $0x3  }
0x34: {  	[smem:$0x3FB2] =	sst s10  }
0x35: {  	s10 =	sld [smem:$0x3FB1];
	_ =	sdelay $0x3  }
0x36: {  	p1 =	seq.s32 s10, $0x1;
	s10 =	sld [smem:$0x3FB2];
	_ =	sdelay $0x3  }
0x37: {  	[smem:$0x3FB2] =	sst s10  }
0x38: {  	s10 =	sld [smem:$0x3FB3]  }
0x39: {  	_ = 	snop;
	(pc) =	sbr.ind lr, $3  }
0x3a: {  	_ = 	snop  }
0x3b: {  	_ = 	snop  }
0x3c: {  	p2 =	seq.s32 s10, $0x1;
	s10 =	sld [smem:$0x3FB2]  }
0x3d: {  	_ =	shalt  }
0x3e: {  	_ =	shalt  }
0x3f: {  	_ =	shalt  }
0x40: {  	_ =	shalt  }
0x41: {  	_ =	shalt  }
0x42: {  	_ =	shalt  }
0x43: {  	_ =	shalt  }
0x44: {  	_ =	shalt  }
0x45: {  	_ =	shalt  }
0x46: {  	_ =	shalt  }
0x47: {  	_ =	shalt  }
0x48: {  	_ =	shalt  }
0x49: {  	_ =	shalt  }
0x4a: {  	_ =	shalt  }
0x4b: {  	_ =	shalt  }
0x4c: {  	_ =	shalt  }
0x4d: {  	_ =	shalt  }
0x4e: {  	_ =	shalt  }
0x4f: {  	_ =	shalt  }
0x50: {  	_ =	shalt  }
0x51: {  	_ =	shalt  }
0x52: {  	_ =	shalt  }
0x53: {  	_ =	shalt  }
0x54: {  	_ =	shalt  }
0x55: {  	_ =	shalt  }
0x56: {  	_ =	shalt  }
0x57: {  	_ =	shalt  }
0x58: {  	_ =	shalt  }
0x59: {  	_ =	shalt  }
0x5a: {  	_ =	shalt  }
0x5b: {  	_ =	shalt  }
0x5c: {  	_ =	shalt  }
0x5d: {  	_ =	shalt  }
0x5e: {  	_ =	shalt  }
0x5f: {  	_ =	shalt  }
0x60: {  	_ =	shalt  }
0x61: {  	_ =	shalt  }
0x62: {  	_ =	shalt  }
0x63: {  	_ =	shalt  }
0x64: {  	_ =	shalt  }
0x65: {  	_ =	shalt  }
0x66: {  	_ =	shalt  }
0x67: {  	_ =	shalt  }
0x68: {  	_ =	shalt  }
0x69: {  	_ =	shalt  }
0x6a: {  	_ =	shalt  }
0x6b: {  	_ =	shalt  }
0x6c: {  	_ =	shalt  }
0x6d: {  	_ =	shalt  }
0x6e: {  	_ =	shalt  }
0x6f: {  	_ =	shalt  }
0x70: {  	_ =	shalt  }
0x71: {  	_ =	shalt  }
0x72: {  	_ =	shalt  }
0x73: {  	_ =	shalt  }
0x74: {  	_ =	shalt  }
0x75: {  	_ =	shalt  }
0x76: {  	_ =	shalt  }
0x77: {  	_ =	shalt  }
0x78: {  	_ =	shalt  }
0x79: {  	_ =	shalt  }
0x7a: {  	_ =	shalt  }
0x7b: {  	_ =	shalt  }
0x7c: {  	_ =	shalt  }
0x7d: {  	_ =	shalt  }
0x7e: {  	_ =	shalt  }
0x7f: {  	_ =	shalt  }
0x80: {  	_ =	shalt  }
0x81: {  	_ =	shalt  }
0x82: {  	_ =	shalt  }
0x83: {  	_ =	shalt  }
0x84: {  	_ =	shalt  }
0x85: {  	_ =	shalt  }
0x86: {  	_ =	shalt  }
0x87: {  	_ =	shalt  }
.Lfunc_end0:
.L_simem_size_0:
called_computation.2_lowered:
.L_overlay_start_0:
0x88: {  	s2 =	sld [smem:$0x3FD9]  }
0x89: {  	s3 =	sld [smem:$0x3FFE];
	_ =	sdelay $0x1  }
0x8a: {  	s1 =	srdreg.scid  }
0x8b: {  	s0 =	sand.u32 $0x1, s1  }
0x8c: {  	s17 =	sshll.u32 s0, $0xA;
	s2 =	sadd.s32 s3, s2  }
0x8d: {  	s2 =	sadd.s32 s2, s17  }
0x8e: {  	[smem:$0x3FBE] =	sst s2  }
0x8f: {  	_ = 	snop  }
0x90: {  	s2 =	sld [smem:$0x3FD0];
	(tm) =	ssettm $0x1  }
0x91: {  	s18 =	sld [smem:$0x3FFB];
	_ =	sdelay $0x3  }
0x92: {  	_ =	strace s18  }
0x93: {  	s3 =	sld [smem:$0x3FFC];
	_ =	sdelay $0x3  }
0x94: {  	_ =	strace s3  }
0x95: {  	s3 =	sld [smem:$0x3FFD];
	_ =	sdelay $0x3  }
0x96: {  	_ =	strace s3  }
0x97: {  	_ =	strace $0x8FFFFFFF  }
0x98: {  	s19 =	sld [smem:$0x3FDB];
	_ =	sdelay $0x1  }
0x99: {  	s4 =	simm.s32 $_scs_section_size  }
0x9a: {  	s5 =	simm.s32 $_size__tile_overlayer_lowered;
	s6 =	simm.s32 $_tile_overlayer_lowered  }
0x9b: {  	s22 =	simm.s32 $0x1BFF;
	s21 =	sshll.u32 s6, $0x1;
	s3 =	sadd.s32 s4, s19  }
0x9c: {  	s7 =	simm.s32 $0x0;
	s20 =	sshll.u32 s5, $0x1;
	s5 =	sadd.s32 s21, s3  }
0x9d: {  	[timem:s7], [sflag:s22] =	dma.local [hbm:s5], s20  }
0x9e: {  	_ =	swait.ge [sflag:s22], s20  }
0x9f: {  	s4 =	ssub.s32 $0x0, s20;
	[sflag:s22] =	ssyncset.done $0x0  }
0xa0: {  	[sflag:s22] =	ssyncadd.s32 s4;
	_ =	sdelay $0x1  }
0xa1: {  	s23 =	simm.s32 $0x1B8B  }
0xa2: {  	_ =	swait.ge [sflag:s23], $0x1  }
0xa3: {  	[sflag:s23] =	ssyncset.done $0x0  }
0xa4: {  	s25 =	simm.s32 $0x1B8E;
	s24 =	sld [smem:$0x3FFE];
	[sflag:s23] =	ssyncadd.s32 $0xFFFFFFFF  }
0xa5: {  	s26 =	simm.s32 $execute0_lowered;
	[smem:$0x3FD2] =	sst s25  }
0xa6: {  	s5 =	sshll.u32 s26, $0x1;
	_ =	strace $0x8000004C;
	[dreg:$0x1] =	wrdreg $0xFFFFFFFF  }
0xa7: {  	s28 =	simm.s32 $_size_execute0_lowered;
	s3 =	sadd.s32 s3, s5;
	[dreg:$0x0] =	wrdreg $0x0  }
0xa8: {  	s5 =	sshll.u32 s28, $0x1;
	[dreg:$0x2] =	wrdreg s3  }
0xa9: {  	[dreg:$0x3] =	wrdreg s5  }
0xaa: {  	[dreg:$0x4] =	wrdreg $0xC0  }
0xab: {  	_ =	task [dreg:s7], $0x5FFFF  }
0xac: {  	[dreg:$0x1] =	wrdreg $0xFFFFFFFF  }
0xad: {  	[dreg:$0x0] =	wrdreg $0x60  }
0xae: {  	[dreg:$0x2] =	wrdreg s24  }
0xaf: {  	[dreg:$0x3] =	wrdreg s2  }
0xb0: {  	[dreg:$0x4] =	wrdreg $0xA1000  }
0xb1: {  	[dreg:$0x5] =	wrdreg $0x9  }
0xb2: {  	_ =	task.clear_ibuf [dreg:s7], $0x6FFFF;
	_ =	strace $0x9000004C  }
0xb3: {  	s29 =	simm.s32 $0x9;
	_ =	strace $0x8000004E  }
0xb4: {  	_ =	swait.ge [sflag:s29], $0x1  }
0xb5: {  	[sflag:s29] =	ssyncadd.s32 $0xFFFFFFFF  }
0xb6: {  	_ =	strace $0x9000004E  }
0xb7: {  	_ =	sfence  }
0xb8: {  	s30 =	sld [smem:$0x0];
	_ =	sdelay $0x2  }
0xb9: {  	s31 =	sshll.u32 s1, $0xD;
	s1 =	sshrl.u32 s1, $0x2  }
0xba: {  	s3 =	sand.u32 $0x4000, s31;
	s1 =	sadd.s32 s1, s30  }
0xbb: {  	s0 =	sor.u32 s3, s0;
	s1 =	sshll.u32 s1, $0x11  }
0xbc: {  	s0 =	sor.u32 s1, s0  }
0xbd: {  	s0 =	sadd.s32 $0x8F2B, s0  }
0xbe: {  	[sflag:s0] =	ssyncadd.remote.s32 $0x1  }
0xbf: {  	_ =	sfence.sel $0xFFFF  }
0xc0: {  	[dreg:$0x0] =	wrdreg $0xFFFFFFFF;
	(pc) =	sbr.abs _section_cstart, $3  }
0xc1: {  	[dreg:$0x1] =	wrdreg $0xFFFFFFFF  }
0xc2: {  	_ =	task.clear_ibuf [dreg:s7], $0x2FFFF;
	_ =	strace $0x9FFFFFFF  }
0xc3: {  	(tm) =	ssettm $0x7FFFFFFF  }
tec
execute0_lowered:
.L_overlay_start_1:
0x0: {  	(tag) =	ssettag $0x1  }
0x1: {  	s0 =	srdreg.scid;
	s1 =	rddreg [dreg:$0x0]  }
0x2: {  	s11 =	stileid.u32;
	s3 =	rddreg [dreg:$0x2]  }
0x3: {  	s4 =	simm.s32 $0x0;
	s28 =	simm.s32 $0x2880;
	s8 =	smul.u32 $0x6400, s11  }
0x4: {  	s30 =	simm.s32 $0x1;
	s31 =	simm.s32 $0x7;
	s18 =	smul.u32 $0xA000, s11  }
0x5: {  	s29 =	simm.s32 $0x8;
	s0 =	sand.u32 $0x1, s0;
	s21 =	smul.u32 $0x9C4, s11  }
0x6: {  	s2 =	sshll.u32 s11, $0x1;
	[smem:$0x7FF] =	sst s4;
	s24 =	smul.u32 $0x19000, s11  }
0x7: {  	s5 =	sadd.s32 $0x18800, s1;
	s10 =	sadd.s32 $0x4C00, s1;
	s7 =	smul.u32 $0x138800, s0  }
0x8: {  	s2 =	sor.u32 s0, s2;
	s13 =	ssub.s32 $0x2, s0;
	s0 =	smul.u32 $0x4E2, s0  }
0x9: {  	s16 =	ssub.s32 $0x8C, s11;
	s22 =	ssub.s32 $0x41, s11;
	s6 =	smul.u32 $0x4E2, s2  }
0xa: {  	_ =	strace $0x8000004D;
	s2 =	smul.u32 $0x2710, s2;
	s14 =	sshrl.u32 s13, $0x1  }
0xb: {  	s23 =	sadd.s32 s21, s10;
	s26 =	sshrl.u32 s24, $0x2;
	s21 =	simm.s32 $0x50  }
0xc: {  	s24 =	simm.s32 $0x5100;
	s7 =	sadd.s32 s8, s7;
	s0 =	sadd.s32 s0, s23  }
0xd: {  	s23 =	simm.s32 $0x2800;
	s8 =	simm.s32 $0x6;
	s9 =	sadd.s32 s6, s1  }
0xe: {  	s7 =	sshrl.u32 s7, $0x3;
	s2 =	sshrl.u32 s2, $0x3;
	s6 =	sadd.s32 s10, s6  }
0xf: {  	s1 =	sadd.s32 s7, s1;
	s7 =	ssub.s32 s13, s14;
	s15 =	sadd.s32 $0xEA00, s9  }
0x10: {  	[dreg:$0x5] =	wrdreg s6;
	s2 =	sadd.s32 s10, s2;
	s9 =	sshrl.u32 s16, $0x4  }
0x11: {  	s13 =	sshrl.u32 s22, $0x4;
	s6 =	sshrl.u32 s18, $0x2;
	s16 =	sadd.s32 $0x32, s0  }
0x12: {  	s0 =	sadd.s32 s26, s3;
	s22 =	simm.s32 $0x2900;
	[dreg:$0x4] =	wrdreg s15  }
0x13: {  	s26 =	simm.s32 $0xA;
	s17 =	sadd.s32 $0xA, s2;
	[dreg:$0xc] =	wrdreg s0  }
0x14: {  	s10 =	simm.s32 $0x0;
	s19 =	sadd.s32 $0x14, s2;
	[dreg:$0x6] =	wrdreg s17  }
0x15: {  	s20 =	sadd.s32 $0x4CE, s2;
	s2 =	sadd.s32 $0x4D8, s2;
	[dreg:$0x7] =	wrdreg s19  }
0x16: {  	s7 =	smax.u32 s7, $0x1;
	s25 =	sadd.s32 s6, s3;
	[dreg:$0x8] =	wrdreg s20  }
0x17: {  	s15 =	sadd.s32 $0x3FA00, s1;
	s1 =	simm.s32 $0x4;
	[dreg:$0x9] =	wrdreg s2  }
0x18: {  	s0 =	simm.s32 $0x5;
	s6 =	simm.s32 $0x3;
	[dreg:$0xa] =	wrdreg s7  }
0x19: {  	[dreg:$0xb] =	wrdreg s25;
	s19 =	simm.s32 $0xB;
	s20 =	simm.s32 $0x2780  }
0x1a: {  	s25 =	simm.s32 $0x7900;
	s2 =	simm.s32 $0x2;
	s7 =	simm.s32 $0x9  }
.LBB2_1:
0x1b: {  	s11 =	rddreg [dreg:$0x4]  }
0x1c: {  	[tilespmem:s4], [sflag:$0xB] =	stream.linear.gather [hbm4b:s11+s4], $0x2710, $0x38;
	[tilespmem:$0x1D980] =	vst v63  }
0x1d: {  	_ =	swait.ge [sflag:s19], $0x2710  }
0x1e: {  	[sflag:s19] =	ssyncset.done $0x0  }
0x1f: {  	s14 =	rddreg [dreg:$0x5];
	[sflag:s19] =	ssyncadd.s32 $0xFFFFD8F0  }
0x20: {  	[tilespmem:s20], [sflag:$0x7] =	stream.linear.gather [hbm4b:s14+s4], $0x50, $0x38;
	[tilespmem:$0x1D980] =	vst v63  }
0x21: {  	_ = 	snop  }
0x22: {  	[tilespmem:s22], [sflag:$0x1] =	stream.indirect.gather [hbm4b:s5+s21], $0x80, s4, s21, $0xb8;
	[tilespmem:$0x1D980] =	vst v63  }
0x23: {  	s17 =	rddreg [dreg:$0x6]  }
0x24: {  	[tilespmem:s23], [sflag:$0x8] =	stream.linear.gather [hbm4b:s17+s4], $0x50, $0x38;
	[tilespmem:$0x1D980] =	vst v63  }
0x25: {  	_ = 	snop  }
0x26: {  	[tilespmem:s24], [sflag:$0x2] =	stream.indirect.gather [hbm4b:s5+s21], $0x80, s21, s21, $0xb8;
	[tilespmem:$0x1D980] =	vst v63  }
0x27: {  	p0 =	sne.s32 s9, $0x1;
	s18 =	rddreg [dreg:$0x1]  }
0x28: {  	[tilespmem:s25], [sflag:$0xB] =	stream.linear.gather [hbm4b:s18+s4], $0x2800, $0x38;
	[tilespmem:$0x1D980] =	vst v63  }
.Ltmp0:
0x29: {  	_ = 	snop;
	(pc) =	sbr.rel @!p0 .LBB2_3-.Ltmp0, $4  }
0x2a: {  	_ =	swait.ge [sflag:s19], $0x2800  }
0x2b: {  	[sflag:s19] =	ssyncset.done $0x0  }
0x2c: {  	s11 =	sadd.s32 $0xFFFFFFFF, s9;
	s12 =	rddreg [dreg:$0xb];
	[sflag:s19] =	ssyncadd.s32 $0xFFFFD800  }
0x2d: {  	[spmem:s12] =	stream.linear.scatter [tilespmem:s25], [sflag:$0xA], $0x2800, $0x38;
	[tilespmem:$0x1D980] =	vst v63  }
.LBB2_2:
0x2e: {  	p1 =	sne.s32 s11, $0x1  }
.Ltmp1:
0x2f: {  	_ = 	snop;
	(pc) =	sbr.rel @p1 .LBB2_2-.Ltmp1, $3  }
0x30: {  	_ = 	snop  }
0x31: {  	s11 =	sadd.s32 $0xFFFFFFFF, s11;
	s12 =	sadd.s32 $0x28000, s12;
	_ =	sdelay $0x1  }
0x32: {  	[spmem:s12] =	stream.linear.scatter [tilespmem:s25], [sflag:$0xA], $0x2800, $0x38;
	[tilespmem:$0x1D980] =	vst v63  }
.LBB2_3:
.Ltmp2:
0x33: {  	(pc) =	sbr.rel @!p0 .LBB2_5-.Ltmp2, $3  }
0x34: {  	_ =	sdelay $0x1  }
0x35: {  	_ =	swait.ge [sflag:s26], $0x2800  }
0x36: {  	s11 =	sadd.s32 $0xFFFFFFFF, s9;
	[sflag:s26] =	ssyncset.done $0x0  }
.LBB2_4:
0x37: {  	p0 =	sne.s32 s11, $0x1;
	s11 =	sadd.s32 $0xFFFFFFFF, s11;
	[sflag:s26] =	ssyncadd.s32 $0xFFFFD800  }
.Ltmp3:
0x38: {  	(pc) =	sbr.rel @p0 .LBB2_4-.Ltmp3, $3  }
0x39: {  	_ =	sdelay $0x1  }
0x3a: {  	_ =	swait.ge [sflag:s26], $0x2800  }
0x3b: {  	[sflag:s26] =	ssyncset.done $0x0  }
.LBB2_5:
0x3c: {  	[sflag:s26] =	ssyncadd.s32 $0xFFFFD800  }
0x3d: {  	[bflag:$0x0] =	sbarrier.arrive $0xFFFF  }
0x3e: {  	s11 =	simm.s32 $0x0;
	s12 =	rddreg [dreg:$0x7]  }
0x3f: {  	[tilespmem:s28], [sflag:$0x9] =	stream.linear.gather [hbm4b:s12+s11], $0x50, $0x38;
	[tilespmem:$0x1D980] =	vst v63  }
0x40: {  	s18 =	simm.s32 $0xA0  }
0x41: {  	[tilespmem:s25], [sflag:$0x3] =	stream.indirect.gather [hbm4b:s5+s21], $0x80, s18, s21, $0xb8;
	[tilespmem:$0x1D980] =	vst v63  }
0x42: {  	_ =	swait.ge [sflag:s30], $0x2800  }
0x43: {  	[sflag:s30] =	ssyncset.done $0x0  }
0x44: {  	[sflag:s30] =	ssyncadd.s32 $0xFFFFD800  }
0x45: {  	_ =	swait.ge [sflag:s31], $0x50  }
0x46: {  	[sflag:s31] =	ssyncset.done $0x0  }
0x47: {  	[sflag:s31] =	ssyncadd.s32 $0xFFFFFFB0  }
0x48: {  	[spmem:s3] =	stream.indirect.scatter.add.f32 [tilespmem:s22], [sflag:$0x4], $0x80, s20, s21, $0xb8;
	[tilespmem:$0x1D980] =	vst v63  }
0x49: {  	_ =	swait.ge [sflag:s1], $0x2800  }
0x4a: {  	[sflag:s1] =	ssyncset.done $0x0  }
0x4b: {  	s12 =	sadd.s32 $0xFFFFFFEC, s16;
	[sflag:s1] =	ssyncadd.s32 $0xFFFFD800  }
0x4c: {  	[tilespmem:s20], [sflag:$0x7] =	stream.linear.gather [hbm4b:s12+s4], $0x50, $0x38;
	[tilespmem:$0x1D980] =	vst v63  }
0x4d: {  	s14 =	simm.s32 $0xF0  }
0x4e: {  	[tilespmem:s22], [sflag:$0x1] =	stream.indirect.gather [hbm4b:s5+s21], $0x80, s14, s21, $0xb8;
	[tilespmem:$0x1D980] =	vst v63  }
0x4f: {  	_ =	swait.ge [sflag:s2], $0x2800  }
0x50: {  	[sflag:s2] =	ssyncset.done $0x0  }
0x51: {  	[sflag:s2] =	ssyncadd.s32 $0xFFFFD800  }
0x52: {  	_ =	swait.ge [sflag:s29], $0x50  }
0x53: {  	[sflag:s29] =	ssyncset.done $0x0  }
0x54: {  	[sflag:s29] =	ssyncadd.s32 $0xFFFFFFB0  }
0x55: {  	[spmem:s3] =	stream.indirect.scatter.add.f32 [tilespmem:s24], [sflag:$0x5], $0x80, s23, s21, $0xb8;
	[tilespmem:$0x1D980] =	vst v63  }
0x56: {  	_ =	swait.ge [sflag:s0], $0x2800  }
0x57: {  	[sflag:s0] =	ssyncset.done $0x0  }
0x58: {  	s17 =	sadd.s32 $0xFFFFFFF6, s16;
	[sflag:s0] =	ssyncadd.s32 $0xFFFFD800  }
0x59: {  	[tilespmem:s23], [sflag:$0x8] =	stream.linear.gather [hbm4b:s17+s4], $0x50, $0x38;
	[tilespmem:$0x1D980] =	vst v63  }
0x5a: {  	s18 =	simm.s32 $0x140  }
0x5b: {  	[tilespmem:s24], [sflag:$0x2] =	stream.indirect.gather [hbm4b:s5+s21], $0x80, s18, s21, $0xb8;
	[tilespmem:$0x1D980] =	vst v63  }
0x5c: {  	_ =	swait.ge [sflag:s6], $0x2800  }
0x5d: {  	[sflag:s6] =	ssyncset.done $0x0  }
0x5e: {  	[sflag:s6] =	ssyncadd.s32 $0xFFFFD800  }
0x5f: {  	_ =	swait.ge [sflag:s7], $0x50  }
0x60: {  	[sflag:s7] =	ssyncset.done $0x0  }
0x61: {  	[sflag:s7] =	ssyncadd.s32 $0xFFFFFFB0  }
0x62: {  	[spmem:s3] =	stream.indirect.scatter.add.f32 [tilespmem:s25], [sflag:$0x6], $0x80, s28, s21, $0xb8;
	[tilespmem:$0x1D980] =	vst v63  }
0x63: {  	_ =	swait.ge [sflag:s8], $0x2800  }
0x64: {  	s11 =	simm.s32 $0x3C0;
	[sflag:s8] =	ssyncset.done $0x0  }
0x65: {  	s12 =	sadd.s32 $0x1E, s16;
	s14 =	simm.s32 $0x190;
	[sflag:s8] =	ssyncadd.s32 $0xFFFFD800  }
0x66: {  	[tilespmem:s28], [sflag:$0x9] =	stream.linear.gather [hbm4b:s16+s4], $0x50, $0x38;
	[tilespmem:$0x1D980] =	vst v63  }
.LBB2_6:
0x67: {  	[tilespmem:s25], [sflag:$0x3] =	stream.indirect.gather [hbm4b:s5+s21], $0x80, s14, s21, $0xb8;
	[tilespmem:$0x1D980] =	vst v63  }
0x68: {  	s14 =	smov.u32 s11  }
0x69: {  	p0 =	sne.s32 s11, $0x9240;
	s11 =	sadd.s32 $0x3C0, s11;
	_ =	swait.ge [sflag:s30], $0x2800  }
0x6a: {  	[sflag:s30] =	ssyncset.done $0x0  }
0x6b: {  	[sflag:s30] =	ssyncadd.s32 $0xFFFFD800  }
0x6c: {  	_ =	swait.ge [sflag:s31], $0x50  }
0x6d: {  	[sflag:s31] =	ssyncset.done $0x0  }
0x6e: {  	[sflag:s31] =	ssyncadd.s32 $0xFFFFFFB0  }
0x6f: {  	[spmem:s3] =	stream.indirect.scatter.add.f32 [tilespmem:s22], [sflag:$0x4], $0x80, s20, s21, $0xb8;
	[tilespmem:$0x1D980] =	vst v63  }
0x70: {  	_ =	swait.ge [sflag:s1], $0x2800  }
0x71: {  	[sflag:s1] =	ssyncset.done $0x0  }
0x72: {  	s17 =	sadd.s32 $0xFFFFFFEC, s12;
	s14 =	sshra.s32 s14, $0x2;
	[sflag:s1] =	ssyncadd.s32 $0xFFFFD800  }
0x73: {  	[tilespmem:s20], [sflag:$0x7] =	stream.linear.gather [hbm4b:s17+s4], $0x50, $0x38;
	[tilespmem:$0x1D980] =	vst v63  }
0x74: {  	s17 =	sadd.s32 $0xF0, s14  }
0x75: {  	[tilespmem:s22], [sflag:$0x1] =	stream.indirect.gather [hbm4b:s5+s21], $0x80, s17, s21, $0xb8;
	[tilespmem:$0x1D980] =	vst v63  }
0x76: {  	_ =	swait.ge [sflag:s2], $0x2800  }
0x77: {  	[sflag:s2] =	ssyncset.done $0x0  }
0x78: {  	[sflag:s2] =	ssyncadd.s32 $0xFFFFD800  }
0x79: {  	_ =	swait.ge [sflag:s29], $0x50  }
0x7a: {  	[sflag:s29] =	ssyncset.done $0x0  }
0x7b: {  	[sflag:s29] =	ssyncadd.s32 $0xFFFFFFB0  }
0x7c: {  	[spmem:s3] =	stream.indirect.scatter.add.f32 [tilespmem:s24], [sflag:$0x5], $0x80, s23, s21, $0xb8;
	[tilespmem:$0x1D980] =	vst v63  }
0x7d: {  	_ =	swait.ge [sflag:s0], $0x2800  }
0x7e: {  	[sflag:s0] =	ssyncset.done $0x0  }
0x7f: {  	s17 =	sadd.s32 $0xFFFFFFF6, s12;
	[sflag:s0] =	ssyncadd.s32 $0xFFFFD800  }
0x80: {  	[tilespmem:s23], [sflag:$0x8] =	stream.linear.gather [hbm4b:s17+s4], $0x50, $0x38;
	[tilespmem:$0x1D980] =	vst v63  }
0x81: {  	s17 =	sadd.s32 $0x140, s14  }
0x82: {  	[tilespmem:s24], [sflag:$0x2] =	stream.indirect.gather [hbm4b:s5+s21], $0x80, s17, s21, $0xb8;
	[tilespmem:$0x1D980] =	vst v63  }
0x83: {  	_ =	swait.ge [sflag:s6], $0x2800  }
0x84: {  	[sflag:s6] =	ssyncset.done $0x0  }
0x85: {  	[sflag:s6] =	ssyncadd.s32 $0xFFFFD800  }
0x86: {  	_ =	swait.ge [sflag:s7], $0x50  }
0x87: {  	[sflag:s7] =	ssyncset.done $0x0  }
0x88: {  	[sflag:s7] =	ssyncadd.s32 $0xFFFFFFB0  }
0x89: {  	[spmem:s3] =	stream.indirect.scatter.add.f32 [tilespmem:s25], [sflag:$0x6], $0x80, s28, s21, $0xb8;
	[tilespmem:$0x1D980] =	vst v63  }
.Ltmp4:
0x8a: {  	_ =	swait.ge [sflag:s8], $0x2800;
	(pc) =	sbr.rel @p0 .LBB2_6-.Ltmp4, $4  }
0x8b: {  	[sflag:s8] =	ssyncset.done $0x0  }
0x8c: {  	[sflag:s8] =	ssyncadd.s32 $0xFFFFD800  }
0x8d: {  	[tilespmem:s28], [sflag:$0x9] =	stream.linear.gather [hbm4b:s12+s4], $0x50, $0x38;
	[tilespmem:$0x1D980] =	vst v63  }
0x8e: {  	s14 =	sadd.s32 $0x190, s14;
	s12 =	sadd.s32 $0x1E, s12  }
0x8f: {  	[tilespmem:s25], [sflag:$0x3] =	stream.indirect.gather [hbm4b:s5+s21], $0x80, s14, s21, $0xb8;
	[tilespmem:$0x1D980] =	vst v63  }
0x90: {  	_ =	swait.ge [sflag:s30], $0x2800  }
0x91: {  	[sflag:s30] =	ssyncset.done $0x0  }
0x92: {  	[sflag:s30] =	ssyncadd.s32 $0xFFFFD800  }
0x93: {  	_ =	swait.ge [sflag:s31], $0x50  }
0x94: {  	[sflag:s31] =	ssyncset.done $0x0  }
0x95: {  	[sflag:s31] =	ssyncadd.s32 $0xFFFFFFB0  }
0x96: {  	[spmem:s3] =	stream.indirect.scatter.add.f32 [tilespmem:s22], [sflag:$0x4], $0x80, s20, s21, $0xb8;
	[tilespmem:$0x1D980] =	vst v63  }
0x97: {  	_ =	swait.ge [sflag:s1], $0x2800  }
0x98: {  	[sflag:s1] =	ssyncset.done $0x0  }
0x99: {  	s11 =	rddreg [dreg:$0x8];
	[sflag:s1] =	ssyncadd.s32 $0xFFFFD800  }
0x9a: {  	[tilespmem:s20], [sflag:$0x7] =	stream.linear.gather [hbm4b:s11+s4], $0x50, $0x38;
	[tilespmem:$0x1D980] =	vst v63  }
0x9b: {  	s18 =	simm.s32 $0x2670  }
0x9c: {  	[tilespmem:s22], [sflag:$0x1] =	stream.indirect.gather [hbm4b:s5+s21], $0x80, s18, s21, $0xb8;
	[tilespmem:$0x1D980] =	vst v63  }
0x9d: {  	_ =	swait.ge [sflag:s2], $0x2800  }
0x9e: {  	[sflag:s2] =	ssyncset.done $0x0  }
0x9f: {  	[sflag:s2] =	ssyncadd.s32 $0xFFFFD800  }
0xa0: {  	_ =	swait.ge [sflag:s29], $0x50  }
0xa1: {  	[sflag:s29] =	ssyncset.done $0x0  }
0xa2: {  	[sflag:s29] =	ssyncadd.s32 $0xFFFFFFB0  }
0xa3: {  	[spmem:s3] =	stream.indirect.scatter.add.f32 [tilespmem:s24], [sflag:$0x5], $0x80, s23, s21, $0xb8;
	[tilespmem:$0x1D980] =	vst v63  }
0xa4: {  	_ =	swait.ge [sflag:s0], $0x2800  }
0xa5: {  	[sflag:s0] =	ssyncset.done $0x0  }
0xa6: {  	s12 =	rddreg [dreg:$0x9];
	[sflag:s0] =	ssyncadd.s32 $0xFFFFD800  }
0xa7: {  	[tilespmem:s23], [sflag:$0x8] =	stream.linear.gather [hbm4b:s12+s4], $0x50, $0x38;
	[tilespmem:$0x1D980] =	vst v63  }
0xa8: {  	s14 =	simm.s32 $0x26C0  }
0xa9: {  	[tilespmem:s24], [sflag:$0x2] =	stream.indirect.gather [hbm4b:s5+s21], $0x80, s14, s21, $0xb8;
	[tilespmem:$0x1D980] =	vst v63  }
0xaa: {  	_ =	swait.ge [sflag:s6], $0x2800  }
0xab: {  	[sflag:s6] =	ssyncset.done $0x0  }
0xac: {  	[sflag:s6] =	ssyncadd.s32 $0xFFFFD800  }
0xad: {  	_ =	swait.ge [sflag:s7], $0x50  }
0xae: {  	[sflag:s7] =	ssyncset.done $0x0  }
0xaf: {  	[sflag:s7] =	ssyncadd.s32 $0xFFFFFFB0  }
0xb0: {  	[spmem:s3] =	stream.indirect.scatter.add.f32 [tilespmem:s25], [sflag:$0x6], $0x80, s28, s21, $0xb8;
	[tilespmem:$0x1D980] =	vst v63  }
0xb1: {  	_ =	swait.ge [sflag:s8], $0x2800  }
0xb2: {  	[sflag:s8] =	ssyncset.done $0x0  }
0xb3: {  	[sflag:s8] =	ssyncadd.s32 $0xFFFFD800  }
0xb4: {  	_ =	swait.ge [sflag:s30], $0x2800  }
0xb5: {  	[sflag:s30] =	ssyncset.done $0x0  }
0xb6: {  	[sflag:s30] =	ssyncadd.s32 $0xFFFFD800  }
0xb7: {  	_ =	swait.ge [sflag:s31], $0x50  }
0xb8: {  	[sflag:s31] =	ssyncset.done $0x0  }
0xb9: {  	[sflag:s31] =	ssyncadd.s32 $0xFFFFFFB0  }
0xba: {  	[spmem:s3] =	stream.indirect.scatter.add.f32 [tilespmem:s22], [sflag:$0x4], $0x80, s20, s21, $0xb8;
	[tilespmem:$0x1D980] =	vst v63  }
0xbb: {  	_ =	swait.ge [sflag:s1], $0x2800  }
0xbc: {  	[sflag:s1] =	ssyncset.done $0x0  }
0xbd: {  	[sflag:s1] =	ssyncadd.s32 $0xFFFFD800  }
0xbe: {  	_ =	swait.ge [sflag:s2], $0x2800  }
0xbf: {  	[sflag:s2] =	ssyncset.done $0x0  }
0xc0: {  	[sflag:s2] =	ssyncadd.s32 $0xFFFFD800  }
0xc1: {  	_ =	swait.ge [sflag:s29], $0x50  }
0xc2: {  	[sflag:s29] =	ssyncset.done $0x0  }
0xc3: {  	[sflag:s29] =	ssyncadd.s32 $0xFFFFFFB0  }
0xc4: {  	[spmem:s3] =	stream.indirect.scatter.add.f32 [tilespmem:s24], [sflag:$0x5], $0x80, s23, s21, $0xb8;
	[tilespmem:$0x1D980] =	vst v63  }
0xc5: {  	_ =	swait.ge [sflag:s0], $0x2800  }
0xc6: {  	[sflag:s0] =	ssyncset.done $0x0  }
0xc7: {  	p0 =	sne.s32 s13, $0x1;
	[sflag:s0] =	ssyncadd.s32 $0xFFFFD800  }
.Ltmp5:
0xc8: {  	s17 =	stileid.u32;
	[bflag:$0x0] =	sbarrier.arrive $0xFFFF;
	(pc) =	sbr.rel @!p0 .LBB2_9-.Ltmp5, $4  }
0xc9: {  	s11 =	sshll.u32 s17, $0x6;
	s18 =	rddreg [dreg:$0xc]  }
0xca: {  	s11 =	sor.u32 $0x1C0A, s11;
	s12 =	sshrl.u32 s18, $0x3  }
0xcb: {  	[hbm:s15], [sflag:s11] =	dma.local [spmem:s12], $0xC80  }
0xcc: {  	s17 =	smov.u32 s15;
	s14 =	sadd.s32 $0x64000, s18;
	s12 =	sadd.s32 $0xFFFFFFFF, s13  }
.LBB2_8:
0xcd: {  	p1 =	sne.s32 s12, $0x1;
	s12 =	sadd.s32 $0xFFFFFFFF, s12  }
.Ltmp6:
0xce: {  	s18 =	sshrl.u32 s14, $0x3;
	s17 =	sadd.s32 $0xC800, s17;
	(pc) =	sbr.rel @p1 .LBB2_8-.Ltmp6, $3  }
0xcf: {  	[hbm:s17], [sflag:s11] =	dma.local [spmem:s18], $0xC80  }
0xd0: {  	_ =	sdelay $0x1  }
0xd1: {  	s14 =	sadd.s32 $0x64000, s14  }
.LBB2_9:
.Ltmp7:
0xd2: {  	(pc) =	sbr.rel @!p0 .LBB2_11-.Ltmp7, $3  }
0xd3: {  	_ =	sdelay $0x1  }
0xd4: {  	_ =	swait.ge [sflag:s26], $0xC80  }
0xd5: {  	s11 =	sadd.s32 $0xFFFFFFFF, s13;
	[sflag:s26] =	ssyncset.done $0x0  }
.LBB2_10:
0xd6: {  	p0 =	sne.s32 s11, $0x1;
	s11 =	sadd.s32 $0xFFFFFFFF, s11;
	[sflag:s26] =	ssyncadd.s32 $0xFFFFF380  }
.Ltmp8:
0xd7: {  	(pc) =	sbr.rel @p0 .LBB2_10-.Ltmp8, $3  }
0xd8: {  	_ =	sdelay $0x1  }
0xd9: {  	_ =	swait.ge [sflag:s26], $0xC80  }
0xda: {  	[sflag:s26] =	ssyncset.done $0x0  }
.LBB2_11:
0xdb: {  	s10 =	sadd.s32 $0x1, s10;
	s11 =	rddreg [dreg:$0xa]  }
0xdc: {  	p0 =	sne.s32 s10, s11  }
.Ltmp9:
0xdd: {  	_ = 	snop;
	(pc) =	sbr.rel @p0 .LBB2_1-.Ltmp9, $2  }
0xde: {  	_ =	sdelay $0x2  }
0xdf: {  	[sflag:s26] =	ssyncadd.s32 $0xFFFFF380  }
0xe0: {  	_ =	sfence.sel $0x180000  }
0xe1: {  	[bflag:$0x0] =	sbarrier.arrive $0xFFFF  }
0xe2: {  	_ =	strace $0x9000004D  }
0xe3: {  	s0 =	stileid.u32;
	[bflag:$0x2] =	sbarrier.arrive $0xFFFF  }
0xe4: {  	p0 =	sne.s32 s0, $0x0;
	s0 =	rddreg [dreg:$0x3]  }
0xe5: {  	s0 =	sadd.s32 @!p0 $0x100000, s0  }
0xe6: {  	[sflag:s0] =	ssyncadd.tile.s32 @!p0 $0x1;
	_ =	shalt  }
.Lfunc_end2:
_tile_overlayer_lowered:
.L_overlay_start_2:
0xe7: {  	(tag) =	ssettag $0x2  }
0xe8: {  	s0 =	rddreg [dreg:$0x0];
	s2 =	stileid.u32  }
0xe9: {  	s1 =	rddreg [dreg:$0x1];
	p0 =	sne.s32 s2, $0x0  }
0xea: {  	s3 =	rddreg [dreg:$0x2];
	[bflag:$0x3] =	sbarrier.arrive $0xFFFF;
	s2 =	simm.s32 @!p0 $0x1C0B  }
0xeb: {  	[timem:s3], [sflag:s2] =	dma.local @!p0 [hbm:s0], s1  }
0xec: {  	s0 =	simm.s32 @!p0 $0xB  }
0xed: {  	_ =	swait.ge @!p0 [sflag:s0], s1  }
0xee: {  	s1 =	ssub.s32 @!p0 $0x0, s1;
	[sflag:s0] =	ssyncset.done @!p0 $0x0  }
0xef: {  	[sflag:s0] =	ssyncadd.s32 @!p0 s1  }
0xf0: {  	[bflag:$0x3] =	sbarrier.arrive $0xFFFF  }
0xf1: {  	_ =	shalt  }

// kernel: kernel.23.cloned.1.call-start
scs
__scs_entry_jumppad:
0x0: {  	(pc) =	sbr.rel $0x88, $3  }
0x1: {  	(tag) =	ssettag $0x0;
	lr =	simm.s32 $0x1  }
0x2: {  	[smem:$0x3F97] =	sst lr;
	_ =	strace $0xD0000000  }
0x3: {  	_ = 	snop  }
0x4: {  	_ = 	snop  }
0x5: {  	_ = 	snop  }
0x6: {  	_ = 	snop  }
0x7: {  	_ = 	snop  }
__scs_overlays_trampoline_lowered:
0x8: {  	[smem:$0x3FA6] =	sst s0  }
0x9: {  	[smem:$0x3FA7] =	sst s1  }
0xa: {  	[smem:$0x3FA8] =	sst s2  }
0xb: {  	[smem:$0x3FA9] =	sst s3  }
0xc: {  	[smem:$0x3FAA] =	sst s4  }
0xd: {  	[smem:$0x3FAB] =	sst s5  }
0xe: {  	[smem:$0x3FAC] =	sst s6  }
0xf: {  	[smem:$0x3FAD] =	sst s7  }
0x10: {  	[smem:$0x3FAE] =	sst s8  }
0x11: {  	[smem:$0x3FAF] =	sst s9;
	s0 =	simm.s32 @!p0 $0x0  }
0x12: {  	s1 =	sld [smem:$0x3F95];
	s0 =	simm.s32 @p0 $0x1  }
0x13: {  	[smem:$0x3FB0] =	sst s0;
	s0 =	simm.s32 @!p1 $0x0  }
0x14: {  	s2 =	sld [smem:$0x3F94];
	s0 =	simm.s32 @p1 $0x1  }
0x15: {  	[smem:$0x3FB1] =	sst s0;
	s0 =	simm.s32 @!p2 $0x0  }
0x16: {  	s3 =	sld [smem:$0x3FDB];
	s0 =	simm.s32 @p2 $0x1  }
0x17: {  	s4 =	simm.s32 $0x1BF5;
	[smem:$0x3FB3] =	sst s0  }
0x18: {  	s0 =	sld [smem:$0x3F96];
	_ =	swait.ge [sflag:s4], $0x0  }
0x19: {  	s7 =	sld [smem:$0x3F97]  }
0x1a: {  	s8 =	sadd.s32 $0xFFFFE003, lr  }
0x1b: {  	s9 =	sadd.s32 $0xFFFFFEF7, lr;
	s5 =	simm.s32 $0xFFFFFFFF;
	p2 =	slt.u32 s8, $0xFFFFF086  }
0x1c: {  	p1 =	slt.u32 s9, $0xF7A;
	s5 =	simm.s32 @!p2 $0x0  }
0x1d: {  	s5 =	simm.s32 @p1 $0x1;
	p0 =	seq.s32 s7, s2  }
0x1e: {  	s7 =	smul.u32 @!p0 $0xF7A, s2;
	p2 =	seq.s32 @!p0 s5, $0x0  }
0x1f: {  	s9 =	smul.u32 $0xF7A, s1;
	s8 =	simm.s32 @!p0 $0x1BF5;
	p2 =	por !p2, p0  }
0x20: {  	[sflag:s8] =	ssyncset.s32 @!p0 $0xFFFFF086;
	s6 =	sadd.s32 @!p0 s3, s7;
	s7 =	simm.s32 @!p0 $0x108  }
0x21: {  	s3 =	sadd.s32 s3, s9;
	s6 =	sadd.s32 @!p0 $0x88, s6;
	s7 =	simm.s32 @p2 $0x1082  }
0x22: {  	[simem:s7], [sflag:s8] =	dma.local @!p0 [hbm:s6], $0xF7A  }
0x23: {  	s9 =	sor.u32 $0xD0000000, s2;
	s6 =	simm.s32 $0x108;
	_ =	swait.ge @!p0 [sflag:s8], $0x0  }
0x24: {  	s3 =	sadd.s32 $0x88, s3;
	s6 =	simm.s32 @!p1 $0x1082;
	[sflag:s4] =	ssyncset.s32 $0xFFFFF086  }
0x25: {  	[simem:s6], [sflag:s4] =	dma.local [hbm:s3], $0xF7A  }
0x26: {  	[smem:$0x3F97] =	sst s1;
	(tag) =	ssettag s2;
	_ =	strace s9  }
0x27: {  	s1 =	sld [smem:$0x3FA7]  }
0x28: {  	s2 =	sld [smem:$0x3FA8]  }
0x29: {  	s4 =	sld [smem:$0x3FAA]  }
0x2a: {  	p0 =	seq.s32 s5, $0x0;
	s5 =	sld [smem:$0x3FAB]  }
0x2b: {  	s6 =	sld [smem:$0x3FAC]  }
0x2c: {  	s7 =	sld [smem:$0x3FAD]  }
0x2d: {  	s3 =	simm.s32 $0x108;
	s8 =	sld [smem:$0x3FAE]  }
0x2e: {  	s3 =	simm.s32 @!p0 $0x1082;
	s9 =	sld [smem:$0x3FAF]  }
0x2f: {  	lr =	sadd.s32 s0, s3;
	s0 =	sld [smem:$0x3FA6]  }
0x30: {  	s3 =	sld [smem:$0x3FA9]  }
0x31: {  	[smem:$0x3FB2] =	sst s10  }
0x32: {  	s10 =	sld [smem:$0x3FB0];
	_ =	sdelay $0x3  }
0x33: {  	p0 =	seq.s32 s10, $0x1;
	s10 =	sld [smem:$0x3FB2];
	_ =	sdelay $0x3  }
0x34: {  	[smem:$0x3FB2] =	sst s10  }
0x35: {  	s10 =	sld [smem:$0x3FB1];
	_ =	sdelay $0x3  }
0x36: {  	p1 =	seq.s32 s10, $0x1;
	s10 =	sld [smem:$0x3FB2];
	_ =	sdelay $0x3  }
0x37: {  	[smem:$0x3FB2] =	sst s10  }
0x38: {  	s10 =	sld [smem:$0x3FB3]  }
0x39: {  	_ = 	snop;
	(pc) =	sbr.ind lr, $3  }
0x3a: {  	_ = 	snop  }
0x3b: {  	_ = 	snop  }
0x3c: {  	p2 =	seq.s32 s10, $0x1;
	s10 =	sld [smem:$0x3FB2]  }
0x3d: {  	_ =	shalt  }
0x3e: {  	_ =	shalt  }
0x3f: {  	_ =	shalt  }
0x40: {  	_ =	shalt  }
0x41: {  	_ =	shalt  }
0x42: {  	_ =	shalt  }
0x43: {  	_ =	shalt  }
0x44: {  	_ =	shalt  }
0x45: {  	_ =	shalt  }
0x46: {  	_ =	shalt  }
0x47: {  	_ =	shalt  }
0x48: {  	_ =	shalt  }
0x49: {  	_ =	shalt  }
0x4a: {  	_ =	shalt  }
0x4b: {  	_ =	shalt  }
0x4c: {  	_ =	shalt  }
0x4d: {  	_ =	shalt  }
0x4e: {  	_ =	shalt  }
0x4f: {  	_ =	shalt  }
0x50: {  	_ =	shalt  }
0x51: {  	_ =	shalt  }
0x52: {  	_ =	shalt  }
0x53: {  	_ =	shalt  }
0x54: {  	_ =	shalt  }
0x55: {  	_ =	shalt  }
0x56: {  	_ =	shalt  }
0x57: {  	_ =	shalt  }
0x58: {  	_ =	shalt  }
0x59: {  	_ =	shalt  }
0x5a: {  	_ =	shalt  }
0x5b: {  	_ =	shalt  }
0x5c: {  	_ =	shalt  }
0x5d: {  	_ =	shalt  }
0x5e: {  	_ =	shalt  }
0x5f: {  	_ =	shalt  }
0x60: {  	_ =	shalt  }
0x61: {  	_ =	shalt  }
0x62: {  	_ =	shalt  }
0x63: {  	_ =	shalt  }
0x64: {  	_ =	shalt  }
0x65: {  	_ =	shalt  }
0x66: {  	_ =	shalt  }
0x67: {  	_ =	shalt  }
0x68: {  	_ =	shalt  }
0x69: {  	_ =	shalt  }
0x6a: {  	_ =	shalt  }
0x6b: {  	_ =	shalt  }
0x6c: {  	_ =	shalt  }
0x6d: {  	_ =	shalt  }
0x6e: {  	_ =	shalt  }
0x6f: {  	_ =	shalt  }
0x70: {  	_ =	shalt  }
0x71: {  	_ =	shalt  }
0x72: {  	_ =	shalt  }
0x73: {  	_ =	shalt  }
0x74: {  	_ =	shalt  }
0x75: {  	_ =	shalt  }
0x76: {  	_ =	shalt  }
0x77: {  	_ =	shalt  }
0x78: {  	_ =	shalt  }
0x79: {  	_ =	shalt  }
0x7a: {  	_ =	shalt  }
0x7b: {  	_ =	shalt  }
0x7c: {  	_ =	shalt  }
0x7d: {  	_ =	shalt  }
0x7e: {  	_ =	shalt  }
0x7f: {  	_ =	shalt  }
0x80: {  	_ =	shalt  }
0x81: {  	_ =	shalt  }
0x82: {  	_ =	shalt  }
0x83: {  	_ =	shalt  }
0x84: {  	_ =	shalt  }
0x85: {  	_ =	shalt  }
0x86: {  	_ =	shalt  }
0x87: {  	_ =	shalt  }
.Lfunc_end0:
.L_simem_size_0:
called_computation.3_lowered:
.L_overlay_start_0:
0x88: {  	s2 =	sld [smem:$0x3FD9]  }
0x89: {  	s3 =	sld [smem:$0x3FFE];
	_ =	sdelay $0x1  }
0x8a: {  	s1 =	srdreg.scid  }
0x8b: {  	s0 =	sand.u32 $0x1, s1  }
0x8c: {  	s17 =	sshll.u32 s0, $0xA;
	s2 =	sadd.s32 s3, s2  }
0x8d: {  	s2 =	sadd.s32 s2, s17  }
0x8e: {  	[smem:$0x3FBE] =	sst s2  }
0x8f: {  	_ = 	snop  }
0x90: {  	s2 =	sld [smem:$0x3FD0];
	(tm) =	ssettm $0x1  }
0x91: {  	s18 =	sld [smem:$0x3FFB];
	_ =	sdelay $0x3  }
0x92: {  	_ =	strace s18  }
0x93: {  	s3 =	sld [smem:$0x3FFC];
	_ =	sdelay $0x3  }
0x94: {  	_ =	strace s3  }
0x95: {  	s3 =	sld [smem:$0x3FFD];
	_ =	sdelay $0x3  }
0x96: {  	_ =	strace s3  }
0x97: {  	_ =	strace $0x8FFFFFFF  }
0x98: {  	s19 =	sld [smem:$0x3FDB];
	_ =	sdelay $0x1  }
0x99: {  	s4 =	simm.s32 $_scs_section_size  }
0x9a: {  	s5 =	simm.s32 $_size__tile_overlayer_lowered;
	s6 =	simm.s32 $_tile_overlayer_lowered  }
0x9b: {  	s22 =	simm.s32 $0x1BFF;
	s21 =	sshll.u32 s6, $0x1;
	s3 =	sadd.s32 s4, s19  }
0x9c: {  	s7 =	simm.s32 $0x0;
	s20 =	sshll.u32 s5, $0x1;
	s5 =	sadd.s32 s21, s3  }
0x9d: {  	[timem:s7], [sflag:s22] =	dma.local [hbm:s5], s20  }
0x9e: {  	_ =	swait.ge [sflag:s22], s20  }
0x9f: {  	s4 =	ssub.s32 $0x0, s20;
	[sflag:s22] =	ssyncset.done $0x0  }
0xa0: {  	[sflag:s22] =	ssyncadd.s32 s4;
	_ =	sdelay $0x1  }
0xa1: {  	s23 =	simm.s32 $0x1B8B  }
0xa2: {  	_ =	swait.ge [sflag:s23], $0x1  }
0xa3: {  	[sflag:s23] =	ssyncset.done $0x0  }
0xa4: {  	s25 =	simm.s32 $0x1B8E;
	s24 =	sld [smem:$0x3FFE];
	[sflag:s23] =	ssyncadd.s32 $0xFFFFFFFF  }
0xa5: {  	s26 =	simm.s32 $execute0_lowered;
	[smem:$0x3FD2] =	sst s25  }
0xa6: {  	s5 =	sshll.u32 s26, $0x1;
	_ =	strace $0x8000004F;
	[dreg:$0x1] =	wrdreg $0xFFFFFFFF  }
0xa7: {  	s28 =	simm.s32 $_size_execute0_lowered;
	s3 =	sadd.s32 s3, s5;
	[dreg:$0x0] =	wrdreg $0x0  }
0xa8: {  	s5 =	sshll.u32 s28, $0x1;
	[dreg:$0x2] =	wrdreg s3  }
0xa9: {  	[dreg:$0x3] =	wrdreg s5  }
0xaa: {  	[dreg:$0x4] =	wrdreg $0xC0  }
0xab: {  	_ =	task [dreg:s7], $0x5FFFF  }
0xac: {  	[dreg:$0x1] =	wrdreg $0xFFFFFFFF  }
0xad: {  	[dreg:$0x0] =	wrdreg $0x60  }
0xae: {  	[dreg:$0x2] =	wrdreg s24  }
0xaf: {  	[dreg:$0x3] =	wrdreg s2  }
0xb0: {  	[dreg:$0x4] =	wrdreg $0xA1000  }
0xb1: {  	[dreg:$0x5] =	wrdreg $0x9  }
0xb2: {  	_ =	task.clear_ibuf [dreg:s7], $0x6FFFF;
	_ =	strace $0x9000004F  }
0xb3: {  	s29 =	simm.s32 $0x9;
	_ =	strace $0x80000051  }
0xb4: {  	_ =	swait.ge [sflag:s29], $0x1  }
0xb5: {  	[sflag:s29] =	ssyncadd.s32 $0xFFFFFFFF  }
0xb6: {  	_ =	strace $0x90000051  }
0xb7: {  	_ =	sfence  }
0xb8: {  	s30 =	sld [smem:$0x0];
	_ =	sdelay $0x2  }
0xb9: {  	s31 =	sshll.u32 s1, $0xD;
	s1 =	sshrl.u32 s1, $0x2  }
0xba: {  	s3 =	sand.u32 $0x4000, s31;
	s1 =	sadd.s32 s1, s30  }
0xbb: {  	s0 =	sor.u32 s3, s0;
	s1 =	sshll.u32 s1, $0x11  }
0xbc: {  	s0 =	sor.u32 s1, s0  }
0xbd: {  	s0 =	sadd.s32 $0x8F2B, s0  }
0xbe: {  	[sflag:s0] =	ssyncadd.remote.s32 $0x1  }
0xbf: {  	_ =	sfence.sel $0xFFFF  }
0xc0: {  	[dreg:$0x0] =	wrdreg $0xFFFFFFFF;
	(pc) =	sbr.abs _section_cstart, $3  }
0xc1: {  	[dreg:$0x1] =	wrdreg $0xFFFFFFFF  }
0xc2: {  	_ =	task.clear_ibuf [dreg:s7], $0x2FFFF;
	_ =	strace $0x9FFFFFFF  }
0xc3: {  	(tm) =	ssettm $0x7FFFFFFF  }
tec
execute0_lowered:
.L_overlay_start_1:
0x0: {  	(tag) =	ssettag $0x1  }
0x1: {  	s0 =	srdreg.scid;
	s1 =	rddreg [dreg:$0x0]  }
0x2: {  	s11 =	stileid.u32;
	s3 =	rddreg [dreg:$0x2]  }
0x3: {  	s4 =	simm.s32 $0x0;
	s28 =	simm.s32 $0x2880;
	s8 =	smul.u32 $0x6400, s11  }
0x4: {  	s30 =	simm.s32 $0x1;
	s31 =	simm.s32 $0x7;
	s18 =	smul.u32 $0xA000, s11  }
0x5: {  	s29 =	simm.s32 $0x8;
	s0 =	sand.u32 $0x1, s0;
	s21 =	smul.u32 $0x9C4, s11  }
0x6: {  	s2 =	sshll.u32 s11, $0x1;
	[smem:$0x7FF] =	sst s4;
	s24 =	smul.u32 $0x19000, s11  }
0x7: {  	s5 =	sadd.s32 $0x18800, s1;
	s10 =	sadd.s32 $0x4C00, s1;
	s7 =	smul.u32 $0x138800, s0  }
0x8: {  	s2 =	sor.u32 s0, s2;
	s13 =	ssub.s32 $0x2, s0;
	s0 =	smul.u32 $0x4E2, s0  }
0x9: {  	s16 =	ssub.s32 $0x8C, s11;
	s22 =	ssub.s32 $0x41, s11;
	s6 =	smul.u32 $0x4E2, s2  }
0xa: {  	_ =	strace $0x80000050;
	s2 =	smul.u32 $0x2710, s2;
	s14 =	sshrl.u32 s13, $0x1  }
0xb: {  	s23 =	sadd.s32 s21, s10;
	s26 =	sshrl.u32 s24, $0x2;
	s21 =	simm.s32 $0x50  }
0xc: {  	s24 =	simm.s32 $0x5100;
	s7 =	sadd.s32 s8, s7;
	s0 =	sadd.s32 s0, s23  }
0xd: {  	s23 =	simm.s32 $0x2800;
	s8 =	simm.s32 $0x6;
	s9 =	sadd.s32 s6, s1  }
0xe: {  	s7 =	sshrl.u32 s7, $0x3;
	s2 =	sshrl.u32 s2, $0x3;
	s6 =	sadd.s32 s10, s6  }
0xf: {  	s1 =	sadd.s32 s7, s1;
	s7 =	ssub.s32 s13, s14;
	s15 =	sadd.s32 $0xEA00, s9  }
0x10: {  	[dreg:$0x5] =	wrdreg s6;
	s2 =	sadd.s32 s10, s2;
	s9 =	sshrl.u32 s16, $0x4  }
0x11: {  	s13 =	sshrl.u32 s22, $0x4;
	s6 =	sshrl.u32 s18, $0x2;
	s16 =	sadd.s32 $0x32, s0  }
0x12: {  	s0 =	sadd.s32 s26, s3;
	s22 =	simm.s32 $0x2900;
	[dreg:$0x4] =	wrdreg s15  }
0x13: {  	s26 =	simm.s32 $0xA;
	s17 =	sadd.s32 $0xA, s2;
	[dreg:$0xc] =	wrdreg s0  }
0x14: {  	s10 =	simm.s32 $0x0;
	s19 =	sadd.s32 $0x14, s2;
	[dreg:$0x6] =	wrdreg s17  }
0x15: {  	s20 =	sadd.s32 $0x4CE, s2;
	s2 =	sadd.s32 $0x4D8, s2;
	[dreg:$0x7] =	wrdreg s19  }
0x16: {  	s7 =	smax.u32 s7, $0x1;
	s25 =	sadd.s32 s6, s3;
	[dreg:$0x8] =	wrdreg s20  }
0x17: {  	s15 =	sadd.s32 $0x3FA00, s1;
	s1 =	simm.s32 $0x4;
	[dreg:$0x9] =	wrdreg s2  }
0x18: {  	s0 =	simm.s32 $0x5;
	s6 =	simm.s32 $0x3;
	[dreg:$0xa] =	wrdreg s7  }
0x19: {  	[dreg:$0xb] =	wrdreg s25;
	s19 =	simm.s32 $0xB;
	s20 =	simm.s32 $0x2780  }
0x1a: {  	s25 =	simm.s32 $0x7900;
	s2 =	simm.s32 $0x2;
	s7 =	simm.s32 $0x9  }
.LBB2_1:
0x1b: {  	s11 =	rddreg [dreg:$0x4]  }
0x1c: {  	[tilespmem:s4], [sflag:$0xB] =	stream.linear.gather [hbm4b:s11+s4], $0x2710, $0x38;
	[tilespmem:$0x1D980] =	vst v63  }
0x1d: {  	_ =	swait.ge [sflag:s19], $0x2710  }
0x1e: {  	[sflag:s19] =	ssyncset.done $0x0  }
0x1f: {  	s14 =	rddreg [dreg:$0x5];
	[sflag:s19] =	ssyncadd.s32 $0xFFFFD8F0  }
0x20: {  	[tilespmem:s20], [sflag:$0x7] =	stream.linear.gather [hbm4b:s14+s4], $0x50, $0x38;
	[tilespmem:$0x1D980] =	vst v63  }
0x21: {  	_ = 	snop  }
0x22: {  	[tilespmem:s22], [sflag:$0x1] =	stream.indirect.gather [hbm4b:s5+s21], $0x80, s4, s21, $0xb8;
	[tilespmem:$0x1D980] =	vst v63  }
0x23: {  	s17 =	rddreg [dreg:$0x6]  }
0x24: {  	[tilespmem:s23], [sflag:$0x8] =	stream.linear.gather [hbm4b:s17+s4], $0x50, $0x38;
	[tilespmem:$0x1D980] =	vst v63  }
0x25: {  	_ = 	snop  }
0x26: {  	[tilespmem:s24], [sflag:$0x2] =	stream.indirect.gather [hbm4b:s5+s21], $0x80, s21, s21, $0xb8;
	[tilespmem:$0x1D980] =	vst v63  }
0x27: {  	p0 =	sne.s32 s9, $0x1;
	s18 =	rddreg [dreg:$0x1]  }
0x28: {  	[tilespmem:s25], [sflag:$0xB] =	stream.linear.gather [hbm4b:s18+s4], $0x2800, $0x38;
	[tilespmem:$0x1D980] =	vst v63  }
.Ltmp0:
0x29: {  	_ = 	snop;
	(pc) =	sbr.rel @!p0 .LBB2_3-.Ltmp0, $4  }
0x2a: {  	_ =	swait.ge [sflag:s19], $0x2800  }
0x2b: {  	[sflag:s19] =	ssyncset.done $0x0  }
0x2c: {  	s11 =	sadd.s32 $0xFFFFFFFF, s9;
	s12 =	rddreg [dreg:$0xb];
	[sflag:s19] =	ssyncadd.s32 $0xFFFFD800  }
0x2d: {  	[spmem:s12] =	stream.linear.scatter [tilespmem:s25], [sflag:$0xA], $0x2800, $0x38;
	[tilespmem:$0x1D980] =	vst v63  }
.LBB2_2:
0x2e: {  	p1 =	sne.s32 s11, $0x1  }
.Ltmp1:
0x2f: {  	_ = 	snop;
	(pc) =	sbr.rel @p1 .LBB2_2-.Ltmp1, $3  }
0x30: {  	_ = 	snop  }
0x31: {  	s11 =	sadd.s32 $0xFFFFFFFF, s11;
	s12 =	sadd.s32 $0x28000, s12;
	_ =	sdelay $0x1  }
0x32: {  	[spmem:s12] =	stream.linear.scatter [tilespmem:s25], [sflag:$0xA], $0x2800, $0x38;
	[tilespmem:$0x1D980] =	vst v63  }
.LBB2_3:
.Ltmp2:
0x33: {  	(pc) =	sbr.rel @!p0 .LBB2_5-.Ltmp2, $3  }
0x34: {  	_ =	sdelay $0x1  }
0x35: {  	_ =	swait.ge [sflag:s26], $0x2800  }
0x36: {  	s11 =	sadd.s32 $0xFFFFFFFF, s9;
	[sflag:s26] =	ssyncset.done $0x0  }
.LBB2_4:
0x37: {  	p0 =	sne.s32 s11, $0x1;
	s11 =	sadd.s32 $0xFFFFFFFF, s11;
	[sflag:s26] =	ssyncadd.s32 $0xFFFFD800  }
.Ltmp3:
0x38: {  	(pc) =	sbr.rel @p0 .LBB2_4-.Ltmp3, $3  }
0x39: {  	_ =	sdelay $0x1  }
0x3a: {  	_ =	swait.ge [sflag:s26], $0x2800  }
0x3b: {  	[sflag:s26] =	ssyncset.done $0x0  }
.LBB2_5:
0x3c: {  	[sflag:s26] =	ssyncadd.s32 $0xFFFFD800  }
0x3d: {  	[bflag:$0x0] =	sbarrier.arrive $0xFFFF  }
0x3e: {  	s11 =	simm.s32 $0x0;
	s12 =	rddreg [dreg:$0x7]  }
0x3f: {  	[tilespmem:s28], [sflag:$0x9] =	stream.linear.gather [hbm4b:s12+s11], $0x50, $0x38;
	[tilespmem:$0x1D980] =	vst v63  }
0x40: {  	s18 =	simm.s32 $0xA0  }
0x41: {  	[tilespmem:s25], [sflag:$0x3] =	stream.indirect.gather [hbm4b:s5+s21], $0x80, s18, s21, $0xb8;
	[tilespmem:$0x1D980] =	vst v63  }
0x42: {  	_ =	swait.ge [sflag:s30], $0x2800  }
0x43: {  	[sflag:s30] =	ssyncset.done $0x0  }
0x44: {  	[sflag:s30] =	ssyncadd.s32 $0xFFFFD800  }
0x45: {  	_ =	swait.ge [sflag:s31], $0x50  }
0x46: {  	[sflag:s31] =	ssyncset.done $0x0  }
0x47: {  	[sflag:s31] =	ssyncadd.s32 $0xFFFFFFB0  }
0x48: {  	[spmem:s3] =	stream.indirect.scatter.add.f32 [tilespmem:s22], [sflag:$0x4], $0x80, s20, s21, $0xb8;
	[tilespmem:$0x1D980] =	vst v63  }
0x49: {  	_ =	swait.ge [sflag:s1], $0x2800  }
0x4a: {  	[sflag:s1] =	ssyncset.done $0x0  }
0x4b: {  	s12 =	sadd.s32 $0xFFFFFFEC, s16;
	[sflag:s1] =	ssyncadd.s32 $0xFFFFD800  }
0x4c: {  	[tilespmem:s20], [sflag:$0x7] =	stream.linear.gather [hbm4b:s12+s4], $0x50, $0x38;
	[tilespmem:$0x1D980] =	vst v63  }
0x4d: {  	s14 =	simm.s32 $0xF0  }
0x4e: {  	[tilespmem:s22], [sflag:$0x1] =	stream.indirect.gather [hbm4b:s5+s21], $0x80, s14, s21, $0xb8;
	[tilespmem:$0x1D980] =	vst v63  }
0x4f: {  	_ =	swait.ge [sflag:s2], $0x2800  }
0x50: {  	[sflag:s2] =	ssyncset.done $0x0  }
0x51: {  	[sflag:s2] =	ssyncadd.s32 $0xFFFFD800  }
0x52: {  	_ =	swait.ge [sflag:s29], $0x50  }
0x53: {  	[sflag:s29] =	ssyncset.done $0x0  }
0x54: {  	[sflag:s29] =	ssyncadd.s32 $0xFFFFFFB0  }
0x55: {  	[spmem:s3] =	stream.indirect.scatter.add.f32 [tilespmem:s24], [sflag:$0x5], $0x80, s23, s21, $0xb8;
	[tilespmem:$0x1D980] =	vst v63  }
0x56: {  	_ =	swait.ge [sflag:s0], $0x2800  }
0x57: {  	[sflag:s0] =	ssyncset.done $0x0  }
0x58: {  	s17 =	sadd.s32 $0xFFFFFFF6, s16;
	[sflag:s0] =	ssyncadd.s32 $0xFFFFD800  }
0x59: {  	[tilespmem:s23], [sflag:$0x8] =	stream.linear.gather [hbm4b:s17+s4], $0x50, $0x38;
	[tilespmem:$0x1D980] =	vst v63  }
0x5a: {  	s18 =	simm.s32 $0x140  }
0x5b: {  	[tilespmem:s24], [sflag:$0x2] =	stream.indirect.gather [hbm4b:s5+s21], $0x80, s18, s21, $0xb8;
	[tilespmem:$0x1D980] =	vst v63  }
0x5c: {  	_ =	swait.ge [sflag:s6], $0x2800  }
0x5d: {  	[sflag:s6] =	ssyncset.done $0x0  }
0x5e: {  	[sflag:s6] =	ssyncadd.s32 $0xFFFFD800  }
0x5f: {  	_ =	swait.ge [sflag:s7], $0x50  }
0x60: {  	[sflag:s7] =	ssyncset.done $0x0  }
0x61: {  	[sflag:s7] =	ssyncadd.s32 $0xFFFFFFB0  }
0x62: {  	[spmem:s3] =	stream.indirect.scatter.add.f32 [tilespmem:s25], [sflag:$0x6], $0x80, s28, s21, $0xb8;
	[tilespmem:$0x1D980] =	vst v63  }
0x63: {  	_ =	swait.ge [sflag:s8], $0x2800  }
0x64: {  	s11 =	simm.s32 $0x3C0;
	[sflag:s8] =	ssyncset.done $0x0  }
0x65: {  	s12 =	sadd.s32 $0x1E, s16;
	s14 =	simm.s32 $0x190;
	[sflag:s8] =	ssyncadd.s32 $0xFFFFD800  }
0x66: {  	[tilespmem:s28], [sflag:$0x9] =	stream.linear.gather [hbm4b:s16+s4], $0x50, $0x38;
	[tilespmem:$0x1D980] =	vst v63  }
.LBB2_6:
0x67: {  	[tilespmem:s25], [sflag:$0x3] =	stream.indirect.gather [hbm4b:s5+s21], $0x80, s14, s21, $0xb8;
	[tilespmem:$0x1D980] =	vst v63  }
0x68: {  	s14 =	smov.u32 s11  }
0x69: {  	p0 =	sne.s32 s11, $0x9240;
	s11 =	sadd.s32 $0x3C0, s11;
	_ =	swait.ge [sflag:s30], $0x2800  }
0x6a: {  	[sflag:s30] =	ssyncset.done $0x0  }
0x6b: {  	[sflag:s30] =	ssyncadd.s32 $0xFFFFD800  }
0x6c: {  	_ =	swait.ge [sflag:s31], $0x50  }
0x6d: {  	[sflag:s31] =	ssyncset.done $0x0  }
0x6e: {  	[sflag:s31] =	ssyncadd.s32 $0xFFFFFFB0  }
0x6f: {  	[spmem:s3] =	stream.indirect.scatter.add.f32 [tilespmem:s22], [sflag:$0x4], $0x80, s20, s21, $0xb8;
	[tilespmem:$0x1D980] =	vst v63  }
0x70: {  	_ =	swait.ge [sflag:s1], $0x2800  }
0x71: {  	[sflag:s1] =	ssyncset.done $0x0  }
0x72: {  	s17 =	sadd.s32 $0xFFFFFFEC, s12;
	s14 =	sshra.s32 s14, $0x2;
	[sflag:s1] =	ssyncadd.s32 $0xFFFFD800  }
0x73: {  	[tilespmem:s20], [sflag:$0x7] =	stream.linear.gather [hbm4b:s17+s4], $0x50, $0x38;
	[tilespmem:$0x1D980] =	vst v63  }
0x74: {  	s17 =	sadd.s32 $0xF0, s14  }
0x75: {  	[tilespmem:s22], [sflag:$0x1] =	stream.indirect.gather [hbm4b:s5+s21], $0x80, s17, s21, $0xb8;
	[tilespmem:$0x1D980] =	vst v63  }
0x76: {  	_ =	swait.ge [sflag:s2], $0x2800  }
0x77: {  	[sflag:s2] =	ssyncset.done $0x0  }
0x78: {  	[sflag:s2] =	ssyncadd.s32 $0xFFFFD800  }
0x79: {  	_ =	swait.ge [sflag:s29], $0x50  }
0x7a: {  	[sflag:s29] =	ssyncset.done $0x0  }
0x7b: {  	[sflag:s29] =	ssyncadd.s32 $0xFFFFFFB0  }
0x7c: {  	[spmem:s3] =	stream.indirect.scatter.add.f32 [tilespmem:s24], [sflag:$0x5], $0x80, s23, s21, $0xb8;
	[tilespmem:$0x1D980] =	vst v63  }
0x7d: {  	_ =	swait.ge [sflag:s0], $0x2800  }
0x7e: {  	[sflag:s0] =	ssyncset.done $0x0  }
0x7f: {  	s17 =	sadd.s32 $0xFFFFFFF6, s12;
	[sflag:s0] =	ssyncadd.s32 $0xFFFFD800  }
0x80: {  	[tilespmem:s23], [sflag:$0x8] =	stream.linear.gather [hbm4b:s17+s4], $0x50, $0x38;
	[tilespmem:$0x1D980] =	vst v63  }
0x81: {  	s17 =	sadd.s32 $0x140, s14  }
0x82: {  	[tilespmem:s24], [sflag:$0x2] =	stream.indirect.gather [hbm4b:s5+s21], $0x80, s17, s21, $0xb8;
	[tilespmem:$0x1D980] =	vst v63  }
0x83: {  	_ =	swait.ge [sflag:s6], $0x2800  }
0x84: {  	[sflag:s6] =	ssyncset.done $0x0  }
0x85: {  	[sflag:s6] =	ssyncadd.s32 $0xFFFFD800  }
0x86: {  	_ =	swait.ge [sflag:s7], $0x50  }
0x87: {  	[sflag:s7] =	ssyncset.done $0x0  }
0x88: {  	[sflag:s7] =	ssyncadd.s32 $0xFFFFFFB0  }
0x89: {  	[spmem:s3] =	stream.indirect.scatter.add.f32 [tilespmem:s25], [sflag:$0x6], $0x80, s28, s21, $0xb8;
	[tilespmem:$0x1D980] =	vst v63  }
.Ltmp4:
0x8a: {  	_ =	swait.ge [sflag:s8], $0x2800;
	(pc) =	sbr.rel @p0 .LBB2_6-.Ltmp4, $4  }
0x8b: {  	[sflag:s8] =	ssyncset.done $0x0  }
0x8c: {  	[sflag:s8] =	ssyncadd.s32 $0xFFFFD800  }
0x8d: {  	[tilespmem:s28], [sflag:$0x9] =	stream.linear.gather [hbm4b:s12+s4], $0x50, $0x38;
	[tilespmem:$0x1D980] =	vst v63  }
0x8e: {  	s14 =	sadd.s32 $0x190, s14;
	s12 =	sadd.s32 $0x1E, s12  }
0x8f: {  	[tilespmem:s25], [sflag:$0x3] =	stream.indirect.gather [hbm4b:s5+s21], $0x80, s14, s21, $0xb8;
	[tilespmem:$0x1D980] =	vst v63  }
0x90: {  	_ =	swait.ge [sflag:s30], $0x2800  }
0x91: {  	[sflag:s30] =	ssyncset.done $0x0  }
0x92: {  	[sflag:s30] =	ssyncadd.s32 $0xFFFFD800  }
0x93: {  	_ =	swait.ge [sflag:s31], $0x50  }
0x94: {  	[sflag:s31] =	ssyncset.done $0x0  }
0x95: {  	[sflag:s31] =	ssyncadd.s32 $0xFFFFFFB0  }
0x96: {  	[spmem:s3] =	stream.indirect.scatter.add.f32 [tilespmem:s22], [sflag:$0x4], $0x80, s20, s21, $0xb8;
	[tilespmem:$0x1D980] =	vst v63  }
0x97: {  	_ =	swait.ge [sflag:s1], $0x2800  }
0x98: {  	[sflag:s1] =	ssyncset.done $0x0  }
0x99: {  	s11 =	rddreg [dreg:$0x8];
	[sflag:s1] =	ssyncadd.s32 $0xFFFFD800  }
0x9a: {  	[tilespmem:s20], [sflag:$0x7] =	stream.linear.gather [hbm4b:s11+s4], $0x50, $0x38;
	[tilespmem:$0x1D980] =	vst v63  }
0x9b: {  	s18 =	simm.s32 $0x2670  }
0x9c: {  	[tilespmem:s22], [sflag:$0x1] =	stream.indirect.gather [hbm4b:s5+s21], $0x80, s18, s21, $0xb8;
	[tilespmem:$0x1D980] =	vst v63  }
0x9d: {  	_ =	swait.ge [sflag:s2], $0x2800  }
0x9e: {  	[sflag:s2] =	ssyncset.done $0x0  }
0x9f: {  	[sflag:s2] =	ssyncadd.s32 $0xFFFFD800  }
0xa0: {  	_ =	swait.ge [sflag:s29], $0x50  }
0xa1: {  	[sflag:s29] =	ssyncset.done $0x0  }
0xa2: {  	[sflag:s29] =	ssyncadd.s32 $0xFFFFFFB0  }
0xa3: {  	[spmem:s3] =	stream.indirect.scatter.add.f32 [tilespmem:s24], [sflag:$0x5], $0x80, s23, s21, $0xb8;
	[tilespmem:$0x1D980] =	vst v63  }
0xa4: {  	_ =	swait.ge [sflag:s0], $0x2800  }
0xa5: {  	[sflag:s0] =	ssyncset.done $0x0  }
0xa6: {  	s12 =	rddreg [dreg:$0x9];
	[sflag:s0] =	ssyncadd.s32 $0xFFFFD800  }
0xa7: {  	[tilespmem:s23], [sflag:$0x8] =	stream.linear.gather [hbm4b:s12+s4], $0x50, $0x38;
	[tilespmem:$0x1D980] =	vst v63  }
0xa8: {  	s14 =	simm.s32 $0x26C0  }
0xa9: {  	[tilespmem:s24], [sflag:$0x2] =	stream.indirect.gather [hbm4b:s5+s21], $0x80, s14, s21, $0xb8;
	[tilespmem:$0x1D980] =	vst v63  }
0xaa: {  	_ =	swait.ge [sflag:s6], $0x2800  }
0xab: {  	[sflag:s6] =	ssyncset.done $0x0  }
0xac: {  	[sflag:s6] =	ssyncadd.s32 $0xFFFFD800  }
0xad: {  	_ =	swait.ge [sflag:s7], $0x50  }
0xae: {  	[sflag:s7] =	ssyncset.done $0x0  }
0xaf: {  	[sflag:s7] =	ssyncadd.s32 $0xFFFFFFB0  }
0xb0: {  	[spmem:s3] =	stream.indirect.scatter.add.f32 [tilespmem:s25], [sflag:$0x6], $0x80, s28, s21, $0xb8;
	[tilespmem:$0x1D980] =	vst v63  }
0xb1: {  	_ =	swait.ge [sflag:s8], $0x2800  }
0xb2: {  	[sflag:s8] =	ssyncset.done $0x0  }
0xb3: {  	[sflag:s8] =	ssyncadd.s32 $0xFFFFD800  }
0xb4: {  	_ =	swait.ge [sflag:s30], $0x2800  }
0xb5: {  	[sflag:s30] =	ssyncset.done $0x0  }
0xb6: {  	[sflag:s30] =	ssyncadd.s32 $0xFFFFD800  }
0xb7: {  	_ =	swait.ge [sflag:s31], $0x50  }
0xb8: {  	[sflag:s31] =	ssyncset.done $0x0  }
0xb9: {  	[sflag:s31] =	ssyncadd.s32 $0xFFFFFFB0  }
0xba: {  	[spmem:s3] =	stream.indirect.scatter.add.f32 [tilespmem:s22], [sflag:$0x4], $0x80, s20, s21, $0xb8;
	[tilespmem:$0x1D980] =	vst v63  }
0xbb: {  	_ =	swait.ge [sflag:s1], $0x2800  }
0xbc: {  	[sflag:s1] =	ssyncset.done $0x0  }
0xbd: {  	[sflag:s1] =	ssyncadd.s32 $0xFFFFD800  }
0xbe: {  	_ =	swait.ge [sflag:s2], $0x2800  }
0xbf: {  	[sflag:s2] =	ssyncset.done $0x0  }
0xc0: {  	[sflag:s2] =	ssyncadd.s32 $0xFFFFD800  }
0xc1: {  	_ =	swait.ge [sflag:s29], $0x50  }
0xc2: {  	[sflag:s29] =	ssyncset.done $0x0  }
0xc3: {  	[sflag:s29] =	ssyncadd.s32 $0xFFFFFFB0  }
0xc4: {  	[spmem:s3] =	stream.indirect.scatter.add.f32 [tilespmem:s24], [sflag:$0x5], $0x80, s23, s21, $0xb8;
	[tilespmem:$0x1D980] =	vst v63  }
0xc5: {  	_ =	swait.ge [sflag:s0], $0x2800  }
0xc6: {  	[sflag:s0] =	ssyncset.done $0x0  }
0xc7: {  	p0 =	sne.s32 s13, $0x1;
	[sflag:s0] =	ssyncadd.s32 $0xFFFFD800  }
.Ltmp5:
0xc8: {  	s17 =	stileid.u32;
	[bflag:$0x0] =	sbarrier.arrive $0xFFFF;
	(pc) =	sbr.rel @!p0 .LBB2_9-.Ltmp5, $4  }
0xc9: {  	s11 =	sshll.u32 s17, $0x6;
	s18 =	rddreg [dreg:$0xc]  }
0xca: {  	s11 =	sor.u32 $0x1C0A, s11;
	s12 =	sshrl.u32 s18, $0x3  }
0xcb: {  	[hbm:s15], [sflag:s11] =	dma.local [spmem:s12], $0xC80  }
0xcc: {  	s17 =	smov.u32 s15;
	s14 =	sadd.s32 $0x64000, s18;
	s12 =	sadd.s32 $0xFFFFFFFF, s13  }
.LBB2_8:
0xcd: {  	p1 =	sne.s32 s12, $0x1;
	s12 =	sadd.s32 $0xFFFFFFFF, s12  }
.Ltmp6:
0xce: {  	s18 =	sshrl.u32 s14, $0x3;
	s17 =	sadd.s32 $0xC800, s17;
	(pc) =	sbr.rel @p1 .LBB2_8-.Ltmp6, $3  }
0xcf: {  	[hbm:s17], [sflag:s11] =	dma.local [spmem:s18], $0xC80  }
0xd0: {  	_ =	sdelay $0x1  }
0xd1: {  	s14 =	sadd.s32 $0x64000, s14  }
.LBB2_9:
.Ltmp7:
0xd2: {  	(pc) =	sbr.rel @!p0 .LBB2_11-.Ltmp7, $3  }
0xd3: {  	_ =	sdelay $0x1  }
0xd4: {  	_ =	swait.ge [sflag:s26], $0xC80  }
0xd5: {  	s11 =	sadd.s32 $0xFFFFFFFF, s13;
	[sflag:s26] =	ssyncset.done $0x0  }
.LBB2_10:
0xd6: {  	p0 =	sne.s32 s11, $0x1;
	s11 =	sadd.s32 $0xFFFFFFFF, s11;
	[sflag:s26] =	ssyncadd.s32 $0xFFFFF380  }
.Ltmp8:
0xd7: {  	(pc) =	sbr.rel @p0 .LBB2_10-.Ltmp8, $3  }
0xd8: {  	_ =	sdelay $0x1  }
0xd9: {  	_ =	swait.ge [sflag:s26], $0xC80  }
0xda: {  	[sflag:s26] =	ssyncset.done $0x0  }
.LBB2_11:
0xdb: {  	s10 =	sadd.s32 $0x1, s10;
	s11 =	rddreg [dreg:$0xa]  }
0xdc: {  	p0 =	sne.s32 s10, s11  }
.Ltmp9:
0xdd: {  	_ = 	snop;
	(pc) =	sbr.rel @p0 .LBB2_1-.Ltmp9, $2  }
0xde: {  	_ =	sdelay $0x2  }
0xdf: {  	[sflag:s26] =	ssyncadd.s32 $0xFFFFF380  }
0xe0: {  	_ =	sfence.sel $0x180000  }
0xe1: {  	[bflag:$0x0] =	sbarrier.arrive $0xFFFF  }
0xe2: {  	_ =	strace $0x90000050  }
0xe3: {  	s0 =	stileid.u32;
	[bflag:$0x2] =	sbarrier.arrive $0xFFFF  }
0xe4: {  	p0 =	sne.s32 s0, $0x0;
	s0 =	rddreg [dreg:$0x3]  }
0xe5: {  	s0 =	sadd.s32 @!p0 $0x100000, s0  }
0xe6: {  	[sflag:s0] =	ssyncadd.tile.s32 @!p0 $0x1;
	_ =	shalt  }
.Lfunc_end2:
_tile_overlayer_lowered:
.L_overlay_start_2:
0xe7: {  	(tag) =	ssettag $0x2  }
0xe8: {  	s0 =	rddreg [dreg:$0x0];
	s2 =	stileid.u32  }
0xe9: {  	s1 =	rddreg [dreg:$0x1];
	p0 =	sne.s32 s2, $0x0  }
0xea: {  	s3 =	rddreg [dreg:$0x2];
	[bflag:$0x3] =	sbarrier.arrive $0xFFFF;
	s2 =	simm.s32 @!p0 $0x1C0B  }
0xeb: {  	[timem:s3], [sflag:s2] =	dma.local @!p0 [hbm:s0], s1  }
0xec: {  	s0 =	simm.s32 @!p0 $0xB  }
0xed: {  	_ =	swait.ge @!p0 [sflag:s0], s1  }
0xee: {  	s1 =	ssub.s32 @!p0 $0x0, s1;
	[sflag:s0] =	ssyncset.done @!p0 $0x0  }
0xef: {  	[sflag:s0] =	ssyncadd.s32 @!p0 s1  }
0xf0: {  	[bflag:$0x3] =	sbarrier.arrive $0xFFFF  }
0xf1: {  	_ =	shalt  }

// kernel: kernel.26.cloned.1.call-start
scs
__scs_entry_jumppad:
0x0: {  	(pc) =	sbr.rel $0x88, $3  }
0x1: {  	(tag) =	ssettag $0x0;
	lr =	simm.s32 $0x1  }
0x2: {  	[smem:$0x3F97] =	sst lr;
	_ =	strace $0xD0000000  }
0x3: {  	_ = 	snop  }
0x4: {  	_ = 	snop  }
0x5: {  	_ = 	snop  }
0x6: {  	_ = 	snop  }
0x7: {  	_ = 	snop  }
__scs_overlays_trampoline_lowered:
0x8: {  	[smem:$0x3FA6] =	sst s0  }
0x9: {  	[smem:$0x3FA7] =	sst s1  }
0xa: {  	[smem:$0x3FA8] =	sst s2  }
0xb: {  	[smem:$0x3FA9] =	sst s3  }
0xc: {  	[smem:$0x3FAA] =	sst s4  }
0xd: {  	[smem:$0x3FAB] =	sst s5  }
0xe: {  	[smem:$0x3FAC] =	sst s6  }
0xf: {  	[smem:$0x3FAD] =	sst s7  }
0x10: {  	[smem:$0x3FAE] =	sst s8  }
0x11: {  	[smem:$0x3FAF] =	sst s9;
	s0 =	simm.s32 @!p0 $0x0  }
0x12: {  	s1 =	sld [smem:$0x3F95];
	s0 =	simm.s32 @p0 $0x1  }
0x13: {  	[smem:$0x3FB0] =	sst s0;
	s0 =	simm.s32 @!p1 $0x0  }
0x14: {  	s2 =	sld [smem:$0x3F94];
	s0 =	simm.s32 @p1 $0x1  }
0x15: {  	[smem:$0x3FB1] =	sst s0;
	s0 =	simm.s32 @!p2 $0x0  }
0x16: {  	s3 =	sld [smem:$0x3FDB];
	s0 =	simm.s32 @p2 $0x1  }
0x17: {  	s4 =	simm.s32 $0x1BF5;
	[smem:$0x3FB3] =	sst s0  }
0x18: {  	s0 =	sld [smem:$0x3F96];
	_ =	swait.ge [sflag:s4], $0x0  }
0x19: {  	s7 =	sld [smem:$0x3F97]  }
0x1a: {  	s8 =	sadd.s32 $0xFFFFE003, lr  }
0x1b: {  	s9 =	sadd.s32 $0xFFFFFEF7, lr;
	s5 =	simm.s32 $0xFFFFFFFF;
	p2 =	slt.u32 s8, $0xFFFFF086  }
0x1c: {  	p1 =	slt.u32 s9, $0xF7A;
	s5 =	simm.s32 @!p2 $0x0  }
0x1d: {  	s5 =	simm.s32 @p1 $0x1;
	p0 =	seq.s32 s7, s2  }
0x1e: {  	s7 =	smul.u32 @!p0 $0xF7A, s2;
	p2 =	seq.s32 @!p0 s5, $0x0  }
0x1f: {  	s9 =	smul.u32 $0xF7A, s1;
	s8 =	simm.s32 @!p0 $0x1BF5;
	p2 =	por !p2, p0  }
0x20: {  	[sflag:s8] =	ssyncset.s32 @!p0 $0xFFFFF086;
	s6 =	sadd.s32 @!p0 s3, s7;
	s7 =	simm.s32 @!p0 $0x108  }
0x21: {  	s3 =	sadd.s32 s3, s9;
	s6 =	sadd.s32 @!p0 $0x88, s6;
	s7 =	simm.s32 @p2 $0x1082  }
0x22: {  	[simem:s7], [sflag:s8] =	dma.local @!p0 [hbm:s6], $0xF7A  }
0x23: {  	s9 =	sor.u32 $0xD0000000, s2;
	s6 =	simm.s32 $0x108;
	_ =	swait.ge @!p0 [sflag:s8], $0x0  }
0x24: {  	s3 =	sadd.s32 $0x88, s3;
	s6 =	simm.s32 @!p1 $0x1082;
	[sflag:s4] =	ssyncset.s32 $0xFFFFF086  }
0x25: {  	[simem:s6], [sflag:s4] =	dma.local [hbm:s3], $0xF7A  }
0x26: {  	[smem:$0x3F97] =	sst s1;
	(tag) =	ssettag s2;
	_ =	strace s9  }
0x27: {  	s1 =	sld [smem:$0x3FA7]  }
0x28: {  	s2 =	sld [smem:$0x3FA8]  }
0x29: {  	s4 =	sld [smem:$0x3FAA]  }
0x2a: {  	p0 =	seq.s32 s5, $0x0;
	s5 =	sld [smem:$0x3FAB]  }
0x2b: {  	s6 =	sld [smem:$0x3FAC]  }
0x2c: {  	s7 =	sld [smem:$0x3FAD]  }
0x2d: {  	s3 =	simm.s32 $0x108;
	s8 =	sld [smem:$0x3FAE]  }
0x2e: {  	s3 =	simm.s32 @!p0 $0x1082;
	s9 =	sld [smem:$0x3FAF]  }
0x2f: {  	lr =	sadd.s32 s0, s3;
	s0 =	sld [smem:$0x3FA6]  }
0x30: {  	s3 =	sld [smem:$0x3FA9]  }
0x31: {  	[smem:$0x3FB2] =	sst s10  }
0x32: {  	s10 =	sld [smem:$0x3FB0];
	_ =	sdelay $0x3  }
0x33: {  	p0 =	seq.s32 s10, $0x1;
	s10 =	sld [smem:$0x3FB2];
	_ =	sdelay $0x3  }
0x34: {  	[smem:$0x3FB2] =	sst s10  }
0x35: {  	s10 =	sld [smem:$0x3FB1];
	_ =	sdelay $0x3  }
0x36: {  	p1 =	seq.s32 s10, $0x1;
	s10 =	sld [smem:$0x3FB2];
	_ =	sdelay $0x3  }
0x37: {  	[smem:$0x3FB2] =	sst s10  }
0x38: {  	s10 =	sld [smem:$0x3FB3]  }
0x39: {  	_ = 	snop;
	(pc) =	sbr.ind lr, $3  }
0x3a: {  	_ = 	snop  }
0x3b: {  	_ = 	snop  }
0x3c: {  	p2 =	seq.s32 s10, $0x1;
	s10 =	sld [smem:$0x3FB2]  }
0x3d: {  	_ =	shalt  }
0x3e: {  	_ =	shalt  }
0x3f: {  	_ =	shalt  }
0x40: {  	_ =	shalt  }
0x41: {  	_ =	shalt  }
0x42: {  	_ =	shalt  }
0x43: {  	_ =	shalt  }
0x44: {  	_ =	shalt  }
0x45: {  	_ =	shalt  }
0x46: {  	_ =	shalt  }
0x47: {  	_ =	shalt  }
0x48: {  	_ =	shalt  }
0x49: {  	_ =	shalt  }
0x4a: {  	_ =	shalt  }
0x4b: {  	_ =	shalt  }
0x4c: {  	_ =	shalt  }
0x4d: {  	_ =	shalt  }
0x4e: {  	_ =	shalt  }
0x4f: {  	_ =	shalt  }
0x50: {  	_ =	shalt  }
0x51: {  	_ =	shalt  }
0x52: {  	_ =	shalt  }
0x53: {  	_ =	shalt  }
0x54: {  	_ =	shalt  }
0x55: {  	_ =	shalt  }
0x56: {  	_ =	shalt  }
0x57: {  	_ =	shalt  }
0x58: {  	_ =	shalt  }
0x59: {  	_ =	shalt  }
0x5a: {  	_ =	shalt  }
0x5b: {  	_ =	shalt  }
0x5c: {  	_ =	shalt  }
0x5d: {  	_ =	shalt  }
0x5e: {  	_ =	shalt  }
0x5f: {  	_ =	shalt  }
0x60: {  	_ =	shalt  }
0x61: {  	_ =	shalt  }
0x62: {  	_ =	shalt  }
0x63: {  	_ =	shalt  }
0x64: {  	_ =	shalt  }
0x65: {  	_ =	shalt  }
0x66: {  	_ =	shalt  }
0x67: {  	_ =	shalt  }
0x68: {  	_ =	shalt  }
0x69: {  	_ =	shalt  }
0x6a: {  	_ =	shalt  }
0x6b: {  	_ =	shalt  }
0x6c: {  	_ =	shalt  }
0x6d: {  	_ =	shalt  }
0x6e: {  	_ =	shalt  }
0x6f: {  	_ =	shalt  }
0x70: {  	_ =	shalt  }
0x71: {  	_ =	shalt  }
0x72: {  	_ =	shalt  }
0x73: {  	_ =	shalt  }
0x74: {  	_ =	shalt  }
0x75: {  	_ =	shalt  }
0x76: {  	_ =	shalt  }
0x77: {  	_ =	shalt  }
0x78: {  	_ =	shalt  }
0x79: {  	_ =	shalt  }
0x7a: {  	_ =	shalt  }
0x7b: {  	_ =	shalt  }
0x7c: {  	_ =	shalt  }
0x7d: {  	_ =	shalt  }
0x7e: {  	_ =	shalt  }
0x7f: {  	_ =	shalt  }
0x80: {  	_ =	shalt  }
0x81: {  	_ =	shalt  }
0x82: {  	_ =	shalt  }
0x83: {  	_ =	shalt  }
0x84: {  	_ =	shalt  }
0x85: {  	_ =	shalt  }
0x86: {  	_ =	shalt  }
0x87: {  	_ =	shalt  }
.Lfunc_end0:
.L_simem_size_0:
called_computation.4_lowered:
.L_overlay_start_0:
0x88: {  	s2 =	sld [smem:$0x3FD9]  }
0x89: {  	s3 =	sld [smem:$0x3FFE];
	_ =	sdelay $0x1  }
0x8a: {  	s1 =	srdreg.scid  }
0x8b: {  	s0 =	sand.u32 $0x1, s1  }
0x8c: {  	s17 =	sshll.u32 s0, $0xA;
	s2 =	sadd.s32 s3, s2  }
0x8d: {  	s2 =	sadd.s32 s2, s17  }
0x8e: {  	[smem:$0x3FBE] =	sst s2  }
0x8f: {  	_ = 	snop  }
0x90: {  	s2 =	sld [smem:$0x3FD0];
	(tm) =	ssettm $0x1  }
0x91: {  	s18 =	sld [smem:$0x3FFB];
	_ =	sdelay $0x3  }
0x92: {  	_ =	strace s18  }
0x93: {  	s3 =	sld [smem:$0x3FFC];
	_ =	sdelay $0x3  }
0x94: {  	_ =	strace s3  }
0x95: {  	s3 =	sld [smem:$0x3FFD];
	_ =	sdelay $0x3  }
0x96: {  	_ =	strace s3  }
0x97: {  	_ =	strace $0x8FFFFFFF  }
0x98: {  	s19 =	sld [smem:$0x3FDB];
	_ =	sdelay $0x1  }
0x99: {  	s4 =	simm.s32 $_scs_section_size  }
0x9a: {  	s5 =	simm.s32 $_size__tile_overlayer_lowered;
	s6 =	simm.s32 $_tile_overlayer_lowered  }
0x9b: {  	s22 =	simm.s32 $0x1BFF;
	s21 =	sshll.u32 s6, $0x1;
	s3 =	sadd.s32 s4, s19  }
0x9c: {  	s7 =	simm.s32 $0x0;
	s20 =	sshll.u32 s5, $0x1;
	s5 =	sadd.s32 s21, s3  }
0x9d: {  	[timem:s7], [sflag:s22] =	dma.local [hbm:s5], s20  }
0x9e: {  	_ =	swait.ge [sflag:s22], s20  }
0x9f: {  	s4 =	ssub.s32 $0x0, s20;
	[sflag:s22] =	ssyncset.done $0x0  }
0xa0: {  	[sflag:s22] =	ssyncadd.s32 s4;
	_ =	sdelay $0x1  }
0xa1: {  	s23 =	simm.s32 $0x1B8B  }
0xa2: {  	_ =	swait.ge [sflag:s23], $0x1  }
0xa3: {  	[sflag:s23] =	ssyncset.done $0x0  }
0xa4: {  	s25 =	simm.s32 $0x1B8E;
	s24 =	sld [smem:$0x3FFE];
	[sflag:s23] =	ssyncadd.s32 $0xFFFFFFFF  }
0xa5: {  	s26 =	simm.s32 $execute0_lowered;
	[smem:$0x3FD2] =	sst s25  }
0xa6: {  	s5 =	sshll.u32 s26, $0x1;
	_ =	strace $0x80000052;
	[dreg:$0x1] =	wrdreg $0xFFFFFFFF  }
0xa7: {  	s28 =	simm.s32 $_size_execute0_lowered;
	s3 =	sadd.s32 s3, s5;
	[dreg:$0x0] =	wrdreg $0x0  }
0xa8: {  	s5 =	sshll.u32 s28, $0x1;
	[dreg:$0x2] =	wrdreg s3  }
0xa9: {  	[dreg:$0x3] =	wrdreg s5  }
0xaa: {  	[dreg:$0x4] =	wrdreg $0xC0  }
0xab: {  	_ =	task [dreg:s7], $0x5FFFF  }
0xac: {  	[dreg:$0x1] =	wrdreg $0xFFFFFFFF  }
0xad: {  	[dreg:$0x0] =	wrdreg $0x60  }
0xae: {  	[dreg:$0x2] =	wrdreg s24  }
0xaf: {  	[dreg:$0x3] =	wrdreg s2  }
0xb0: {  	[dreg:$0x4] =	wrdreg $0xA1000  }
0xb1: {  	[dreg:$0x5] =	wrdreg $0x9  }
0xb2: {  	_ =	task.clear_ibuf [dreg:s7], $0x6FFFF;
	_ =	strace $0x90000052  }
0xb3: {  	s29 =	simm.s32 $0x9;
	_ =	strace $0x80000054  }
0xb4: {  	_ =	swait.ge [sflag:s29], $0x1  }
0xb5: {  	[sflag:s29] =	ssyncadd.s32 $0xFFFFFFFF  }
0xb6: {  	_ =	strace $0x90000054  }
0xb7: {  	_ =	sfence  }
0xb8: {  	s30 =	sld [smem:$0x0];
	_ =	sdelay $0x2  }
0xb9: {  	s31 =	sshll.u32 s1, $0xD;
	s1 =	sshrl.u32 s1, $0x2  }
0xba: {  	s3 =	sand.u32 $0x4000, s31;
	s1 =	sadd.s32 s1, s30  }
0xbb: {  	s0 =	sor.u32 s3, s0;
	s1 =	sshll.u32 s1, $0x11  }
0xbc: {  	s0 =	sor.u32 s1, s0  }
0xbd: {  	s0 =	sadd.s32 $0x8F2B, s0  }
0xbe: {  	[sflag:s0] =	ssyncadd.remote.s32 $0x1  }
0xbf: {  	_ =	sfence.sel $0xFFFF  }
0xc0: {  	[dreg:$0x0] =	wrdreg $0xFFFFFFFF;
	(pc) =	sbr.abs _section_cstart, $3  }
0xc1: {  	[dreg:$0x1] =	wrdreg $0xFFFFFFFF  }
0xc2: {  	_ =	task.clear_ibuf [dreg:s7], $0x2FFFF;
	_ =	strace $0x9FFFFFFF  }
0xc3: {  	(tm) =	ssettm $0x7FFFFFFF  }
tec
execute0_lowered:
.L_overlay_start_1:
0x0: {  	(tag) =	ssettag $0x1  }
0x1: {  	s0 =	srdreg.scid;
	s1 =	rddreg [dreg:$0x0]  }
0x2: {  	s11 =	stileid.u32;
	s3 =	rddreg [dreg:$0x2]  }
0x3: {  	s4 =	simm.s32 $0x0;
	s28 =	simm.s32 $0x2880;
	s8 =	smul.u32 $0x6400, s11  }
0x4: {  	s30 =	simm.s32 $0x1;
	s31 =	simm.s32 $0x7;
	s18 =	smul.u32 $0xA000, s11  }
0x5: {  	s29 =	simm.s32 $0x8;
	s0 =	sand.u32 $0x1, s0;
	s21 =	smul.u32 $0x9C4, s11  }
0x6: {  	s2 =	sshll.u32 s11, $0x1;
	[smem:$0x7FF] =	sst s4;
	s24 =	smul.u32 $0x19000, s11  }
0x7: {  	s5 =	sadd.s32 $0x18800, s1;
	s10 =	sadd.s32 $0x4C00, s1;
	s7 =	smul.u32 $0x138800, s0  }
0x8: {  	s2 =	sor.u32 s0, s2;
	s13 =	ssub.s32 $0x2, s0;
	s0 =	smul.u32 $0x4E2, s0  }
0x9: {  	s16 =	ssub.s32 $0x8C, s11;
	s22 =	ssub.s32 $0x41, s11;
	s6 =	smul.u32 $0x4E2, s2  }
0xa: {  	_ =	strace $0x80000053;
	s2 =	smul.u32 $0x2710, s2;
	s14 =	sshrl.u32 s13, $0x1  }
0xb: {  	s23 =	sadd.s32 s21, s10;
	s26 =	sshrl.u32 s24, $0x2;
	s21 =	simm.s32 $0x50  }
0xc: {  	s24 =	simm.s32 $0x5100;
	s7 =	sadd.s32 s8, s7;
	s0 =	sadd.s32 s0, s23  }
0xd: {  	s23 =	simm.s32 $0x2800;
	s8 =	simm.s32 $0x6;
	s9 =	sadd.s32 s6, s1  }
0xe: {  	s7 =	sshrl.u32 s7, $0x3;
	s2 =	sshrl.u32 s2, $0x3;
	s6 =	sadd.s32 s10, s6  }
0xf: {  	s1 =	sadd.s32 s7, s1;
	s7 =	ssub.s32 s13, s14;
	s15 =	sadd.s32 $0xEA00, s9  }
0x10: {  	[dreg:$0x5] =	wrdreg s6;
	s2 =	sadd.s32 s10, s2;
	s9 =	sshrl.u32 s16, $0x4  }
0x11: {  	s13 =	sshrl.u32 s22, $0x4;
	s6 =	sshrl.u32 s18, $0x2;
	s16 =	sadd.s32 $0x32, s0  }
0x12: {  	s0 =	sadd.s32 s26, s3;
	s22 =	simm.s32 $0x2900;
	[dreg:$0x4] =	wrdreg s15  }
0x13: {  	s26 =	simm.s32 $0xA;
	s17 =	sadd.s32 $0xA, s2;
	[dreg:$0xc] =	wrdreg s0  }
0x14: {  	s10 =	simm.s32 $0x0;
	s19 =	sadd.s32 $0x14, s2;
	[dreg:$0x6] =	wrdreg s17  }
0x15: {  	s20 =	sadd.s32 $0x4CE, s2;
	s2 =	sadd.s32 $0x4D8, s2;
	[dreg:$0x7] =	wrdreg s19  }
0x16: {  	s7 =	smax.u32 s7, $0x1;
	s25 =	sadd.s32 s6, s3;
	[dreg:$0x8] =	wrdreg s20  }
0x17: {  	s15 =	sadd.s32 $0x3FA00, s1;
	s1 =	simm.s32 $0x4;
	[dreg:$0x9] =	wrdreg s2  }
0x18: {  	s0 =	simm.s32 $0x5;
	s6 =	simm.s32 $0x3;
	[dreg:$0xa] =	wrdreg s7  }
0x19: {  	[dreg:$0xb] =	wrdreg s25;
	s19 =	simm.s32 $0xB;
	s20 =	simm.s32 $0x2780  }
0x1a: {  	s25 =	simm.s32 $0x7900;
	s2 =	simm.s32 $0x2;
	s7 =	simm.s32 $0x9  }
.LBB2_1:
0x1b: {  	s11 =	rddreg [dreg:$0x4]  }
0x1c: {  	[tilespmem:s4], [sflag:$0xB] =	stream.linear.gather [hbm4b:s11+s4], $0x2710, $0x38;
	[tilespmem:$0x1D980] =	vst v63  }
0x1d: {  	_ =	swait.ge [sflag:s19], $0x2710  }
0x1e: {  	[sflag:s19] =	ssyncset.done $0x0  }
0x1f: {  	s14 =	rddreg [dreg:$0x5];
	[sflag:s19] =	ssyncadd.s32 $0xFFFFD8F0  }
0x20: {  	[tilespmem:s20], [sflag:$0x7] =	stream.linear.gather [hbm4b:s14+s4], $0x50, $0x38;
	[tilespmem:$0x1D980] =	vst v63  }
0x21: {  	_ = 	snop  }
0x22: {  	[tilespmem:s22], [sflag:$0x1] =	stream.indirect.gather [hbm4b:s5+s21], $0x80, s4, s21, $0xb8;
	[tilespmem:$0x1D980] =	vst v63  }
0x23: {  	s17 =	rddreg [dreg:$0x6]  }
0x24: {  	[tilespmem:s23], [sflag:$0x8] =	stream.linear.gather [hbm4b:s17+s4], $0x50, $0x38;
	[tilespmem:$0x1D980] =	vst v63  }
0x25: {  	_ = 	snop  }
0x26: {  	[tilespmem:s24], [sflag:$0x2] =	stream.indirect.gather [hbm4b:s5+s21], $0x80, s21, s21, $0xb8;
	[tilespmem:$0x1D980] =	vst v63  }
0x27: {  	p0 =	sne.s32 s9, $0x1;
	s18 =	rddreg [dreg:$0x1]  }
0x28: {  	[tilespmem:s25], [sflag:$0xB] =	stream.linear.gather [hbm4b:s18+s4], $0x2800, $0x38;
	[tilespmem:$0x1D980] =	vst v63  }
.Ltmp0:
0x29: {  	_ = 	snop;
	(pc) =	sbr.rel @!p0 .LBB2_3-.Ltmp0, $4  }
0x2a: {  	_ =	swait.ge [sflag:s19], $0x2800  }
0x2b: {  	[sflag:s19] =	ssyncset.done $0x0  }
0x2c: {  	s11 =	sadd.s32 $0xFFFFFFFF, s9;
	s12 =	rddreg [dreg:$0xb];
	[sflag:s19] =	ssyncadd.s32 $0xFFFFD800  }
0x2d: {  	[spmem:s12] =	stream.linear.scatter [tilespmem:s25], [sflag:$0xA], $0x2800, $0x38;
	[tilespmem:$0x1D980] =	vst v63  }
.LBB2_2:
0x2e: {  	p1 =	sne.s32 s11, $0x1  }
.Ltmp1:
0x2f: {  	_ = 	snop;
	(pc) =	sbr.rel @p1 .LBB2_2-.Ltmp1, $3  }
0x30: {  	_ = 	snop  }
0x31: {  	s11 =	sadd.s32 $0xFFFFFFFF, s11;
	s12 =	sadd.s32 $0x28000, s12;
	_ =	sdelay $0x1  }
0x32: {  	[spmem:s12] =	stream.linear.scatter [tilespmem:s25], [sflag:$0xA], $0x2800, $0x38;
	[tilespmem:$0x1D980] =	vst v63  }
.LBB2_3:
.Ltmp2:
0x33: {  	(pc) =	sbr.rel @!p0 .LBB2_5-.Ltmp2, $3  }
0x34: {  	_ =	sdelay $0x1  }
0x35: {  	_ =	swait.ge [sflag:s26], $0x2800  }
0x36: {  	s11 =	sadd.s32 $0xFFFFFFFF, s9;
	[sflag:s26] =	ssyncset.done $0x0  }
.LBB2_4:
0x37: {  	p0 =	sne.s32 s11, $0x1;
	s11 =	sadd.s32 $0xFFFFFFFF, s11;
	[sflag:s26] =	ssyncadd.s32 $0xFFFFD800  }
.Ltmp3:
0x38: {  	(pc) =	sbr.rel @p0 .LBB2_4-.Ltmp3, $3  }
0x39: {  	_ =	sdelay $0x1  }
0x3a: {  	_ =	swait.ge [sflag:s26], $0x2800  }
0x3b: {  	[sflag:s26] =	ssyncset.done $0x0  }
.LBB2_5:
0x3c: {  	[sflag:s26] =	ssyncadd.s32 $0xFFFFD800  }
0x3d: {  	[bflag:$0x0] =	sbarrier.arrive $0xFFFF  }
0x3e: {  	s11 =	simm.s32 $0x0;
	s12 =	rddreg [dreg:$0x7]  }
0x3f: {  	[tilespmem:s28], [sflag:$0x9] =	stream.linear.gather [hbm4b:s12+s11], $0x50, $0x38;
	[tilespmem:$0x1D980] =	vst v63  }
0x40: {  	s18 =	simm.s32 $0xA0  }
0x41: {  	[tilespmem:s25], [sflag:$0x3] =	stream.indirect.gather [hbm4b:s5+s21], $0x80, s18, s21, $0xb8;
	[tilespmem:$0x1D980] =	vst v63  }
0x42: {  	_ =	swait.ge [sflag:s30], $0x2800  }
0x43: {  	[sflag:s30] =	ssyncset.done $0x0  }
0x44: {  	[sflag:s30] =	ssyncadd.s32 $0xFFFFD800  }
0x45: {  	_ =	swait.ge [sflag:s31], $0x50  }
0x46: {  	[sflag:s31] =	ssyncset.done $0x0  }
0x47: {  	[sflag:s31] =	ssyncadd.s32 $0xFFFFFFB0  }
0x48: {  	[spmem:s3] =	stream.indirect.scatter.add.f32 [tilespmem:s22], [sflag:$0x4], $0x80, s20, s21, $0xb8;
	[tilespmem:$0x1D980] =	vst v63  }
0x49: {  	_ =	swait.ge [sflag:s1], $0x2800  }
0x4a: {  	[sflag:s1] =	ssyncset.done $0x0  }
0x4b: {  	s12 =	sadd.s32 $0xFFFFFFEC, s16;
	[sflag:s1] =	ssyncadd.s32 $0xFFFFD800  }
0x4c: {  	[tilespmem:s20], [sflag:$0x7] =	stream.linear.gather [hbm4b:s12+s4], $0x50, $0x38;
	[tilespmem:$0x1D980] =	vst v63  }
0x4d: {  	s14 =	simm.s32 $0xF0  }
0x4e: {  	[tilespmem:s22], [sflag:$0x1] =	stream.indirect.gather [hbm4b:s5+s21], $0x80, s14, s21, $0xb8;
	[tilespmem:$0x1D980] =	vst v63  }
0x4f: {  	_ =	swait.ge [sflag:s2], $0x2800  }
0x50: {  	[sflag:s2] =	ssyncset.done $0x0  }
0x51: {  	[sflag:s2] =	ssyncadd.s32 $0xFFFFD800  }
0x52: {  	_ =	swait.ge [sflag:s29], $0x50  }
0x53: {  	[sflag:s29] =	ssyncset.done $0x0  }
0x54: {  	[sflag:s29] =	ssyncadd.s32 $0xFFFFFFB0  }
0x55: {  	[spmem:s3] =	stream.indirect.scatter.add.f32 [tilespmem:s24], [sflag:$0x5], $0x80, s23, s21, $0xb8;
	[tilespmem:$0x1D980] =	vst v63  }
0x56: {  	_ =	swait.ge [sflag:s0], $0x2800  }
0x57: {  	[sflag:s0] =	ssyncset.done $0x0  }
0x58: {  	s17 =	sadd.s32 $0xFFFFFFF6, s16;
	[sflag:s0] =	ssyncadd.s32 $0xFFFFD800  }
0x59: {  	[tilespmem:s23], [sflag:$0x8] =	stream.linear.gather [hbm4b:s17+s4], $0x50, $0x38;
	[tilespmem:$0x1D980] =	vst v63  }
0x5a: {  	s18 =	simm.s32 $0x140  }
0x5b: {  	[tilespmem:s24], [sflag:$0x2] =	stream.indirect.gather [hbm4b:s5+s21], $0x80, s18, s21, $0xb8;
	[tilespmem:$0x1D980] =	vst v63  }
0x5c: {  	_ =	swait.ge [sflag:s6], $0x2800  }
0x5d: {  	[sflag:s6] =	ssyncset.done $0x0  }
0x5e: {  	[sflag:s6] =	ssyncadd.s32 $0xFFFFD800  }
0x5f: {  	_ =	swait.ge [sflag:s7], $0x50  }
0x60: {  	[sflag:s7] =	ssyncset.done $0x0  }
0x61: {  	[sflag:s7] =	ssyncadd.s32 $0xFFFFFFB0  }
0x62: {  	[spmem:s3] =	stream.indirect.scatter.add.f32 [tilespmem:s25], [sflag:$0x6], $0x80, s28, s21, $0xb8;
	[tilespmem:$0x1D980] =	vst v63  }
0x63: {  	_ =	swait.ge [sflag:s8], $0x2800  }
0x64: {  	s11 =	simm.s32 $0x3C0;
	[sflag:s8] =	ssyncset.done $0x0  }
0x65: {  	s12 =	sadd.s32 $0x1E, s16;
	s14 =	simm.s32 $0x190;
	[sflag:s8] =	ssyncadd.s32 $0xFFFFD800  }
0x66: {  	[tilespmem:s28], [sflag:$0x9] =	stream.linear.gather [hbm4b:s16+s4], $0x50, $0x38;
	[tilespmem:$0x1D980] =	vst v63  }
.LBB2_6:
0x67: {  	[tilespmem:s25], [sflag:$0x3] =	stream.indirect.gather [hbm4b:s5+s21], $0x80, s14, s21, $0xb8;
	[tilespmem:$0x1D980] =	vst v63  }
0x68: {  	s14 =	smov.u32 s11  }
0x69: {  	p0 =	sne.s32 s11, $0x9240;
	s11 =	sadd.s32 $0x3C0, s11;
	_ =	swait.ge [sflag:s30], $0x2800  }
0x6a: {  	[sflag:s30] =	ssyncset.done $0x0  }
0x6b: {  	[sflag:s30] =	ssyncadd.s32 $0xFFFFD800  }
0x6c: {  	_ =	swait.ge [sflag:s31], $0x50  }
0x6d: {  	[sflag:s31] =	ssyncset.done $0x0  }
0x6e: {  	[sflag:s31] =	ssyncadd.s32 $0xFFFFFFB0  }
0x6f: {  	[spmem:s3] =	stream.indirect.scatter.add.f32 [tilespmem:s22], [sflag:$0x4], $0x80, s20, s21, $0xb8;
	[tilespmem:$0x1D980] =	vst v63  }
0x70: {  	_ =	swait.ge [sflag:s1], $0x2800  }
0x71: {  	[sflag:s1] =	ssyncset.done $0x0  }
0x72: {  	s17 =	sadd.s32 $0xFFFFFFEC, s12;
	s14 =	sshra.s32 s14, $0x2;
	[sflag:s1] =	ssyncadd.s32 $0xFFFFD800  }
0x73: {  	[tilespmem:s20], [sflag:$0x7] =	stream.linear.gather [hbm4b:s17+s4], $0x50, $0x38;
	[tilespmem:$0x1D980] =	vst v63  }
0x74: {  	s17 =	sadd.s32 $0xF0, s14  }
0x75: {  	[tilespmem:s22], [sflag:$0x1] =	stream.indirect.gather [hbm4b:s5+s21], $0x80, s17, s21, $0xb8;
	[tilespmem:$0x1D980] =	vst v63  }
0x76: {  	_ =	swait.ge [sflag:s2], $0x2800  }
0x77: {  	[sflag:s2] =	ssyncset.done $0x0  }
0x78: {  	[sflag:s2] =	ssyncadd.s32 $0xFFFFD800  }
0x79: {  	_ =	swait.ge [sflag:s29], $0x50  }
0x7a: {  	[sflag:s29] =	ssyncset.done $0x0  }
0x7b: {  	[sflag:s29] =	ssyncadd.s32 $0xFFFFFFB0  }
0x7c: {  	[spmem:s3] =	stream.indirect.scatter.add.f32 [tilespmem:s24], [sflag:$0x5], $0x80, s23, s21, $0xb8;
	[tilespmem:$0x1D980] =	vst v63  }
0x7d: {  	_ =	swait.ge [sflag:s0], $0x2800  }
0x7e: {  	[sflag:s0] =	ssyncset.done $0x0  }
0x7f: {  	s17 =	sadd.s32 $0xFFFFFFF6, s12;
	[sflag:s0] =	ssyncadd.s32 $0xFFFFD800  }
0x80: {  	[tilespmem:s23], [sflag:$0x8] =	stream.linear.gather [hbm4b:s17+s4], $0x50, $0x38;
	[tilespmem:$0x1D980] =	vst v63  }
0x81: {  	s17 =	sadd.s32 $0x140, s14  }
0x82: {  	[tilespmem:s24], [sflag:$0x2] =	stream.indirect.gather [hbm4b:s5+s21], $0x80, s17, s21, $0xb8;
	[tilespmem:$0x1D980] =	vst v63  }
0x83: {  	_ =	swait.ge [sflag:s6], $0x2800  }
0x84: {  	[sflag:s6] =	ssyncset.done $0x0  }
0x85: {  	[sflag:s6] =	ssyncadd.s32 $0xFFFFD800  }
0x86: {  	_ =	swait.ge [sflag:s7], $0x50  }
0x87: {  	[sflag:s7] =	ssyncset.done $0x0  }
0x88: {  	[sflag:s7] =	ssyncadd.s32 $0xFFFFFFB0  }
0x89: {  	[spmem:s3] =	stream.indirect.scatter.add.f32 [tilespmem:s25], [sflag:$0x6], $0x80, s28, s21, $0xb8;
	[tilespmem:$0x1D980] =	vst v63  }
.Ltmp4:
0x8a: {  	_ =	swait.ge [sflag:s8], $0x2800;
	(pc) =	sbr.rel @p0 .LBB2_6-.Ltmp4, $4  }
0x8b: {  	[sflag:s8] =	ssyncset.done $0x0  }
0x8c: {  	[sflag:s8] =	ssyncadd.s32 $0xFFFFD800  }
0x8d: {  	[tilespmem:s28], [sflag:$0x9] =	stream.linear.gather [hbm4b:s12+s4], $0x50, $0x38;
	[tilespmem:$0x1D980] =	vst v63  }
0x8e: {  	s14 =	sadd.s32 $0x190, s14;
	s12 =	sadd.s32 $0x1E, s12  }
0x8f: {  	[tilespmem:s25], [sflag:$0x3] =	stream.indirect.gather [hbm4b:s5+s21], $0x80, s14, s21, $0xb8;
	[tilespmem:$0x1D980] =	vst v63  }
0x90: {  	_ =	swait.ge [sflag:s30], $0x2800  }
0x91: {  	[sflag:s30] =	ssyncset.done $0x0  }
0x92: {  	[sflag:s30] =	ssyncadd.s32 $0xFFFFD800  }
0x93: {  	_ =	swait.ge [sflag:s31], $0x50  }
0x94: {  	[sflag:s31] =	ssyncset.done $0x0  }
0x95: {  	[sflag:s31] =	ssyncadd.s32 $0xFFFFFFB0  }
0x96: {  	[spmem:s3] =	stream.indirect.scatter.add.f32 [tilespmem:s22], [sflag:$0x4], $0x80, s20, s21, $0xb8;
	[tilespmem:$0x1D980] =	vst v63  }
0x97: {  	_ =	swait.ge [sflag:s1], $0x2800  }
0x98: {  	[sflag:s1] =	ssyncset.done $0x0  }
0x99: {  	s11 =	rddreg [dreg:$0x8];
	[sflag:s1] =	ssyncadd.s32 $0xFFFFD800  }
0x9a: {  	[tilespmem:s20], [sflag:$0x7] =	stream.linear.gather [hbm4b:s11+s4], $0x50, $0x38;
	[tilespmem:$0x1D980] =	vst v63  }
0x9b: {  	s18 =	simm.s32 $0x2670  }
0x9c: {  	[tilespmem:s22], [sflag:$0x1] =	stream.indirect.gather [hbm4b:s5+s21], $0x80, s18, s21, $0xb8;
	[tilespmem:$0x1D980] =	vst v63  }
0x9d: {  	_ =	swait.ge [sflag:s2], $0x2800  }
0x9e: {  	[sflag:s2] =	ssyncset.done $0x0  }
0x9f: {  	[sflag:s2] =	ssyncadd.s32 $0xFFFFD800  }
0xa0: {  	_ =	swait.ge [sflag:s29], $0x50  }
0xa1: {  	[sflag:s29] =	ssyncset.done $0x0  }
0xa2: {  	[sflag:s29] =	ssyncadd.s32 $0xFFFFFFB0  }
0xa3: {  	[spmem:s3] =	stream.indirect.scatter.add.f32 [tilespmem:s24], [sflag:$0x5], $0x80, s23, s21, $0xb8;
	[tilespmem:$0x1D980] =	vst v63  }
0xa4: {  	_ =	swait.ge [sflag:s0], $0x2800  }
0xa5: {  	[sflag:s0] =	ssyncset.done $0x0  }
0xa6: {  	s12 =	rddreg [dreg:$0x9];
	[sflag:s0] =	ssyncadd.s32 $0xFFFFD800  }
0xa7: {  	[tilespmem:s23], [sflag:$0x8] =	stream.linear.gather [hbm4b:s12+s4], $0x50, $0x38;
	[tilespmem:$0x1D980] =	vst v63  }
0xa8: {  	s14 =	simm.s32 $0x26C0  }
0xa9: {  	[tilespmem:s24], [sflag:$0x2] =	stream.indirect.gather [hbm4b:s5+s21], $0x80, s14, s21, $0xb8;
	[tilespmem:$0x1D980] =	vst v63  }
0xaa: {  	_ =	swait.ge [sflag:s6], $0x2800  }
0xab: {  	[sflag:s6] =	ssyncset.done $0x0  }
0xac: {  	[sflag:s6] =	ssyncadd.s32 $0xFFFFD800  }
0xad: {  	_ =	swait.ge [sflag:s7], $0x50  }
0xae: {  	[sflag:s7] =	ssyncset.done $0x0  }
0xaf: {  	[sflag:s7] =	ssyncadd.s32 $0xFFFFFFB0  }
0xb0: {  	[spmem:s3] =	stream.indirect.scatter.add.f32 [tilespmem:s25], [sflag:$0x6], $0x80, s28, s21, $0xb8;
	[tilespmem:$0x1D980] =	vst v63  }
0xb1: {  	_ =	swait.ge [sflag:s8], $0x2800  }
0xb2: {  	[sflag:s8] =	ssyncset.done $0x0  }
0xb3: {  	[sflag:s8] =	ssyncadd.s32 $0xFFFFD800  }
0xb4: {  	_ =	swait.ge [sflag:s30], $0x2800  }
0xb5: {  	[sflag:s30] =	ssyncset.done $0x0  }
0xb6: {  	[sflag:s30] =	ssyncadd.s32 $0xFFFFD800  }
0xb7: {  	_ =	swait.ge [sflag:s31], $0x50  }
0xb8: {  	[sflag:s31] =	ssyncset.done $0x0  }
0xb9: {  	[sflag:s31] =	ssyncadd.s32 $0xFFFFFFB0  }
0xba: {  	[spmem:s3] =	stream.indirect.scatter.add.f32 [tilespmem:s22], [sflag:$0x4], $0x80, s20, s21, $0xb8;
	[tilespmem:$0x1D980] =	vst v63  }
0xbb: {  	_ =	swait.ge [sflag:s1], $0x2800  }
0xbc: {  	[sflag:s1] =	ssyncset.done $0x0  }
0xbd: {  	[sflag:s1] =	ssyncadd.s32 $0xFFFFD800  }
0xbe: {  	_ =	swait.ge [sflag:s2], $0x2800  }
0xbf: {  	[sflag:s2] =	ssyncset.done $0x0  }
0xc0: {  	[sflag:s2] =	ssyncadd.s32 $0xFFFFD800  }
0xc1: {  	_ =	swait.ge [sflag:s29], $0x50  }
0xc2: {  	[sflag:s29] =	ssyncset.done $0x0  }
0xc3: {  	[sflag:s29] =	ssyncadd.s32 $0xFFFFFFB0  }
0xc4: {  	[spmem:s3] =	stream.indirect.scatter.add.f32 [tilespmem:s24], [sflag:$0x5], $0x80, s23, s21, $0xb8;
	[tilespmem:$0x1D980] =	vst v63  }
0xc5: {  	_ =	swait.ge [sflag:s0], $0x2800  }
0xc6: {  	[sflag:s0] =	ssyncset.done $0x0  }
0xc7: {  	p0 =	sne.s32 s13, $0x1;
	[sflag:s0] =	ssyncadd.s32 $0xFFFFD800  }
.Ltmp5:
0xc8: {  	s17 =	stileid.u32;
	[bflag:$0x0] =	sbarrier.arrive $0xFFFF;
	(pc) =	sbr.rel @!p0 .LBB2_9-.Ltmp5, $4  }
0xc9: {  	s11 =	sshll.u32 s17, $0x6;
	s18 =	rddreg [dreg:$0xc]  }
0xca: {  	s11 =	sor.u32 $0x1C0A, s11;
	s12 =	sshrl.u32 s18, $0x3  }
0xcb: {  	[hbm:s15], [sflag:s11] =	dma.local [spmem:s12], $0xC80  }
0xcc: {  	s17 =	smov.u32 s15;
	s14 =	sadd.s32 $0x64000, s18;
	s12 =	sadd.s32 $0xFFFFFFFF, s13  }
.LBB2_8:
0xcd: {  	p1 =	sne.s32 s12, $0x1;
	s12 =	sadd.s32 $0xFFFFFFFF, s12  }
.Ltmp6:
0xce: {  	s18 =	sshrl.u32 s14, $0x3;
	s17 =	sadd.s32 $0xC800, s17;
	(pc) =	sbr.rel @p1 .LBB2_8-.Ltmp6, $3  }
0xcf: {  	[hbm:s17], [sflag:s11] =	dma.local [spmem:s18], $0xC80  }
0xd0: {  	_ =	sdelay $0x1  }
0xd1: {  	s14 =	sadd.s32 $0x64000, s14  }
.LBB2_9:
.Ltmp7:
0xd2: {  	(pc) =	sbr.rel @!p0 .LBB2_11-.Ltmp7, $3  }
0xd3: {  	_ =	sdelay $0x1  }
0xd4: {  	_ =	swait.ge [sflag:s26], $0xC80  }
0xd5: {  	s11 =	sadd.s32 $0xFFFFFFFF, s13;
	[sflag:s26] =	ssyncset.done $0x0  }
.LBB2_10:
0xd6: {  	p0 =	sne.s32 s11, $0x1;
	s11 =	sadd.s32 $0xFFFFFFFF, s11;
	[sflag:s26] =	ssyncadd.s32 $0xFFFFF380  }
.Ltmp8:
0xd7: {  	(pc) =	sbr.rel @p0 .LBB2_10-.Ltmp8, $3  }
0xd8: {  	_ =	sdelay $0x1  }
0xd9: {  	_ =	swait.ge [sflag:s26], $0xC80  }
0xda: {  	[sflag:s26] =	ssyncset.done $0x0  }
.LBB2_11:
0xdb: {  	s10 =	sadd.s32 $0x1, s10;
	s11 =	rddreg [dreg:$0xa]  }
0xdc: {  	p0 =	sne.s32 s10, s11  }
.Ltmp9:
0xdd: {  	_ = 	snop;
	(pc) =	sbr.rel @p0 .LBB2_1-.Ltmp9, $2  }
0xde: {  	_ =	sdelay $0x2  }
0xdf: {  	[sflag:s26] =	ssyncadd.s32 $0xFFFFF380  }
0xe0: {  	_ =	sfence.sel $0x180000  }
0xe1: {  	[bflag:$0x0] =	sbarrier.arrive $0xFFFF  }
0xe2: {  	_ =	strace $0x90000053  }
0xe3: {  	s0 =	stileid.u32;
	[bflag:$0x2] =	sbarrier.arrive $0xFFFF  }
0xe4: {  	p0 =	sne.s32 s0, $0x0;
	s0 =	rddreg [dreg:$0x3]  }
0xe5: {  	s0 =	sadd.s32 @!p0 $0x100000, s0  }
0xe6: {  	[sflag:s0] =	ssyncadd.tile.s32 @!p0 $0x1;
	_ =	shalt  }
.Lfunc_end2:
_tile_overlayer_lowered:
.L_overlay_start_2:
0xe7: {  	(tag) =	ssettag $0x2  }
0xe8: {  	s0 =	rddreg [dreg:$0x0];
	s2 =	stileid.u32  }
0xe9: {  	s1 =	rddreg [dreg:$0x1];
	p0 =	sne.s32 s2, $0x0  }
0xea: {  	s3 =	rddreg [dreg:$0x2];
	[bflag:$0x3] =	sbarrier.arrive $0xFFFF;
	s2 =	simm.s32 @!p0 $0x1C0B  }
0xeb: {  	[timem:s3], [sflag:s2] =	dma.local @!p0 [hbm:s0], s1  }
0xec: {  	s0 =	simm.s32 @!p0 $0xB  }
0xed: {  	_ =	swait.ge @!p0 [sflag:s0], s1  }
0xee: {  	s1 =	ssub.s32 @!p0 $0x0, s1;
	[sflag:s0] =	ssyncset.done @!p0 $0x0  }
0xef: {  	[sflag:s0] =	ssyncadd.s32 @!p0 s1  }
0xf0: {  	[bflag:$0x3] =	sbarrier.arrive $0xFFFF  }
0xf1: {  	_ =	shalt  }

// kernel: kernel.29.cloned.1.call-start
scs
__scs_entry_jumppad:
0x0: {  	(pc) =	sbr.rel $0x88, $3  }
0x1: {  	(tag) =	ssettag $0x0;
	lr =	simm.s32 $0x1  }
0x2: {  	[smem:$0x3F97] =	sst lr;
	_ =	strace $0xD0000000  }
0x3: {  	_ = 	snop  }
0x4: {  	_ = 	snop  }
0x5: {  	_ = 	snop  }
0x6: {  	_ = 	snop  }
0x7: {  	_ = 	snop  }
__scs_overlays_trampoline_lowered:
0x8: {  	[smem:$0x3FA6] =	sst s0  }
0x9: {  	[smem:$0x3FA7] =	sst s1  }
0xa: {  	[smem:$0x3FA8] =	sst s2  }
0xb: {  	[smem:$0x3FA9] =	sst s3  }
0xc: {  	[smem:$0x3FAA] =	sst s4  }
0xd: {  	[smem:$0x3FAB] =	sst s5  }
0xe: {  	[smem:$0x3FAC] =	sst s6  }
0xf: {  	[smem:$0x3FAD] =	sst s7  }
0x10: {  	[smem:$0x3FAE] =	sst s8  }
0x11: {  	[smem:$0x3FAF] =	sst s9;
	s0 =	simm.s32 @!p0 $0x0  }
0x12: {  	s1 =	sld [smem:$0x3F95];
	s0 =	simm.s32 @p0 $0x1  }
0x13: {  	[smem:$0x3FB0] =	sst s0;
	s0 =	simm.s32 @!p1 $0x0  }
0x14: {  	s2 =	sld [smem:$0x3F94];
	s0 =	simm.s32 @p1 $0x1  }
0x15: {  	[smem:$0x3FB1] =	sst s0;
	s0 =	simm.s32 @!p2 $0x0  }
0x16: {  	s3 =	sld [smem:$0x3FDB];
	s0 =	simm.s32 @p2 $0x1  }
0x17: {  	s4 =	simm.s32 $0x1BF5;
	[smem:$0x3FB3] =	sst s0  }
0x18: {  	s0 =	sld [smem:$0x3F96];
	_ =	swait.ge [sflag:s4], $0x0  }
0x19: {  	s7 =	sld [smem:$0x3F97]  }
0x1a: {  	s8 =	sadd.s32 $0xFFFFE003, lr  }
0x1b: {  	s9 =	sadd.s32 $0xFFFFFEF7, lr;
	s5 =	simm.s32 $0xFFFFFFFF;
	p2 =	slt.u32 s8, $0xFFFFF086  }
0x1c: {  	p1 =	slt.u32 s9, $0xF7A;
	s5 =	simm.s32 @!p2 $0x0  }
0x1d: {  	s5 =	simm.s32 @p1 $0x1;
	p0 =	seq.s32 s7, s2  }
0x1e: {  	s7 =	smul.u32 @!p0 $0xF7A, s2;
	p2 =	seq.s32 @!p0 s5, $0x0  }
0x1f: {  	s9 =	smul.u32 $0xF7A, s1;
	s8 =	simm.s32 @!p0 $0x1BF5;
	p2 =	por !p2, p0  }
0x20: {  	[sflag:s8] =	ssyncset.s32 @!p0 $0xFFFFF086;
	s6 =	sadd.s32 @!p0 s3, s7;
	s7 =	simm.s32 @!p0 $0x108  }
0x21: {  	s3 =	sadd.s32 s3, s9;
	s6 =	sadd.s32 @!p0 $0x88, s6;
	s7 =	simm.s32 @p2 $0x1082  }
0x22: {  	[simem:s7], [sflag:s8] =	dma.local @!p0 [hbm:s6], $0xF7A  }
0x23: {  	s9 =	sor.u32 $0xD0000000, s2;
	s6 =	simm.s32 $0x108;
	_ =	swait.ge @!p0 [sflag:s8], $0x0  }
0x24: {  	s3 =	sadd.s32 $0x88, s3;
	s6 =	simm.s32 @!p1 $0x1082;
	[sflag:s4] =	ssyncset.s32 $0xFFFFF086  }
0x25: {  	[simem:s6], [sflag:s4] =	dma.local [hbm:s3], $0xF7A  }
0x26: {  	[smem:$0x3F97] =	sst s1;
	(tag) =	ssettag s2;
	_ =	strace s9  }
0x27: {  	s1 =	sld [smem:$0x3FA7]  }
0x28: {  	s2 =	sld [smem:$0x3FA8]  }
0x29: {  	s4 =	sld [smem:$0x3FAA]  }
0x2a: {  	p0 =	seq.s32 s5, $0x0;
	s5 =	sld [smem:$0x3FAB]  }
0x2b: {  	s6 =	sld [smem:$0x3FAC]  }
0x2c: {  	s7 =	sld [smem:$0x3FAD]  }
0x2d: {  	s3 =	simm.s32 $0x108;
	s8 =	sld [smem:$0x3FAE]  }
0x2e: {  	s3 =	simm.s32 @!p0 $0x1082;
	s9 =	sld [smem:$0x3FAF]  }
0x2f: {  	lr =	sadd.s32 s0, s3;
	s0 =	sld [smem:$0x3FA6]  }
0x30: {  	s3 =	sld [smem:$0x3FA9]  }
0x31: {  	[smem:$0x3FB2] =	sst s10  }
0x32: {  	s10 =	sld [smem:$0x3FB0];
	_ =	sdelay $0x3  }
0x33: {  	p0 =	seq.s32 s10, $0x1;
	s10 =	sld [smem:$0x3FB2];
	_ =	sdelay $0x3  }
0x34: {  	[smem:$0x3FB2] =	sst s10  }
0x35: {  	s10 =	sld [smem:$0x3FB1];
	_ =	sdelay $0x3  }
0x36: {  	p1 =	seq.s32 s10, $0x1;
	s10 =	sld [smem:$0x3FB2];
	_ =	sdelay $0x3  }
0x37: {  	[smem:$0x3FB2] =	sst s10  }
0x38: {  	s10 =	sld [smem:$0x3FB3]  }
0x39: {  	_ = 	snop;
	(pc) =	sbr.ind lr, $3  }
0x3a: {  	_ = 	snop  }
0x3b: {  	_ = 	snop  }
0x3c: {  	p2 =	seq.s32 s10, $0x1;
	s10 =	sld [smem:$0x3FB2]  }
0x3d: {  	_ =	shalt  }
0x3e: {  	_ =	shalt  }
0x3f: {  	_ =	shalt  }
0x40: {  	_ =	shalt  }
0x41: {  	_ =	shalt  }
0x42: {  	_ =	shalt  }
0x43: {  	_ =	shalt  }
0x44: {  	_ =	shalt  }
0x45: {  	_ =	shalt  }
0x46: {  	_ =	shalt  }
0x47: {  	_ =	shalt  }
0x48: {  	_ =	shalt  }
0x49: {  	_ =	shalt  }
0x4a: {  	_ =	shalt  }
0x4b: {  	_ =	shalt  }
0x4c: {  	_ =	shalt  }
0x4d: {  	_ =	shalt  }
0x4e: {  	_ =	shalt  }
0x4f: {  	_ =	shalt  }
0x50: {  	_ =	shalt  }
0x51: {  	_ =	shalt  }
0x52: {  	_ =	shalt  }
0x53: {  	_ =	shalt  }
0x54: {  	_ =	shalt  }
0x55: {  	_ =	shalt  }
0x56: {  	_ =	shalt  }
0x57: {  	_ =	shalt  }
0x58: {  	_ =	shalt  }
0x59: {  	_ =	shalt  }
0x5a: {  	_ =	shalt  }
0x5b: {  	_ =	shalt  }
0x5c: {  	_ =	shalt  }
0x5d: {  	_ =	shalt  }
0x5e: {  	_ =	shalt  }
0x5f: {  	_ =	shalt  }
0x60: {  	_ =	shalt  }
0x61: {  	_ =	shalt  }
0x62: {  	_ =	shalt  }
0x63: {  	_ =	shalt  }
0x64: {  	_ =	shalt  }
0x65: {  	_ =	shalt  }
0x66: {  	_ =	shalt  }
0x67: {  	_ =	shalt  }
0x68: {  	_ =	shalt  }
0x69: {  	_ =	shalt  }
0x6a: {  	_ =	shalt  }
0x6b: {  	_ =	shalt  }
0x6c: {  	_ =	shalt  }
0x6d: {  	_ =	shalt  }
0x6e: {  	_ =	shalt  }
0x6f: {  	_ =	shalt  }
0x70: {  	_ =	shalt  }
0x71: {  	_ =	shalt  }
0x72: {  	_ =	shalt  }
0x73: {  	_ =	shalt  }
0x74: {  	_ =	shalt  }
0x75: {  	_ =	shalt  }
0x76: {  	_ =	shalt  }
0x77: {  	_ =	shalt  }
0x78: {  	_ =	shalt  }
0x79: {  	_ =	shalt  }
0x7a: {  	_ =	shalt  }
0x7b: {  	_ =	shalt  }
0x7c: {  	_ =	shalt  }
0x7d: {  	_ =	shalt  }
0x7e: {  	_ =	shalt  }
0x7f: {  	_ =	shalt  }
0x80: {  	_ =	shalt  }
0x81: {  	_ =	shalt  }
0x82: {  	_ =	shalt  }
0x83: {  	_ =	shalt  }
0x84: {  	_ =	shalt  }
0x85: {  	_ =	shalt  }
0x86: {  	_ =	shalt  }
0x87: {  	_ =	shalt  }
.Lfunc_end0:
.L_simem_size_0:
called_computation.5_lowered:
.L_overlay_start_0:
0x88: {  	s2 =	sld [smem:$0x3FD9]  }
0x89: {  	s3 =	sld [smem:$0x3FFE];
	_ =	sdelay $0x1  }
0x8a: {  	s1 =	srdreg.scid  }
0x8b: {  	s0 =	sand.u32 $0x1, s1  }
0x8c: {  	s17 =	sshll.u32 s0, $0xA;
	s2 =	sadd.s32 s3, s2  }
0x8d: {  	s2 =	sadd.s32 s2, s17  }
0x8e: {  	[smem:$0x3FBE] =	sst s2  }
0x8f: {  	_ = 	snop  }
0x90: {  	s2 =	sld [smem:$0x3FC7]  }
0x91: {  	s18 =	sld [smem:$0x3FC6]  }
0x92: {  	s4 =	sld [smem:$0x3FC5]  }
0x93: {  	s5 =	sld [smem:$0x3FD0];
	(tm) =	ssettm $0x1  }
0x94: {  	s6 =	sld [smem:$0x3FFB];
	_ =	sdelay $0x3  }
0x95: {  	_ =	strace s6  }
0x96: {  	s6 =	sld [smem:$0x3FFC];
	_ =	sdelay $0x3  }
0x97: {  	_ =	strace s6  }
0x98: {  	s6 =	sld [smem:$0x3FFD];
	_ =	sdelay $0x3  }
0x99: {  	_ =	strace s6  }
0x9a: {  	_ =	strace $0x8FFFFFFF  }
0x9b: {  	s19 =	sld [smem:$0x3FDB];
	_ =	sdelay $0x1  }
0x9c: {  	s7 =	simm.s32 $_scs_section_size  }
0x9d: {  	s8 =	simm.s32 $_size__tile_overlayer_lowered;
	s9 =	simm.s32 $_tile_overlayer_lowered  }
0x9e: {  	s22 =	simm.s32 $0x1BFF;
	s21 =	sshll.u32 s9, $0x1;
	s6 =	sadd.s32 s7, s19  }
0x9f: {  	s10 =	simm.s32 $0x0;
	s20 =	sshll.u32 s8, $0x1;
	s8 =	sadd.s32 s21, s6  }
0xa0: {  	[timem:s10], [sflag:s22] =	dma.local [hbm:s8], s20  }
0xa1: {  	_ =	swait.ge [sflag:s22], s20  }
0xa2: {  	s7 =	ssub.s32 $0x0, s20;
	[sflag:s22] =	ssyncset.done $0x0  }
0xa3: {  	[sflag:s22] =	ssyncadd.s32 s7;
	_ =	sdelay $0x1  }
0xa4: {  	s23 =	simm.s32 $0x1B8B  }
0xa5: {  	_ =	swait.ge [sflag:s23], $0x1  }
0xa6: {  	[sflag:s23] =	ssyncset.done $0x0  }
0xa7: {  	s25 =	simm.s32 $0x1B8E;
	s24 =	sld [smem:$0x3FFE];
	[sflag:s23] =	ssyncadd.s32 $0xFFFFFFFF  }
0xa8: {  	s26 =	simm.s32 $execute0_lowered;
	[smem:$0x3FD2] =	sst s25  }
0xa9: {  	s8 =	sshll.u32 s26, $0x1;
	_ =	strace $0x80000055;
	[dreg:$0x1] =	wrdreg $0xFFFFFFFF  }
0xaa: {  	s28 =	simm.s32 $_size_execute0_lowered;
	s6 =	sadd.s32 s6, s8;
	[dreg:$0x0] =	wrdreg $0x0  }
0xab: {  	s8 =	sshll.u32 s28, $0x1;
	[dreg:$0x2] =	wrdreg s6  }
0xac: {  	[dreg:$0x3] =	wrdreg s8  }
0xad: {  	[dreg:$0x4] =	wrdreg $0xC0  }
0xae: {  	_ =	task [dreg:s10], $0x5FFFF  }
0xaf: {  	[dreg:$0x1] =	wrdreg $0xFFFFFFFF  }
0xb0: {  	[dreg:$0x0] =	wrdreg $0x60  }
0xb1: {  	[dreg:$0x2] =	wrdreg s24  }
0xb2: {  	[dreg:$0x3] =	wrdreg s2  }
0xb3: {  	[dreg:$0x4] =	wrdreg s4  }
0xb4: {  	[dreg:$0x5] =	wrdreg s18  }
0xb5: {  	[dreg:$0x6] =	wrdreg s5  }
0xb6: {  	[dreg:$0x7] =	wrdreg $0x52800  }
0xb7: {  	[dreg:$0x8] =	wrdreg $0x62800  }
0xb8: {  	[dreg:$0x9] =	wrdreg $0x9  }
0xb9: {  	_ =	task.clear_ibuf [dreg:s10], $0xAFFFF;
	_ =	strace $0x90000055  }
0xba: {  	s29 =	simm.s32 $0x9;
	_ =	strace $0x80000057  }
0xbb: {  	_ =	swait.ge [sflag:s29], $0x1  }
0xbc: {  	[sflag:s29] =	ssyncadd.s32 $0xFFFFFFFF  }
0xbd: {  	_ =	strace $0x90000057  }
0xbe: {  	_ =	sfence  }
0xbf: {  	s30 =	sld [smem:$0x0];
	_ =	sdelay $0x2  }
0xc0: {  	s31 =	sshll.u32 s1, $0xD;
	s1 =	sshrl.u32 s1, $0x2  }
0xc1: {  	s3 =	sand.u32 $0x4000, s31;
	s1 =	sadd.s32 s1, s30  }
0xc2: {  	s0 =	sor.u32 s3, s0;
	s1 =	sshll.u32 s1, $0x11  }
0xc3: {  	s0 =	sor.u32 s1, s0  }
0xc4: {  	s0 =	sadd.s32 $0x8F2B, s0  }
0xc5: {  	[sflag:s0] =	ssyncadd.remote.s32 $0x1  }
0xc6: {  	_ =	sfence.sel $0xFFFF  }
0xc7: {  	[dreg:$0x0] =	wrdreg $0xFFFFFFFF;
	(pc) =	sbr.abs _section_cstart, $3  }
0xc8: {  	[dreg:$0x1] =	wrdreg $0xFFFFFFFF  }
0xc9: {  	_ =	task.clear_ibuf [dreg:s10], $0x2FFFF;
	_ =	strace $0x9FFFFFFF  }
0xca: {  	(tm) =	ssettm $0x7FFFFFFF  }
0xcb: {  	_ =	shalt  }
tec
execute0_lowered:
.L_overlay_start_1:
0x0: {  	(tag) =	ssettag $0x1  }
0x1: {  	s0 =	rddreg [dreg:$0x0]  }
0x2: {  	s1 =	rddreg [dreg:$0x1]  }
0x3: {  	s2 =	rddreg [dreg:$0x2]  }
0x4: {  	s4 =	rddreg [dreg:$0x4]  }
0x5: {  	s5 =	rddreg [dreg:$0x5]  }
0x6: {  	s7 =	rddreg [dreg:$0x6];
	s9 =	srdreg.scid  }
0x7: {  	s8 =	simm.s32 $0x0;
	s6 =	stileid.u32;
	s21 =	simm.s32 $0x2A80  }
0x8: {  	s22 =	simm.s32 $0x100;
	s23 =	simm.s32 $0x180;
	s24 =	simm.s32 $0x80  }
0x9: {  	s25 =	simm.s32 $0x50;
	s26 =	simm.s32 $0x200;
	s28 =	simm.s32 $0x0  }
0xa: {  	s14 =	sand.u32 $0x1, s9;
	[smem:$0x7FF] =	sst s8;
	s12 =	sshll.u32 s6, $0xC  }
0xb: {  	s9 =	sadd.s32 $0x4C00, s0;
	s17 =	smul.u32 $0xA0, s6;
	s16 =	sshll.u32 s6, $0x1  }
0xc: {  	s19 =	smul.u32 $0x5000, s6;
	s10 =	sshll.u32 s14, $0x10;
	_ =	strace $0x80000056  }
0xd: {  	s13 =	ssub.s32 $0x2, s14;
	s18 =	smul.u32 $0x50, s14;
	s16 =	sor.u32 s16, s14  }
0xe: {  	s20 =	smul.u32 $0x2800, s14;
	s11 =	sor.u32 s12, s10;
	s10 =	sadd.s32 $0x2BE00, s0  }
0xf: {  	s30 =	sshrl.u32 s13, $0x1;
	s31 =	ssub.s32 $0x9C, s16;
	s11 =	sshrl.u32 s11, $0x3  }
0x10: {  	s15 =	ssub.s32 s13, s30;
	s16 =	sshrl.u32 s31, $0x5;
	s17 =	sadd.s32 s18, s17  }
0x11: {  	s18 =	sadd.s32 s20, s19;
	s19 =	simm.s32 $0x1;
	s20 =	simm.s32 $0x280  }
0x12: {  	s0 =	sadd.s32 s11, s0;
	s11 =	sadd.s32 s12, s5;
	s12 =	sadd.s32 s12, s7  }
0x13: {  	s15 =	smax.u32 s15, $0x1;
	s13 =	sadd.s32 $0x2C400, s0;
	s14 =	sadd.s32 $0x30400, s0  }
.LBB2_1:
0x14: {  	s0 =	rddreg [dreg:$0x3]  }
0x15: {  	[tilespmem:s8], [sflag:$0x1] =	stream.linear.gather [hbm4b:s0+s8], $0x80, $0x38;
	[tilespmem:$0x7280] =	vst v63  }
0x16: {  	_ =	swait.ge [sflag:s19], $0x80  }
0x17: {  	[sflag:s19] =	ssyncset.done $0x0  }
0x18: {  	[sflag:s19] =	ssyncadd.s32 $0xFFFFFF80  }
0x19: {  	v0 =	vld [tilespmem:$0x0]  }
0x1a: {  	v1 =	vld [tilespmem:$0x10]  }
0x1b: {  	v2 =	vld [tilespmem:$0x20];
	_ =	sdelay $0x2  }
0x1c: {  	(xrf0) =	vadd.scan.msk.s32 $0xffff, v0  }
0x1d: {  	(xrf0) =	vadd.scan.msk.s32 $0xffff, v1  }
0x1e: {  	(xrf0) =	vadd.scan.msk.s32 $0xffff, v2;
	_ =	sdelay $0x3  }
0x1f: {  	v3, _, _ =	vpop (xrf0)  }
0x20: {  	v4, _, _ =	vpop (xrf0);
	(v2sf) =	vpush v3, $0xF  }
0x21: {  	(v2sf) =	vpush v4, $0xF;
	v5, _, _ =	vpop (xrf0)  }
0x22: {  	(v2sf) =	vpush v5, $0xF;
	_ =	sdelay $0x3  }
0x23: {  	v6 =	vld [tilespmem:$0x30];
	_ =	sdelay $0x4  }
0x24: {  	(xrf0) =	vadd.scan.msk.s32 $0xffff, v6;
	_ =	sdelay $0x2  }
0x25: {  	v7 =	vbroadcast v3, $0xF  }
0x26: {  	s31 =	spop (v2sf)  }
0x27: {  	v0 =	vsub.s32 v3, v0;
	v1 =	vsub.s32 v7, v1;
	s29 =	spop (v2sf)  }
0x28: {  	[tilespmem:$0x80] =	vst v0;
	v59 =	vsub.s32 v5, v2;
	v58 =	vadd.s32 v4, v1;
	v60, _, _ =	vpop (xrf0);
	s0 =	sadd.s32 s31, s29;
	s29 =	spop (v2sf)  }
0x29: {  	[tilespmem:$0x90] =	vst v58;
	v62 =	vsub.s32 v60, v6;
	v61 =	vadd.s32 s0, v59;
	s0 =	sadd.s32 s0, s29  }
0x2a: {  	[tilespmem:$0xA0] =	vst v61;
	v63 =	vadd.s32 s0, v62  }
0x2b: {  	[tilespmem:$0xB0] =	vst v63  }
0x2c: {  	[tilespmem:s20], [sflag:$0x1] =	stream.linear.gather [hbm4b:s4+s8], $0x2800, $0x38;
	[tilespmem:$0x7280] =	vst v63  }
0x2d: {  	_ =	swait.ge [sflag:s19], $0x2800  }
0x2e: {  	[sflag:s19] =	ssyncset.done $0x0  }
0x2f: {  	[sflag:s19] =	ssyncadd.s32 $0xFFFFD800  }
0x30: {  	[tilespmem:s21], [sflag:$0x1] =	stream.linear.gather [hbm4b:s10+s8], $0x2800, $0x38;
	[tilespmem:$0x7280] =	vst v63  }
0x31: {  	_ =	swait.ge [sflag:s19], $0x2800  }
0x32: {  	[sflag:s19] =	ssyncset.done $0x0  }
0x33: {  	[sflag:s19] =	ssyncadd.s32 $0xFFFFD800  }
0x34: {  	[spmem:s11] =	stream.linear.scatter [tilespmem:s20], [sflag:$0x1], $0x1000, $0x38;
	[tilespmem:$0x7280] =	vst v63  }
0x35: {  	_ =	swait.ge [sflag:s19], $0x1000  }
0x36: {  	[sflag:s19] =	ssyncset.done $0x0  }
0x37: {  	p1 =	sne.s32 s16, $0x1;
	[sflag:s19] =	ssyncadd.s32 $0xFFFFF000  }
0x38: {  	[spmem:s12] =	stream.linear.scatter [tilespmem:s20], [sflag:$0x1], $0x1000, $0x38;
	[tilespmem:$0x7280] =	vst v63  }
.Ltmp0:
0x39: {  	_ =	swait.ge [sflag:s19], $0x1000;
	(pc) =	sbr.rel @!p1 .LBB2_2-.Ltmp0, $4  }
0x3a: {  	[sflag:s19] =	ssyncset.done $0x0  }
0x3b: {  	[sflag:s19] =	ssyncadd.s32 $0xFFFFF000  }
0x3c: {  	[bflag:$0x0] =	sbarrier.arrive $0xFFFF  }
0x3d: {  	p0 =	por $0x0, $0x0;
	s29 =	sadd.s32 $0xFFFFFFFF, s16;
	s0 =	sshrl.u32 s17, $0x3  }
0x3e: {  	s30 =	sadd.s32 s1, s0  }
0x3f: {  	[tilespmem:s22], [sflag:$0x1] =	stream.linear.gather [hbm4b:s30+s8], $0x50, $0x38;
	[tilespmem:$0x7280] =	vst v63  }
0x40: {  	_ =	swait.ge [sflag:s19], $0x50  }
0x41: {  	[sflag:s19] =	ssyncset.done $0x0  }
0x42: {  	s3 =	sadd.s32 s2, s0;
	[sflag:s19] =	ssyncadd.s32 $0xFFFFFFB0  }
0x43: {  	[tilespmem:s23], [sflag:$0x1] =	stream.linear.gather [hbm4b:s3+s8], $0x50, $0x38;
	[tilespmem:$0x7280] =	vst v63  }
0x44: {  	_ =	swait.ge [sflag:s19], $0x50  }
0x45: {  	[sflag:s19] =	ssyncset.done $0x0  }
0x46: {  	[sflag:s19] =	ssyncadd.s32 $0xFFFFFFB0  }
0x47: {  	v0 =	vld [tilespmem:$0x100];
	_ =	sdelay $0x5  }
0x48: {  	v1 =	vld [tilespmem:$0x110]  }
0x49: {  	v2 =	vld [tilespmem:$0x180]  }
0x4a: {  	v0 =	vld.idx.msk [tilespmem:v0+s24+$0x0], $0xffff;
	_ =	sdelay $0x4  }
0x4b: {  	v57 =	vld [tilespmem:$0x120];
	v0 =	vadd.s32 v0, v2  }
0x4c: {  	v58 =	vld [tilespmem:$0x190];
	[tilespmem:$0x200] =	vst v0  }
0x4d: {  	v1 =	vld.idx.msk [tilespmem:v1+s24+$0x0], $0xffff;
	_ =	sdelay $0x4  }
0x4e: {  	v59 =	vld [tilespmem:$0x130];
	v1 =	vadd.s32 v1, v58  }
0x4f: {  	v60 =	vld [tilespmem:$0x1A0];
	[tilespmem:$0x210] =	vst v1  }
0x50: {  	v0 =	vld.idx.msk [tilespmem:v57+s24+$0x0], $0xffff;
	_ =	sdelay $0x4  }
0x51: {  	v61 =	vld [tilespmem:$0x140];
	v0 =	vadd.s32 v0, v60  }
0x52: {  	v62 =	vld [tilespmem:$0x1B0];
	[tilespmem:$0x220] =	vst v0  }
0x53: {  	v1 =	vld.idx.msk [tilespmem:v59+s24+$0x0], $0xffff;
	_ =	sdelay $0x4  }
0x54: {  	v1 =	vadd.s32 v1, v62  }
0x55: {  	v63 =	vld [tilespmem:$0x1C0];
	[tilespmem:$0x230] =	vst v1  }
0x56: {  	v0 =	vld.idx.msk [tilespmem:v61+s24+$0x0], $0xffff;
	_ =	sdelay $0x4  }
0x57: {  	s3 =	sshrl.u32 s18, $0x3;
	v0 =	vadd.s32 v0, v63  }
0x58: {  	s0 =	sadd.s32 s9, s3;
	[tilespmem:$0x240] =	vst v0  }
0x59: {  	[tilespmem:s20], [sflag:$0x1] =	stream.linear.gather [hbm4b:s0+s8], $0x2800, $0x38;
	[tilespmem:$0x7280] =	vst v63  }
0x5a: {  	_ =	swait.ge [sflag:s19], $0x2800  }
0x5b: {  	[sflag:s19] =	ssyncset.done $0x0  }
0x5c: {  	[sflag:s19] =	ssyncadd.s32 $0xFFFFD800  }
0x5d: {  	[spmem:s5] =	stream.indirect.scatter.add.f32 [tilespmem:s20], [sflag:$0x1], $0x80, s26, s25, $0xb8;
	[tilespmem:$0x7280] =	vst v63  }
0x5e: {  	p1 =	sne.s32 s29, $0x1;
	_ =	swait.ge [sflag:s19], $0x2800  }
.Ltmp1:
0x5f: {  	[sflag:s19] =	ssyncset.done $0x0;
	(pc) =	sbr.rel @!p1 .LBB2_4-.Ltmp1, $4  }
0x60: {  	s31 =	sadd.s32 $0xA00, s17;
	[sflag:s19] =	ssyncadd.s32 $0xFFFFD800  }
0x61: {  	[spmem:s7] =	stream.indirect.scatter.add.f32 [tilespmem:s21], [sflag:$0x1], $0x80, s26, s25, $0xb8;
	[tilespmem:$0x7280] =	vst v63  }
0x62: {  	p0 =	por $0x1, $0x1;
	s30 =	sadd.s32 $0xFFFFFFFF, s29;
	_ =	swait.ge [sflag:s19], $0x2800  }
0x63: {  	s29 =	smov.u32 s18;
	s0 =	sshrl.u32 s31, $0x3;
	[sflag:s19] =	ssyncset.done $0x0  }
.LBB2_5:
0x64: {  	s3 =	sadd.s32 s1, s0;
	[sflag:s19] =	ssyncadd.s32 $0xFFFFD800;
	s29 =	sadd.s32 $0x50000, s29  }
0x65: {  	[tilespmem:s22], [sflag:$0x1] =	stream.linear.gather [hbm4b:s3+s8], $0x50, $0x38;
	[tilespmem:$0x7280] =	vst v63  }
0x66: {  	p1 =	sne.s32 s30, $0x1;
	s30 =	sadd.s32 $0xFFFFFFFF, s30;
	_ =	swait.ge [sflag:s19], $0x50  }
0x67: {  	[sflag:s19] =	ssyncset.done $0x0  }
0x68: {  	s0 =	sadd.s32 s2, s0;
	[sflag:s19] =	ssyncadd.s32 $0xFFFFFFB0  }
0x69: {  	[tilespmem:s23], [sflag:$0x1] =	stream.linear.gather [hbm4b:s0+s8], $0x50, $0x38;
	[tilespmem:$0x7280] =	vst v63  }
0x6a: {  	_ =	swait.ge [sflag:s19], $0x50  }
0x6b: {  	[sflag:s19] =	ssyncset.done $0x0  }
0x6c: {  	[sflag:s19] =	ssyncadd.s32 $0xFFFFFFB0  }
0x6d: {  	v0 =	vld [tilespmem:$0x100];
	_ =	sdelay $0x6  }
0x6e: {  	v1 =	vld [tilespmem:$0x110]  }
0x6f: {  	v0 =	vld.idx.msk [tilespmem:v0+s24+$0x0], $0xffff  }
0x70: {  	v2 =	vld [tilespmem:$0x180];
	_ =	sdelay $0x4  }
0x71: {  	v0 =	vadd.s32 v0, v2  }
0x72: {  	[tilespmem:$0x200] =	vst v0;
	v0 =	vld [tilespmem:$0x120]  }
0x73: {  	v1 =	vld.idx.msk [tilespmem:v1+s24+$0x0], $0xffff  }
0x74: {  	v2 =	vld [tilespmem:$0x190];
	_ =	sdelay $0x4  }
0x75: {  	v1 =	vadd.s32 v1, v2  }
0x76: {  	[tilespmem:$0x210] =	vst v1;
	v1 =	vld [tilespmem:$0x130]  }
0x77: {  	v0 =	vld.idx.msk [tilespmem:v0+s24+$0x0], $0xffff  }
0x78: {  	v2 =	vld [tilespmem:$0x1A0];
	_ =	sdelay $0x4  }
0x79: {  	v0 =	vadd.s32 v0, v2  }
0x7a: {  	[tilespmem:$0x220] =	vst v0;
	v0 =	vld [tilespmem:$0x140]  }
0x7b: {  	v1 =	vld.idx.msk [tilespmem:v1+s24+$0x0], $0xffff  }
0x7c: {  	v2 =	vld [tilespmem:$0x1B0];
	_ =	sdelay $0x4  }
0x7d: {  	v1 =	vadd.s32 v1, v2  }
0x7e: {  	[tilespmem:$0x230] =	vst v1  }
0x7f: {  	v0 =	vld.idx.msk [tilespmem:v0+s24+$0x0], $0xffff  }
0x80: {  	v1 =	vld [tilespmem:$0x1C0];
	_ =	sdelay $0x4  }
0x81: {  	s0 =	sshrl.u32 s29, $0x3;
	v0 =	vadd.s32 v0, v1  }
0x82: {  	s0 =	sadd.s32 s9, s0;
	[tilespmem:$0x240] =	vst v0  }
0x83: {  	[tilespmem:s20], [sflag:$0x1] =	stream.linear.gather [hbm4b:s0+s8], $0x2800, $0x38;
	[tilespmem:$0x7280] =	vst v63  }
0x84: {  	_ =	swait.ge [sflag:s19], $0x2800  }
0x85: {  	[sflag:s19] =	ssyncset.done $0x0  }
0x86: {  	[sflag:s19] =	ssyncadd.s32 $0xFFFFD800  }
0x87: {  	[spmem:s5] =	stream.indirect.scatter.add.f32 [tilespmem:s20], [sflag:$0x1], $0x80, s26, s25, $0xb8;
	[tilespmem:$0x7280] =	vst v63  }
0x88: {  	_ =	swait.ge [sflag:s19], $0x2800  }
.Ltmp2:
0x89: {  	[sflag:s19] =	ssyncset.done $0x0;
	(pc) =	sbr.rel @p1 .LBB2_5-.Ltmp2, $4  }
0x8a: {  	[sflag:s19] =	ssyncadd.s32 $0xFFFFD800  }
0x8b: {  	[spmem:s7] =	stream.indirect.scatter.add.f32 [tilespmem:s21], [sflag:$0x1], $0x80, s26, s25, $0xb8;
	[tilespmem:$0x7280] =	vst v63  }
0x8c: {  	s31 =	sadd.s32 $0xA00, s31;
	_ =	swait.ge [sflag:s19], $0x2800  }
0x8d: {  	s0 =	sshrl.u32 s31, $0x3;
	[sflag:s19] =	ssyncset.done $0x0  }
.LBB2_6:
0x8e: {  	s3 =	sadd.s32 s1, s0;
	[sflag:s19] =	ssyncadd.s32 @p0 $0xFFFFD800  }
0x8f: {  	[tilespmem:s22], [sflag:$0x1] =	stream.linear.gather [hbm4b:s3+s8], $0x50, $0x38;
	[tilespmem:$0x7280] =	vst v63  }
0x90: {  	_ =	swait.ge [sflag:s19], $0x50  }
0x91: {  	[sflag:s19] =	ssyncset.done $0x0  }
0x92: {  	s3 =	sadd.s32 s2, s0;
	[sflag:s19] =	ssyncadd.s32 $0xFFFFFFB0  }
0x93: {  	[tilespmem:s23], [sflag:$0x1] =	stream.linear.gather [hbm4b:s3+s8], $0x50, $0x38;
	[tilespmem:$0x7280] =	vst v63  }
0x94: {  	_ =	swait.ge [sflag:s19], $0x50  }
0x95: {  	[sflag:s19] =	ssyncset.done $0x0  }
0x96: {  	[sflag:s19] =	ssyncadd.s32 $0xFFFFFFB0  }
0x97: {  	v0 =	vld [tilespmem:$0x100];
	_ =	sdelay $0x5  }
0x98: {  	v1 =	vld [tilespmem:$0x110]  }
0x99: {  	v2 =	vld [tilespmem:$0x180]  }
0x9a: {  	v0 =	vld.idx.msk [tilespmem:v0+s24+$0x0], $0xffff;
	_ =	sdelay $0x4  }
0x9b: {  	v57 =	vld [tilespmem:$0x120];
	v0 =	vadd.s32 v0, v2  }
0x9c: {  	v58 =	vld [tilespmem:$0x190];
	[tilespmem:$0x200] =	vst v0  }
0x9d: {  	v1 =	vld.idx.msk [tilespmem:v1+s24+$0x0], $0xffff;
	_ =	sdelay $0x4  }
0x9e: {  	v59 =	vld [tilespmem:$0x130];
	v1 =	vadd.s32 v1, v58  }
0x9f: {  	v60 =	vld [tilespmem:$0x1A0];
	[tilespmem:$0x210] =	vst v1  }
0xa0: {  	v0 =	vld.idx.msk [tilespmem:v57+s24+$0x0], $0xffff;
	_ =	sdelay $0x4  }
0xa1: {  	v61 =	vld [tilespmem:$0x140];
	v0 =	vadd.s32 v0, v60  }
0xa2: {  	v62 =	vld [tilespmem:$0x1B0];
	[tilespmem:$0x220] =	vst v0  }
0xa3: {  	v1 =	vld.idx.msk [tilespmem:v59+s24+$0x0], $0xffff;
	_ =	sdelay $0x4  }
0xa4: {  	v1 =	vadd.s32 v1, v62  }
0xa5: {  	v63 =	vld [tilespmem:$0x1C0];
	[tilespmem:$0x230] =	vst v1  }
0xa6: {  	v0 =	vld.idx.msk [tilespmem:v61+s24+$0x0], $0xffff;
	_ =	sdelay $0x2  }
0xa7: {  	s0 =	sadd.s32 @p0 $0x50000, s29;
	s3 =	smov.u32 s18  }
0xa8: {  	s3 =	smov.u32 @p0 s0  }
0xa9: {  	s0 =	sshrl.u32 s3, $0x3;
	v0 =	vadd.s32 v0, v63  }
0xaa: {  	s0 =	sadd.s32 s9, s0;
	[tilespmem:$0x240] =	vst v0  }
0xab: {  	[tilespmem:s20], [sflag:$0x1] =	stream.linear.gather [hbm4b:s0+s8], $0x2800, $0x38;
	[tilespmem:$0x7280] =	vst v63  }
0xac: {  	_ =	swait.ge [sflag:s19], $0x2800  }
0xad: {  	[sflag:s19] =	ssyncset.done $0x0  }
0xae: {  	[sflag:s19] =	ssyncadd.s32 $0xFFFFD800  }
0xaf: {  	[spmem:s5] =	stream.indirect.scatter.add.f32 [tilespmem:s20], [sflag:$0x1], $0x80, s26, s25, $0xb8;
	[tilespmem:$0x7280] =	vst v63  }
0xb0: {  	_ =	swait.ge [sflag:s19], $0x2800  }
0xb1: {  	[sflag:s19] =	ssyncset.done $0x0  }
0xb2: {  	[sflag:s19] =	ssyncadd.s32 $0xFFFFD800  }
0xb3: {  	[spmem:s7] =	stream.indirect.scatter.add.f32 [tilespmem:s21], [sflag:$0x1], $0x80, s26, s25, $0xb8;
	[tilespmem:$0x7280] =	vst v63  }
0xb4: {  	_ =	swait.ge [sflag:s19], $0x2800  }
0xb5: {  	[sflag:s19] =	ssyncset.done $0x0  }
0xb6: {  	s29 =	sshll.u32 s6, $0x6;
	[sflag:s19] =	ssyncadd.s32 $0xFFFFD800  }
0xb7: {  	s30 =	sshrl.u32 s11, $0x3;
	s0 =	sor.u32 $0x1C01, s29;
	[bflag:$0x0] =	sbarrier.arrive $0xFFFF  }
0xb8: {  	[hbm:s13], [sflag:s0] =	dma.local [spmem:s30], $0x200  }
0xb9: {  	_ =	swait.ge [sflag:s19], $0x200  }
0xba: {  	s28 =	sadd.s32 $0x1, s28;
	[sflag:s19] =	ssyncset.done $0x0  }
0xbb: {  	s31 =	sshrl.u32 s12, $0x3;
	p0 =	sne.s32 s28, s15;
	[sflag:s19] =	ssyncadd.s32 $0xFFFFFE00  }
0xbc: {  	[hbm:s14], [sflag:s0] =	dma.local [spmem:s31], $0x200  }
.Ltmp3:
0xbd: {  	_ = 	snop;
	(pc) =	sbr.rel @p0 .LBB2_1-.Ltmp3, $4  }
.Ltmp4:
0xbe: {  	_ = 	snop;
	(pc) =	sbr.rel @!p0 .LBB2_7-.Ltmp4, $4  }
0xbf: {  	_ =	swait.ge [sflag:s19], $0x200  }
0xc0: {  	[sflag:s19] =	ssyncset.done $0x0  }
0xc1: {  	[sflag:s19] =	ssyncadd.s32 $0xFFFFFE00  }
0xc2: {  	_ = 	snop  }
.LBB2_2:
.Ltmp5:
0xc3: {  	(pc) =	sbr.rel .LBB2_6-.Ltmp5, $2  }
0xc4: {  	_ =	sdelay $0x2  }
0xc5: {  	s29 =	smov.u32 s18  }
.LBB2_4:
.Ltmp6:
0xc6: {  	(pc) =	sbr.rel .LBB2_6-.Ltmp6, $2  }
0xc7: {  	_ =	sdelay $0x2  }
0xc8: {  	s29 =	smov.u32 s18  }
.LBB2_7:
0xc9: {  	_ =	sfence.sel $0x180000  }
0xca: {  	[bflag:$0x0] =	sbarrier.arrive $0xFFFF  }
0xcb: {  	_ =	strace $0x90000056  }
0xcc: {  	[bflag:$0x2] =	sbarrier.arrive $0xFFFF  }
0xcd: {  	p0 =	sne.s32 s6, $0x0;
	s0 =	rddreg [dreg:$0x7]  }
0xce: {  	s0 =	sadd.s32 @!p0 $0x100000, s0  }
0xcf: {  	[sflag:s0] =	ssyncadd.tile.s32 @!p0 $0x1;
	_ =	shalt  }
.Lfunc_end2:
_tile_overlayer_lowered:
.L_overlay_start_2:
0xd0: {  	(tag) =	ssettag $0x2  }
0xd1: {  	s0 =	rddreg [dreg:$0x0];
	s2 =	stileid.u32  }
0xd2: {  	s1 =	rddreg [dreg:$0x1];
	p0 =	sne.s32 s2, $0x0  }
0xd3: {  	s3 =	rddreg [dreg:$0x2];
	[bflag:$0x3] =	sbarrier.arrive $0xFFFF;
	s2 =	simm.s32 @!p0 $0x1C01  }
0xd4: {  	[timem:s3], [sflag:s2] =	dma.local @!p0 [hbm:s0], s1  }
0xd5: {  	s0 =	simm.s32 @!p0 $0x1  }
0xd6: {  	_ =	swait.ge @!p0 [sflag:s0], s1  }
0xd7: {  	s1 =	ssub.s32 @!p0 $0x0, s1;
	[sflag:s0] =	ssyncset.done @!p0 $0x0  }
0xd8: {  	[sflag:s0] =	ssyncadd.s32 @!p0 s1  }
0xd9: {  	[bflag:$0x3] =	sbarrier.arrive $0xFFFF  }
0xda: {  	_ =	shalt  }

</sc_bundles>
